<compile_context>
chip_gen: v7x
topology: tpu7x:2x2x1
jax: 0.10.2.dev20260603
libtpu: 0.0.44.dev20260713+nightly
codegen_flags: <defaults>
</compile_context>

<pallas_src>
import functools

import jax
import jax.numpy as jnp
from jax import lax
from jax.experimental import pallas as pl
from jax.experimental.pallas import tpu as pltpu
from jax.experimental.pallas import tpu_sc as plsc

T = 160000
R = 10000
NB = 4
D = 128
NW = 32
UNROLL = 8
CHUNK = T // NW
CPAD = CHUNK + 8
NV = CHUNK // (16 * UNROLL)
TAIL = CHUNK - NV * 16 * UNROLL
QCAP = 2 * CHUNK + 16
CG = (2 * R * NB) // D

_mesh = plsc.VectorSubcoreMesh(core_axis_name="c", subcore_axis_name="s")


@functools.partial(
    pl.kernel,
    mesh=_mesh,
    compiler_params=pltpu.CompilerParams(needs_layout_passes=False),
    out_type=[
        jax.ShapeDtypeStruct((NW, NB, 2 * D), jnp.float32),
        jax.ShapeDtypeStruct((NW, 16), jnp.float32),
    ],
    scratch_types=[
        pltpu.VMEM((CPAD,), jnp.int32),
        pltpu.VMEM((CPAD,), jnp.int32),
        pltpu.VMEM((CPAD,), jnp.int32),
        pltpu.VMEM((16,), jnp.int32),
        pltpu.VMEM((QCAP,), jnp.int32),
        pltpu.VMEM((QCAP,), jnp.int32),
        pltpu.VMEM((QCAP,), jnp.int32),
        pltpu.VMEM((4 * 16,), jnp.int32),
        pltpu.VMEM((NB, 2 * D), jnp.float32),
        pltpu.VMEM((16, D), jnp.float32),
        pltpu.VMEM((16, D), jnp.float32),
        pltpu.VMEM((4 * 16,), jnp.float32),
        pltpu.VMEM((16,), jnp.float32),
        pltpu.SemaphoreType.DMA,
    ],
)
def _sc_scan(tri_hbm, u_hbm, ent_hbm, rel_hbm, cflat_hbm, part_out, cnt_out,
             s_v, r_v, d_v, u_v, qe_v, qr_v, qc_v, qcat_v, s_acc, ebuf, rbuf,
             ccat_v, cntf_v, sem):
    wid = lax.axis_index("s") * 2 + lax.axis_index("c")
    base = wid * CHUNK
    cps = pltpu.async_copy(tri_hbm.at[pl.ds(base, CHUNK)],
                           s_v.at[pl.ds(0, CHUNK)], sem)
    cpr = pltpu.async_copy(tri_hbm.at[pl.ds(T + base, CHUNK)],
                           r_v.at[pl.ds(0, CHUNK)], sem)
    cpd = pltpu.async_copy(tri_hbm.at[pl.ds(2 * T + base, CHUNK)],
                           d_v.at[pl.ds(0, CHUNK)], sem)
    pltpu.sync_copy(u_hbm, u_v)
    cps.wait()
    cpr.wait()
    cpd.wait()

    zeros16 = jnp.zeros((16,), jnp.float32)
    for b in range(NB):
        for k in range(2 * D // 16):
            s_acc[b, pl.ds(k * 16, 16)] = zeros16

    lane16 = lax.iota(jnp.int32, 16)
    rsplat = jnp.full((16,), R, jnp.int32)

    uvh = u_v[...]

    def scan_body(i, cnt):
        off = i * (16 * UNROLL)
        uv = uvh
        svs = [s_v[pl.ds(off + 16 * h, 16)] for h in range(UNROLL)]
        dvs = [d_v[pl.ds(off + 16 * h, 16)] for h in range(UNROLL)]
        mfs = [dvs[h] == uv for h in range(UNROLL)]
        mrs = [svs[h] == uv for h in range(UNROLL)]
        many = mfs[0]
        for h in range(UNROLL):
            many = jnp.logical_or(many, mfs[h]) if h else many
            many = jnp.logical_or(many, mrs[h])
        nt = plsc.all_reduce_population_count(many)[0]

        @pl.when(nt > 0)
        def _():
            def h_body(h, c):
                hoff = off + 16 * h
                svh = s_v[pl.ds(hoff, 16)]
                rvh = r_v[pl.ds(hoff, 16)]
                dvh = d_v[pl.ds(hoff, 16)]
                mfh = dvh == uvh
                mrh = svh == uvh
                nfh = plsc.all_reduce_population_count(mfh)[0]
                nrh = plsc.all_reduce_population_count(mrh)[0]
                plsc.store_compressed(qe_v.at[pl.ds(c, 16)], svh, mask=mfh)
                plsc.store_compressed(qr_v.at[pl.ds(c, 16)], rvh, mask=mfh)
                plsc.store_compressed(qc_v.at[pl.ds(c, 16)], rvh, mask=mfh)
                c2 = c + nfh
                plsc.store_compressed(qe_v.at[pl.ds(c2, 16)], dvh, mask=mrh)
                plsc.store_compressed(qr_v.at[pl.ds(c2, 16)], rvh, mask=mrh)
                plsc.store_compressed(qc_v.at[pl.ds(c2, 16)], rvh + rsplat,
                                      mask=mrh)
                return c2 + nrh

            lax.fori_loop(0, UNROLL, h_body, cnt)

        return cnt + nt

    n = lax.fori_loop(0, NV, scan_body, jnp.int32(0))

    toff0 = NV * 16 * UNROLL
    uv0 = uvh
    svt = s_v[pl.ds(toff0, 16)]
    rvt = r_v[pl.ds(toff0, 16)]
    dvt = d_v[pl.ds(toff0, 16)]
    lvalid = lane16 < jnp.full((16,), TAIL, jnp.int32)
    mft = jnp.logical_and(dvt == uv0, lvalid)
    mrt = jnp.logical_and(svt == uv0, lvalid)
    ntt = plsc.all_reduce_population_count(jnp.logical_or(mft, mrt))[0]
    npre = n

    @pl.when(ntt > 0)
    def _():
        nft = plsc.all_reduce_population_count(mft)[0]
        plsc.store_compressed(qe_v.at[pl.ds(npre, 16)], svt, mask=mft)
        plsc.store_compressed(qr_v.at[pl.ds(npre, 16)], rvt, mask=mft)
        plsc.store_compressed(qc_v.at[pl.ds(npre, 16)], rvt, mask=mft)
        c2t = npre + nft
        plsc.store_compressed(qe_v.at[pl.ds(c2t, 16)], dvt, mask=mrt)
        plsc.store_compressed(qr_v.at[pl.ds(c2t, 16)], rvt, mask=mrt)
        plsc.store_compressed(qc_v.at[pl.ds(c2t, 16)], rvt + rsplat,
                              mask=mrt)

    n = n + ntt

    nb = (n + 15) // 16

    @pl.when(n > 0)
    def _():
        toff = (nb - 1) * 16
        valid_tail = (lane16 + jnp.full((16,), toff, jnp.int32)) < jnp.full(
            (16,), n, jnp.int32)
        for q in (qe_v, qr_v, qc_v):
            qv = q[pl.ds(toff, 16)]
            q[pl.ds(toff, 16)] = jnp.where(valid_tail, qv,
                                           jnp.zeros((16,), jnp.int32))

    def batch_body(j, _):
        qoff = j * 16
        qrow = qc_v[pl.ds(qoff, 16)]
        for b in range(NB):
            qcat_v[pl.ds(16 * b, 16)] = qrow + jnp.full((16,), b * 2 * R,
                                                        jnp.int32)
        cp_e = pltpu.async_copy(ent_hbm.at[qe_v.at[pl.ds(qoff, 16)]], ebuf,
                                sem)
        cp_r = pltpu.async_copy(rel_hbm.at[qr_v.at[pl.ds(qoff, 16)]], rbuf,
                                sem)
        cp_c = pltpu.async_copy(cflat_hbm.at[qcat_v], ccat_v, sem)
        cp_e.wait()
        cp_r.wait()
        cp_c.wait()

        def edge_step(e, _unused):
            esplat = jnp.full((16,), e, jnp.int32)
            cbs = [plsc.load_gather(ccat_v, [esplat + jnp.full(
                (16,), 16 * b, jnp.int32)]) for b in range(NB)]
            for k in range(D // 16):
                ev = ebuf[e, pl.ds(k * 16, 16)]
                rv2 = rbuf[e, pl.ds(k * 16, 16)]
                for b in range(NB):
                    s_acc[b, pl.ds(k * 16, 16)] += cbs[b] * ev
                    s_acc[b, pl.ds(D + k * 16, 16)] += cbs[b] * rv2
            return 0

        ec = jnp.minimum(n - qoff, 16)
        lax.fori_loop(0, ec, edge_step, 0)
        return 0

    lax.fori_loop(0, nb, batch_body, 0)

    pltpu.sync_copy(s_acc, part_out.at[wid])
    cntf_v[...] = jnp.full((16,), n.astype(jnp.float32), jnp.float32)
    pltpu.sync_copy(cntf_v, cnt_out.at[wid])


def _tc_body(part_ref, cnt_ref, bases_ref, out_ref):
    s_total = jnp.sum(part_ref[...], axis=0)
    total = jnp.sum(cnt_ref[...]) * (1.0 / 16.0)
    denom = jnp.maximum(total, 1.0)
    acc = jnp.zeros((1, D), jnp.float32)
    for b in range(NB):
        acc = acc + jnp.dot(s_total[b:b + 1, :], bases_ref[b],
                            preferred_element_type=jnp.float32)
    out_ref[...] = acc / denom


def kernel(unseen_entity, triplets, use_cuda, entity_table, relation_table,
           bases, comp):
    trip = jnp.asarray(triplets).astype(jnp.int32)
    u_arr = jnp.full((16,), jnp.asarray(unseen_entity, jnp.int32))
    c_flat = comp.astype(jnp.float32).T.reshape(NB * 2 * R)

    tri_flat = trip.T.reshape(3 * T)
    part, cnt = _sc_scan(tri_flat, u_arr, entity_table, relation_table,
                         c_flat)

    out = pl.pallas_call(
        _tc_body,
        out_shape=jax.ShapeDtypeStruct((1, D), jnp.float32),
    )(part, cnt, bases)
    return out.reshape(D)

# --- scband reference (transcript-rebuilt; emitter-appended) ---
"""Pipeline reference for scband-induc-gen-76201309766388 (READ-ONLY COPY).

The authoritative reference and input builder live on the scoring server;
editing this copy changes nothing except your own understanding.
"""

import jax, jax.numpy as jnp
import numpy as np

NUM_RELATIONS = 10000
NUM_BASES = 4
ENT_DIM = 128
REL_DIM = 128
NUM_ENTITIES = 100000
NUM_TRIPLETS = 160000
UNSEEN = 5000


def setup_inputs(seed: int = 0):
    key = jax.random.key(seed)
    ks = jax.random.split(key, 4)
    rng = np.random.RandomState(0)
    triplets = rng.randint(0, NUM_RELATIONS, size=(NUM_TRIPLETS, 3)).astype(np.int64)
    triplets[0, 0] = UNSEEN  # guarantee unseen entity appears in the subgraph
    entity_table = jax.random.normal(ks[0], (NUM_ENTITIES, ENT_DIM), jnp.float32) * 0.02
    relation_table = jax.random.normal(ks[1], (NUM_RELATIONS, REL_DIM), jnp.float32) * 0.02
    bases = jax.random.normal(ks[2], (NUM_BASES, ENT_DIM + REL_DIM, ENT_DIM), jnp.float32) * (1.0 / np.sqrt(ENT_DIM + REL_DIM))
    comp = jax.random.normal(ks[3], (NUM_RELATIONS * 2, NUM_BASES), jnp.float32) * (1.0 / np.sqrt(NUM_BASES))
    return {"unseen_entity": UNSEEN, "triplets": triplets, "use_cuda": False,
            "entity_table": entity_table, "relation_table": relation_table,
            "bases": bases, "comp": comp}


def reference(unseen_entity, triplets, use_cuda, entity_table, relation_table, bases, comp):
    triplets = jnp.asarray(triplets)
    src = triplets[:, 0]
    rel = triplets[:, 1]
    dst = triplets[:, 2]
    rel_index_j = jnp.concatenate([rel, rel])
    src_all_j = jnp.concatenate([src, dst])
    dst_all_j = jnp.concatenate([dst, src])
    rel_all_j = jnp.concatenate([rel, rel + NUM_RELATIONS])
    num_nodes = NUM_RELATIONS

    # relation embedding lookup per edge
    rel_emb = jnp.take(relation_table, rel_index_j, axis=0)

    # GENConv-style relational message passing with basis decomposition
    # message input: [x_src || rel_emb] per edge
    msg_in = jnp.concatenate([jnp.take(entity_table, src_all_j, axis=0), rel_emb], axis=1)
    coeff = jnp.take(comp, rel_all_j, axis=0)  # [E, num_bases]
    out_msg = jnp.zeros((msg_in.shape[0], ENT_DIM), jnp.float32)
    for b in range(NUM_BASES):
        out_msg = out_msg + coeff[:, b:b + 1] * (msg_in @ bases[b])

    # mean aggregation at destination nodes (no root weight, no bias)
    agg = jax.ops.segment_sum(out_msg, dst_all_j, num_segments=num_nodes)
    counts = jax.ops.segment_sum(jnp.ones((out_msg.shape[0],), jnp.float32), dst_all_j, num_segments=num_nodes)
    embeddings = agg / jnp.maximum(counts, 1.0)[:, None]

    # dropout is identity in eval mode
    unseen_entity_embedding = jnp.take(embeddings, unseen_entity, axis=0)
    return unseen_entity_embedding

if __name__ == "__main__":
    import jax
    _d = setup_inputs()
    print(jax.jit(kernel)(*tuple(_d.values())))

</pallas_src>

<mosaic_0001>
#map = affine_map<(d0, d1) -> (0)>
#map1 = affine_map<(d0, d1) -> (0, 0)>
#map2 = affine_map<(d0, d1) -> (0, 0, 0)>
module attributes {stable_mosaic.version = 14 : i64} {
  func.func @_sc_scan(%arg0: i32, %arg1: i32, %arg2: memref<480000xi32, #tpu.memory_space<hbm>>, %arg3: memref<16xi32, #tpu.memory_space<hbm>>, %arg4: memref<100000x128xf32, #tpu.memory_space<hbm>>, %arg5: memref<10000x128xf32, #tpu.memory_space<hbm>>, %arg6: memref<80000xf32, #tpu.memory_space<hbm>>, %arg7: memref<32x4x256xf32, #tpu.memory_space<hbm>>, %arg8: memref<32x16xf32, #tpu.memory_space<hbm>>, %arg9: memref<5008xi32, #tpu.memory_space<vmem>>, %arg10: memref<5008xi32, #tpu.memory_space<vmem>>, %arg11: memref<5008xi32, #tpu.memory_space<vmem>>, %arg12: memref<16xi32, #tpu.memory_space<vmem>>, %arg13: memref<10016xi32, #tpu.memory_space<vmem>>, %arg14: memref<10016xi32, #tpu.memory_space<vmem>>, %arg15: memref<10016xi32, #tpu.memory_space<vmem>>, %arg16: memref<64xi32, #tpu.memory_space<vmem>>, %arg17: memref<4x256xf32, #tpu.memory_space<vmem>>, %arg18: memref<16x128xf32, #tpu.memory_space<vmem>>, %arg19: memref<16x128xf32, #tpu.memory_space<vmem>>, %arg20: memref<64xf32, #tpu.memory_space<vmem>>, %arg21: memref<16xf32, #tpu.memory_space<vmem>>, %arg22: memref<!tpu.dma_semaphore, #tpu.memory_space<semaphore_mem>>) attributes {dimension_semantics = [#tpu.dimension_semantics<core_parallel>, #tpu.dimension_semantics<subcore_parallel>], iteration_bounds = array<i64: 2, 16>, scalar_prefetch = 0 : i64, scratch_operands = 14 : i64, tpu.core_type = #tpu.core_type<sc_vector_subcore>, window_params = [{transform_indices = #map}, {transform_indices = #map}, {transform_indices = #map1}, {transform_indices = #map1}, {transform_indices = #map}, {transform_indices = #map2}, {transform_indices = #map1}]} {
    %mul3A = arith.constant 2 : i32
    %mul3A_0 = arith.muli %arg1, %mul3A : i32
    %add3A = arith.addi %mul3A_0, %arg0 : i32
    %mul3A_1 = arith.constant 5000 : i32
    %mul3A_2 = arith.muli %add3A, %mul3A_1 : i32
    %dma_start3A = arith.constant 0 : i32
    %dma_start3A_3 = tpu.memref_slice %arg9[%dma_start3A] : memref<5008xi32, #tpu.memory_space<vmem>> -> memref<5000xi32, #tpu.memory_space<vmem>>
    %dma_start3A_4 = tpu.memref_slice %arg2[%mul3A_2] : memref<480000xi32, #tpu.memory_space<hbm>> -> memref<5000xi32, #tpu.memory_space<hbm>>
    %dma_start3A_5 = arith.constant 0 : i32
    %dma_start3A_6 = tpu.memref_slice %arg9[%dma_start3A_5] : memref<5008xi32, #tpu.memory_space<vmem>> -> memref<5000xi32, #tpu.memory_space<vmem>>
    %dma_start3A_7 = tpu.memref_slice %arg2[%mul3A_2] : memref<480000xi32, #tpu.memory_space<hbm>> -> memref<5000xi32, #tpu.memory_space<hbm>>
    tpu.enqueue_dma source(%dma_start3A_7 : memref<5000xi32, #tpu.memory_space<hbm>>) target(%dma_start3A_6 : memref<5000xi32, #tpu.memory_space<vmem>>) target_semaphore(%arg22 : memref<!tpu.dma_semaphore, #tpu.memory_space<semaphore_mem>>)
    %add3A_8 = arith.constant 160000 : i32
    %add3A_9 = arith.addi %add3A_8, %mul3A_2 : i32
    %dma_start3A_10 = arith.constant 0 : i32
    %dma_start3A_11 = tpu.memref_slice %arg10[%dma_start3A_10] : memref<5008xi32, #tpu.memory_space<vmem>> -> memref<5000xi32, #tpu.memory_space<vmem>>
    %dma_start3A_12 = tpu.memref_slice %arg2[%add3A_9] : memref<480000xi32, #tpu.memory_space<hbm>> -> memref<5000xi32, #tpu.memory_space<hbm>>
    %dma_start3A_13 = arith.constant 0 : i32
    %dma_start3A_14 = tpu.memref_slice %arg10[%dma_start3A_13] : memref<5008xi32, #tpu.memory_space<vmem>> -> memref<5000xi32, #tpu.memory_space<vmem>>
    %dma_start3A_15 = tpu.memref_slice %arg2[%add3A_9] : memref<480000xi32, #tpu.memory_space<hbm>> -> memref<5000xi32, #tpu.memory_space<hbm>>
    tpu.enqueue_dma source(%dma_start3A_15 : memref<5000xi32, #tpu.memory_space<hbm>>) target(%dma_start3A_14 : memref<5000xi32, #tpu.memory_space<vmem>>) target_semaphore(%arg22 : memref<!tpu.dma_semaphore, #tpu.memory_space<semaphore_mem>>)
    %add3A_16 = arith.constant 320000 : i32
    %add3A_17 = arith.addi %add3A_16, %mul3A_2 : i32
    %dma_start3A_18 = arith.constant 0 : i32
    %dma_start3A_19 = tpu.memref_slice %arg11[%dma_start3A_18] : memref<5008xi32, #tpu.memory_space<vmem>> -> memref<5000xi32, #tpu.memory_space<vmem>>
    %dma_start3A_20 = tpu.memref_slice %arg2[%add3A_17] : memref<480000xi32, #tpu.memory_space<hbm>> -> memref<5000xi32, #tpu.memory_space<hbm>>
    %dma_start3A_21 = arith.constant 0 : i32
    %dma_start3A_22 = tpu.memref_slice %arg11[%dma_start3A_21] : memref<5008xi32, #tpu.memory_space<vmem>> -> memref<5000xi32, #tpu.memory_space<vmem>>
    %dma_start3A_23 = tpu.memref_slice %arg2[%add3A_17] : memref<480000xi32, #tpu.memory_space<hbm>> -> memref<5000xi32, #tpu.memory_space<hbm>>
    tpu.enqueue_dma source(%dma_start3A_23 : memref<5000xi32, #tpu.memory_space<hbm>>) target(%dma_start3A_22 : memref<5000xi32, #tpu.memory_space<vmem>>) target_semaphore(%arg22 : memref<!tpu.dma_semaphore, #tpu.memory_space<semaphore_mem>>)
    "tpu.region"() ({
      %run_scoped3A = tpu.sem_alloc : memref<!tpu.dma_semaphore, #tpu.memory_space<semaphore_mem>>
      tpu.enqueue_dma source(%arg3 : memref<16xi32, #tpu.memory_space<hbm>>) target(%arg12 : memref<16xi32, #tpu.memory_space<vmem>>) target_semaphore(%run_scoped3A : memref<!tpu.dma_semaphore, #tpu.memory_space<semaphore_mem>>)
      tpu.wait_dma2 semaphore(%run_scoped3A : memref<!tpu.dma_semaphore, #tpu.memory_space<semaphore_mem>>) src(%arg3 : memref<16xi32, #tpu.memory_space<hbm>>) dst(%arg12 : memref<16xi32, #tpu.memory_space<vmem>>)
      tpu.yield
    }) : () -> ()
    %dma_wait3A = arith.constant 0 : i32
    %dma_wait3A_24 = tpu.memref_slice %arg9[%dma_wait3A] : memref<5008xi32, #tpu.memory_space<vmem>> -> memref<5000xi32, #tpu.memory_space<vmem>>
    %dma_wait3A_25 = tpu.memref_slice %arg2[%mul3A_2] : memref<480000xi32, #tpu.memory_space<hbm>> -> memref<5000xi32, #tpu.memory_space<hbm>>
    %dma_wait3A_26 = arith.constant 0 : i32
    %dma_wait3A_27 = tpu.memref_slice %arg9[%dma_wait3A_26] : memref<5008xi32, #tpu.memory_space<vmem>> -> memref<5000xi32, #tpu.memory_space<vmem>>
    %dma_wait3A_28 = tpu.memref_slice %arg2[%mul3A_2] : memref<480000xi32, #tpu.memory_space<hbm>> -> memref<5000xi32, #tpu.memory_space<hbm>>
    tpu.wait_dma2 semaphore(%arg22 : memref<!tpu.dma_semaphore, #tpu.memory_space<semaphore_mem>>) src(%dma_wait3A_28 : memref<5000xi32, #tpu.memory_space<hbm>>) dst(%dma_wait3A_27 : memref<5000xi32, #tpu.memory_space<vmem>>)
    %dma_wait3A_29 = arith.constant 0 : i32
    %dma_wait3A_30 = tpu.memref_slice %arg10[%dma_wait3A_29] : memref<5008xi32, #tpu.memory_space<vmem>> -> memref<5000xi32, #tpu.memory_space<vmem>>
    %dma_wait3A_31 = tpu.memref_slice %arg2[%add3A_9] : memref<480000xi32, #tpu.memory_space<hbm>> -> memref<5000xi32, #tpu.memory_space<hbm>>
    %dma_wait3A_32 = arith.constant 0 : i32
    %dma_wait3A_33 = tpu.memref_slice %arg10[%dma_wait3A_32] : memref<5008xi32, #tpu.memory_space<vmem>> -> memref<5000xi32, #tpu.memory_space<vmem>>
    %dma_wait3A_34 = tpu.memref_slice %arg2[%add3A_9] : memref<480000xi32, #tpu.memory_space<hbm>> -> memref<5000xi32, #tpu.memory_space<hbm>>
    tpu.wait_dma2 semaphore(%arg22 : memref<!tpu.dma_semaphore, #tpu.memory_space<semaphore_mem>>) src(%dma_wait3A_34 : memref<5000xi32, #tpu.memory_space<hbm>>) dst(%dma_wait3A_33 : memref<5000xi32, #tpu.memory_space<vmem>>)
    %dma_wait3A_35 = arith.constant 0 : i32
    %dma_wait3A_36 = tpu.memref_slice %arg11[%dma_wait3A_35] : memref<5008xi32, #tpu.memory_space<vmem>> -> memref<5000xi32, #tpu.memory_space<vmem>>
    %dma_wait3A_37 = tpu.memref_slice %arg2[%add3A_17] : memref<480000xi32, #tpu.memory_space<hbm>> -> memref<5000xi32, #tpu.memory_space<hbm>>
    %dma_wait3A_38 = arith.constant 0 : i32
    %dma_wait3A_39 = tpu.memref_slice %arg11[%dma_wait3A_38] : memref<5008xi32, #tpu.memory_space<vmem>> -> memref<5000xi32, #tpu.memory_space<vmem>>
    %dma_wait3A_40 = tpu.memref_slice %arg2[%add3A_17] : memref<480000xi32, #tpu.memory_space<hbm>> -> memref<5000xi32, #tpu.memory_space<hbm>>
    tpu.wait_dma2 semaphore(%arg22 : memref<!tpu.dma_semaphore, #tpu.memory_space<semaphore_mem>>) src(%dma_wait3A_40 : memref<5000xi32, #tpu.memory_space<hbm>>) dst(%dma_wait3A_39 : memref<5000xi32, #tpu.memory_space<vmem>>)
    %broadcast_in_dim3A = arith.constant 0.000000e+00 : f32
    %broadcast_in_dim3A_41 = vector.broadcast %broadcast_in_dim3A : f32 to vector<16xf32>
    %swap3A = arith.constant 0 : i32
    %swap3A_42 = arith.index_cast %swap3A : i32 to index
    %swap3A_43 = arith.constant 0 : index
    %swap3A_44 = tpu.vector_load %arg17[%swap3A_42, %swap3A_43] {strides = array<i32>} : memref<4x256xf32, #tpu.memory_space<vmem>>, vector<16xf32>,
    tpu.vector_store %arg17[%swap3A_42, %swap3A_43], %broadcast_in_dim3A_41 {strides = array<i32>} : memref<4x256xf32, #tpu.memory_space<vmem>>, vector<16xf32>,
    %swap3A_45 = arith.constant 0 : i32
    %swap3A_46 = arith.index_cast %swap3A_45 : i32 to index
    %swap3A_47 = arith.constant 16 : index
    %swap3A_48 = tpu.vector_load %arg17[%swap3A_46, %swap3A_47] {strides = array<i32>} : memref<4x256xf32, #tpu.memory_space<vmem>>, vector<16xf32>,
    tpu.vector_store %arg17[%swap3A_46, %swap3A_47], %broadcast_in_dim3A_41 {strides = array<i32>} : memref<4x256xf32, #tpu.memory_space<vmem>>, vector<16xf32>,
    %swap3A_49 = arith.constant 0 : i32
    %swap3A_50 = arith.index_cast %swap3A_49 : i32 to index
    %swap3A_51 = arith.constant 32 : index
    %swap3A_52 = tpu.vector_load %arg17[%swap3A_50, %swap3A_51] {strides = array<i32>} : memref<4x256xf32, #tpu.memory_space<vmem>>, vector<16xf32>,
    tpu.vector_store %arg17[%swap3A_50, %swap3A_51], %broadcast_in_dim3A_41 {strides = array<i32>} : memref<4x256xf32, #tpu.memory_space<vmem>>, vector<16xf32>,
    %swap3A_53 = arith.constant 0 : i32
    %swap3A_54 = arith.index_cast %swap3A_53 : i32 to index
    %swap3A_55 = arith.constant 48 : index
    %swap3A_56 = tpu.vector_load %arg17[%swap3A_54, %swap3A_55] {strides = array<i32>} : memref<4x256xf32, #tpu.memory_space<vmem>>, vector<16xf32>,
    tpu.vector_store %arg17[%swap3A_54, %swap3A_55], %broadcast_in_dim3A_41 {strides = array<i32>} : memref<4x256xf32, #tpu.memory_space<vmem>>, vector<16xf32>,
    %swap3A_57 = arith.constant 0 : i32
    %swap3A_58 = arith.index_cast %swap3A_57 : i32 to index
    %swap3A_59 = arith.constant 64 : index
    %swap3A_60 = tpu.vector_load %arg17[%swap3A_58, %swap3A_59] {strides = array<i32>} : memref<4x256xf32, #tpu.memory_space<vmem>>, vector<16xf32>,
    tpu.vector_store %arg17[%swap3A_58, %swap3A_59], %broadcast_in_dim3A_41 {strides = array<i32>} : memref<4x256xf32, #tpu.memory_space<vmem>>, vector<16xf32>,
    %swap3A_61 = arith.constant 0 : i32
    %swap3A_62 = arith.index_cast %swap3A_61 : i32 to index
    %swap3A_63 = arith.constant 80 : index
    %swap3A_64 = tpu.vector_load %arg17[%swap3A_62, %swap3A_63] {strides = array<i32>} : memref<4x256xf32, #tpu.memory_space<vmem>>, vector<16xf32>,
    tpu.vector_store %arg17[%swap3A_62, %swap3A_63], %broadcast_in_dim3A_41 {strides = array<i32>} : memref<4x256xf32, #tpu.memory_space<vmem>>, vector<16xf32>,
    %swap3A_65 = arith.constant 0 : i32
    %swap3A_66 = arith.index_cast %swap3A_65 : i32 to index
    %swap3A_67 = arith.constant 96 : index
    %swap3A_68 = tpu.vector_load %arg17[%swap3A_66, %swap3A_67] {strides = array<i32>} : memref<4x256xf32, #tpu.memory_space<vmem>>, vector<16xf32>,
    tpu.vector_store %arg17[%swap3A_66, %swap3A_67], %broadcast_in_dim3A_41 {strides = array<i32>} : memref<4x256xf32, #tpu.memory_space<vmem>>, vector<16xf32>,
    %swap3A_69 = arith.constant 0 : i32
    %swap3A_70 = arith.index_cast %swap3A_69 : i32 to index
    %swap3A_71 = arith.constant 112 : index
    %swap3A_72 = tpu.vector_load %arg17[%swap3A_70, %swap3A_71] {strides = array<i32>} : memref<4x256xf32, #tpu.memory_space<vmem>>, vector<16xf32>,
    tpu.vector_store %arg17[%swap3A_70, %swap3A_71], %broadcast_in_dim3A_41 {strides = array<i32>} : memref<4x256xf32, #tpu.memory_space<vmem>>, vector<16xf32>,
    %swap3A_73 = arith.constant 0 : i32
    %swap3A_74 = arith.index_cast %swap3A_73 : i32 to index
    %swap3A_75 = arith.constant 128 : index
    %swap3A_76 = tpu.vector_load %arg17[%swap3A_74, %swap3A_75] {strides = array<i32>} : memref<4x256xf32, #tpu.memory_space<vmem>>, vector<16xf32>,
    tpu.vector_store %arg17[%swap3A_74, %swap3A_75], %broadcast_in_dim3A_41 {strides = array<i32>} : memref<4x256xf32, #tpu.memory_space<vmem>>, vector<16xf32>,
    %swap3A_77 = arith.constant 0 : i32
    %swap3A_78 = arith.index_cast %swap3A_77 : i32 to index
    %swap3A_79 = arith.constant 144 : index
    %swap3A_80 = tpu.vector_load %arg17[%swap3A_78, %swap3A_79] {strides = array<i32>} : memref<4x256xf32, #tpu.memory_space<vmem>>, vector<16xf32>,
    tpu.vector_store %arg17[%swap3A_78, %swap3A_79], %broadcast_in_dim3A_41 {strides = array<i32>} : memref<4x256xf32, #tpu.memory_space<vmem>>, vector<16xf32>,
    %swap3A_81 = arith.constant 0 : i32
    %swap3A_82 = arith.index_cast %swap3A_81 : i32 to index
    %swap3A_83 = arith.constant 160 : index
    %swap3A_84 = tpu.vector_load %arg17[%swap3A_82, %swap3A_83] {strides = array<i32>} : memref<4x256xf32, #tpu.memory_space<vmem>>, vector<16xf32>,
    tpu.vector_store %arg17[%swap3A_82, %swap3A_83], %broadcast_in_dim3A_41 {strides = array<i32>} : memref<4x256xf32, #tpu.memory_space<vmem>>, vector<16xf32>,
    %swap3A_85 = arith.constant 0 : i32
    %swap3A_86 = arith.index_cast %swap3A_85 : i32 to index
    %swap3A_87 = arith.constant 176 : index
    %swap3A_88 = tpu.vector_load %arg17[%swap3A_86, %swap3A_87] {strides = array<i32>} : memref<4x256xf32, #tpu.memory_space<vmem>>, vector<16xf32>,
    tpu.vector_store %arg17[%swap3A_86, %swap3A_87], %broadcast_in_dim3A_41 {strides = array<i32>} : memref<4x256xf32, #tpu.memory_space<vmem>>, vector<16xf32>,
    %swap3A_89 = arith.constant 0 : i32
    %swap3A_90 = arith.index_cast %swap3A_89 : i32 to index
    %swap3A_91 = arith.constant 192 : index
    %swap3A_92 = tpu.vector_load %arg17[%swap3A_90, %swap3A_91] {strides = array<i32>} : memref<4x256xf32, #tpu.memory_space<vmem>>, vector<16xf32>,
    tpu.vector_store %arg17[%swap3A_90, %swap3A_91], %broadcast_in_dim3A_41 {strides = array<i32>} : memref<4x256xf32, #tpu.memory_space<vmem>>, vector<16xf32>,
    %swap3A_93 = arith.constant 0 : i32
    %swap3A_94 = arith.index_cast %swap3A_93 : i32 to index
    %swap3A_95 = arith.constant 208 : index
    %swap3A_96 = tpu.vector_load %arg17[%swap3A_94, %swap3A_95] {strides = array<i32>} : memref<4x256xf32, #tpu.memory_space<vmem>>, vector<16xf32>,
    tpu.vector_store %arg17[%swap3A_94, %swap3A_95], %broadcast_in_dim3A_41 {strides = array<i32>} : memref<4x256xf32, #tpu.memory_space<vmem>>, vector<16xf32>,
    %swap3A_97 = arith.constant 0 : i32
    %swap3A_98 = arith.index_cast %swap3A_97 : i32 to index
    %swap3A_99 = arith.constant 224 : index
    %swap3A_100 = tpu.vector_load %arg17[%swap3A_98, %swap3A_99] {strides = array<i32>} : memref<4x256xf32, #tpu.memory_space<vmem>>, vector<16xf32>,
    tpu.vector_store %arg17[%swap3A_98, %swap3A_99], %broadcast_in_dim3A_41 {strides = array<i32>} : memref<4x256xf32, #tpu.memory_space<vmem>>, vector<16xf32>,
    %swap3A_101 = arith.constant 0 : i32
    %swap3A_102 = arith.index_cast %swap3A_101 : i32 to index
    %swap3A_103 = arith.constant 240 : index
    %swap3A_104 = tpu.vector_load %arg17[%swap3A_102, %swap3A_103] {strides = array<i32>} : memref<4x256xf32, #tpu.memory_space<vmem>>, vector<16xf32>,
    tpu.vector_store %arg17[%swap3A_102, %swap3A_103], %broadcast_in_dim3A_41 {strides = array<i32>} : memref<4x256xf32, #tpu.memory_space<vmem>>, vector<16xf32>,
    %swap3A_105 = arith.constant 1 : i32
    %swap3A_106 = arith.index_cast %swap3A_105 : i32 to index
    %swap3A_107 = arith.constant 0 : index
    %swap3A_108 = tpu.vector_load %arg17[%swap3A_106, %swap3A_107] {strides = array<i32>} : memref<4x256xf32, #tpu.memory_space<vmem>>, vector<16xf32>,
    tpu.vector_store %arg17[%swap3A_106, %swap3A_107], %broadcast_in_dim3A_41 {strides = array<i32>} : memref<4x256xf32, #tpu.memory_space<vmem>>, vector<16xf32>,
    %swap3A_109 = arith.constant 1 : i32
    %swap3A_110 = arith.index_cast %swap3A_109 : i32 to index
    %swap3A_111 = arith.constant 16 : index
    %swap3A_112 = tpu.vector_load %arg17[%swap3A_110, %swap3A_111] {strides = array<i32>} : memref<4x256xf32, #tpu.memory_space<vmem>>, vector<16xf32>,
    tpu.vector_store %arg17[%swap3A_110, %swap3A_111], %broadcast_in_dim3A_41 {strides = array<i32>} : memref<4x256xf32, #tpu.memory_space<vmem>>, vector<16xf32>,
    %swap3A_113 = arith.constant 1 : i32
    %swap3A_114 = arith.index_cast %swap3A_113 : i32 to index
    %swap3A_115 = arith.constant 32 : index
    %swap3A_116 = tpu.vector_load %arg17[%swap3A_114, %swap3A_115] {strides = array<i32>} : memref<4x256xf32, #tpu.memory_space<vmem>>, vector<16xf32>,
    tpu.vector_store %arg17[%swap3A_114, %swap3A_115], %broadcast_in_dim3A_41 {strides = array<i32>} : memref<4x256xf32, #tpu.memory_space<vmem>>, vector<16xf32>,
    %swap3A_117 = arith.constant 1 : i32
    %swap3A_118 = arith.index_cast %swap3A_117 : i32 to index
    %swap3A_119 = arith.constant 48 : index
    %swap3A_120 = tpu.vector_load %arg17[%swap3A_118, %swap3A_119] {strides = array<i32>} : memref<4x256xf32, #tpu.memory_space<vmem>>, vector<16xf32>,
    tpu.vector_store %arg17[%swap3A_118, %swap3A_119], %broadcast_in_dim3A_41 {strides = array<i32>} : memref<4x256xf32, #tpu.memory_space<vmem>>, vector<16xf32>,
    %swap3A_121 = arith.constant 1 : i32
    %swap3A_122 = arith.index_cast %swap3A_121 : i32 to index
    %swap3A_123 = arith.constant 64 : index
    %swap3A_124 = tpu.vector_load %arg17[%swap3A_122, %swap3A_123] {strides = array<i32>} : memref<4x256xf32, #tpu.memory_space<vmem>>, vector<16xf32>,
    tpu.vector_store %arg17[%swap3A_122, %swap3A_123], %broadcast_in_dim3A_41 {strides = array<i32>} : memref<4x256xf32, #tpu.memory_space<vmem>>, vector<16xf32>,
    %swap3A_125 = arith.constant 1 : i32
    %swap3A_126 = arith.index_cast %swap3A_125 : i32 to index
    %swap3A_127 = arith.constant 80 : index
    %swap3A_128 = tpu.vector_load %arg17[%swap3A_126, %swap3A_127] {strides = array<i32>} : memref<4x256xf32, #tpu.memory_space<vmem>>, vector<16xf32>,
    tpu.vector_store %arg17[%swap3A_126, %swap3A_127], %broadcast_in_dim3A_41 {strides = array<i32>} : memref<4x256xf32, #tpu.memory_space<vmem>>, vector<16xf32>,
    %swap3A_129 = arith.constant 1 : i32
    %swap3A_130 = arith.index_cast %swap3A_129 : i32 to index
    %swap3A_131 = arith.constant 96 : index
    %swap3A_132 = tpu.vector_load %arg17[%swap3A_130, %swap3A_131] {strides = array<i32>} : memref<4x256xf32, #tpu.memory_space<vmem>>, vector<16xf32>,
    tpu.vector_store %arg17[%swap3A_130, %swap3A_131], %broadcast_in_dim3A_41 {strides = array<i32>} : memref<4x256xf32, #tpu.memory_space<vmem>>, vector<16xf32>,
    %swap3A_133 = arith.constant 1 : i32
    %swap3A_134 = arith.index_cast %swap3A_133 : i32 to index
    %swap3A_135 = arith.constant 112 : index
    %swap3A_136 = tpu.vector_load %arg17[%swap3A_134, %swap3A_135] {strides = array<i32>} : memref<4x256xf32, #tpu.memory_space<vmem>>, vector<16xf32>,
    tpu.vector_store %arg17[%swap3A_134, %swap3A_135], %broadcast_in_dim3A_41 {strides = array<i32>} : memref<4x256xf32, #tpu.memory_space<vmem>>, vector<16xf32>,
    %swap3A_137 = arith.constant 1 : i32
    %swap3A_138 = arith.index_cast %swap3A_137 : i32 to index
    %swap3A_139 = arith.constant 128 : index
    %swap3A_140 = tpu.vector_load %arg17[%swap3A_138, %swap3A_139] {strides = array<i32>} : memref<4x256xf32, #tpu.memory_space<vmem>>, vector<16xf32>,
    tpu.vector_store %arg17[%swap3A_138, %swap3A_139], %broadcast_in_dim3A_41 {strides = array<i32>} : memref<4x256xf32, #tpu.memory_space<vmem>>, vector<16xf32>,
    %swap3A_141 = arith.constant 1 : i32
    %swap3A_142 = arith.index_cast %swap3A_141 : i32 to index
    %swap3A_143 = arith.constant 144 : index
    %swap3A_144 = tpu.vector_load %arg17[%swap3A_142, %swap3A_143] {strides = array<i32>} : memref<4x256xf32, #tpu.memory_space<vmem>>, vector<16xf32>,
    tpu.vector_store %arg17[%swap3A_142, %swap3A_143], %broadcast_in_dim3A_41 {strides = array<i32>} : memref<4x256xf32, #tpu.memory_space<vmem>>, vector<16xf32>,
    %swap3A_145 = arith.constant 1 : i32
    %swap3A_146 = arith.index_cast %swap3A_145 : i32 to index
    %swap3A_147 = arith.constant 160 : index
    %swap3A_148 = tpu.vector_load %arg17[%swap3A_146, %swap3A_147] {strides = array<i32>} : memref<4x256xf32, #tpu.memory_space<vmem>>, vector<16xf32>,
    tpu.vector_store %arg17[%swap3A_146, %swap3A_147], %broadcast_in_dim3A_41 {strides = array<i32>} : memref<4x256xf32, #tpu.memory_space<vmem>>, vector<16xf32>,
    %swap3A_149 = arith.constant 1 : i32
    %swap3A_150 = arith.index_cast %swap3A_149 : i32 to index
    %swap3A_151 = arith.constant 176 : index
    %swap3A_152 = tpu.vector_load %arg17[%swap3A_150, %swap3A_151] {strides = array<i32>} : memref<4x256xf32, #tpu.memory_space<vmem>>, vector<16xf32>,
    tpu.vector_store %arg17[%swap3A_150, %swap3A_151], %broadcast_in_dim3A_41 {strides = array<i32>} : memref<4x256xf32, #tpu.memory_space<vmem>>, vector<16xf32>,
    %swap3A_153 = arith.constant 1 : i32
    %swap3A_154 = arith.index_cast %swap3A_153 : i32 to index
    %swap3A_155 = arith.constant 192 : index
    %swap3A_156 = tpu.vector_load %arg17[%swap3A_154, %swap3A_155] {strides = array<i32>} : memref<4x256xf32, #tpu.memory_space<vmem>>, vector<16xf32>,
    tpu.vector_store %arg17[%swap3A_154, %swap3A_155], %broadcast_in_dim3A_41 {strides = array<i32>} : memref<4x256xf32, #tpu.memory_space<vmem>>, vector<16xf32>,
    %swap3A_157 = arith.constant 1 : i32
    %swap3A_158 = arith.index_cast %swap3A_157 : i32 to index
    %swap3A_159 = arith.constant 208 : index
    %swap3A_160 = tpu.vector_load %arg17[%swap3A_158, %swap3A_159] {strides = array<i32>} : memref<4x256xf32, #tpu.memory_space<vmem>>, vector<16xf32>,
    tpu.vector_store %arg17[%swap3A_158, %swap3A_159], %broadcast_in_dim3A_41 {strides = array<i32>} : memref<4x256xf32, #tpu.memory_space<vmem>>, vector<16xf32>,
    %swap3A_161 = arith.constant 1 : i32
    %swap3A_162 = arith.index_cast %swap3A_161 : i32 to index
    %swap3A_163 = arith.constant 224 : index
    %swap3A_164 = tpu.vector_load %arg17[%swap3A_162, %swap3A_163] {strides = array<i32>} : memref<4x256xf32, #tpu.memory_space<vmem>>, vector<16xf32>,
    tpu.vector_store %arg17[%swap3A_162, %swap3A_163], %broadcast_in_dim3A_41 {strides = array<i32>} : memref<4x256xf32, #tpu.memory_space<vmem>>, vector<16xf32>,
    %swap3A_165 = arith.constant 1 : i32
    %swap3A_166 = arith.index_cast %swap3A_165 : i32 to index
    %swap3A_167 = arith.constant 240 : index
    %swap3A_168 = tpu.vector_load %arg17[%swap3A_166, %swap3A_167] {strides = array<i32>} : memref<4x256xf32, #tpu.memory_space<vmem>>, vector<16xf32>,
    tpu.vector_store %arg17[%swap3A_166, %swap3A_167], %broadcast_in_dim3A_41 {strides = array<i32>} : memref<4x256xf32, #tpu.memory_space<vmem>>, vector<16xf32>,
    %swap3A_169 = arith.constant 2 : i32
    %swap3A_170 = arith.index_cast %swap3A_169 : i32 to index
    %swap3A_171 = arith.constant 0 : index
    %swap3A_172 = tpu.vector_load %arg17[%swap3A_170, %swap3A_171] {strides = array<i32>} : memref<4x256xf32, #tpu.memory_space<vmem>>, vector<16xf32>,
    tpu.vector_store %arg17[%swap3A_170, %swap3A_171], %broadcast_in_dim3A_41 {strides = array<i32>} : memref<4x256xf32, #tpu.memory_space<vmem>>, vector<16xf32>,
    %swap3A_173 = arith.constant 2 : i32
    %swap3A_174 = arith.index_cast %swap3A_173 : i32 to index
    %swap3A_175 = arith.constant 16 : index
    %swap3A_176 = tpu.vector_load %arg17[%swap3A_174, %swap3A_175] {strides = array<i32>} : memref<4x256xf32, #tpu.memory_space<vmem>>, vector<16xf32>,
    tpu.vector_store %arg17[%swap3A_174, %swap3A_175], %broadcast_in_dim3A_41 {strides = array<i32>} : memref<4x256xf32, #tpu.memory_space<vmem>>, vector<16xf32>,
    %swap3A_177 = arith.constant 2 : i32
    %swap3A_178 = arith.index_cast %swap3A_177 : i32 to index
    %swap3A_179 = arith.constant 32 : index
    %swap3A_180 = tpu.vector_load %arg17[%swap3A_178, %swap3A_179] {strides = array<i32>} : memref<4x256xf32, #tpu.memory_space<vmem>>, vector<16xf32>,
    tpu.vector_store %arg17[%swap3A_178, %swap3A_179], %broadcast_in_dim3A_41 {strides = array<i32>} : memref<4x256xf32, #tpu.memory_space<vmem>>, vector<16xf32>,
    %swap3A_181 = arith.constant 2 : i32
    %swap3A_182 = arith.index_cast %swap3A_181 : i32 to index
    %swap3A_183 = arith.constant 48 : index
    %swap3A_184 = tpu.vector_load %arg17[%swap3A_182, %swap3A_183] {strides = array<i32>} : memref<4x256xf32, #tpu.memory_space<vmem>>, vector<16xf32>,
    tpu.vector_store %arg17[%swap3A_182, %swap3A_183], %broadcast_in_dim3A_41 {strides = array<i32>} : memref<4x256xf32, #tpu.memory_space<vmem>>, vector<16xf32>,
    %swap3A_185 = arith.constant 2 : i32
    %swap3A_186 = arith.index_cast %swap3A_185 : i32 to index
    %swap3A_187 = arith.constant 64 : index
    %swap3A_188 = tpu.vector_load %arg17[%swap3A_186, %swap3A_187] {strides = array<i32>} : memref<4x256xf32, #tpu.memory_space<vmem>>, vector<16xf32>,
    tpu.vector_store %arg17[%swap3A_186, %swap3A_187], %broadcast_in_dim3A_41 {strides = array<i32>} : memref<4x256xf32, #tpu.memory_space<vmem>>, vector<16xf32>,
    %swap3A_189 = arith.constant 2 : i32
    %swap3A_190 = arith.index_cast %swap3A_189 : i32 to index
    %swap3A_191 = arith.constant 80 : index
    %swap3A_192 = tpu.vector_load %arg17[%swap3A_190, %swap3A_191] {strides = array<i32>} : memref<4x256xf32, #tpu.memory_space<vmem>>, vector<16xf32>,
    tpu.vector_store %arg17[%swap3A_190, %swap3A_191], %broadcast_in_dim3A_41 {strides = array<i32>} : memref<4x256xf32, #tpu.memory_space<vmem>>, vector<16xf32>,
    %swap3A_193 = arith.constant 2 : i32
    %swap3A_194 = arith.index_cast %swap3A_193 : i32 to index
    %swap3A_195 = arith.constant 96 : index
    %swap3A_196 = tpu.vector_load %arg17[%swap3A_194, %swap3A_195] {strides = array<i32>} : memref<4x256xf32, #tpu.memory_space<vmem>>, vector<16xf32>,
    tpu.vector_store %arg17[%swap3A_194, %swap3A_195], %broadcast_in_dim3A_41 {strides = array<i32>} : memref<4x256xf32, #tpu.memory_space<vmem>>, vector<16xf32>,
    %swap3A_197 = arith.constant 2 : i32
    %swap3A_198 = arith.index_cast %swap3A_197 : i32 to index
    %swap3A_199 = arith.constant 112 : index
    %swap3A_200 = tpu.vector_load %arg17[%swap3A_198, %swap3A_199] {strides = array<i32>} : memref<4x256xf32, #tpu.memory_space<vmem>>, vector<16xf32>,
    tpu.vector_store %arg17[%swap3A_198, %swap3A_199], %broadcast_in_dim3A_41 {strides = array<i32>} : memref<4x256xf32, #tpu.memory_space<vmem>>, vector<16xf32>,
    %swap3A_201 = arith.constant 2 : i32
    %swap3A_202 = arith.index_cast %swap3A_201 : i32 to index
    %swap3A_203 = arith.constant 128 : index
    %swap3A_204 = tpu.vector_load %arg17[%swap3A_202, %swap3A_203] {strides = array<i32>} : memref<4x256xf32, #tpu.memory_space<vmem>>, vector<16xf32>,
    tpu.vector_store %arg17[%swap3A_202, %swap3A_203], %broadcast_in_dim3A_41 {strides = array<i32>} : memref<4x256xf32, #tpu.memory_space<vmem>>, vector<16xf32>,
    %swap3A_205 = arith.constant 2 : i32
    %swap3A_206 = arith.index_cast %swap3A_205 : i32 to index
    %swap3A_207 = arith.constant 144 : index
    %swap3A_208 = tpu.vector_load %arg17[%swap3A_206, %swap3A_207] {strides = array<i32>} : memref<4x256xf32, #tpu.memory_space<vmem>>, vector<16xf32>,
    tpu.vector_store %arg17[%swap3A_206, %swap3A_207], %broadcast_in_dim3A_41 {strides = array<i32>} : memref<4x256xf32, #tpu.memory_space<vmem>>, vector<16xf32>,
    %swap3A_209 = arith.constant 2 : i32
    %swap3A_210 = arith.index_cast %swap3A_209 : i32 to index
    %swap3A_211 = arith.constant 160 : index
    %swap3A_212 = tpu.vector_load %arg17[%swap3A_210, %swap3A_211] {strides = array<i32>} : memref<4x256xf32, #tpu.memory_space<vmem>>, vector<16xf32>,
    tpu.vector_store %arg17[%swap3A_210, %swap3A_211], %broadcast_in_dim3A_41 {strides = array<i32>} : memref<4x256xf32, #tpu.memory_space<vmem>>, vector<16xf32>,
    %swap3A_213 = arith.constant 2 : i32
    %swap3A_214 = arith.index_cast %swap3A_213 : i32 to index
    %swap3A_215 = arith.constant 176 : index
    %swap3A_216 = tpu.vector_load %arg17[%swap3A_214, %swap3A_215] {strides = array<i32>} : memref<4x256xf32, #tpu.memory_space<vmem>>, vector<16xf32>,
    tpu.vector_store %arg17[%swap3A_214, %swap3A_215], %broadcast_in_dim3A_41 {strides = array<i32>} : memref<4x256xf32, #tpu.memory_space<vmem>>, vector<16xf32>,
    %swap3A_217 = arith.constant 2 : i32
    %swap3A_218 = arith.index_cast %swap3A_217 : i32 to index
    %swap3A_219 = arith.constant 192 : index
    %swap3A_220 = tpu.vector_load %arg17[%swap3A_218, %swap3A_219] {strides = array<i32>} : memref<4x256xf32, #tpu.memory_space<vmem>>, vector<16xf32>,
    tpu.vector_store %arg17[%swap3A_218, %swap3A_219], %broadcast_in_dim3A_41 {strides = array<i32>} : memref<4x256xf32, #tpu.memory_space<vmem>>, vector<16xf32>,
    %swap3A_221 = arith.constant 2 : i32
    %swap3A_222 = arith.index_cast %swap3A_221 : i32 to index
    %swap3A_223 = arith.constant 208 : index
    %swap3A_224 = tpu.vector_load %arg17[%swap3A_222, %swap3A_223] {strides = array<i32>} : memref<4x256xf32, #tpu.memory_space<vmem>>, vector<16xf32>,
    tpu.vector_store %arg17[%swap3A_222, %swap3A_223], %broadcast_in_dim3A_41 {strides = array<i32>} : memref<4x256xf32, #tpu.memory_space<vmem>>, vector<16xf32>,
    %swap3A_225 = arith.constant 2 : i32
    %swap3A_226 = arith.index_cast %swap3A_225 : i32 to index
    %swap3A_227 = arith.constant 224 : index
    %swap3A_228 = tpu.vector_load %arg17[%swap3A_226, %swap3A_227] {strides = array<i32>} : memref<4x256xf32, #tpu.memory_space<vmem>>, vector<16xf32>,
    tpu.vector_store %arg17[%swap3A_226, %swap3A_227], %broadcast_in_dim3A_41 {strides = array<i32>} : memref<4x256xf32, #tpu.memory_space<vmem>>, vector<16xf32>,
    %swap3A_229 = arith.constant 2 : i32
    %swap3A_230 = arith.index_cast %swap3A_229 : i32 to index
    %swap3A_231 = arith.constant 240 : index
    %swap3A_232 = tpu.vector_load %arg17[%swap3A_230, %swap3A_231] {strides = array<i32>} : memref<4x256xf32, #tpu.memory_space<vmem>>, vector<16xf32>,
    tpu.vector_store %arg17[%swap3A_230, %swap3A_231], %broadcast_in_dim3A_41 {strides = array<i32>} : memref<4x256xf32, #tpu.memory_space<vmem>>, vector<16xf32>,
    %swap3A_233 = arith.constant 3 : i32
    %swap3A_234 = arith.index_cast %swap3A_233 : i32 to index
    %swap3A_235 = arith.constant 0 : index
    %swap3A_236 = tpu.vector_load %arg17[%swap3A_234, %swap3A_235] {strides = array<i32>} : memref<4x256xf32, #tpu.memory_space<vmem>>, vector<16xf32>,
    tpu.vector_store %arg17[%swap3A_234, %swap3A_235], %broadcast_in_dim3A_41 {strides = array<i32>} : memref<4x256xf32, #tpu.memory_space<vmem>>, vector<16xf32>,
    %swap3A_237 = arith.constant 3 : i32
    %swap3A_238 = arith.index_cast %swap3A_237 : i32 to index
    %swap3A_239 = arith.constant 16 : index
    %swap3A_240 = tpu.vector_load %arg17[%swap3A_238, %swap3A_239] {strides = array<i32>} : memref<4x256xf32, #tpu.memory_space<vmem>>, vector<16xf32>,
    tpu.vector_store %arg17[%swap3A_238, %swap3A_239], %broadcast_in_dim3A_41 {strides = array<i32>} : memref<4x256xf32, #tpu.memory_space<vmem>>, vector<16xf32>,
    %swap3A_241 = arith.constant 3 : i32
    %swap3A_242 = arith.index_cast %swap3A_241 : i32 to index
    %swap3A_243 = arith.constant 32 : index
    %swap3A_244 = tpu.vector_load %arg17[%swap3A_242, %swap3A_243] {strides = array<i32>} : memref<4x256xf32, #tpu.memory_space<vmem>>, vector<16xf32>,
    tpu.vector_store %arg17[%swap3A_242, %swap3A_243], %broadcast_in_dim3A_41 {strides = array<i32>} : memref<4x256xf32, #tpu.memory_space<vmem>>, vector<16xf32>,
    %swap3A_245 = arith.constant 3 : i32
    %swap3A_246 = arith.index_cast %swap3A_245 : i32 to index
    %swap3A_247 = arith.constant 48 : index
    %swap3A_248 = tpu.vector_load %arg17[%swap3A_246, %swap3A_247] {strides = array<i32>} : memref<4x256xf32, #tpu.memory_space<vmem>>, vector<16xf32>,
    tpu.vector_store %arg17[%swap3A_246, %swap3A_247], %broadcast_in_dim3A_41 {strides = array<i32>} : memref<4x256xf32, #tpu.memory_space<vmem>>, vector<16xf32>,
    %swap3A_249 = arith.constant 3 : i32
    %swap3A_250 = arith.index_cast %swap3A_249 : i32 to index
    %swap3A_251 = arith.constant 64 : index
    %swap3A_252 = tpu.vector_load %arg17[%swap3A_250, %swap3A_251] {strides = array<i32>} : memref<4x256xf32, #tpu.memory_space<vmem>>, vector<16xf32>,
    tpu.vector_store %arg17[%swap3A_250, %swap3A_251], %broadcast_in_dim3A_41 {strides = array<i32>} : memref<4x256xf32, #tpu.memory_space<vmem>>, vector<16xf32>,
    %swap3A_253 = arith.constant 3 : i32
    %swap3A_254 = arith.index_cast %swap3A_253 : i32 to index
    %swap3A_255 = arith.constant 80 : index
    %swap3A_256 = tpu.vector_load %arg17[%swap3A_254, %swap3A_255] {strides = array<i32>} : memref<4x256xf32, #tpu.memory_space<vmem>>, vector<16xf32>,
    tpu.vector_store %arg17[%swap3A_254, %swap3A_255], %broadcast_in_dim3A_41 {strides = array<i32>} : memref<4x256xf32, #tpu.memory_space<vmem>>, vector<16xf32>,
    %swap3A_257 = arith.constant 3 : i32
    %swap3A_258 = arith.index_cast %swap3A_257 : i32 to index
    %swap3A_259 = arith.constant 96 : index
    %swap3A_260 = tpu.vector_load %arg17[%swap3A_258, %swap3A_259] {strides = array<i32>} : memref<4x256xf32, #tpu.memory_space<vmem>>, vector<16xf32>,
    tpu.vector_store %arg17[%swap3A_258, %swap3A_259], %broadcast_in_dim3A_41 {strides = array<i32>} : memref<4x256xf32, #tpu.memory_space<vmem>>, vector<16xf32>,
    %swap3A_261 = arith.constant 3 : i32
    %swap3A_262 = arith.index_cast %swap3A_261 : i32 to index
    %swap3A_263 = arith.constant 112 : index
    %swap3A_264 = tpu.vector_load %arg17[%swap3A_262, %swap3A_263] {strides = array<i32>} : memref<4x256xf32, #tpu.memory_space<vmem>>, vector<16xf32>,
    tpu.vector_store %arg17[%swap3A_262, %swap3A_263], %broadcast_in_dim3A_41 {strides = array<i32>} : memref<4x256xf32, #tpu.memory_space<vmem>>, vector<16xf32>,
    %swap3A_265 = arith.constant 3 : i32
    %swap3A_266 = arith.index_cast %swap3A_265 : i32 to index
    %swap3A_267 = arith.constant 128 : index
    %swap3A_268 = tpu.vector_load %arg17[%swap3A_266, %swap3A_267] {strides = array<i32>} : memref<4x256xf32, #tpu.memory_space<vmem>>, vector<16xf32>,
    tpu.vector_store %arg17[%swap3A_266, %swap3A_267], %broadcast_in_dim3A_41 {strides = array<i32>} : memref<4x256xf32, #tpu.memory_space<vmem>>, vector<16xf32>,
    %swap3A_269 = arith.constant 3 : i32
    %swap3A_270 = arith.index_cast %swap3A_269 : i32 to index
    %swap3A_271 = arith.constant 144 : index
    %swap3A_272 = tpu.vector_load %arg17[%swap3A_270, %swap3A_271] {strides = array<i32>} : memref<4x256xf32, #tpu.memory_space<vmem>>, vector<16xf32>,
    tpu.vector_store %arg17[%swap3A_270, %swap3A_271], %broadcast_in_dim3A_41 {strides = array<i32>} : memref<4x256xf32, #tpu.memory_space<vmem>>, vector<16xf32>,
    %swap3A_273 = arith.constant 3 : i32
    %swap3A_274 = arith.index_cast %swap3A_273 : i32 to index
    %swap3A_275 = arith.constant 160 : index
    %swap3A_276 = tpu.vector_load %arg17[%swap3A_274, %swap3A_275] {strides = array<i32>} : memref<4x256xf32, #tpu.memory_space<vmem>>, vector<16xf32>,
    tpu.vector_store %arg17[%swap3A_274, %swap3A_275], %broadcast_in_dim3A_41 {strides = array<i32>} : memref<4x256xf32, #tpu.memory_space<vmem>>, vector<16xf32>,
    %swap3A_277 = arith.constant 3 : i32
    %swap3A_278 = arith.index_cast %swap3A_277 : i32 to index
    %swap3A_279 = arith.constant 176 : index
    %swap3A_280 = tpu.vector_load %arg17[%swap3A_278, %swap3A_279] {strides = array<i32>} : memref<4x256xf32, #tpu.memory_space<vmem>>, vector<16xf32>,
    tpu.vector_store %arg17[%swap3A_278, %swap3A_279], %broadcast_in_dim3A_41 {strides = array<i32>} : memref<4x256xf32, #tpu.memory_space<vmem>>, vector<16xf32>,
    %swap3A_281 = arith.constant 3 : i32
    %swap3A_282 = arith.index_cast %swap3A_281 : i32 to index
    %swap3A_283 = arith.constant 192 : index
    %swap3A_284 = tpu.vector_load %arg17[%swap3A_282, %swap3A_283] {strides = array<i32>} : memref<4x256xf32, #tpu.memory_space<vmem>>, vector<16xf32>,
    tpu.vector_store %arg17[%swap3A_282, %swap3A_283], %broadcast_in_dim3A_41 {strides = array<i32>} : memref<4x256xf32, #tpu.memory_space<vmem>>, vector<16xf32>,
    %swap3A_285 = arith.constant 3 : i32
    %swap3A_286 = arith.index_cast %swap3A_285 : i32 to index
    %swap3A_287 = arith.constant 208 : index
    %swap3A_288 = tpu.vector_load %arg17[%swap3A_286, %swap3A_287] {strides = array<i32>} : memref<4x256xf32, #tpu.memory_space<vmem>>, vector<16xf32>,
    tpu.vector_store %arg17[%swap3A_286, %swap3A_287], %broadcast_in_dim3A_41 {strides = array<i32>} : memref<4x256xf32, #tpu.memory_space<vmem>>, vector<16xf32>,
    %swap3A_289 = arith.constant 3 : i32
    %swap3A_290 = arith.index_cast %swap3A_289 : i32 to index
    %swap3A_291 = arith.constant 224 : index
    %swap3A_292 = tpu.vector_load %arg17[%swap3A_290, %swap3A_291] {strides = array<i32>} : memref<4x256xf32, #tpu.memory_space<vmem>>, vector<16xf32>,
    tpu.vector_store %arg17[%swap3A_290, %swap3A_291], %broadcast_in_dim3A_41 {strides = array<i32>} : memref<4x256xf32, #tpu.memory_space<vmem>>, vector<16xf32>,
    %swap3A_293 = arith.constant 3 : i32
    %swap3A_294 = arith.index_cast %swap3A_293 : i32 to index
    %swap3A_295 = arith.constant 240 : index
    %swap3A_296 = tpu.vector_load %arg17[%swap3A_294, %swap3A_295] {strides = array<i32>} : memref<4x256xf32, #tpu.memory_space<vmem>>, vector<16xf32>,
    tpu.vector_store %arg17[%swap3A_294, %swap3A_295], %broadcast_in_dim3A_41 {strides = array<i32>} : memref<4x256xf32, #tpu.memory_space<vmem>>, vector<16xf32>,
    %iota3A = tpu.iota {dimensions = array<i32: 0>} : vector<16xi32>
    %broadcast_in_dim3A_297 = arith.constant 10000 : i32
    %broadcast_in_dim3A_298 = vector.broadcast %broadcast_in_dim3A_297 : i32 to vector<16xi32>
    %get3A = arith.constant 0 : index
    %get3A_299 = tpu.vector_load %arg12[%get3A] {strides = array<i32>} : memref<16xi32, #tpu.memory_space<vmem>>, vector<16xi32>,
    %scan3A = arith.constant 0 : i32
    %scan3A_300 = arith.constant 0 : i32
    %scan3A_301 = arith.constant 39 : i32
    %scan3A_302 = arith.addi %scan3A_300, %scan3A_301 : i32
    %scan3A_303 = arith.constant 1 : i32
    %scan3A_304 = scf.for %scan3A_358 = %scan3A_300 to %scan3A_302 step %scan3A_303 iter_args(%scan3A_359 = %scan3A) -> (i32)  : i32 {
      %mul3A_360 = arith.constant 128 : i32
      %mul3A_361 = arith.muli %scan3A_358, %mul3A_360 : i32
      %add3A_362 = arith.constant 0 : i32
      %add3A_363 = arith.addi %mul3A_361, %add3A_362 : i32
      %get3A_364 = arith.index_cast %add3A_363 : i32 to index
      %get3A_365 = tpu.vector_load %arg9[%get3A_364] {strides = array<i32>} : memref<5008xi32, #tpu.memory_space<vmem>>, vector<16xi32>,
      %add3A_366 = arith.constant 16 : i32
      %add3A_367 = arith.addi %mul3A_361, %add3A_366 : i32
      %get3A_368 = arith.index_cast %add3A_367 : i32 to index
      %get3A_369 = tpu.vector_load %arg9[%get3A_368] {strides = array<i32>} : memref<5008xi32, #tpu.memory_space<vmem>>, vector<16xi32>,
      %add3A_370 = arith.constant 32 : i32
      %add3A_371 = arith.addi %mul3A_361, %add3A_370 : i32
      %get3A_372 = arith.index_cast %add3A_371 : i32 to index
      %get3A_373 = tpu.vector_load %arg9[%get3A_372] {strides = array<i32>} : memref<5008xi32, #tpu.memory_space<vmem>>, vector<16xi32>,
      %add3A_374 = arith.constant 48 : i32
      %add3A_375 = arith.addi %mul3A_361, %add3A_374 : i32
      %get3A_376 = arith.index_cast %add3A_375 : i32 to index
      %get3A_377 = tpu.vector_load %arg9[%get3A_376] {strides = array<i32>} : memref<5008xi32, #tpu.memory_space<vmem>>, vector<16xi32>,
      %add3A_378 = arith.constant 64 : i32
      %add3A_379 = arith.addi %mul3A_361, %add3A_378 : i32
      %get3A_380 = arith.index_cast %add3A_379 : i32 to index
      %get3A_381 = tpu.vector_load %arg9[%get3A_380] {strides = array<i32>} : memref<5008xi32, #tpu.memory_space<vmem>>, vector<16xi32>,
      %add3A_382 = arith.constant 80 : i32
      %add3A_383 = arith.addi %mul3A_361, %add3A_382 : i32
      %get3A_384 = arith.index_cast %add3A_383 : i32 to index
      %get3A_385 = tpu.vector_load %arg9[%get3A_384] {strides = array<i32>} : memref<5008xi32, #tpu.memory_space<vmem>>, vector<16xi32>,
      %add3A_386 = arith.constant 96 : i32
      %add3A_387 = arith.addi %mul3A_361, %add3A_386 : i32
      %get3A_388 = arith.index_cast %add3A_387 : i32 to index
      %get3A_389 = tpu.vector_load %arg9[%get3A_388] {strides = array<i32>} : memref<5008xi32, #tpu.memory_space<vmem>>, vector<16xi32>,
      %add3A_390 = arith.constant 112 : i32
      %add3A_391 = arith.addi %mul3A_361, %add3A_390 : i32
      %get3A_392 = arith.index_cast %add3A_391 : i32 to index
      %get3A_393 = tpu.vector_load %arg9[%get3A_392] {strides = array<i32>} : memref<5008xi32, #tpu.memory_space<vmem>>, vector<16xi32>,
      %add3A_394 = arith.constant 0 : i32
      %add3A_395 = arith.addi %mul3A_361, %add3A_394 : i32
      %get3A_396 = arith.index_cast %add3A_395 : i32 to index
      %get3A_397 = tpu.vector_load %arg11[%get3A_396] {strides = array<i32>} : memref<5008xi32, #tpu.memory_space<vmem>>, vector<16xi32>,
      %add3A_398 = arith.constant 16 : i32
      %add3A_399 = arith.addi %mul3A_361, %add3A_398 : i32
      %get3A_400 = arith.index_cast %add3A_399 : i32 to index
      %get3A_401 = tpu.vector_load %arg11[%get3A_400] {strides = array<i32>} : memref<5008xi32, #tpu.memory_space<vmem>>, vector<16xi32>,
      %add3A_402 = arith.constant 32 : i32
      %add3A_403 = arith.addi %mul3A_361, %add3A_402 : i32
      %get3A_404 = arith.index_cast %add3A_403 : i32 to index
      %get3A_405 = tpu.vector_load %arg11[%get3A_404] {strides = array<i32>} : memref<5008xi32, #tpu.memory_space<vmem>>, vector<16xi32>,
      %add3A_406 = arith.constant 48 : i32
      %add3A_407 = arith.addi %mul3A_361, %add3A_406 : i32
      %get3A_408 = arith.index_cast %add3A_407 : i32 to index
      %get3A_409 = tpu.vector_load %arg11[%get3A_408] {strides = array<i32>} : memref<5008xi32, #tpu.memory_space<vmem>>, vector<16xi32>,
      %add3A_410 = arith.constant 64 : i32
      %add3A_411 = arith.addi %mul3A_361, %add3A_410 : i32
      %get3A_412 = arith.index_cast %add3A_411 : i32 to index
      %get3A_413 = tpu.vector_load %arg11[%get3A_412] {strides = array<i32>} : memref<5008xi32, #tpu.memory_space<vmem>>, vector<16xi32>,
      %add3A_414 = arith.constant 80 : i32
      %add3A_415 = arith.addi %mul3A_361, %add3A_414 : i32
      %get3A_416 = arith.index_cast %add3A_415 : i32 to index
      %get3A_417 = tpu.vector_load %arg11[%get3A_416] {strides = array<i32>} : memref<5008xi32, #tpu.memory_space<vmem>>, vector<16xi32>,
      %add3A_418 = arith.constant 96 : i32
      %add3A_419 = arith.addi %mul3A_361, %add3A_418 : i32
      %get3A_420 = arith.index_cast %add3A_419 : i32 to index
      %get3A_421 = tpu.vector_load %arg11[%get3A_420] {strides = array<i32>} : memref<5008xi32, #tpu.memory_space<vmem>>, vector<16xi32>,
      %add3A_422 = arith.constant 112 : i32
      %add3A_423 = arith.addi %mul3A_361, %add3A_422 : i32
      %get3A_424 = arith.index_cast %add3A_423 : i32 to index
      %get3A_425 = tpu.vector_load %arg11[%get3A_424] {strides = array<i32>} : memref<5008xi32, #tpu.memory_space<vmem>>, vector<16xi32>,
      %eq3A_426 = arith.cmpi eq, %get3A_397, %get3A_299 : vector<16xi32>
      %eq3A_427 = arith.cmpi eq, %get3A_401, %get3A_299 : vector<16xi32>
      %eq3A_428 = arith.cmpi eq, %get3A_405, %get3A_299 : vector<16xi32>
      %eq3A_429 = arith.cmpi eq, %get3A_409, %get3A_299 : vector<16xi32>
      %eq3A_430 = arith.cmpi eq, %get3A_413, %get3A_299 : vector<16xi32>
      %eq3A_431 = arith.cmpi eq, %get3A_417, %get3A_299 : vector<16xi32>
      %eq3A_432 = arith.cmpi eq, %get3A_421, %get3A_299 : vector<16xi32>
      %eq3A_433 = arith.cmpi eq, %get3A_425, %get3A_299 : vector<16xi32>
      %eq3A_434 = arith.cmpi eq, %get3A_365, %get3A_299 : vector<16xi32>
      %eq3A_435 = arith.cmpi eq, %get3A_369, %get3A_299 : vector<16xi32>
      %eq3A_436 = arith.cmpi eq, %get3A_373, %get3A_299 : vector<16xi32>
      %eq3A_437 = arith.cmpi eq, %get3A_377, %get3A_299 : vector<16xi32>
      %eq3A_438 = arith.cmpi eq, %get3A_381, %get3A_299 : vector<16xi32>
      %eq3A_439 = arith.cmpi eq, %get3A_385, %get3A_299 : vector<16xi32>
      %eq3A_440 = arith.cmpi eq, %get3A_389, %get3A_299 : vector<16xi32>
      %eq3A_441 = arith.cmpi eq, %get3A_393, %get3A_299 : vector<16xi32>
      %or3A_442 = arith.ori %eq3A_426, %eq3A_434 : vector<16xi1>
      %or3A_443 = arith.ori %or3A_442, %eq3A_427 : vector<16xi1>
      %or3A_444 = arith.ori %or3A_443, %eq3A_435 : vector<16xi1>
      %or3A_445 = arith.ori %or3A_444, %eq3A_428 : vector<16xi1>
      %or3A_446 = arith.ori %or3A_445, %eq3A_436 : vector<16xi1>
      %or3A_447 = arith.ori %or3A_446, %eq3A_429 : vector<16xi1>
      %or3A_448 = arith.ori %or3A_447, %eq3A_437 : vector<16xi1>
      %or3A_449 = arith.ori %or3A_448, %eq3A_430 : vector<16xi1>
      %or3A_450 = arith.ori %or3A_449, %eq3A_438 : vector<16xi1>
      %or3A_451 = arith.ori %or3A_450, %eq3A_431 : vector<16xi1>
      %or3A_452 = arith.ori %or3A_451, %eq3A_439 : vector<16xi1>
      %or3A_453 = arith.ori %or3A_452, %eq3A_432 : vector<16xi1>
      %or3A_454 = arith.ori %or3A_453, %eq3A_440 : vector<16xi1>
      %or3A_455 = arith.ori %or3A_454, %eq3A_433 : vector<16xi1>
      %or3A_456 = arith.ori %or3A_455, %eq3A_441 : vector<16xi1>
      %all_reduce_population_count3A_457 = tpu.all_reduce %or3A_456 {dim = 0 : i64, kind = #tpu.reduction_kind<sum>} : vector<16xi1> -> vector<16xi32>
      %slice3A_458 = vector.extract_strided_slice %all_reduce_population_count3A_457 {offsets = [0], sizes = [1], strides = [1]} : vector<16xi32> to vector<1xi32>
      %squeeze3A_459 = vector.extract %slice3A_458[0] : i32 from vector<1xi32>
      %gt3A_460 = arith.constant 0 : i32
      %gt3A_461 = arith.cmpi sgt, %squeeze3A_459, %gt3A_460 : i32
      %convert_element_type3A_462 = arith.extui %gt3A_461 : i1 to i32
      %cond3A_463 = arith.constant 0 : i32
      %cond3A_464 = arith.cmpi ne, %convert_element_type3A_462, %cond3A_463 : i32
      scf.if %cond3A_464 {
        %scan3A_466 = arith.constant 0 : i32
        %scan3A_467 = arith.constant 8 : i32
        %scan3A_468 = arith.addi %scan3A_466, %scan3A_467 : i32
        %scan3A_469 = arith.constant 1 : i32
        %scan3A_470 = scf.for %scan3A_472 = %scan3A_466 to %scan3A_468 step %scan3A_469 iter_args(%scan3A_473 = %scan3A_359) -> (i32)  : i32 {
          %mul3A_474 = arith.constant 16 : i32
          %mul3A_475 = arith.muli %mul3A_474, %scan3A_472 : i32
          %add3A_476 = arith.addi %mul3A_361, %mul3A_475 : i32
          %get3A_477 = arith.index_cast %add3A_476 : i32 to index
          %get3A_478 = tpu.vector_load %arg9[%get3A_477] {strides = array<i32>} : memref<5008xi32, #tpu.memory_space<vmem>>, vector<16xi32>,
          %get3A_479 = arith.index_cast %add3A_476 : i32 to index
          %get3A_480 = tpu.vector_load %arg10[%get3A_479] {strides = array<i32>} : memref<5008xi32, #tpu.memory_space<vmem>>, vector<16xi32>,
          %get3A_481 = arith.index_cast %add3A_476 : i32 to index
          %get3A_482 = tpu.vector_load %arg11[%get3A_481] {strides = array<i32>} : memref<5008xi32, #tpu.memory_space<vmem>>, vector<16xi32>,
          %eq3A_483 = arith.cmpi eq, %get3A_482, %get3A_299 : vector<16xi32>
          %eq3A_484 = arith.cmpi eq, %get3A_478, %get3A_299 : vector<16xi32>
          %all_reduce_population_count3A_485 = tpu.all_reduce %eq3A_483 {dim = 0 : i64, kind = #tpu.reduction_kind<sum>} : vector<16xi1> -> vector<16xi32>
          %slice3A_486 = vector.extract_strided_slice %all_reduce_population_count3A_485 {offsets = [0], sizes = [1], strides = [1]} : vector<16xi32> to vector<1xi32>
          %squeeze3A_487 = vector.extract %slice3A_486[0] : i32 from vector<1xi32>
          %all_reduce_population_count3A_488 = tpu.all_reduce %eq3A_484 {dim = 0 : i64, kind = #tpu.reduction_kind<sum>} : vector<16xi1> -> vector<16xi32>
          %slice3A_489 = vector.extract_strided_slice %all_reduce_population_count3A_488 {offsets = [0], sizes = [1], strides = [1]} : vector<16xi32> to vector<1xi32>
          %squeeze3A_490 = vector.extract %slice3A_489[0] : i32 from vector<1xi32>
          %swap3A_491 = arith.index_cast %scan3A_473 : i32 to index
          %swap3A_492 = tpu.vector_load %arg13[%swap3A_491] masked %eq3A_483 {strides = array<i32>} : memref<10016xi32, #tpu.memory_space<vmem>>, vector<16xi32>, vector<16xi1>
          tpu.vector_store %arg13[%swap3A_491], %get3A_478 masked %eq3A_483 {strides = array<i32>} : memref<10016xi32, #tpu.memory_space<vmem>>, vector<16xi32>, vector<16xi1>
          %swap3A_493 = arith.index_cast %scan3A_473 : i32 to index
          %swap3A_494 = tpu.vector_load %arg14[%swap3A_493] masked %eq3A_483 {strides = array<i32>} : memref<10016xi32, #tpu.memory_space<vmem>>, vector<16xi32>, vector<16xi1>
          tpu.vector_store %arg14[%swap3A_493], %get3A_480 masked %eq3A_483 {strides = array<i32>} : memref<10016xi32, #tpu.memory_space<vmem>>, vector<16xi32>, vector<16xi1>
          %swap3A_495 = arith.index_cast %scan3A_473 : i32 to index
          %swap3A_496 = tpu.vector_load %arg15[%swap3A_495] masked %eq3A_483 {strides = array<i32>} : memref<10016xi32, #tpu.memory_space<vmem>>, vector<16xi32>, vector<16xi1>
          tpu.vector_store %arg15[%swap3A_495], %get3A_480 masked %eq3A_483 {strides = array<i32>} : memref<10016xi32, #tpu.memory_space<vmem>>, vector<16xi32>, vector<16xi1>
          %add3A_497 = arith.addi %scan3A_473, %squeeze3A_487 : i32
          %swap3A_498 = arith.index_cast %add3A_497 : i32 to index
          %swap3A_499 = tpu.vector_load %arg13[%swap3A_498] masked %eq3A_484 {strides = array<i32>} : memref<10016xi32, #tpu.memory_space<vmem>>, vector<16xi32>, vector<16xi1>
          tpu.vector_store %arg13[%swap3A_498], %get3A_482 masked %eq3A_484 {strides = array<i32>} : memref<10016xi32, #tpu.memory_space<vmem>>, vector<16xi32>, vector<16xi1>
          %swap3A_500 = arith.index_cast %add3A_497 : i32 to index
          %swap3A_501 = tpu.vector_load %arg14[%swap3A_500] masked %eq3A_484 {strides = array<i32>} : memref<10016xi32, #tpu.memory_space<vmem>>, vector<16xi32>, vector<16xi1>
          tpu.vector_store %arg14[%swap3A_500], %get3A_480 masked %eq3A_484 {strides = array<i32>} : memref<10016xi32, #tpu.memory_space<vmem>>, vector<16xi32>, vector<16xi1>
          %add3A_502 = arith.addi %get3A_480, %broadcast_in_dim3A_298 : vector<16xi32>
          %swap3A_503 = arith.index_cast %add3A_497 : i32 to index
          %swap3A_504 = tpu.vector_load %arg15[%swap3A_503] masked %eq3A_484 {strides = array<i32>} : memref<10016xi32, #tpu.memory_space<vmem>>, vector<16xi32>, vector<16xi1>
          tpu.vector_store %arg15[%swap3A_503], %add3A_502 masked %eq3A_484 {strides = array<i32>} : memref<10016xi32, #tpu.memory_space<vmem>>, vector<16xi32>, vector<16xi1>
          %add3A_505 = arith.addi %add3A_497, %squeeze3A_490 : i32
          scf.yield %add3A_505 : i32
        }
        %scan3A_471 = arith.constant 8 : i32
      } else {
      }
      %add3A_465 = arith.addi %scan3A_359, %squeeze3A_459 : i32
      scf.yield %add3A_465 : i32
    }
    %scan3A_305 = arith.constant 39 : i32
    %get3A_306 = arith.constant 4992 : index
    %get3A_307 = tpu.vector_load %arg9[%get3A_306] {strides = array<i32>} : memref<5008xi32, #tpu.memory_space<vmem>>, vector<16xi32>,
    %get3A_308 = arith.constant 4992 : index
    %get3A_309 = tpu.vector_load %arg10[%get3A_308] {strides = array<i32>} : memref<5008xi32, #tpu.memory_space<vmem>>, vector<16xi32>,
    %get3A_310 = arith.constant 4992 : index
    %get3A_311 = tpu.vector_load %arg11[%get3A_310] {strides = array<i32>} : memref<5008xi32, #tpu.memory_space<vmem>>, vector<16xi32>,
    %broadcast_in_dim3A_312 = arith.constant 8 : i32
    %broadcast_in_dim3A_313 = vector.broadcast %broadcast_in_dim3A_312 : i32 to vector<16xi32>
    %lt3A = arith.cmpi slt, %iota3A, %broadcast_in_dim3A_313 : vector<16xi32>
    %eq3A = arith.cmpi eq, %get3A_311, %get3A_299 : vector<16xi32>
    %and3A = arith.andi %eq3A, %lt3A : vector<16xi1>
    %eq3A_314 = arith.cmpi eq, %get3A_307, %get3A_299 : vector<16xi32>
    %and3A_315 = arith.andi %eq3A_314, %lt3A : vector<16xi1>
    %or3A = arith.ori %and3A, %and3A_315 : vector<16xi1>
    %all_reduce_population_count3A = tpu.all_reduce %or3A {dim = 0 : i64, kind = #tpu.reduction_kind<sum>} : vector<16xi1> -> vector<16xi32>
    %slice3A = vector.extract_strided_slice %all_reduce_population_count3A {offsets = [0], sizes = [1], strides = [1]} : vector<16xi32> to vector<1xi32>
    %squeeze3A = vector.extract %slice3A[0] : i32 from vector<1xi32>
    %gt3A = arith.constant 0 : i32
    %gt3A_316 = arith.cmpi sgt, %squeeze3A, %gt3A : i32
    %convert_element_type3A = arith.extui %gt3A_316 : i1 to i32
    %cond3A = arith.constant 0 : i32
    %cond3A_317 = arith.cmpi ne, %convert_element_type3A, %cond3A : i32
    scf.if %cond3A_317 {
      %all_reduce_population_count3A_358 = tpu.all_reduce %and3A {dim = 0 : i64, kind = #tpu.reduction_kind<sum>} : vector<16xi1> -> vector<16xi32>
      %slice3A_359 = vector.extract_strided_slice %all_reduce_population_count3A_358 {offsets = [0], sizes = [1], strides = [1]} : vector<16xi32> to vector<1xi32>
      %squeeze3A_360 = vector.extract %slice3A_359[0] : i32 from vector<1xi32>
      %swap3A_361 = arith.index_cast %scan3A_304 : i32 to index
      %swap3A_362 = tpu.vector_load %arg13[%swap3A_361] masked %and3A {strides = array<i32>} : memref<10016xi32, #tpu.memory_space<vmem>>, vector<16xi32>, vector<16xi1>
      tpu.vector_store %arg13[%swap3A_361], %get3A_307 masked %and3A {strides = array<i32>} : memref<10016xi32, #tpu.memory_space<vmem>>, vector<16xi32>, vector<16xi1>
      %swap3A_363 = arith.index_cast %scan3A_304 : i32 to index
      %swap3A_364 = tpu.vector_load %arg14[%swap3A_363] masked %and3A {strides = array<i32>} : memref<10016xi32, #tpu.memory_space<vmem>>, vector<16xi32>, vector<16xi1>
      tpu.vector_store %arg14[%swap3A_363], %get3A_309 masked %and3A {strides = array<i32>} : memref<10016xi32, #tpu.memory_space<vmem>>, vector<16xi32>, vector<16xi1>
      %swap3A_365 = arith.index_cast %scan3A_304 : i32 to index
      %swap3A_366 = tpu.vector_load %arg15[%swap3A_365] masked %and3A {strides = array<i32>} : memref<10016xi32, #tpu.memory_space<vmem>>, vector<16xi32>, vector<16xi1>
      tpu.vector_store %arg15[%swap3A_365], %get3A_309 masked %and3A {strides = array<i32>} : memref<10016xi32, #tpu.memory_space<vmem>>, vector<16xi32>, vector<16xi1>
      %add3A_367 = arith.addi %scan3A_304, %squeeze3A_360 : i32
      %swap3A_368 = arith.index_cast %add3A_367 : i32 to index
      %swap3A_369 = tpu.vector_load %arg13[%swap3A_368] masked %and3A_315 {strides = array<i32>} : memref<10016xi32, #tpu.memory_space<vmem>>, vector<16xi32>, vector<16xi1>
      tpu.vector_store %arg13[%swap3A_368], %get3A_311 masked %and3A_315 {strides = array<i32>} : memref<10016xi32, #tpu.memory_space<vmem>>, vector<16xi32>, vector<16xi1>
      %swap3A_370 = arith.index_cast %add3A_367 : i32 to index
      %swap3A_371 = tpu.vector_load %arg14[%swap3A_370] masked %and3A_315 {strides = array<i32>} : memref<10016xi32, #tpu.memory_space<vmem>>, vector<16xi32>, vector<16xi1>
      tpu.vector_store %arg14[%swap3A_370], %get3A_309 masked %and3A_315 {strides = array<i32>} : memref<10016xi32, #tpu.memory_space<vmem>>, vector<16xi32>, vector<16xi1>
      %add3A_372 = arith.addi %get3A_309, %broadcast_in_dim3A_298 : vector<16xi32>
      %swap3A_373 = arith.index_cast %add3A_367 : i32 to index
      %swap3A_374 = tpu.vector_load %arg15[%swap3A_373] masked %and3A_315 {strides = array<i32>} : memref<10016xi32, #tpu.memory_space<vmem>>, vector<16xi32>, vector<16xi1>
      tpu.vector_store %arg15[%swap3A_373], %add3A_372 masked %and3A_315 {strides = array<i32>} : memref<10016xi32, #tpu.memory_space<vmem>>, vector<16xi32>, vector<16xi1>
    } else {
    }
    %add3A_318 = arith.addi %scan3A_304, %squeeze3A : i32
    %add3A_319 = arith.constant 15 : i32
    %add3A_320 = arith.addi %add3A_318, %add3A_319 : i32
    %jit3A = arith.constant 16 : i32
    %div3A = arith.divsi %add3A_320, %jit3A : i32
    %sign3A = arith.constant 0 : i32
    %sign3A_321 = arith.cmpi sgt, %add3A_320, %sign3A : i32
    %sign3A_322 = arith.extui %sign3A_321 : i1 to i32
    %sign3A_323 = arith.constant 0 : i32
    %sign3A_324 = arith.cmpi slt, %add3A_320, %sign3A_323 : i32
    %sign3A_325 = arith.extui %sign3A_324 : i1 to i32
    %sign3A_326 = arith.subi %sign3A_322, %sign3A_325 : i32
    %sign3A_327 = arith.constant 0 : i32
    %sign3A_328 = arith.cmpi sgt, %jit3A, %sign3A_327 : i32
    %sign3A_329 = arith.extui %sign3A_328 : i1 to i32
    %sign3A_330 = arith.constant 0 : i32
    %sign3A_331 = arith.cmpi slt, %jit3A, %sign3A_330 : i32
    %sign3A_332 = arith.extui %sign3A_331 : i1 to i32
    %sign3A_333 = arith.subi %sign3A_329, %sign3A_332 : i32
    %ne3A = arith.cmpi ne, %sign3A_326, %sign3A_333 : i32
    %rem3A = arith.remsi %add3A_320, %jit3A : i32
    %ne3A_334 = arith.constant 0 : i32
    %ne3A_335 = arith.cmpi ne, %rem3A, %ne3A_334 : i32
    %and3A_336 = arith.andi %ne3A, %ne3A_335 : i1
    %sub3A = arith.constant 1 : i32
    %sub3A_337 = arith.subi %div3A, %sub3A : i32
    %select_n3A = arith.select %and3A_336, %sub3A_337, %div3A : i32
    %gt3A_338 = arith.constant 0 : i32
    %gt3A_339 = arith.cmpi sgt, %add3A_318, %gt3A_338 : i32
    %convert_element_type3A_340 = arith.extui %gt3A_339 : i1 to i32
    %cond3A_341 = arith.constant 0 : i32
    %cond3A_342 = arith.cmpi ne, %convert_element_type3A_340, %cond3A_341 : i32
    scf.if %cond3A_342 {
      %sub3A_358 = arith.constant 1 : i32
      %sub3A_359 = arith.subi %select_n3A, %sub3A_358 : i32
      %mul3A_360 = arith.constant 16 : i32
      %mul3A_361 = arith.muli %sub3A_359, %mul3A_360 : i32
      %broadcast_in_dim3A_362 = vector.broadcast %mul3A_361 : i32 to vector<16xi32>
      %add3A_363 = arith.addi %iota3A, %broadcast_in_dim3A_362 : vector<16xi32>
      %broadcast_in_dim3A_364 = vector.broadcast %add3A_318 : i32 to vector<16xi32>
      %lt3A_365 = arith.cmpi slt, %add3A_363, %broadcast_in_dim3A_364 : vector<16xi32>
      %get3A_366 = arith.index_cast %mul3A_361 : i32 to index
      %get3A_367 = tpu.vector_load %arg13[%get3A_366] {strides = array<i32>} : memref<10016xi32, #tpu.memory_space<vmem>>, vector<16xi32>,
      %broadcast_in_dim3A_368 = arith.constant 0 : i32
      %broadcast_in_dim3A_369 = vector.broadcast %broadcast_in_dim3A_368 : i32 to vector<16xi32>
      %select_n3A_370 = arith.select %lt3A_365, %get3A_367, %broadcast_in_dim3A_369 : vector<16xi1>, vector<16xi32>
      %swap3A_371 = arith.index_cast %mul3A_361 : i32 to index
      %swap3A_372 = tpu.vector_load %arg13[%swap3A_371] {strides = array<i32>} : memref<10016xi32, #tpu.memory_space<vmem>>, vector<16xi32>,
      tpu.vector_store %arg13[%swap3A_371], %select_n3A_370 {strides = array<i32>} : memref<10016xi32, #tpu.memory_space<vmem>>, vector<16xi32>,
      %get3A_373 = arith.index_cast %mul3A_361 : i32 to index
      %get3A_374 = tpu.vector_load %arg14[%get3A_373] {strides = array<i32>} : memref<10016xi32, #tpu.memory_space<vmem>>, vector<16xi32>,
      %broadcast_in_dim3A_375 = arith.constant 0 : i32
      %broadcast_in_dim3A_376 = vector.broadcast %broadcast_in_dim3A_375 : i32 to vector<16xi32>
      %select_n3A_377 = arith.select %lt3A_365, %get3A_374, %broadcast_in_dim3A_376 : vector<16xi1>, vector<16xi32>
      %swap3A_378 = arith.index_cast %mul3A_361 : i32 to index
      %swap3A_379 = tpu.vector_load %arg14[%swap3A_378] {strides = array<i32>} : memref<10016xi32, #tpu.memory_space<vmem>>, vector<16xi32>,
      tpu.vector_store %arg14[%swap3A_378], %select_n3A_377 {strides = array<i32>} : memref<10016xi32, #tpu.memory_space<vmem>>, vector<16xi32>,
      %get3A_380 = arith.index_cast %mul3A_361 : i32 to index
      %get3A_381 = tpu.vector_load %arg15[%get3A_380] {strides = array<i32>} : memref<10016xi32, #tpu.memory_space<vmem>>, vector<16xi32>,
      %broadcast_in_dim3A_382 = arith.constant 0 : i32
      %broadcast_in_dim3A_383 = vector.broadcast %broadcast_in_dim3A_382 : i32 to vector<16xi32>
      %select_n3A_384 = arith.select %lt3A_365, %get3A_381, %broadcast_in_dim3A_383 : vector<16xi1>, vector<16xi32>
      %swap3A_385 = arith.index_cast %mul3A_361 : i32 to index
      %swap3A_386 = tpu.vector_load %arg15[%swap3A_385] {strides = array<i32>} : memref<10016xi32, #tpu.memory_space<vmem>>, vector<16xi32>,
      tpu.vector_store %arg15[%swap3A_385], %select_n3A_384 {strides = array<i32>} : memref<10016xi32, #tpu.memory_space<vmem>>, vector<16xi32>,
    } else {
    }
    %while3A = arith.constant 0 : i32
    %while3A_343 = arith.constant 0 : i32
    %while3A_344 = arith.subi %select_n3A, %while3A : i32
    %while3A_345 = arith.addi %while3A, %while3A_344 : i32
    %while3A_346 = arith.constant 1 : i32
    %while3A_347 = arith.divsi %while3A_344, %while3A_346 : i32
    %while3A_348 = arith.muli %while3A_347, %while3A_346 : i32
    %while3A_349 = arith.addi %while3A, %while3A_348 : i32
    %while3A_350 = arith.constant 1 : i32
    %while3A_351 = scf.for %while3A_358 = %while3A to %while3A_349 step %while3A_350 iter_args(%while3A_359 = %while3A_343) -> (i32)  : i32 {
      %mul3A_360 = arith.constant 16 : i32
      %mul3A_361 = arith.muli %while3A_358, %mul3A_360 : i32
      %get3A_362 = arith.index_cast %mul3A_361 : i32 to index
      %get3A_363 = tpu.vector_load %arg15[%get3A_362] {strides = array<i32>} : memref<10016xi32, #tpu.memory_space<vmem>>, vector<16xi32>,
      %broadcast_in_dim3A_364 = arith.constant 0 : i32
      %broadcast_in_dim3A_365 = vector.broadcast %broadcast_in_dim3A_364 : i32 to vector<16xi32>
      %add3A_366 = arith.addi %get3A_363, %broadcast_in_dim3A_365 : vector<16xi32>
      %swap3A_367 = arith.constant 0 : index
      %swap3A_368 = tpu.vector_load %arg16[%swap3A_367] {strides = array<i32>} : memref<64xi32, #tpu.memory_space<vmem>>, vector<16xi32>,
      tpu.vector_store %arg16[%swap3A_367], %add3A_366 {strides = array<i32>} : memref<64xi32, #tpu.memory_space<vmem>>, vector<16xi32>,
      %broadcast_in_dim3A_369 = arith.constant 20000 : i32
      %broadcast_in_dim3A_370 = vector.broadcast %broadcast_in_dim3A_369 : i32 to vector<16xi32>
      %add3A_371 = arith.addi %get3A_363, %broadcast_in_dim3A_370 : vector<16xi32>
      %swap3A_372 = arith.constant 16 : index
      %swap3A_373 = tpu.vector_load %arg16[%swap3A_372] {strides = array<i32>} : memref<64xi32, #tpu.memory_space<vmem>>, vector<16xi32>,
      tpu.vector_store %arg16[%swap3A_372], %add3A_371 {strides = array<i32>} : memref<64xi32, #tpu.memory_space<vmem>>, vector<16xi32>,
      %broadcast_in_dim3A_374 = arith.constant 40000 : i32
      %broadcast_in_dim3A_375 = vector.broadcast %broadcast_in_dim3A_374 : i32 to vector<16xi32>
      %add3A_376 = arith.addi %get3A_363, %broadcast_in_dim3A_375 : vector<16xi32>
      %swap3A_377 = arith.constant 32 : index
      %swap3A_378 = tpu.vector_load %arg16[%swap3A_377] {strides = array<i32>} : memref<64xi32, #tpu.memory_space<vmem>>, vector<16xi32>,
      tpu.vector_store %arg16[%swap3A_377], %add3A_376 {strides = array<i32>} : memref<64xi32, #tpu.memory_space<vmem>>, vector<16xi32>,
      %broadcast_in_dim3A_379 = arith.constant 60000 : i32
      %broadcast_in_dim3A_380 = vector.broadcast %broadcast_in_dim3A_379 : i32 to vector<16xi32>
      %add3A_381 = arith.addi %get3A_363, %broadcast_in_dim3A_380 : vector<16xi32>
      %swap3A_382 = arith.constant 48 : index
      %swap3A_383 = tpu.vector_load %arg16[%swap3A_382] {strides = array<i32>} : memref<64xi32, #tpu.memory_space<vmem>>, vector<16xi32>,
      tpu.vector_store %arg16[%swap3A_382], %add3A_381 {strides = array<i32>} : memref<64xi32, #tpu.memory_space<vmem>>, vector<16xi32>,
      %dma_start3A_384 = tpu.memref_slice %arg13[%mul3A_361] : memref<10016xi32, #tpu.memory_space<vmem>> -> memref<16xi32, #tpu.memory_space<vmem>>
      %dma_start3A_385 = arith.constant 0 : i32
      %dma_start3A_386 = arith.constant 0 : i32
      %dma_start3A_387 = tpu.memref_slice %arg4[%dma_start3A_385, %dma_start3A_386] : memref<100000x128xf32, #tpu.memory_space<hbm>> -> memref<100000x128xf32, #tpu.memory_space<hbm>>
      tpu.enqueue_indirect_dma source(%dma_start3A_387 : memref<100000x128xf32, #tpu.memory_space<hbm>>) target(%arg18 : memref<16x128xf32, #tpu.memory_space<vmem>>) offsets(%dma_start3A_384 : memref<16xi32, #tpu.memory_space<vmem>>) semaphore(%arg22 : memref<!tpu.dma_semaphore, #tpu.memory_space<semaphore_mem>>)
      %dma_start3A_388 = tpu.memref_slice %arg14[%mul3A_361] : memref<10016xi32, #tpu.memory_space<vmem>> -> memref<16xi32, #tpu.memory_space<vmem>>
      %dma_start3A_389 = arith.constant 0 : i32
      %dma_start3A_390 = arith.constant 0 : i32
      %dma_start3A_391 = tpu.memref_slice %arg5[%dma_start3A_389, %dma_start3A_390] : memref<10000x128xf32, #tpu.memory_space<hbm>> -> memref<10000x128xf32, #tpu.memory_space<hbm>>
      tpu.enqueue_indirect_dma source(%dma_start3A_391 : memref<10000x128xf32, #tpu.memory_space<hbm>>) target(%arg19 : memref<16x128xf32, #tpu.memory_space<vmem>>) offsets(%dma_start3A_388 : memref<16xi32, #tpu.memory_space<vmem>>) semaphore(%arg22 : memref<!tpu.dma_semaphore, #tpu.memory_space<semaphore_mem>>)
      %dma_start3A_392 = arith.constant 0 : i32
      %dma_start3A_393 = tpu.memref_slice %arg6[%dma_start3A_392] : memref<80000xf32, #tpu.memory_space<hbm>> -> memref<80000xf32, #tpu.memory_space<hbm>>
      tpu.enqueue_indirect_dma source(%dma_start3A_393 : memref<80000xf32, #tpu.memory_space<hbm>>) target(%arg20 : memref<64xf32, #tpu.memory_space<vmem>>) offsets(%arg16 : memref<64xi32, #tpu.memory_space<vmem>>) semaphore(%arg22 : memref<!tpu.dma_semaphore, #tpu.memory_space<semaphore_mem>>)
      %dma_wait3A_394 = tpu.memref_slice %arg13[%mul3A_361] : memref<10016xi32, #tpu.memory_space<vmem>> -> memref<16xi32, #tpu.memory_space<vmem>>
      %dma_wait3A_395 = arith.constant 0 : i32
      %dma_wait3A_396 = arith.constant 0 : i32
      %dma_wait3A_397 = tpu.memref_slice %arg4[%dma_wait3A_395, %dma_wait3A_396] : memref<100000x128xf32, #tpu.memory_space<hbm>> -> memref<100000x128xf32, #tpu.memory_space<hbm>>
      tpu.wait_indirect_dma semaphore(%arg22 : memref<!tpu.dma_semaphore, #tpu.memory_space<semaphore_mem>>) src(%dma_wait3A_397 : memref<100000x128xf32, #tpu.memory_space<hbm>>) dst(%arg18 : memref<16x128xf32, #tpu.memory_space<vmem>>)
      %dma_wait3A_398 = tpu.memref_slice %arg14[%mul3A_361] : memref<10016xi32, #tpu.memory_space<vmem>> -> memref<16xi32, #tpu.memory_space<vmem>>
      %dma_wait3A_399 = arith.constant 0 : i32
      %dma_wait3A_400 = arith.constant 0 : i32
      %dma_wait3A_401 = tpu.memref_slice %arg5[%dma_wait3A_399, %dma_wait3A_400] : memref<10000x128xf32, #tpu.memory_space<hbm>> -> memref<10000x128xf32, #tpu.memory_space<hbm>>
      tpu.wait_indirect_dma semaphore(%arg22 : memref<!tpu.dma_semaphore, #tpu.memory_space<semaphore_mem>>) src(%dma_wait3A_401 : memref<10000x128xf32, #tpu.memory_space<hbm>>) dst(%arg19 : memref<16x128xf32, #tpu.memory_space<vmem>>)
      %dma_wait3A_402 = arith.constant 0 : i32
      %dma_wait3A_403 = tpu.memref_slice %arg6[%dma_wait3A_402] : memref<80000xf32, #tpu.memory_space<hbm>> -> memref<80000xf32, #tpu.memory_space<hbm>>
      tpu.wait_indirect_dma semaphore(%arg22 : memref<!tpu.dma_semaphore, #tpu.memory_space<semaphore_mem>>) src(%dma_wait3A_403 : memref<80000xf32, #tpu.memory_space<hbm>>) dst(%arg20 : memref<64xf32, #tpu.memory_space<vmem>>)
      %sub3A_404 = arith.subi %add3A_318, %mul3A_361 : i32
      %min3A = arith.constant 16 : i32
      %min3A_405 = arith.minsi %sub3A_404, %min3A : i32
      %while3A_406 = arith.constant 0 : i32
      %while3A_407 = arith.constant 0 : i32
      %while3A_408 = arith.subi %min3A_405, %while3A_406 : i32
      %while3A_409 = arith.addi %while3A_406, %while3A_408 : i32
      %while3A_410 = arith.constant 1 : i32
      %while3A_411 = arith.divsi %while3A_408, %while3A_410 : i32
      %while3A_412 = arith.muli %while3A_411, %while3A_410 : i32
      %while3A_413 = arith.addi %while3A_406, %while3A_412 : i32
      %while3A_414 = arith.constant 1 : i32
      %while3A_415 = scf.for %while3A_419 = %while3A_406 to %while3A_413 step %while3A_414 iter_args(%while3A_420 = %while3A_407) -> (i32)  : i32 {
        %broadcast_in_dim3A_421 = vector.broadcast %while3A_419 : i32 to vector<16xi32>
        %broadcast_in_dim3A_422 = arith.constant 0 : i32
        %broadcast_in_dim3A_423 = vector.broadcast %broadcast_in_dim3A_422 : i32 to vector<16xi32>
        %add3A_424 = arith.addi %broadcast_in_dim3A_421, %broadcast_in_dim3A_423 : vector<16xi32>
        %gather3A = tpu.vector_load_idx %arg20[%add3A_424] : memref<64xf32, #tpu.memory_space<vmem>>[vector<16xi32>], vector<16xf32>,
        %broadcast_in_dim3A_425 = arith.constant 16 : i32
        %broadcast_in_dim3A_426 = vector.broadcast %broadcast_in_dim3A_425 : i32 to vector<16xi32>
        %add3A_427 = arith.addi %broadcast_in_dim3A_421, %broadcast_in_dim3A_426 : vector<16xi32>
        %gather3A_428 = tpu.vector_load_idx %arg20[%add3A_427] : memref<64xf32, #tpu.memory_space<vmem>>[vector<16xi32>], vector<16xf32>,
        %broadcast_in_dim3A_429 = arith.constant 32 : i32
        %broadcast_in_dim3A_430 = vector.broadcast %broadcast_in_dim3A_429 : i32 to vector<16xi32>
        %add3A_431 = arith.addi %broadcast_in_dim3A_421, %broadcast_in_dim3A_430 : vector<16xi32>
        %gather3A_432 = tpu.vector_load_idx %arg20[%add3A_431] : memref<64xf32, #tpu.memory_space<vmem>>[vector<16xi32>], vector<16xf32>,
        %broadcast_in_dim3A_433 = arith.constant 48 : i32
        %broadcast_in_dim3A_434 = vector.broadcast %broadcast_in_dim3A_433 : i32 to vector<16xi32>
        %add3A_435 = arith.addi %broadcast_in_dim3A_421, %broadcast_in_dim3A_434 : vector<16xi32>
        %gather3A_436 = tpu.vector_load_idx %arg20[%add3A_435] : memref<64xf32, #tpu.memory_space<vmem>>[vector<16xi32>], vector<16xf32>,
        %get3A_437 = arith.index_cast %while3A_419 : i32 to index
        %get3A_438 = arith.constant 0 : index
        %get3A_439 = tpu.vector_load %arg18[%get3A_437, %get3A_438] {strides = array<i32>} : memref<16x128xf32, #tpu.memory_space<vmem>>, vector<16xf32>,
        %get3A_440 = arith.index_cast %while3A_419 : i32 to index
        %get3A_441 = arith.constant 0 : index
        %get3A_442 = tpu.vector_load %arg19[%get3A_440, %get3A_441] {strides = array<i32>} : memref<16x128xf32, #tpu.memory_space<vmem>>, vector<16xf32>,
        %get3A_443 = arith.constant 0 : i32
        %get3A_444 = arith.index_cast %get3A_443 : i32 to index
        %get3A_445 = arith.constant 0 : index
        %get3A_446 = tpu.vector_load %arg17[%get3A_444, %get3A_445] {strides = array<i32>} : memref<4x256xf32, #tpu.memory_space<vmem>>, vector<16xf32>,
        %mul3A_447 = arith.mulf %gather3A, %get3A_439 : vector<16xf32>
        %add3A_448 = arith.addf %get3A_446, %mul3A_447 : vector<16xf32>
        %swap3A_449 = arith.constant 0 : i32
        %swap3A_450 = arith.index_cast %swap3A_449 : i32 to index
        %swap3A_451 = arith.constant 0 : index
        %swap3A_452 = tpu.vector_load %arg17[%swap3A_450, %swap3A_451] {strides = array<i32>} : memref<4x256xf32, #tpu.memory_space<vmem>>, vector<16xf32>,
        tpu.vector_store %arg17[%swap3A_450, %swap3A_451], %add3A_448 {strides = array<i32>} : memref<4x256xf32, #tpu.memory_space<vmem>>, vector<16xf32>,
        %get3A_453 = arith.constant 0 : i32
        %get3A_454 = arith.index_cast %get3A_453 : i32 to index
        %get3A_455 = arith.constant 128 : index
        %get3A_456 = tpu.vector_load %arg17[%get3A_454, %get3A_455] {strides = array<i32>} : memref<4x256xf32, #tpu.memory_space<vmem>>, vector<16xf32>,
        %mul3A_457 = arith.mulf %gather3A, %get3A_442 : vector<16xf32>
        %add3A_458 = arith.addf %get3A_456, %mul3A_457 : vector<16xf32>
        %swap3A_459 = arith.constant 0 : i32
        %swap3A_460 = arith.index_cast %swap3A_459 : i32 to index
        %swap3A_461 = arith.constant 128 : index
        %swap3A_462 = tpu.vector_load %arg17[%swap3A_460, %swap3A_461] {strides = array<i32>} : memref<4x256xf32, #tpu.memory_space<vmem>>, vector<16xf32>,
        tpu.vector_store %arg17[%swap3A_460, %swap3A_461], %add3A_458 {strides = array<i32>} : memref<4x256xf32, #tpu.memory_space<vmem>>, vector<16xf32>,
        %get3A_463 = arith.constant 1 : i32
        %get3A_464 = arith.index_cast %get3A_463 : i32 to index
        %get3A_465 = arith.constant 0 : index
        %get3A_466 = tpu.vector_load %arg17[%get3A_464, %get3A_465] {strides = array<i32>} : memref<4x256xf32, #tpu.memory_space<vmem>>, vector<16xf32>,
        %mul3A_467 = arith.mulf %gather3A_428, %get3A_439 : vector<16xf32>
        %add3A_468 = arith.addf %get3A_466, %mul3A_467 : vector<16xf32>
        %swap3A_469 = arith.constant 1 : i32
        %swap3A_470 = arith.index_cast %swap3A_469 : i32 to index
        %swap3A_471 = arith.constant 0 : index
        %swap3A_472 = tpu.vector_load %arg17[%swap3A_470, %swap3A_471] {strides = array<i32>} : memref<4x256xf32, #tpu.memory_space<vmem>>, vector<16xf32>,
        tpu.vector_store %arg17[%swap3A_470, %swap3A_471], %add3A_468 {strides = array<i32>} : memref<4x256xf32, #tpu.memory_space<vmem>>, vector<16xf32>,
        %get3A_473 = arith.constant 1 : i32
        %get3A_474 = arith.index_cast %get3A_473 : i32 to index
        %get3A_475 = arith.constant 128 : index
        %get3A_476 = tpu.vector_load %arg17[%get3A_474, %get3A_475] {strides = array<i32>} : memref<4x256xf32, #tpu.memory_space<vmem>>, vector<16xf32>,
        %mul3A_477 = arith.mulf %gather3A_428, %get3A_442 : vector<16xf32>
        %add3A_478 = arith.addf %get3A_476, %mul3A_477 : vector<16xf32>
        %swap3A_479 = arith.constant 1 : i32
        %swap3A_480 = arith.index_cast %swap3A_479 : i32 to index
        %swap3A_481 = arith.constant 128 : index
        %swap3A_482 = tpu.vector_load %arg17[%swap3A_480, %swap3A_481] {strides = array<i32>} : memref<4x256xf32, #tpu.memory_space<vmem>>, vector<16xf32>,
        tpu.vector_store %arg17[%swap3A_480, %swap3A_481], %add3A_478 {strides = array<i32>} : memref<4x256xf32, #tpu.memory_space<vmem>>, vector<16xf32>,
        %get3A_483 = arith.constant 2 : i32
        %get3A_484 = arith.index_cast %get3A_483 : i32 to index
        %get3A_485 = arith.constant 0 : index
        %get3A_486 = tpu.vector_load %arg17[%get3A_484, %get3A_485] {strides = array<i32>} : memref<4x256xf32, #tpu.memory_space<vmem>>, vector<16xf32>,
        %mul3A_487 = arith.mulf %gather3A_432, %get3A_439 : vector<16xf32>
        %add3A_488 = arith.addf %get3A_486, %mul3A_487 : vector<16xf32>
        %swap3A_489 = arith.constant 2 : i32
        %swap3A_490 = arith.index_cast %swap3A_489 : i32 to index
        %swap3A_491 = arith.constant 0 : index
        %swap3A_492 = tpu.vector_load %arg17[%swap3A_490, %swap3A_491] {strides = array<i32>} : memref<4x256xf32, #tpu.memory_space<vmem>>, vector<16xf32>,
        tpu.vector_store %arg17[%swap3A_490, %swap3A_491], %add3A_488 {strides = array<i32>} : memref<4x256xf32, #tpu.memory_space<vmem>>, vector<16xf32>,
        %get3A_493 = arith.constant 2 : i32
        %get3A_494 = arith.index_cast %get3A_493 : i32 to index
        %get3A_495 = arith.constant 128 : index
        %get3A_496 = tpu.vector_load %arg17[%get3A_494, %get3A_495] {strides = array<i32>} : memref<4x256xf32, #tpu.memory_space<vmem>>, vector<16xf32>,
        %mul3A_497 = arith.mulf %gather3A_432, %get3A_442 : vector<16xf32>
        %add3A_498 = arith.addf %get3A_496, %mul3A_497 : vector<16xf32>
        %swap3A_499 = arith.constant 2 : i32
        %swap3A_500 = arith.index_cast %swap3A_499 : i32 to index
        %swap3A_501 = arith.constant 128 : index
        %swap3A_502 = tpu.vector_load %arg17[%swap3A_500, %swap3A_501] {strides = array<i32>} : memref<4x256xf32, #tpu.memory_space<vmem>>, vector<16xf32>,
        tpu.vector_store %arg17[%swap3A_500, %swap3A_501], %add3A_498 {strides = array<i32>} : memref<4x256xf32, #tpu.memory_space<vmem>>, vector<16xf32>,
        %get3A_503 = arith.constant 3 : i32
        %get3A_504 = arith.index_cast %get3A_503 : i32 to index
        %get3A_505 = arith.constant 0 : index
        %get3A_506 = tpu.vector_load %arg17[%get3A_504, %get3A_505] {strides = array<i32>} : memref<4x256xf32, #tpu.memory_space<vmem>>, vector<16xf32>,
        %mul3A_507 = arith.mulf %gather3A_436, %get3A_439 : vector<16xf32>
        %add3A_508 = arith.addf %get3A_506, %mul3A_507 : vector<16xf32>
        %swap3A_509 = arith.constant 3 : i32
        %swap3A_510 = arith.index_cast %swap3A_509 : i32 to index
        %swap3A_511 = arith.constant 0 : index
        %swap3A_512 = tpu.vector_load %arg17[%swap3A_510, %swap3A_511] {strides = array<i32>} : memref<4x256xf32, #tpu.memory_space<vmem>>, vector<16xf32>,
        tpu.vector_store %arg17[%swap3A_510, %swap3A_511], %add3A_508 {strides = array<i32>} : memref<4x256xf32, #tpu.memory_space<vmem>>, vector<16xf32>,
        %get3A_513 = arith.constant 3 : i32
        %get3A_514 = arith.index_cast %get3A_513 : i32 to index
        %get3A_515 = arith.constant 128 : index
        %get3A_516 = tpu.vector_load %arg17[%get3A_514, %get3A_515] {strides = array<i32>} : memref<4x256xf32, #tpu.memory_space<vmem>>, vector<16xf32>,
        %mul3A_517 = arith.mulf %gather3A_436, %get3A_442 : vector<16xf32>
        %add3A_518 = arith.addf %get3A_516, %mul3A_517 : vector<16xf32>
        %swap3A_519 = arith.constant 3 : i32
        %swap3A_520 = arith.index_cast %swap3A_519 : i32 to index
        %swap3A_521 = arith.constant 128 : index
        %swap3A_522 = tpu.vector_load %arg17[%swap3A_520, %swap3A_521] {strides = array<i32>} : memref<4x256xf32, #tpu.memory_space<vmem>>, vector<16xf32>,
        tpu.vector_store %arg17[%swap3A_520, %swap3A_521], %add3A_518 {strides = array<i32>} : memref<4x256xf32, #tpu.memory_space<vmem>>, vector<16xf32>,
        %get3A_523 = arith.index_cast %while3A_419 : i32 to index
        %get3A_524 = arith.constant 16 : index
        %get3A_525 = tpu.vector_load %arg18[%get3A_523, %get3A_524] {strides = array<i32>} : memref<16x128xf32, #tpu.memory_space<vmem>>, vector<16xf32>,
        %get3A_526 = arith.index_cast %while3A_419 : i32 to index
        %get3A_527 = arith.constant 16 : index
        %get3A_528 = tpu.vector_load %arg19[%get3A_526, %get3A_527] {strides = array<i32>} : memref<16x128xf32, #tpu.memory_space<vmem>>, vector<16xf32>,
        %get3A_529 = arith.constant 0 : i32
        %get3A_530 = arith.index_cast %get3A_529 : i32 to index
        %get3A_531 = arith.constant 16 : index
        %get3A_532 = tpu.vector_load %arg17[%get3A_530, %get3A_531] {strides = array<i32>} : memref<4x256xf32, #tpu.memory_space<vmem>>, vector<16xf32>,
        %mul3A_533 = arith.mulf %gather3A, %get3A_525 : vector<16xf32>
        %add3A_534 = arith.addf %get3A_532, %mul3A_533 : vector<16xf32>
        %swap3A_535 = arith.constant 0 : i32
        %swap3A_536 = arith.index_cast %swap3A_535 : i32 to index
        %swap3A_537 = arith.constant 16 : index
        %swap3A_538 = tpu.vector_load %arg17[%swap3A_536, %swap3A_537] {strides = array<i32>} : memref<4x256xf32, #tpu.memory_space<vmem>>, vector<16xf32>,
        tpu.vector_store %arg17[%swap3A_536, %swap3A_537], %add3A_534 {strides = array<i32>} : memref<4x256xf32, #tpu.memory_space<vmem>>, vector<16xf32>,
        %get3A_539 = arith.constant 0 : i32
        %get3A_540 = arith.index_cast %get3A_539 : i32 to index
        %get3A_541 = arith.constant 144 : index
        %get3A_542 = tpu.vector_load %arg17[%get3A_540, %get3A_541] {strides = array<i32>} : memref<4x256xf32, #tpu.memory_space<vmem>>, vector<16xf32>,
        %mul3A_543 = arith.mulf %gather3A, %get3A_528 : vector<16xf32>
        %add3A_544 = arith.addf %get3A_542, %mul3A_543 : vector<16xf32>
        %swap3A_545 = arith.constant 0 : i32
        %swap3A_546 = arith.index_cast %swap3A_545 : i32 to index
        %swap3A_547 = arith.constant 144 : index
        %swap3A_548 = tpu.vector_load %arg17[%swap3A_546, %swap3A_547] {strides = array<i32>} : memref<4x256xf32, #tpu.memory_space<vmem>>, vector<16xf32>,
        tpu.vector_store %arg17[%swap3A_546, %swap3A_547], %add3A_544 {strides = array<i32>} : memref<4x256xf32, #tpu.memory_space<vmem>>, vector<16xf32>,
        %get3A_549 = arith.constant 1 : i32
        %get3A_550 = arith.index_cast %get3A_549 : i32 to index
        %get3A_551 = arith.constant 16 : index
        %get3A_552 = tpu.vector_load %arg17[%get3A_550, %get3A_551] {strides = array<i32>} : memref<4x256xf32, #tpu.memory_space<vmem>>, vector<16xf32>,
        %mul3A_553 = arith.mulf %gather3A_428, %get3A_525 : vector<16xf32>
        %add3A_554 = arith.addf %get3A_552, %mul3A_553 : vector<16xf32>
        %swap3A_555 = arith.constant 1 : i32
        %swap3A_556 = arith.index_cast %swap3A_555 : i32 to index
        %swap3A_557 = arith.constant 16 : index
        %swap3A_558 = tpu.vector_load %arg17[%swap3A_556, %swap3A_557] {strides = array<i32>} : memref<4x256xf32, #tpu.memory_space<vmem>>, vector<16xf32>,
        tpu.vector_store %arg17[%swap3A_556, %swap3A_557], %add3A_554 {strides = array<i32>} : memref<4x256xf32, #tpu.memory_space<vmem>>, vector<16xf32>,
        %get3A_559 = arith.constant 1 : i32
        %get3A_560 = arith.index_cast %get3A_559 : i32 to index
        %get3A_561 = arith.constant 144 : index
        %get3A_562 = tpu.vector_load %arg17[%get3A_560, %get3A_561] {strides = array<i32>} : memref<4x256xf32, #tpu.memory_space<vmem>>, vector<16xf32>,
        %mul3A_563 = arith.mulf %gather3A_428, %get3A_528 : vector<16xf32>
        %add3A_564 = arith.addf %get3A_562, %mul3A_563 : vector<16xf32>
        %swap3A_565 = arith.constant 1 : i32
        %swap3A_566 = arith.index_cast %swap3A_565 : i32 to index
        %swap3A_567 = arith.constant 144 : index
        %swap3A_568 = tpu.vector_load %arg17[%swap3A_566, %swap3A_567] {strides = array<i32>} : memref<4x256xf32, #tpu.memory_space<vmem>>, vector<16xf32>,
        tpu.vector_store %arg17[%swap3A_566, %swap3A_567], %add3A_564 {strides = array<i32>} : memref<4x256xf32, #tpu.memory_space<vmem>>, vector<16xf32>,
        %get3A_569 = arith.constant 2 : i32
        %get3A_570 = arith.index_cast %get3A_569 : i32 to index
        %get3A_571 = arith.constant 16 : index
        %get3A_572 = tpu.vector_load %arg17[%get3A_570, %get3A_571] {strides = array<i32>} : memref<4x256xf32, #tpu.memory_space<vmem>>, vector<16xf32>,
        %mul3A_573 = arith.mulf %gather3A_432, %get3A_525 : vector<16xf32>
        %add3A_574 = arith.addf %get3A_572, %mul3A_573 : vector<16xf32>
        %swap3A_575 = arith.constant 2 : i32
        %swap3A_576 = arith.index_cast %swap3A_575 : i32 to index
        %swap3A_577 = arith.constant 16 : index
        %swap3A_578 = tpu.vector_load %arg17[%swap3A_576, %swap3A_577] {strides = array<i32>} : memref<4x256xf32, #tpu.memory_space<vmem>>, vector<16xf32>,
        tpu.vector_store %arg17[%swap3A_576, %swap3A_577], %add3A_574 {strides = array<i32>} : memref<4x256xf32, #tpu.memory_space<vmem>>, vector<16xf32>,
        %get3A_579 = arith.constant 2 : i32
        %get3A_580 = arith.index_cast %get3A_579 : i32 to index
        %get3A_581 = arith.constant 144 : index
        %get3A_582 = tpu.vector_load %arg17[%get3A_580, %get3A_581] {strides = array<i32>} : memref<4x256xf32, #tpu.memory_space<vmem>>, vector<16xf32>,
        %mul3A_583 = arith.mulf %gather3A_432, %get3A_528 : vector<16xf32>
        %add3A_584 = arith.addf %get3A_582, %mul3A_583 : vector<16xf32>
        %swap3A_585 = arith.constant 2 : i32
        %swap3A_586 = arith.index_cast %swap3A_585 : i32 to index
        %swap3A_587 = arith.constant 144 : index
        %swap3A_588 = tpu.vector_load %arg17[%swap3A_586, %swap3A_587] {strides = array<i32>} : memref<4x256xf32, #tpu.memory_space<vmem>>, vector<16xf32>,
        tpu.vector_store %arg17[%swap3A_586, %swap3A_587], %add3A_584 {strides = array<i32>} : memref<4x256xf32, #tpu.memory_space<vmem>>, vector<16xf32>,
        %get3A_589 = arith.constant 3 : i32
        %get3A_590 = arith.index_cast %get3A_589 : i32 to index
        %get3A_591 = arith.constant 16 : index
        %get3A_592 = tpu.vector_load %arg17[%get3A_590, %get3A_591] {strides = array<i32>} : memref<4x256xf32, #tpu.memory_space<vmem>>, vector<16xf32>,
        %mul3A_593 = arith.mulf %gather3A_436, %get3A_525 : vector<16xf32>
        %add3A_594 = arith.addf %get3A_592, %mul3A_593 : vector<16xf32>
        %swap3A_595 = arith.constant 3 : i32
        %swap3A_596 = arith.index_cast %swap3A_595 : i32 to index
        %swap3A_597 = arith.constant 16 : index
        %swap3A_598 = tpu.vector_load %arg17[%swap3A_596, %swap3A_597] {strides = array<i32>} : memref<4x256xf32, #tpu.memory_space<vmem>>, vector<16xf32>,
        tpu.vector_store %arg17[%swap3A_596, %swap3A_597], %add3A_594 {strides = array<i32>} : memref<4x256xf32, #tpu.memory_space<vmem>>, vector<16xf32>,
        %get3A_599 = arith.constant 3 : i32
        %get3A_600 = arith.index_cast %get3A_599 : i32 to index
        %get3A_601 = arith.constant 144 : index
        %get3A_602 = tpu.vector_load %arg17[%get3A_600, %get3A_601] {strides = array<i32>} : memref<4x256xf32, #tpu.memory_space<vmem>>, vector<16xf32>,
        %mul3A_603 = arith.mulf %gather3A_436, %get3A_528 : vector<16xf32>
        %add3A_604 = arith.addf %get3A_602, %mul3A_603 : vector<16xf32>
        %swap3A_605 = arith.constant 3 : i32
        %swap3A_606 = arith.index_cast %swap3A_605 : i32 to index
        %swap3A_607 = arith.constant 144 : index
        %swap3A_608 = tpu.vector_load %arg17[%swap3A_606, %swap3A_607] {strides = array<i32>} : memref<4x256xf32, #tpu.memory_space<vmem>>, vector<16xf32>,
        tpu.vector_store %arg17[%swap3A_606, %swap3A_607], %add3A_604 {strides = array<i32>} : memref<4x256xf32, #tpu.memory_space<vmem>>, vector<16xf32>,
        %get3A_609 = arith.index_cast %while3A_419 : i32 to index
        %get3A_610 = arith.constant 32 : index
        %get3A_611 = tpu.vector_load %arg18[%get3A_609, %get3A_610] {strides = array<i32>} : memref<16x128xf32, #tpu.memory_space<vmem>>, vector<16xf32>,
        %get3A_612 = arith.index_cast %while3A_419 : i32 to index
        %get3A_613 = arith.constant 32 : index
        %get3A_614 = tpu.vector_load %arg19[%get3A_612, %get3A_613] {strides = array<i32>} : memref<16x128xf32, #tpu.memory_space<vmem>>, vector<16xf32>,
        %get3A_615 = arith.constant 0 : i32
        %get3A_616 = arith.index_cast %get3A_615 : i32 to index
        %get3A_617 = arith.constant 32 : index
        %get3A_618 = tpu.vector_load %arg17[%get3A_616, %get3A_617] {strides = array<i32>} : memref<4x256xf32, #tpu.memory_space<vmem>>, vector<16xf32>,
        %mul3A_619 = arith.mulf %gather3A, %get3A_611 : vector<16xf32>
        %add3A_620 = arith.addf %get3A_618, %mul3A_619 : vector<16xf32>
        %swap3A_621 = arith.constant 0 : i32
        %swap3A_622 = arith.index_cast %swap3A_621 : i32 to index
        %swap3A_623 = arith.constant 32 : index
        %swap3A_624 = tpu.vector_load %arg17[%swap3A_622, %swap3A_623] {strides = array<i32>} : memref<4x256xf32, #tpu.memory_space<vmem>>, vector<16xf32>,
        tpu.vector_store %arg17[%swap3A_622, %swap3A_623], %add3A_620 {strides = array<i32>} : memref<4x256xf32, #tpu.memory_space<vmem>>, vector<16xf32>,
        %get3A_625 = arith.constant 0 : i32
        %get3A_626 = arith.index_cast %get3A_625 : i32 to index
        %get3A_627 = arith.constant 160 : index
        %get3A_628 = tpu.vector_load %arg17[%get3A_626, %get3A_627] {strides = array<i32>} : memref<4x256xf32, #tpu.memory_space<vmem>>, vector<16xf32>,
        %mul3A_629 = arith.mulf %gather3A, %get3A_614 : vector<16xf32>
        %add3A_630 = arith.addf %get3A_628, %mul3A_629 : vector<16xf32>
        %swap3A_631 = arith.constant 0 : i32
        %swap3A_632 = arith.index_cast %swap3A_631 : i32 to index
        %swap3A_633 = arith.constant 160 : index
        %swap3A_634 = tpu.vector_load %arg17[%swap3A_632, %swap3A_633] {strides = array<i32>} : memref<4x256xf32, #tpu.memory_space<vmem>>, vector<16xf32>,
        tpu.vector_store %arg17[%swap3A_632, %swap3A_633], %add3A_630 {strides = array<i32>} : memref<4x256xf32, #tpu.memory_space<vmem>>, vector<16xf32>,
        %get3A_635 = arith.constant 1 : i32
        %get3A_636 = arith.index_cast %get3A_635 : i32 to index
        %get3A_637 = arith.constant 32 : index
        %get3A_638 = tpu.vector_load %arg17[%get3A_636, %get3A_637] {strides = array<i32>} : memref<4x256xf32, #tpu.memory_space<vmem>>, vector<16xf32>,
        %mul3A_639 = arith.mulf %gather3A_428, %get3A_611 : vector<16xf32>
        %add3A_640 = arith.addf %get3A_638, %mul3A_639 : vector<16xf32>
        %swap3A_641 = arith.constant 1 : i32
        %swap3A_642 = arith.index_cast %swap3A_641 : i32 to index
        %swap3A_643 = arith.constant 32 : index
        %swap3A_644 = tpu.vector_load %arg17[%swap3A_642, %swap3A_643] {strides = array<i32>} : memref<4x256xf32, #tpu.memory_space<vmem>>, vector<16xf32>,
        tpu.vector_store %arg17[%swap3A_642, %swap3A_643], %add3A_640 {strides = array<i32>} : memref<4x256xf32, #tpu.memory_space<vmem>>, vector<16xf32>,
        %get3A_645 = arith.constant 1 : i32
        %get3A_646 = arith.index_cast %get3A_645 : i32 to index
        %get3A_647 = arith.constant 160 : index
        %get3A_648 = tpu.vector_load %arg17[%get3A_646, %get3A_647] {strides = array<i32>} : memref<4x256xf32, #tpu.memory_space<vmem>>, vector<16xf32>,
        %mul3A_649 = arith.mulf %gather3A_428, %get3A_614 : vector<16xf32>
        %add3A_650 = arith.addf %get3A_648, %mul3A_649 : vector<16xf32>
        %swap3A_651 = arith.constant 1 : i32
        %swap3A_652 = arith.index_cast %swap3A_651 : i32 to index
        %swap3A_653 = arith.constant 160 : index
        %swap3A_654 = tpu.vector_load %arg17[%swap3A_652, %swap3A_653] {strides = array<i32>} : memref<4x256xf32, #tpu.memory_space<vmem>>, vector<16xf32>,
        tpu.vector_store %arg17[%swap3A_652, %swap3A_653], %add3A_650 {strides = array<i32>} : memref<4x256xf32, #tpu.memory_space<vmem>>, vector<16xf32>,
        %get3A_655 = arith.constant 2 : i32
        %get3A_656 = arith.index_cast %get3A_655 : i32 to index
        %get3A_657 = arith.constant 32 : index
        %get3A_658 = tpu.vector_load %arg17[%get3A_656, %get3A_657] {strides = array<i32>} : memref<4x256xf32, #tpu.memory_space<vmem>>, vector<16xf32>,
        %mul3A_659 = arith.mulf %gather3A_432, %get3A_611 : vector<16xf32>
        %add3A_660 = arith.addf %get3A_658, %mul3A_659 : vector<16xf32>
        %swap3A_661 = arith.constant 2 : i32
        %swap3A_662 = arith.index_cast %swap3A_661 : i32 to index
        %swap3A_663 = arith.constant 32 : index
        %swap3A_664 = tpu.vector_load %arg17[%swap3A_662, %swap3A_663] {strides = array<i32>} : memref<4x256xf32, #tpu.memory_space<vmem>>, vector<16xf32>,
        tpu.vector_store %arg17[%swap3A_662, %swap3A_663], %add3A_660 {strides = array<i32>} : memref<4x256xf32, #tpu.memory_space<vmem>>, vector<16xf32>,
        %get3A_665 = arith.constant 2 : i32
        %get3A_666 = arith.index_cast %get3A_665 : i32 to index
        %get3A_667 = arith.constant 160 : index
        %get3A_668 = tpu.vector_load %arg17[%get3A_666, %get3A_667] {strides = array<i32>} : memref<4x256xf32, #tpu.memory_space<vmem>>, vector<16xf32>,
        %mul3A_669 = arith.mulf %gather3A_432, %get3A_614 : vector<16xf32>
        %add3A_670 = arith.addf %get3A_668, %mul3A_669 : vector<16xf32>
        %swap3A_671 = arith.constant 2 : i32
        %swap3A_672 = arith.index_cast %swap3A_671 : i32 to index
        %swap3A_673 = arith.constant 160 : index
        %swap3A_674 = tpu.vector_load %arg17[%swap3A_672, %swap3A_673] {strides = array<i32>} : memref<4x256xf32, #tpu.memory_space<vmem>>, vector<16xf32>,
        tpu.vector_store %arg17[%swap3A_672, %swap3A_673], %add3A_670 {strides = array<i32>} : memref<4x256xf32, #tpu.memory_space<vmem>>, vector<16xf32>,
        %get3A_675 = arith.constant 3 : i32
        %get3A_676 = arith.index_cast %get3A_675 : i32 to index
        %get3A_677 = arith.constant 32 : index
        %get3A_678 = tpu.vector_load %arg17[%get3A_676, %get3A_677] {strides = array<i32>} : memref<4x256xf32, #tpu.memory_space<vmem>>, vector<16xf32>,
        %mul3A_679 = arith.mulf %gather3A_436, %get3A_611 : vector<16xf32>
        %add3A_680 = arith.addf %get3A_678, %mul3A_679 : vector<16xf32>
        %swap3A_681 = arith.constant 3 : i32
        %swap3A_682 = arith.index_cast %swap3A_681 : i32 to index
        %swap3A_683 = arith.constant 32 : index
        %swap3A_684 = tpu.vector_load %arg17[%swap3A_682, %swap3A_683] {strides = array<i32>} : memref<4x256xf32, #tpu.memory_space<vmem>>, vector<16xf32>,
        tpu.vector_store %arg17[%swap3A_682, %swap3A_683], %add3A_680 {strides = array<i32>} : memref<4x256xf32, #tpu.memory_space<vmem>>, vector<16xf32>,
        %get3A_685 = arith.constant 3 : i32
        %get3A_686 = arith.index_cast %get3A_685 : i32 to index
        %get3A_687 = arith.constant 160 : index
        %get3A_688 = tpu.vector_load %arg17[%get3A_686, %get3A_687] {strides = array<i32>} : memref<4x256xf32, #tpu.memory_space<vmem>>, vector<16xf32>,
        %mul3A_689 = arith.mulf %gather3A_436, %get3A_614 : vector<16xf32>
        %add3A_690 = arith.addf %get3A_688, %mul3A_689 : vector<16xf32>
        %swap3A_691 = arith.constant 3 : i32
        %swap3A_692 = arith.index_cast %swap3A_691 : i32 to index
        %swap3A_693 = arith.constant 160 : index
        %swap3A_694 = tpu.vector_load %arg17[%swap3A_692, %swap3A_693] {strides = array<i32>} : memref<4x256xf32, #tpu.memory_space<vmem>>, vector<16xf32>,
        tpu.vector_store %arg17[%swap3A_692, %swap3A_693], %add3A_690 {strides = array<i32>} : memref<4x256xf32, #tpu.memory_space<vmem>>, vector<16xf32>,
        %get3A_695 = arith.index_cast %while3A_419 : i32 to index
        %get3A_696 = arith.constant 48 : index
        %get3A_697 = tpu.vector_load %arg18[%get3A_695, %get3A_696] {strides = array<i32>} : memref<16x128xf32, #tpu.memory_space<vmem>>, vector<16xf32>,
        %get3A_698 = arith.index_cast %while3A_419 : i32 to index
        %get3A_699 = arith.constant 48 : index
        %get3A_700 = tpu.vector_load %arg19[%get3A_698, %get3A_699] {strides = array<i32>} : memref<16x128xf32, #tpu.memory_space<vmem>>, vector<16xf32>,
        %get3A_701 = arith.constant 0 : i32
        %get3A_702 = arith.index_cast %get3A_701 : i32 to index
        %get3A_703 = arith.constant 48 : index
        %get3A_704 = tpu.vector_load %arg17[%get3A_702, %get3A_703] {strides = array<i32>} : memref<4x256xf32, #tpu.memory_space<vmem>>, vector<16xf32>,
        %mul3A_705 = arith.mulf %gather3A, %get3A_697 : vector<16xf32>
        %add3A_706 = arith.addf %get3A_704, %mul3A_705 : vector<16xf32>
        %swap3A_707 = arith.constant 0 : i32
        %swap3A_708 = arith.index_cast %swap3A_707 : i32 to index
        %swap3A_709 = arith.constant 48 : index
        %swap3A_710 = tpu.vector_load %arg17[%swap3A_708, %swap3A_709] {strides = array<i32>} : memref<4x256xf32, #tpu.memory_space<vmem>>, vector<16xf32>,
        tpu.vector_store %arg17[%swap3A_708, %swap3A_709], %add3A_706 {strides = array<i32>} : memref<4x256xf32, #tpu.memory_space<vmem>>, vector<16xf32>,
        %get3A_711 = arith.constant 0 : i32
        %get3A_712 = arith.index_cast %get3A_711 : i32 to index
        %get3A_713 = arith.constant 176 : index
        %get3A_714 = tpu.vector_load %arg17[%get3A_712, %get3A_713] {strides = array<i32>} : memref<4x256xf32, #tpu.memory_space<vmem>>, vector<16xf32>,
        %mul3A_715 = arith.mulf %gather3A, %get3A_700 : vector<16xf32>
        %add3A_716 = arith.addf %get3A_714, %mul3A_715 : vector<16xf32>
        %swap3A_717 = arith.constant 0 : i32
        %swap3A_718 = arith.index_cast %swap3A_717 : i32 to index
        %swap3A_719 = arith.constant 176 : index
        %swap3A_720 = tpu.vector_load %arg17[%swap3A_718, %swap3A_719] {strides = array<i32>} : memref<4x256xf32, #tpu.memory_space<vmem>>, vector<16xf32>,
        tpu.vector_store %arg17[%swap3A_718, %swap3A_719], %add3A_716 {strides = array<i32>} : memref<4x256xf32, #tpu.memory_space<vmem>>, vector<16xf32>,
        %get3A_721 = arith.constant 1 : i32
        %get3A_722 = arith.index_cast %get3A_721 : i32 to index
        %get3A_723 = arith.constant 48 : index
        %get3A_724 = tpu.vector_load %arg17[%get3A_722, %get3A_723] {strides = array<i32>} : memref<4x256xf32, #tpu.memory_space<vmem>>, vector<16xf32>,
        %mul3A_725 = arith.mulf %gather3A_428, %get3A_697 : vector<16xf32>
        %add3A_726 = arith.addf %get3A_724, %mul3A_725 : vector<16xf32>
        %swap3A_727 = arith.constant 1 : i32
        %swap3A_728 = arith.index_cast %swap3A_727 : i32 to index
        %swap3A_729 = arith.constant 48 : index
        %swap3A_730 = tpu.vector_load %arg17[%swap3A_728, %swap3A_729] {strides = array<i32>} : memref<4x256xf32, #tpu.memory_space<vmem>>, vector<16xf32>,
        tpu.vector_store %arg17[%swap3A_728, %swap3A_729], %add3A_726 {strides = array<i32>} : memref<4x256xf32, #tpu.memory_space<vmem>>, vector<16xf32>,
        %get3A_731 = arith.constant 1 : i32
        %get3A_732 = arith.index_cast %get3A_731 : i32 to index
        %get3A_733 = arith.constant 176 : index
        %get3A_734 = tpu.vector_load %arg17[%get3A_732, %get3A_733] {strides = array<i32>} : memref<4x256xf32, #tpu.memory_space<vmem>>, vector<16xf32>,
        %mul3A_735 = arith.mulf %gather3A_428, %get3A_700 : vector<16xf32>
        %add3A_736 = arith.addf %get3A_734, %mul3A_735 : vector<16xf32>
        %swap3A_737 = arith.constant 1 : i32
        %swap3A_738 = arith.index_cast %swap3A_737 : i32 to index
        %swap3A_739 = arith.constant 176 : index
        %swap3A_740 = tpu.vector_load %arg17[%swap3A_738, %swap3A_739] {strides = array<i32>} : memref<4x256xf32, #tpu.memory_space<vmem>>, vector<16xf32>,
        tpu.vector_store %arg17[%swap3A_738, %swap3A_739], %add3A_736 {strides = array<i32>} : memref<4x256xf32, #tpu.memory_space<vmem>>, vector<16xf32>,
        %get3A_741 = arith.constant 2 : i32
        %get3A_742 = arith.index_cast %get3A_741 : i32 to index
        %get3A_743 = arith.constant 48 : index
        %get3A_744 = tpu.vector_load %arg17[%get3A_742, %get3A_743] {strides = array<i32>} : memref<4x256xf32, #tpu.memory_space<vmem>>, vector<16xf32>,
        %mul3A_745 = arith.mulf %gather3A_432, %get3A_697 : vector<16xf32>
        %add3A_746 = arith.addf %get3A_744, %mul3A_745 : vector<16xf32>
        %swap3A_747 = arith.constant 2 : i32
        %swap3A_748 = arith.index_cast %swap3A_747 : i32 to index
        %swap3A_749 = arith.constant 48 : index
        %swap3A_750 = tpu.vector_load %arg17[%swap3A_748, %swap3A_749] {strides = array<i32>} : memref<4x256xf32, #tpu.memory_space<vmem>>, vector<16xf32>,
        tpu.vector_store %arg17[%swap3A_748, %swap3A_749], %add3A_746 {strides = array<i32>} : memref<4x256xf32, #tpu.memory_space<vmem>>, vector<16xf32>,
        %get3A_751 = arith.constant 2 : i32
        %get3A_752 = arith.index_cast %get3A_751 : i32 to index
        %get3A_753 = arith.constant 176 : index
        %get3A_754 = tpu.vector_load %arg17[%get3A_752, %get3A_753] {strides = array<i32>} : memref<4x256xf32, #tpu.memory_space<vmem>>, vector<16xf32>,
        %mul3A_755 = arith.mulf %gather3A_432, %get3A_700 : vector<16xf32>
        %add3A_756 = arith.addf %get3A_754, %mul3A_755 : vector<16xf32>
        %swap3A_757 = arith.constant 2 : i32
        %swap3A_758 = arith.index_cast %swap3A_757 : i32 to index
        %swap3A_759 = arith.constant 176 : index
        %swap3A_760 = tpu.vector_load %arg17[%swap3A_758, %swap3A_759] {strides = array<i32>} : memref<4x256xf32, #tpu.memory_space<vmem>>, vector<16xf32>,
        tpu.vector_store %arg17[%swap3A_758, %swap3A_759], %add3A_756 {strides = array<i32>} : memref<4x256xf32, #tpu.memory_space<vmem>>, vector<16xf32>,
        %get3A_761 = arith.constant 3 : i32
        %get3A_762 = arith.index_cast %get3A_761 : i32 to index
        %get3A_763 = arith.constant 48 : index
        %get3A_764 = tpu.vector_load %arg17[%get3A_762, %get3A_763] {strides = array<i32>} : memref<4x256xf32, #tpu.memory_space<vmem>>, vector<16xf32>,
        %mul3A_765 = arith.mulf %gather3A_436, %get3A_697 : vector<16xf32>
        %add3A_766 = arith.addf %get3A_764, %mul3A_765 : vector<16xf32>
        %swap3A_767 = arith.constant 3 : i32
        %swap3A_768 = arith.index_cast %swap3A_767 : i32 to index
        %swap3A_769 = arith.constant 48 : index
        %swap3A_770 = tpu.vector_load %arg17[%swap3A_768, %swap3A_769] {strides = array<i32>} : memref<4x256xf32, #tpu.memory_space<vmem>>, vector<16xf32>,
        tpu.vector_store %arg17[%swap3A_768, %swap3A_769], %add3A_766 {strides = array<i32>} : memref<4x256xf32, #tpu.memory_space<vmem>>, vector<16xf32>,
        %get3A_771 = arith.constant 3 : i32
        %get3A_772 = arith.index_cast %get3A_771 : i32 to index
        %get3A_773 = arith.constant 176 : index
        %get3A_774 = tpu.vector_load %arg17[%get3A_772, %get3A_773] {strides = array<i32>} : memref<4x256xf32, #tpu.memory_space<vmem>>, vector<16xf32>,
        %mul3A_775 = arith.mulf %gather3A_436, %get3A_700 : vector<16xf32>
        %add3A_776 = arith.addf %get3A_774, %mul3A_775 : vector<16xf32>
        %swap3A_777 = arith.constant 3 : i32
        %swap3A_778 = arith.index_cast %swap3A_777 : i32 to index
        %swap3A_779 = arith.constant 176 : index
        %swap3A_780 = tpu.vector_load %arg17[%swap3A_778, %swap3A_779] {strides = array<i32>} : memref<4x256xf32, #tpu.memory_space<vmem>>, vector<16xf32>,
        tpu.vector_store %arg17[%swap3A_778, %swap3A_779], %add3A_776 {strides = array<i32>} : memref<4x256xf32, #tpu.memory_space<vmem>>, vector<16xf32>,
        %get3A_781 = arith.index_cast %while3A_419 : i32 to index
        %get3A_782 = arith.constant 64 : index
        %get3A_783 = tpu.vector_load %arg18[%get3A_781, %get3A_782] {strides = array<i32>} : memref<16x128xf32, #tpu.memory_space<vmem>>, vector<16xf32>,
        %get3A_784 = arith.index_cast %while3A_419 : i32 to index
        %get3A_785 = arith.constant 64 : index
        %get3A_786 = tpu.vector_load %arg19[%get3A_784, %get3A_785] {strides = array<i32>} : memref<16x128xf32, #tpu.memory_space<vmem>>, vector<16xf32>,
        %get3A_787 = arith.constant 0 : i32
        %get3A_788 = arith.index_cast %get3A_787 : i32 to index
        %get3A_789 = arith.constant 64 : index
        %get3A_790 = tpu.vector_load %arg17[%get3A_788, %get3A_789] {strides = array<i32>} : memref<4x256xf32, #tpu.memory_space<vmem>>, vector<16xf32>,
        %mul3A_791 = arith.mulf %gather3A, %get3A_783 : vector<16xf32>
        %add3A_792 = arith.addf %get3A_790, %mul3A_791 : vector<16xf32>
        %swap3A_793 = arith.constant 0 : i32
        %swap3A_794 = arith.index_cast %swap3A_793 : i32 to index
        %swap3A_795 = arith.constant 64 : index
        %swap3A_796 = tpu.vector_load %arg17[%swap3A_794, %swap3A_795] {strides = array<i32>} : memref<4x256xf32, #tpu.memory_space<vmem>>, vector<16xf32>,
        tpu.vector_store %arg17[%swap3A_794, %swap3A_795], %add3A_792 {strides = array<i32>} : memref<4x256xf32, #tpu.memory_space<vmem>>, vector<16xf32>,
        %get3A_797 = arith.constant 0 : i32
        %get3A_798 = arith.index_cast %get3A_797 : i32 to index
        %get3A_799 = arith.constant 192 : index
        %get3A_800 = tpu.vector_load %arg17[%get3A_798, %get3A_799] {strides = array<i32>} : memref<4x256xf32, #tpu.memory_space<vmem>>, vector<16xf32>,
        %mul3A_801 = arith.mulf %gather3A, %get3A_786 : vector<16xf32>
        %add3A_802 = arith.addf %get3A_800, %mul3A_801 : vector<16xf32>
        %swap3A_803 = arith.constant 0 : i32
        %swap3A_804 = arith.index_cast %swap3A_803 : i32 to index
        %swap3A_805 = arith.constant 192 : index
        %swap3A_806 = tpu.vector_load %arg17[%swap3A_804, %swap3A_805] {strides = array<i32>} : memref<4x256xf32, #tpu.memory_space<vmem>>, vector<16xf32>,
        tpu.vector_store %arg17[%swap3A_804, %swap3A_805], %add3A_802 {strides = array<i32>} : memref<4x256xf32, #tpu.memory_space<vmem>>, vector<16xf32>,
        %get3A_807 = arith.constant 1 : i32
        %get3A_808 = arith.index_cast %get3A_807 : i32 to index
        %get3A_809 = arith.constant 64 : index
        %get3A_810 = tpu.vector_load %arg17[%get3A_808, %get3A_809] {strides = array<i32>} : memref<4x256xf32, #tpu.memory_space<vmem>>, vector<16xf32>,
        %mul3A_811 = arith.mulf %gather3A_428, %get3A_783 : vector<16xf32>
        %add3A_812 = arith.addf %get3A_810, %mul3A_811 : vector<16xf32>
        %swap3A_813 = arith.constant 1 : i32
        %swap3A_814 = arith.index_cast %swap3A_813 : i32 to index
        %swap3A_815 = arith.constant 64 : index
        %swap3A_816 = tpu.vector_load %arg17[%swap3A_814, %swap3A_815] {strides = array<i32>} : memref<4x256xf32, #tpu.memory_space<vmem>>, vector<16xf32>,
        tpu.vector_store %arg17[%swap3A_814, %swap3A_815], %add3A_812 {strides = array<i32>} : memref<4x256xf32, #tpu.memory_space<vmem>>, vector<16xf32>,
        %get3A_817 = arith.constant 1 : i32
        %get3A_818 = arith.index_cast %get3A_817 : i32 to index
        %get3A_819 = arith.constant 192 : index
        %get3A_820 = tpu.vector_load %arg17[%get3A_818, %get3A_819] {strides = array<i32>} : memref<4x256xf32, #tpu.memory_space<vmem>>, vector<16xf32>,
        %mul3A_821 = arith.mulf %gather3A_428, %get3A_786 : vector<16xf32>
        %add3A_822 = arith.addf %get3A_820, %mul3A_821 : vector<16xf32>
        %swap3A_823 = arith.constant 1 : i32
        %swap3A_824 = arith.index_cast %swap3A_823 : i32 to index
        %swap3A_825 = arith.constant 192 : index
        %swap3A_826 = tpu.vector_load %arg17[%swap3A_824, %swap3A_825] {strides = array<i32>} : memref<4x256xf32, #tpu.memory_space<vmem>>, vector<16xf32>,
        tpu.vector_store %arg17[%swap3A_824, %swap3A_825], %add3A_822 {strides = array<i32>} : memref<4x256xf32, #tpu.memory_space<vmem>>, vector<16xf32>,
        %get3A_827 = arith.constant 2 : i32
        %get3A_828 = arith.index_cast %get3A_827 : i32 to index
        %get3A_829 = arith.constant 64 : index
        %get3A_830 = tpu.vector_load %arg17[%get3A_828, %get3A_829] {strides = array<i32>} : memref<4x256xf32, #tpu.memory_space<vmem>>, vector<16xf32>,
        %mul3A_831 = arith.mulf %gather3A_432, %get3A_783 : vector<16xf32>
        %add3A_832 = arith.addf %get3A_830, %mul3A_831 : vector<16xf32>
        %swap3A_833 = arith.constant 2 : i32
        %swap3A_834 = arith.index_cast %swap3A_833 : i32 to index
        %swap3A_835 = arith.constant 64 : index
        %swap3A_836 = tpu.vector_load %arg17[%swap3A_834, %swap3A_835] {strides = array<i32>} : memref<4x256xf32, #tpu.memory_space<vmem>>, vector<16xf32>,
        tpu.vector_store %arg17[%swap3A_834, %swap3A_835], %add3A_832 {strides = array<i32>} : memref<4x256xf32, #tpu.memory_space<vmem>>, vector<16xf32>,
        %get3A_837 = arith.constant 2 : i32
        %get3A_838 = arith.index_cast %get3A_837 : i32 to index
        %get3A_839 = arith.constant 192 : index
        %get3A_840 = tpu.vector_load %arg17[%get3A_838, %get3A_839] {strides = array<i32>} : memref<4x256xf32, #tpu.memory_space<vmem>>, vector<16xf32>,
        %mul3A_841 = arith.mulf %gather3A_432, %get3A_786 : vector<16xf32>
        %add3A_842 = arith.addf %get3A_840, %mul3A_841 : vector<16xf32>
        %swap3A_843 = arith.constant 2 : i32
        %swap3A_844 = arith.index_cast %swap3A_843 : i32 to index
        %swap3A_845 = arith.constant 192 : index
        %swap3A_846 = tpu.vector_load %arg17[%swap3A_844, %swap3A_845] {strides = array<i32>} : memref<4x256xf32, #tpu.memory_space<vmem>>, vector<16xf32>,
        tpu.vector_store %arg17[%swap3A_844, %swap3A_845], %add3A_842 {strides = array<i32>} : memref<4x256xf32, #tpu.memory_space<vmem>>, vector<16xf32>,
        %get3A_847 = arith.constant 3 : i32
        %get3A_848 = arith.index_cast %get3A_847 : i32 to index
        %get3A_849 = arith.constant 64 : index
        %get3A_850 = tpu.vector_load %arg17[%get3A_848, %get3A_849] {strides = array<i32>} : memref<4x256xf32, #tpu.memory_space<vmem>>, vector<16xf32>,
        %mul3A_851 = arith.mulf %gather3A_436, %get3A_783 : vector<16xf32>
        %add3A_852 = arith.addf %get3A_850, %mul3A_851 : vector<16xf32>
        %swap3A_853 = arith.constant 3 : i32
        %swap3A_854 = arith.index_cast %swap3A_853 : i32 to index
        %swap3A_855 = arith.constant 64 : index
        %swap3A_856 = tpu.vector_load %arg17[%swap3A_854, %swap3A_855] {strides = array<i32>} : memref<4x256xf32, #tpu.memory_space<vmem>>, vector<16xf32>,
        tpu.vector_store %arg17[%swap3A_854, %swap3A_855], %add3A_852 {strides = array<i32>} : memref<4x256xf32, #tpu.memory_space<vmem>>, vector<16xf32>,
        %get3A_857 = arith.constant 3 : i32
        %get3A_858 = arith.index_cast %get3A_857 : i32 to index
        %get3A_859 = arith.constant 192 : index
        %get3A_860 = tpu.vector_load %arg17[%get3A_858, %get3A_859] {strides = array<i32>} : memref<4x256xf32, #tpu.memory_space<vmem>>, vector<16xf32>,
        %mul3A_861 = arith.mulf %gather3A_436, %get3A_786 : vector<16xf32>
        %add3A_862 = arith.addf %get3A_860, %mul3A_861 : vector<16xf32>
        %swap3A_863 = arith.constant 3 : i32
        %swap3A_864 = arith.index_cast %swap3A_863 : i32 to index
        %swap3A_865 = arith.constant 192 : index
        %swap3A_866 = tpu.vector_load %arg17[%swap3A_864, %swap3A_865] {strides = array<i32>} : memref<4x256xf32, #tpu.memory_space<vmem>>, vector<16xf32>,
        tpu.vector_store %arg17[%swap3A_864, %swap3A_865], %add3A_862 {strides = array<i32>} : memref<4x256xf32, #tpu.memory_space<vmem>>, vector<16xf32>,
        %get3A_867 = arith.index_cast %while3A_419 : i32 to index
        %get3A_868 = arith.constant 80 : index
        %get3A_869 = tpu.vector_load %arg18[%get3A_867, %get3A_868] {strides = array<i32>} : memref<16x128xf32, #tpu.memory_space<vmem>>, vector<16xf32>,
        %get3A_870 = arith.index_cast %while3A_419 : i32 to index
        %get3A_871 = arith.constant 80 : index
        %get3A_872 = tpu.vector_load %arg19[%get3A_870, %get3A_871] {strides = array<i32>} : memref<16x128xf32, #tpu.memory_space<vmem>>, vector<16xf32>,
        %get3A_873 = arith.constant 0 : i32
        %get3A_874 = arith.index_cast %get3A_873 : i32 to index
        %get3A_875 = arith.constant 80 : index
        %get3A_876 = tpu.vector_load %arg17[%get3A_874, %get3A_875] {strides = array<i32>} : memref<4x256xf32, #tpu.memory_space<vmem>>, vector<16xf32>,
        %mul3A_877 = arith.mulf %gather3A, %get3A_869 : vector<16xf32>
        %add3A_878 = arith.addf %get3A_876, %mul3A_877 : vector<16xf32>
        %swap3A_879 = arith.constant 0 : i32
        %swap3A_880 = arith.index_cast %swap3A_879 : i32 to index
        %swap3A_881 = arith.constant 80 : index
        %swap3A_882 = tpu.vector_load %arg17[%swap3A_880, %swap3A_881] {strides = array<i32>} : memref<4x256xf32, #tpu.memory_space<vmem>>, vector<16xf32>,
        tpu.vector_store %arg17[%swap3A_880, %swap3A_881], %add3A_878 {strides = array<i32>} : memref<4x256xf32, #tpu.memory_space<vmem>>, vector<16xf32>,
        %get3A_883 = arith.constant 0 : i32
        %get3A_884 = arith.index_cast %get3A_883 : i32 to index
        %get3A_885 = arith.constant 208 : index
        %get3A_886 = tpu.vector_load %arg17[%get3A_884, %get3A_885] {strides = array<i32>} : memref<4x256xf32, #tpu.memory_space<vmem>>, vector<16xf32>,
        %mul3A_887 = arith.mulf %gather3A, %get3A_872 : vector<16xf32>
        %add3A_888 = arith.addf %get3A_886, %mul3A_887 : vector<16xf32>
        %swap3A_889 = arith.constant 0 : i32
        %swap3A_890 = arith.index_cast %swap3A_889 : i32 to index
        %swap3A_891 = arith.constant 208 : index
        %swap3A_892 = tpu.vector_load %arg17[%swap3A_890, %swap3A_891] {strides = array<i32>} : memref<4x256xf32, #tpu.memory_space<vmem>>, vector<16xf32>,
        tpu.vector_store %arg17[%swap3A_890, %swap3A_891], %add3A_888 {strides = array<i32>} : memref<4x256xf32, #tpu.memory_space<vmem>>, vector<16xf32>,
        %get3A_893 = arith.constant 1 : i32
        %get3A_894 = arith.index_cast %get3A_893 : i32 to index
        %get3A_895 = arith.constant 80 : index
        %get3A_896 = tpu.vector_load %arg17[%get3A_894, %get3A_895] {strides = array<i32>} : memref<4x256xf32, #tpu.memory_space<vmem>>, vector<16xf32>,
        %mul3A_897 = arith.mulf %gather3A_428, %get3A_869 : vector<16xf32>
        %add3A_898 = arith.addf %get3A_896, %mul3A_897 : vector<16xf32>
        %swap3A_899 = arith.constant 1 : i32
        %swap3A_900 = arith.index_cast %swap3A_899 : i32 to index
        %swap3A_901 = arith.constant 80 : index
        %swap3A_902 = tpu.vector_load %arg17[%swap3A_900, %swap3A_901] {strides = array<i32>} : memref<4x256xf32, #tpu.memory_space<vmem>>, vector<16xf32>,
        tpu.vector_store %arg17[%swap3A_900, %swap3A_901], %add3A_898 {strides = array<i32>} : memref<4x256xf32, #tpu.memory_space<vmem>>, vector<16xf32>,
        %get3A_903 = arith.constant 1 : i32
        %get3A_904 = arith.index_cast %get3A_903 : i32 to index
        %get3A_905 = arith.constant 208 : index
        %get3A_906 = tpu.vector_load %arg17[%get3A_904, %get3A_905] {strides = array<i32>} : memref<4x256xf32, #tpu.memory_space<vmem>>, vector<16xf32>,
        %mul3A_907 = arith.mulf %gather3A_428, %get3A_872 : vector<16xf32>
        %add3A_908 = arith.addf %get3A_906, %mul3A_907 : vector<16xf32>
        %swap3A_909 = arith.constant 1 : i32
        %swap3A_910 = arith.index_cast %swap3A_909 : i32 to index
        %swap3A_911 = arith.constant 208 : index
        %swap3A_912 = tpu.vector_load %arg17[%swap3A_910, %swap3A_911] {strides = array<i32>} : memref<4x256xf32, #tpu.memory_space<vmem>>, vector<16xf32>,
        tpu.vector_store %arg17[%swap3A_910, %swap3A_911], %add3A_908 {strides = array<i32>} : memref<4x256xf32, #tpu.memory_space<vmem>>, vector<16xf32>,
        %get3A_913 = arith.constant 2 : i32
        %get3A_914 = arith.index_cast %get3A_913 : i32 to index
        %get3A_915 = arith.constant 80 : index
        %get3A_916 = tpu.vector_load %arg17[%get3A_914, %get3A_915] {strides = array<i32>} : memref<4x256xf32, #tpu.memory_space<vmem>>, vector<16xf32>,
        %mul3A_917 = arith.mulf %gather3A_432, %get3A_869 : vector<16xf32>
        %add3A_918 = arith.addf %get3A_916, %mul3A_917 : vector<16xf32>
        %swap3A_919 = arith.constant 2 : i32
        %swap3A_920 = arith.index_cast %swap3A_919 : i32 to index
        %swap3A_921 = arith.constant 80 : index
        %swap3A_922 = tpu.vector_load %arg17[%swap3A_920, %swap3A_921] {strides = array<i32>} : memref<4x256xf32, #tpu.memory_space<vmem>>, vector<16xf32>,
        tpu.vector_store %arg17[%swap3A_920, %swap3A_921], %add3A_918 {strides = array<i32>} : memref<4x256xf32, #tpu.memory_space<vmem>>, vector<16xf32>,
        %get3A_923 = arith.constant 2 : i32
        %get3A_924 = arith.index_cast %get3A_923 : i32 to index
        %get3A_925 = arith.constant 208 : index
        %get3A_926 = tpu.vector_load %arg17[%get3A_924, %get3A_925] {strides = array<i32>} : memref<4x256xf32, #tpu.memory_space<vmem>>, vector<16xf32>,
        %mul3A_927 = arith.mulf %gather3A_432, %get3A_872 : vector<16xf32>
        %add3A_928 = arith.addf %get3A_926, %mul3A_927 : vector<16xf32>
        %swap3A_929 = arith.constant 2 : i32
        %swap3A_930 = arith.index_cast %swap3A_929 : i32 to index
        %swap3A_931 = arith.constant 208 : index
        %swap3A_932 = tpu.vector_load %arg17[%swap3A_930, %swap3A_931] {strides = array<i32>} : memref<4x256xf32, #tpu.memory_space<vmem>>, vector<16xf32>,
        tpu.vector_store %arg17[%swap3A_930, %swap3A_931], %add3A_928 {strides = array<i32>} : memref<4x256xf32, #tpu.memory_space<vmem>>, vector<16xf32>,
        %get3A_933 = arith.constant 3 : i32
        %get3A_934 = arith.index_cast %get3A_933 : i32 to index
        %get3A_935 = arith.constant 80 : index
        %get3A_936 = tpu.vector_load %arg17[%get3A_934, %get3A_935] {strides = array<i32>} : memref<4x256xf32, #tpu.memory_space<vmem>>, vector<16xf32>,
        %mul3A_937 = arith.mulf %gather3A_436, %get3A_869 : vector<16xf32>
        %add3A_938 = arith.addf %get3A_936, %mul3A_937 : vector<16xf32>
        %swap3A_939 = arith.constant 3 : i32
        %swap3A_940 = arith.index_cast %swap3A_939 : i32 to index
        %swap3A_941 = arith.constant 80 : index
        %swap3A_942 = tpu.vector_load %arg17[%swap3A_940, %swap3A_941] {strides = array<i32>} : memref<4x256xf32, #tpu.memory_space<vmem>>, vector<16xf32>,
        tpu.vector_store %arg17[%swap3A_940, %swap3A_941], %add3A_938 {strides = array<i32>} : memref<4x256xf32, #tpu.memory_space<vmem>>, vector<16xf32>,
        %get3A_943 = arith.constant 3 : i32
        %get3A_944 = arith.index_cast %get3A_943 : i32 to index
        %get3A_945 = arith.constant 208 : index
        %get3A_946 = tpu.vector_load %arg17[%get3A_944, %get3A_945] {strides = array<i32>} : memref<4x256xf32, #tpu.memory_space<vmem>>, vector<16xf32>,
        %mul3A_947 = arith.mulf %gather3A_436, %get3A_872 : vector<16xf32>
        %add3A_948 = arith.addf %get3A_946, %mul3A_947 : vector<16xf32>
        %swap3A_949 = arith.constant 3 : i32
        %swap3A_950 = arith.index_cast %swap3A_949 : i32 to index
        %swap3A_951 = arith.constant 208 : index
        %swap3A_952 = tpu.vector_load %arg17[%swap3A_950, %swap3A_951] {strides = array<i32>} : memref<4x256xf32, #tpu.memory_space<vmem>>, vector<16xf32>,
        tpu.vector_store %arg17[%swap3A_950, %swap3A_951], %add3A_948 {strides = array<i32>} : memref<4x256xf32, #tpu.memory_space<vmem>>, vector<16xf32>,
        %get3A_953 = arith.index_cast %while3A_419 : i32 to index
        %get3A_954 = arith.constant 96 : index
        %get3A_955 = tpu.vector_load %arg18[%get3A_953, %get3A_954] {strides = array<i32>} : memref<16x128xf32, #tpu.memory_space<vmem>>, vector<16xf32>,
        %get3A_956 = arith.index_cast %while3A_419 : i32 to index
        %get3A_957 = arith.constant 96 : index
        %get3A_958 = tpu.vector_load %arg19[%get3A_956, %get3A_957] {strides = array<i32>} : memref<16x128xf32, #tpu.memory_space<vmem>>, vector<16xf32>,
        %get3A_959 = arith.constant 0 : i32
        %get3A_960 = arith.index_cast %get3A_959 : i32 to index
        %get3A_961 = arith.constant 96 : index
        %get3A_962 = tpu.vector_load %arg17[%get3A_960, %get3A_961] {strides = array<i32>} : memref<4x256xf32, #tpu.memory_space<vmem>>, vector<16xf32>,
        %mul3A_963 = arith.mulf %gather3A, %get3A_955 : vector<16xf32>
        %add3A_964 = arith.addf %get3A_962, %mul3A_963 : vector<16xf32>
        %swap3A_965 = arith.constant 0 : i32
        %swap3A_966 = arith.index_cast %swap3A_965 : i32 to index
        %swap3A_967 = arith.constant 96 : index
        %swap3A_968 = tpu.vector_load %arg17[%swap3A_966, %swap3A_967] {strides = array<i32>} : memref<4x256xf32, #tpu.memory_space<vmem>>, vector<16xf32>,
        tpu.vector_store %arg17[%swap3A_966, %swap3A_967], %add3A_964 {strides = array<i32>} : memref<4x256xf32, #tpu.memory_space<vmem>>, vector<16xf32>,
        %get3A_969 = arith.constant 0 : i32
        %get3A_970 = arith.index_cast %get3A_969 : i32 to index
        %get3A_971 = arith.constant 224 : index
        %get3A_972 = tpu.vector_load %arg17[%get3A_970, %get3A_971] {strides = array<i32>} : memref<4x256xf32, #tpu.memory_space<vmem>>, vector<16xf32>,
        %mul3A_973 = arith.mulf %gather3A, %get3A_958 : vector<16xf32>
        %add3A_974 = arith.addf %get3A_972, %mul3A_973 : vector<16xf32>
        %swap3A_975 = arith.constant 0 : i32
        %swap3A_976 = arith.index_cast %swap3A_975 : i32 to index
        %swap3A_977 = arith.constant 224 : index
        %swap3A_978 = tpu.vector_load %arg17[%swap3A_976, %swap3A_977] {strides = array<i32>} : memref<4x256xf32, #tpu.memory_space<vmem>>, vector<16xf32>,
        tpu.vector_store %arg17[%swap3A_976, %swap3A_977], %add3A_974 {strides = array<i32>} : memref<4x256xf32, #tpu.memory_space<vmem>>, vector<16xf32>,
        %get3A_979 = arith.constant 1 : i32
        %get3A_980 = arith.index_cast %get3A_979 : i32 to index
        %get3A_981 = arith.constant 96 : index
        %get3A_982 = tpu.vector_load %arg17[%get3A_980, %get3A_981] {strides = array<i32>} : memref<4x256xf32, #tpu.memory_space<vmem>>, vector<16xf32>,
        %mul3A_983 = arith.mulf %gather3A_428, %get3A_955 : vector<16xf32>
        %add3A_984 = arith.addf %get3A_982, %mul3A_983 : vector<16xf32>
        %swap3A_985 = arith.constant 1 : i32
        %swap3A_986 = arith.index_cast %swap3A_985 : i32 to index
        %swap3A_987 = arith.constant 96 : index
        %swap3A_988 = tpu.vector_load %arg17[%swap3A_986, %swap3A_987] {strides = array<i32>} : memref<4x256xf32, #tpu.memory_space<vmem>>, vector<16xf32>,
        tpu.vector_store %arg17[%swap3A_986, %swap3A_987], %add3A_984 {strides = array<i32>} : memref<4x256xf32, #tpu.memory_space<vmem>>, vector<16xf32>,
        %get3A_989 = arith.constant 1 : i32
        %get3A_990 = arith.index_cast %get3A_989 : i32 to index
        %get3A_991 = arith.constant 224 : index
        %get3A_992 = tpu.vector_load %arg17[%get3A_990, %get3A_991] {strides = array<i32>} : memref<4x256xf32, #tpu.memory_space<vmem>>, vector<16xf32>,
        %mul3A_993 = arith.mulf %gather3A_428, %get3A_958 : vector<16xf32>
        %add3A_994 = arith.addf %get3A_992, %mul3A_993 : vector<16xf32>
        %swap3A_995 = arith.constant 1 : i32
        %swap3A_996 = arith.index_cast %swap3A_995 : i32 to index
        %swap3A_997 = arith.constant 224 : index
        %swap3A_998 = tpu.vector_load %arg17[%swap3A_996, %swap3A_997] {strides = array<i32>} : memref<4x256xf32, #tpu.memory_space<vmem>>, vector<16xf32>,
        tpu.vector_store %arg17[%swap3A_996, %swap3A_997], %add3A_994 {strides = array<i32>} : memref<4x256xf32, #tpu.memory_space<vmem>>, vector<16xf32>,
        %get3A_999 = arith.constant 2 : i32
        %get3A_1000 = arith.index_cast %get3A_999 : i32 to index
        %get3A_1001 = arith.constant 96 : index
        %get3A_1002 = tpu.vector_load %arg17[%get3A_1000, %get3A_1001] {strides = array<i32>} : memref<4x256xf32, #tpu.memory_space<vmem>>, vector<16xf32>,
        %mul3A_1003 = arith.mulf %gather3A_432, %get3A_955 : vector<16xf32>
        %add3A_1004 = arith.addf %get3A_1002, %mul3A_1003 : vector<16xf32>
        %swap3A_1005 = arith.constant 2 : i32
        %swap3A_1006 = arith.index_cast %swap3A_1005 : i32 to index
        %swap3A_1007 = arith.constant 96 : index
        %swap3A_1008 = tpu.vector_load %arg17[%swap3A_1006, %swap3A_1007] {strides = array<i32>} : memref<4x256xf32, #tpu.memory_space<vmem>>, vector<16xf32>,
        tpu.vector_store %arg17[%swap3A_1006, %swap3A_1007], %add3A_1004 {strides = array<i32>} : memref<4x256xf32, #tpu.memory_space<vmem>>, vector<16xf32>,
        %get3A_1009 = arith.constant 2 : i32
        %get3A_1010 = arith.index_cast %get3A_1009 : i32 to index
        %get3A_1011 = arith.constant 224 : index
        %get3A_1012 = tpu.vector_load %arg17[%get3A_1010, %get3A_1011] {strides = array<i32>} : memref<4x256xf32, #tpu.memory_space<vmem>>, vector<16xf32>,
        %mul3A_1013 = arith.mulf %gather3A_432, %get3A_958 : vector<16xf32>
        %add3A_1014 = arith.addf %get3A_1012, %mul3A_1013 : vector<16xf32>
        %swap3A_1015 = arith.constant 2 : i32
        %swap3A_1016 = arith.index_cast %swap3A_1015 : i32 to index
        %swap3A_1017 = arith.constant 224 : index
        %swap3A_1018 = tpu.vector_load %arg17[%swap3A_1016, %swap3A_1017] {strides = array<i32>} : memref<4x256xf32, #tpu.memory_space<vmem>>, vector<16xf32>,
        tpu.vector_store %arg17[%swap3A_1016, %swap3A_1017], %add3A_1014 {strides = array<i32>} : memref<4x256xf32, #tpu.memory_space<vmem>>, vector<16xf32>,
        %get3A_1019 = arith.constant 3 : i32
        %get3A_1020 = arith.index_cast %get3A_1019 : i32 to index
        %get3A_1021 = arith.constant 96 : index
        %get3A_1022 = tpu.vector_load %arg17[%get3A_1020, %get3A_1021] {strides = array<i32>} : memref<4x256xf32, #tpu.memory_space<vmem>>, vector<16xf32>,
        %mul3A_1023 = arith.mulf %gather3A_436, %get3A_955 : vector<16xf32>
        %add3A_1024 = arith.addf %get3A_1022, %mul3A_1023 : vector<16xf32>
        %swap3A_1025 = arith.constant 3 : i32
        %swap3A_1026 = arith.index_cast %swap3A_1025 : i32 to index
        %swap3A_1027 = arith.constant 96 : index
        %swap3A_1028 = tpu.vector_load %arg17[%swap3A_1026, %swap3A_1027] {strides = array<i32>} : memref<4x256xf32, #tpu.memory_space<vmem>>, vector<16xf32>,
        tpu.vector_store %arg17[%swap3A_1026, %swap3A_1027], %add3A_1024 {strides = array<i32>} : memref<4x256xf32, #tpu.memory_space<vmem>>, vector<16xf32>,
        %get3A_1029 = arith.constant 3 : i32
        %get3A_1030 = arith.index_cast %get3A_1029 : i32 to index
        %get3A_1031 = arith.constant 224 : index
        %get3A_1032 = tpu.vector_load %arg17[%get3A_1030, %get3A_1031] {strides = array<i32>} : memref<4x256xf32, #tpu.memory_space<vmem>>, vector<16xf32>,
        %mul3A_1033 = arith.mulf %gather3A_436, %get3A_958 : vector<16xf32>
        %add3A_1034 = arith.addf %get3A_1032, %mul3A_1033 : vector<16xf32>
        %swap3A_1035 = arith.constant 3 : i32
        %swap3A_1036 = arith.index_cast %swap3A_1035 : i32 to index
        %swap3A_1037 = arith.constant 224 : index
        %swap3A_1038 = tpu.vector_load %arg17[%swap3A_1036, %swap3A_1037] {strides = array<i32>} : memref<4x256xf32, #tpu.memory_space<vmem>>, vector<16xf32>,
        tpu.vector_store %arg17[%swap3A_1036, %swap3A_1037], %add3A_1034 {strides = array<i32>} : memref<4x256xf32, #tpu.memory_space<vmem>>, vector<16xf32>,
        %get3A_1039 = arith.index_cast %while3A_419 : i32 to index
        %get3A_1040 = arith.constant 112 : index
        %get3A_1041 = tpu.vector_load %arg18[%get3A_1039, %get3A_1040] {strides = array<i32>} : memref<16x128xf32, #tpu.memory_space<vmem>>, vector<16xf32>,
        %get3A_1042 = arith.index_cast %while3A_419 : i32 to index
        %get3A_1043 = arith.constant 112 : index
        %get3A_1044 = tpu.vector_load %arg19[%get3A_1042, %get3A_1043] {strides = array<i32>} : memref<16x128xf32, #tpu.memory_space<vmem>>, vector<16xf32>,
        %get3A_1045 = arith.constant 0 : i32
        %get3A_1046 = arith.index_cast %get3A_1045 : i32 to index
        %get3A_1047 = arith.constant 112 : index
        %get3A_1048 = tpu.vector_load %arg17[%get3A_1046, %get3A_1047] {strides = array<i32>} : memref<4x256xf32, #tpu.memory_space<vmem>>, vector<16xf32>,
        %mul3A_1049 = arith.mulf %gather3A, %get3A_1041 : vector<16xf32>
        %add3A_1050 = arith.addf %get3A_1048, %mul3A_1049 : vector<16xf32>
        %swap3A_1051 = arith.constant 0 : i32
        %swap3A_1052 = arith.index_cast %swap3A_1051 : i32 to index
        %swap3A_1053 = arith.constant 112 : index
        %swap3A_1054 = tpu.vector_load %arg17[%swap3A_1052, %swap3A_1053] {strides = array<i32>} : memref<4x256xf32, #tpu.memory_space<vmem>>, vector<16xf32>,
        tpu.vector_store %arg17[%swap3A_1052, %swap3A_1053], %add3A_1050 {strides = array<i32>} : memref<4x256xf32, #tpu.memory_space<vmem>>, vector<16xf32>,
        %get3A_1055 = arith.constant 0 : i32
        %get3A_1056 = arith.index_cast %get3A_1055 : i32 to index
        %get3A_1057 = arith.constant 240 : index
        %get3A_1058 = tpu.vector_load %arg17[%get3A_1056, %get3A_1057] {strides = array<i32>} : memref<4x256xf32, #tpu.memory_space<vmem>>, vector<16xf32>,
        %mul3A_1059 = arith.mulf %gather3A, %get3A_1044 : vector<16xf32>
        %add3A_1060 = arith.addf %get3A_1058, %mul3A_1059 : vector<16xf32>
        %swap3A_1061 = arith.constant 0 : i32
        %swap3A_1062 = arith.index_cast %swap3A_1061 : i32 to index
        %swap3A_1063 = arith.constant 240 : index
        %swap3A_1064 = tpu.vector_load %arg17[%swap3A_1062, %swap3A_1063] {strides = array<i32>} : memref<4x256xf32, #tpu.memory_space<vmem>>, vector<16xf32>,
        tpu.vector_store %arg17[%swap3A_1062, %swap3A_1063], %add3A_1060 {strides = array<i32>} : memref<4x256xf32, #tpu.memory_space<vmem>>, vector<16xf32>,
        %get3A_1065 = arith.constant 1 : i32
        %get3A_1066 = arith.index_cast %get3A_1065 : i32 to index
        %get3A_1067 = arith.constant 112 : index
        %get3A_1068 = tpu.vector_load %arg17[%get3A_1066, %get3A_1067] {strides = array<i32>} : memref<4x256xf32, #tpu.memory_space<vmem>>, vector<16xf32>,
        %mul3A_1069 = arith.mulf %gather3A_428, %get3A_1041 : vector<16xf32>
        %add3A_1070 = arith.addf %get3A_1068, %mul3A_1069 : vector<16xf32>
        %swap3A_1071 = arith.constant 1 : i32
        %swap3A_1072 = arith.index_cast %swap3A_1071 : i32 to index
        %swap3A_1073 = arith.constant 112 : index
        %swap3A_1074 = tpu.vector_load %arg17[%swap3A_1072, %swap3A_1073] {strides = array<i32>} : memref<4x256xf32, #tpu.memory_space<vmem>>, vector<16xf32>,
        tpu.vector_store %arg17[%swap3A_1072, %swap3A_1073], %add3A_1070 {strides = array<i32>} : memref<4x256xf32, #tpu.memory_space<vmem>>, vector<16xf32>,
        %get3A_1075 = arith.constant 1 : i32
        %get3A_1076 = arith.index_cast %get3A_1075 : i32 to index
        %get3A_1077 = arith.constant 240 : index
        %get3A_1078 = tpu.vector_load %arg17[%get3A_1076, %get3A_1077] {strides = array<i32>} : memref<4x256xf32, #tpu.memory_space<vmem>>, vector<16xf32>,
        %mul3A_1079 = arith.mulf %gather3A_428, %get3A_1044 : vector<16xf32>
        %add3A_1080 = arith.addf %get3A_1078, %mul3A_1079 : vector<16xf32>
        %swap3A_1081 = arith.constant 1 : i32
        %swap3A_1082 = arith.index_cast %swap3A_1081 : i32 to index
        %swap3A_1083 = arith.constant 240 : index
        %swap3A_1084 = tpu.vector_load %arg17[%swap3A_1082, %swap3A_1083] {strides = array<i32>} : memref<4x256xf32, #tpu.memory_space<vmem>>, vector<16xf32>,
        tpu.vector_store %arg17[%swap3A_1082, %swap3A_1083], %add3A_1080 {strides = array<i32>} : memref<4x256xf32, #tpu.memory_space<vmem>>, vector<16xf32>,
        %get3A_1085 = arith.constant 2 : i32
        %get3A_1086 = arith.index_cast %get3A_1085 : i32 to index
        %get3A_1087 = arith.constant 112 : index
        %get3A_1088 = tpu.vector_load %arg17[%get3A_1086, %get3A_1087] {strides = array<i32>} : memref<4x256xf32, #tpu.memory_space<vmem>>, vector<16xf32>,
        %mul3A_1089 = arith.mulf %gather3A_432, %get3A_1041 : vector<16xf32>
        %add3A_1090 = arith.addf %get3A_1088, %mul3A_1089 : vector<16xf32>
        %swap3A_1091 = arith.constant 2 : i32
        %swap3A_1092 = arith.index_cast %swap3A_1091 : i32 to index
        %swap3A_1093 = arith.constant 112 : index
        %swap3A_1094 = tpu.vector_load %arg17[%swap3A_1092, %swap3A_1093] {strides = array<i32>} : memref<4x256xf32, #tpu.memory_space<vmem>>, vector<16xf32>,
        tpu.vector_store %arg17[%swap3A_1092, %swap3A_1093], %add3A_1090 {strides = array<i32>} : memref<4x256xf32, #tpu.memory_space<vmem>>, vector<16xf32>,
        %get3A_1095 = arith.constant 2 : i32
        %get3A_1096 = arith.index_cast %get3A_1095 : i32 to index
        %get3A_1097 = arith.constant 240 : index
        %get3A_1098 = tpu.vector_load %arg17[%get3A_1096, %get3A_1097] {strides = array<i32>} : memref<4x256xf32, #tpu.memory_space<vmem>>, vector<16xf32>,
        %mul3A_1099 = arith.mulf %gather3A_432, %get3A_1044 : vector<16xf32>
        %add3A_1100 = arith.addf %get3A_1098, %mul3A_1099 : vector<16xf32>
        %swap3A_1101 = arith.constant 2 : i32
        %swap3A_1102 = arith.index_cast %swap3A_1101 : i32 to index
        %swap3A_1103 = arith.constant 240 : index
        %swap3A_1104 = tpu.vector_load %arg17[%swap3A_1102, %swap3A_1103] {strides = array<i32>} : memref<4x256xf32, #tpu.memory_space<vmem>>, vector<16xf32>,
        tpu.vector_store %arg17[%swap3A_1102, %swap3A_1103], %add3A_1100 {strides = array<i32>} : memref<4x256xf32, #tpu.memory_space<vmem>>, vector<16xf32>,
        %get3A_1105 = arith.constant 3 : i32
        %get3A_1106 = arith.index_cast %get3A_1105 : i32 to index
        %get3A_1107 = arith.constant 112 : index
        %get3A_1108 = tpu.vector_load %arg17[%get3A_1106, %get3A_1107] {strides = array<i32>} : memref<4x256xf32, #tpu.memory_space<vmem>>, vector<16xf32>,
        %mul3A_1109 = arith.mulf %gather3A_436, %get3A_1041 : vector<16xf32>
        %add3A_1110 = arith.addf %get3A_1108, %mul3A_1109 : vector<16xf32>
        %swap3A_1111 = arith.constant 3 : i32
        %swap3A_1112 = arith.index_cast %swap3A_1111 : i32 to index
        %swap3A_1113 = arith.constant 112 : index
        %swap3A_1114 = tpu.vector_load %arg17[%swap3A_1112, %swap3A_1113] {strides = array<i32>} : memref<4x256xf32, #tpu.memory_space<vmem>>, vector<16xf32>,
        tpu.vector_store %arg17[%swap3A_1112, %swap3A_1113], %add3A_1110 {strides = array<i32>} : memref<4x256xf32, #tpu.memory_space<vmem>>, vector<16xf32>,
        %get3A_1115 = arith.constant 3 : i32
        %get3A_1116 = arith.index_cast %get3A_1115 : i32 to index
        %get3A_1117 = arith.constant 240 : index
        %get3A_1118 = tpu.vector_load %arg17[%get3A_1116, %get3A_1117] {strides = array<i32>} : memref<4x256xf32, #tpu.memory_space<vmem>>, vector<16xf32>,
        %mul3A_1119 = arith.mulf %gather3A_436, %get3A_1044 : vector<16xf32>
        %add3A_1120 = arith.addf %get3A_1118, %mul3A_1119 : vector<16xf32>
        %swap3A_1121 = arith.constant 3 : i32
        %swap3A_1122 = arith.index_cast %swap3A_1121 : i32 to index
        %swap3A_1123 = arith.constant 240 : index
        %swap3A_1124 = tpu.vector_load %arg17[%swap3A_1122, %swap3A_1123] {strides = array<i32>} : memref<4x256xf32, #tpu.memory_space<vmem>>, vector<16xf32>,
        tpu.vector_store %arg17[%swap3A_1122, %swap3A_1123], %add3A_1120 {strides = array<i32>} : memref<4x256xf32, #tpu.memory_space<vmem>>, vector<16xf32>,
        %while3A_1125 = arith.constant 0 : i32
        scf.yield %while3A_1125 : i32
      }
      %while3A_416 = arith.constant 1 : i32
      %while3A_417 = scf.for %while3A_419 = %while3A_413 to %while3A_409 step %while3A_416 iter_args(%while3A_420 = %while3A_415) -> (i32)  : i32 {
        %broadcast_in_dim3A_421 = vector.broadcast %while3A_419 : i32 to vector<16xi32>
        %broadcast_in_dim3A_422 = arith.constant 0 : i32
        %broadcast_in_dim3A_423 = vector.broadcast %broadcast_in_dim3A_422 : i32 to vector<16xi32>
        %add3A_424 = arith.addi %broadcast_in_dim3A_421, %broadcast_in_dim3A_423 : vector<16xi32>
        %gather3A = tpu.vector_load_idx %arg20[%add3A_424] : memref<64xf32, #tpu.memory_space<vmem>>[vector<16xi32>], vector<16xf32>,
        %broadcast_in_dim3A_425 = arith.constant 16 : i32
        %broadcast_in_dim3A_426 = vector.broadcast %broadcast_in_dim3A_425 : i32 to vector<16xi32>
        %add3A_427 = arith.addi %broadcast_in_dim3A_421, %broadcast_in_dim3A_426 : vector<16xi32>
        %gather3A_428 = tpu.vector_load_idx %arg20[%add3A_427] : memref<64xf32, #tpu.memory_space<vmem>>[vector<16xi32>], vector<16xf32>,
        %broadcast_in_dim3A_429 = arith.constant 32 : i32
        %broadcast_in_dim3A_430 = vector.broadcast %broadcast_in_dim3A_429 : i32 to vector<16xi32>
        %add3A_431 = arith.addi %broadcast_in_dim3A_421, %broadcast_in_dim3A_430 : vector<16xi32>
        %gather3A_432 = tpu.vector_load_idx %arg20[%add3A_431] : memref<64xf32, #tpu.memory_space<vmem>>[vector<16xi32>], vector<16xf32>,
        %broadcast_in_dim3A_433 = arith.constant 48 : i32
        %broadcast_in_dim3A_434 = vector.broadcast %broadcast_in_dim3A_433 : i32 to vector<16xi32>
        %add3A_435 = arith.addi %broadcast_in_dim3A_421, %broadcast_in_dim3A_434 : vector<16xi32>
        %gather3A_436 = tpu.vector_load_idx %arg20[%add3A_435] : memref<64xf32, #tpu.memory_space<vmem>>[vector<16xi32>], vector<16xf32>,
        %get3A_437 = arith.index_cast %while3A_419 : i32 to index
        %get3A_438 = arith.constant 0 : index
        %get3A_439 = tpu.vector_load %arg18[%get3A_437, %get3A_438] {strides = array<i32>} : memref<16x128xf32, #tpu.memory_space<vmem>>, vector<16xf32>,
        %get3A_440 = arith.index_cast %while3A_419 : i32 to index
        %get3A_441 = arith.constant 0 : index
        %get3A_442 = tpu.vector_load %arg19[%get3A_440, %get3A_441] {strides = array<i32>} : memref<16x128xf32, #tpu.memory_space<vmem>>, vector<16xf32>,
        %get3A_443 = arith.constant 0 : i32
        %get3A_444 = arith.index_cast %get3A_443 : i32 to index
        %get3A_445 = arith.constant 0 : index
        %get3A_446 = tpu.vector_load %arg17[%get3A_444, %get3A_445] {strides = array<i32>} : memref<4x256xf32, #tpu.memory_space<vmem>>, vector<16xf32>,
        %mul3A_447 = arith.mulf %gather3A, %get3A_439 : vector<16xf32>
        %add3A_448 = arith.addf %get3A_446, %mul3A_447 : vector<16xf32>
        %swap3A_449 = arith.constant 0 : i32
        %swap3A_450 = arith.index_cast %swap3A_449 : i32 to index
        %swap3A_451 = arith.constant 0 : index
        %swap3A_452 = tpu.vector_load %arg17[%swap3A_450, %swap3A_451] {strides = array<i32>} : memref<4x256xf32, #tpu.memory_space<vmem>>, vector<16xf32>,
        tpu.vector_store %arg17[%swap3A_450, %swap3A_451], %add3A_448 {strides = array<i32>} : memref<4x256xf32, #tpu.memory_space<vmem>>, vector<16xf32>,
        %get3A_453 = arith.constant 0 : i32
        %get3A_454 = arith.index_cast %get3A_453 : i32 to index
        %get3A_455 = arith.constant 128 : index
        %get3A_456 = tpu.vector_load %arg17[%get3A_454, %get3A_455] {strides = array<i32>} : memref<4x256xf32, #tpu.memory_space<vmem>>, vector<16xf32>,
        %mul3A_457 = arith.mulf %gather3A, %get3A_442 : vector<16xf32>
        %add3A_458 = arith.addf %get3A_456, %mul3A_457 : vector<16xf32>
        %swap3A_459 = arith.constant 0 : i32
        %swap3A_460 = arith.index_cast %swap3A_459 : i32 to index
        %swap3A_461 = arith.constant 128 : index
        %swap3A_462 = tpu.vector_load %arg17[%swap3A_460, %swap3A_461] {strides = array<i32>} : memref<4x256xf32, #tpu.memory_space<vmem>>, vector<16xf32>,
        tpu.vector_store %arg17[%swap3A_460, %swap3A_461], %add3A_458 {strides = array<i32>} : memref<4x256xf32, #tpu.memory_space<vmem>>, vector<16xf32>,
        %get3A_463 = arith.constant 1 : i32
        %get3A_464 = arith.index_cast %get3A_463 : i32 to index
        %get3A_465 = arith.constant 0 : index
        %get3A_466 = tpu.vector_load %arg17[%get3A_464, %get3A_465] {strides = array<i32>} : memref<4x256xf32, #tpu.memory_space<vmem>>, vector<16xf32>,
        %mul3A_467 = arith.mulf %gather3A_428, %get3A_439 : vector<16xf32>
        %add3A_468 = arith.addf %get3A_466, %mul3A_467 : vector<16xf32>
        %swap3A_469 = arith.constant 1 : i32
        %swap3A_470 = arith.index_cast %swap3A_469 : i32 to index
        %swap3A_471 = arith.constant 0 : index
        %swap3A_472 = tpu.vector_load %arg17[%swap3A_470, %swap3A_471] {strides = array<i32>} : memref<4x256xf32, #tpu.memory_space<vmem>>, vector<16xf32>,
        tpu.vector_store %arg17[%swap3A_470, %swap3A_471], %add3A_468 {strides = array<i32>} : memref<4x256xf32, #tpu.memory_space<vmem>>, vector<16xf32>,
        %get3A_473 = arith.constant 1 : i32
        %get3A_474 = arith.index_cast %get3A_473 : i32 to index
        %get3A_475 = arith.constant 128 : index
        %get3A_476 = tpu.vector_load %arg17[%get3A_474, %get3A_475] {strides = array<i32>} : memref<4x256xf32, #tpu.memory_space<vmem>>, vector<16xf32>,
        %mul3A_477 = arith.mulf %gather3A_428, %get3A_442 : vector<16xf32>
        %add3A_478 = arith.addf %get3A_476, %mul3A_477 : vector<16xf32>
        %swap3A_479 = arith.constant 1 : i32
        %swap3A_480 = arith.index_cast %swap3A_479 : i32 to index
        %swap3A_481 = arith.constant 128 : index
        %swap3A_482 = tpu.vector_load %arg17[%swap3A_480, %swap3A_481] {strides = array<i32>} : memref<4x256xf32, #tpu.memory_space<vmem>>, vector<16xf32>,
        tpu.vector_store %arg17[%swap3A_480, %swap3A_481], %add3A_478 {strides = array<i32>} : memref<4x256xf32, #tpu.memory_space<vmem>>, vector<16xf32>,
        %get3A_483 = arith.constant 2 : i32
        %get3A_484 = arith.index_cast %get3A_483 : i32 to index
        %get3A_485 = arith.constant 0 : index
        %get3A_486 = tpu.vector_load %arg17[%get3A_484, %get3A_485] {strides = array<i32>} : memref<4x256xf32, #tpu.memory_space<vmem>>, vector<16xf32>,
        %mul3A_487 = arith.mulf %gather3A_432, %get3A_439 : vector<16xf32>
        %add3A_488 = arith.addf %get3A_486, %mul3A_487 : vector<16xf32>
        %swap3A_489 = arith.constant 2 : i32
        %swap3A_490 = arith.index_cast %swap3A_489 : i32 to index
        %swap3A_491 = arith.constant 0 : index
        %swap3A_492 = tpu.vector_load %arg17[%swap3A_490, %swap3A_491] {strides = array<i32>} : memref<4x256xf32, #tpu.memory_space<vmem>>, vector<16xf32>,
        tpu.vector_store %arg17[%swap3A_490, %swap3A_491], %add3A_488 {strides = array<i32>} : memref<4x256xf32, #tpu.memory_space<vmem>>, vector<16xf32>,
        %get3A_493 = arith.constant 2 : i32
        %get3A_494 = arith.index_cast %get3A_493 : i32 to index
        %get3A_495 = arith.constant 128 : index
        %get3A_496 = tpu.vector_load %arg17[%get3A_494, %get3A_495] {strides = array<i32>} : memref<4x256xf32, #tpu.memory_space<vmem>>, vector<16xf32>,
        %mul3A_497 = arith.mulf %gather3A_432, %get3A_442 : vector<16xf32>
        %add3A_498 = arith.addf %get3A_496, %mul3A_497 : vector<16xf32>
        %swap3A_499 = arith.constant 2 : i32
        %swap3A_500 = arith.index_cast %swap3A_499 : i32 to index
        %swap3A_501 = arith.constant 128 : index
        %swap3A_502 = tpu.vector_load %arg17[%swap3A_500, %swap3A_501] {strides = array<i32>} : memref<4x256xf32, #tpu.memory_space<vmem>>, vector<16xf32>,
        tpu.vector_store %arg17[%swap3A_500, %swap3A_501], %add3A_498 {strides = array<i32>} : memref<4x256xf32, #tpu.memory_space<vmem>>, vector<16xf32>,
        %get3A_503 = arith.constant 3 : i32
        %get3A_504 = arith.index_cast %get3A_503 : i32 to index
        %get3A_505 = arith.constant 0 : index
        %get3A_506 = tpu.vector_load %arg17[%get3A_504, %get3A_505] {strides = array<i32>} : memref<4x256xf32, #tpu.memory_space<vmem>>, vector<16xf32>,
        %mul3A_507 = arith.mulf %gather3A_436, %get3A_439 : vector<16xf32>
        %add3A_508 = arith.addf %get3A_506, %mul3A_507 : vector<16xf32>
        %swap3A_509 = arith.constant 3 : i32
        %swap3A_510 = arith.index_cast %swap3A_509 : i32 to index
        %swap3A_511 = arith.constant 0 : index
        %swap3A_512 = tpu.vector_load %arg17[%swap3A_510, %swap3A_511] {strides = array<i32>} : memref<4x256xf32, #tpu.memory_space<vmem>>, vector<16xf32>,
        tpu.vector_store %arg17[%swap3A_510, %swap3A_511], %add3A_508 {strides = array<i32>} : memref<4x256xf32, #tpu.memory_space<vmem>>, vector<16xf32>,
        %get3A_513 = arith.constant 3 : i32
        %get3A_514 = arith.index_cast %get3A_513 : i32 to index
        %get3A_515 = arith.constant 128 : index
        %get3A_516 = tpu.vector_load %arg17[%get3A_514, %get3A_515] {strides = array<i32>} : memref<4x256xf32, #tpu.memory_space<vmem>>, vector<16xf32>,
        %mul3A_517 = arith.mulf %gather3A_436, %get3A_442 : vector<16xf32>
        %add3A_518 = arith.addf %get3A_516, %mul3A_517 : vector<16xf32>
        %swap3A_519 = arith.constant 3 : i32
        %swap3A_520 = arith.index_cast %swap3A_519 : i32 to index
        %swap3A_521 = arith.constant 128 : index
        %swap3A_522 = tpu.vector_load %arg17[%swap3A_520, %swap3A_521] {strides = array<i32>} : memref<4x256xf32, #tpu.memory_space<vmem>>, vector<16xf32>,
        tpu.vector_store %arg17[%swap3A_520, %swap3A_521], %add3A_518 {strides = array<i32>} : memref<4x256xf32, #tpu.memory_space<vmem>>, vector<16xf32>,
        %get3A_523 = arith.index_cast %while3A_419 : i32 to index
        %get3A_524 = arith.constant 16 : index
        %get3A_525 = tpu.vector_load %arg18[%get3A_523, %get3A_524] {strides = array<i32>} : memref<16x128xf32, #tpu.memory_space<vmem>>, vector<16xf32>,
        %get3A_526 = arith.index_cast %while3A_419 : i32 to index
        %get3A_527 = arith.constant 16 : index
        %get3A_528 = tpu.vector_load %arg19[%get3A_526, %get3A_527] {strides = array<i32>} : memref<16x128xf32, #tpu.memory_space<vmem>>, vector<16xf32>,
        %get3A_529 = arith.constant 0 : i32
        %get3A_530 = arith.index_cast %get3A_529 : i32 to index
        %get3A_531 = arith.constant 16 : index
        %get3A_532 = tpu.vector_load %arg17[%get3A_530, %get3A_531] {strides = array<i32>} : memref<4x256xf32, #tpu.memory_space<vmem>>, vector<16xf32>,
        %mul3A_533 = arith.mulf %gather3A, %get3A_525 : vector<16xf32>
        %add3A_534 = arith.addf %get3A_532, %mul3A_533 : vector<16xf32>
        %swap3A_535 = arith.constant 0 : i32
        %swap3A_536 = arith.index_cast %swap3A_535 : i32 to index
        %swap3A_537 = arith.constant 16 : index
        %swap3A_538 = tpu.vector_load %arg17[%swap3A_536, %swap3A_537] {strides = array<i32>} : memref<4x256xf32, #tpu.memory_space<vmem>>, vector<16xf32>,
        tpu.vector_store %arg17[%swap3A_536, %swap3A_537], %add3A_534 {strides = array<i32>} : memref<4x256xf32, #tpu.memory_space<vmem>>, vector<16xf32>,
        %get3A_539 = arith.constant 0 : i32
        %get3A_540 = arith.index_cast %get3A_539 : i32 to index
        %get3A_541 = arith.constant 144 : index
        %get3A_542 = tpu.vector_load %arg17[%get3A_540, %get3A_541] {strides = array<i32>} : memref<4x256xf32, #tpu.memory_space<vmem>>, vector<16xf32>,
        %mul3A_543 = arith.mulf %gather3A, %get3A_528 : vector<16xf32>
        %add3A_544 = arith.addf %get3A_542, %mul3A_543 : vector<16xf32>
        %swap3A_545 = arith.constant 0 : i32
        %swap3A_546 = arith.index_cast %swap3A_545 : i32 to index
        %swap3A_547 = arith.constant 144 : index
        %swap3A_548 = tpu.vector_load %arg17[%swap3A_546, %swap3A_547] {strides = array<i32>} : memref<4x256xf32, #tpu.memory_space<vmem>>, vector<16xf32>,
        tpu.vector_store %arg17[%swap3A_546, %swap3A_547], %add3A_544 {strides = array<i32>} : memref<4x256xf32, #tpu.memory_space<vmem>>, vector<16xf32>,
        %get3A_549 = arith.constant 1 : i32
        %get3A_550 = arith.index_cast %get3A_549 : i32 to index
        %get3A_551 = arith.constant 16 : index
        %get3A_552 = tpu.vector_load %arg17[%get3A_550, %get3A_551] {strides = array<i32>} : memref<4x256xf32, #tpu.memory_space<vmem>>, vector<16xf32>,
        %mul3A_553 = arith.mulf %gather3A_428, %get3A_525 : vector<16xf32>
        %add3A_554 = arith.addf %get3A_552, %mul3A_553 : vector<16xf32>
        %swap3A_555 = arith.constant 1 : i32
        %swap3A_556 = arith.index_cast %swap3A_555 : i32 to index
        %swap3A_557 = arith.constant 16 : index
        %swap3A_558 = tpu.vector_load %arg17[%swap3A_556, %swap3A_557] {strides = array<i32>} : memref<4x256xf32, #tpu.memory_space<vmem>>, vector<16xf32>,
        tpu.vector_store %arg17[%swap3A_556, %swap3A_557], %add3A_554 {strides = array<i32>} : memref<4x256xf32, #tpu.memory_space<vmem>>, vector<16xf32>,
        %get3A_559 = arith.constant 1 : i32
        %get3A_560 = arith.index_cast %get3A_559 : i32 to index
        %get3A_561 = arith.constant 144 : index
        %get3A_562 = tpu.vector_load %arg17[%get3A_560, %get3A_561] {strides = array<i32>} : memref<4x256xf32, #tpu.memory_space<vmem>>, vector<16xf32>,
        %mul3A_563 = arith.mulf %gather3A_428, %get3A_528 : vector<16xf32>
        %add3A_564 = arith.addf %get3A_562, %mul3A_563 : vector<16xf32>
        %swap3A_565 = arith.constant 1 : i32
        %swap3A_566 = arith.index_cast %swap3A_565 : i32 to index
        %swap3A_567 = arith.constant 144 : index
        %swap3A_568 = tpu.vector_load %arg17[%swap3A_566, %swap3A_567] {strides = array<i32>} : memref<4x256xf32, #tpu.memory_space<vmem>>, vector<16xf32>,
        tpu.vector_store %arg17[%swap3A_566, %swap3A_567], %add3A_564 {strides = array<i32>} : memref<4x256xf32, #tpu.memory_space<vmem>>, vector<16xf32>,
        %get3A_569 = arith.constant 2 : i32
        %get3A_570 = arith.index_cast %get3A_569 : i32 to index
        %get3A_571 = arith.constant 16 : index
        %get3A_572 = tpu.vector_load %arg17[%get3A_570, %get3A_571] {strides = array<i32>} : memref<4x256xf32, #tpu.memory_space<vmem>>, vector<16xf32>,
        %mul3A_573 = arith.mulf %gather3A_432, %get3A_525 : vector<16xf32>
        %add3A_574 = arith.addf %get3A_572, %mul3A_573 : vector<16xf32>
        %swap3A_575 = arith.constant 2 : i32
        %swap3A_576 = arith.index_cast %swap3A_575 : i32 to index
        %swap3A_577 = arith.constant 16 : index
        %swap3A_578 = tpu.vector_load %arg17[%swap3A_576, %swap3A_577] {strides = array<i32>} : memref<4x256xf32, #tpu.memory_space<vmem>>, vector<16xf32>,
        tpu.vector_store %arg17[%swap3A_576, %swap3A_577], %add3A_574 {strides = array<i32>} : memref<4x256xf32, #tpu.memory_space<vmem>>, vector<16xf32>,
        %get3A_579 = arith.constant 2 : i32
        %get3A_580 = arith.index_cast %get3A_579 : i32 to index
        %get3A_581 = arith.constant 144 : index
        %get3A_582 = tpu.vector_load %arg17[%get3A_580, %get3A_581] {strides = array<i32>} : memref<4x256xf32, #tpu.memory_space<vmem>>, vector<16xf32>,
        %mul3A_583 = arith.mulf %gather3A_432, %get3A_528 : vector<16xf32>
        %add3A_584 = arith.addf %get3A_582, %mul3A_583 : vector<16xf32>
        %swap3A_585 = arith.constant 2 : i32
        %swap3A_586 = arith.index_cast %swap3A_585 : i32 to index
        %swap3A_587 = arith.constant 144 : index
        %swap3A_588 = tpu.vector_load %arg17[%swap3A_586, %swap3A_587] {strides = array<i32>} : memref<4x256xf32, #tpu.memory_space<vmem>>, vector<16xf32>,
        tpu.vector_store %arg17[%swap3A_586, %swap3A_587], %add3A_584 {strides = array<i32>} : memref<4x256xf32, #tpu.memory_space<vmem>>, vector<16xf32>,
        %get3A_589 = arith.constant 3 : i32
        %get3A_590 = arith.index_cast %get3A_589 : i32 to index
        %get3A_591 = arith.constant 16 : index
        %get3A_592 = tpu.vector_load %arg17[%get3A_590, %get3A_591] {strides = array<i32>} : memref<4x256xf32, #tpu.memory_space<vmem>>, vector<16xf32>,
        %mul3A_593 = arith.mulf %gather3A_436, %get3A_525 : vector<16xf32>
        %add3A_594 = arith.addf %get3A_592, %mul3A_593 : vector<16xf32>
        %swap3A_595 = arith.constant 3 : i32
        %swap3A_596 = arith.index_cast %swap3A_595 : i32 to index
        %swap3A_597 = arith.constant 16 : index
        %swap3A_598 = tpu.vector_load %arg17[%swap3A_596, %swap3A_597] {strides = array<i32>} : memref<4x256xf32, #tpu.memory_space<vmem>>, vector<16xf32>,
        tpu.vector_store %arg17[%swap3A_596, %swap3A_597], %add3A_594 {strides = array<i32>} : memref<4x256xf32, #tpu.memory_space<vmem>>, vector<16xf32>,
        %get3A_599 = arith.constant 3 : i32
        %get3A_600 = arith.index_cast %get3A_599 : i32 to index
        %get3A_601 = arith.constant 144 : index
        %get3A_602 = tpu.vector_load %arg17[%get3A_600, %get3A_601] {strides = array<i32>} : memref<4x256xf32, #tpu.memory_space<vmem>>, vector<16xf32>,
        %mul3A_603 = arith.mulf %gather3A_436, %get3A_528 : vector<16xf32>
        %add3A_604 = arith.addf %get3A_602, %mul3A_603 : vector<16xf32>
        %swap3A_605 = arith.constant 3 : i32
        %swap3A_606 = arith.index_cast %swap3A_605 : i32 to index
        %swap3A_607 = arith.constant 144 : index
        %swap3A_608 = tpu.vector_load %arg17[%swap3A_606, %swap3A_607] {strides = array<i32>} : memref<4x256xf32, #tpu.memory_space<vmem>>, vector<16xf32>,
        tpu.vector_store %arg17[%swap3A_606, %swap3A_607], %add3A_604 {strides = array<i32>} : memref<4x256xf32, #tpu.memory_space<vmem>>, vector<16xf32>,
        %get3A_609 = arith.index_cast %while3A_419 : i32 to index
        %get3A_610 = arith.constant 32 : index
        %get3A_611 = tpu.vector_load %arg18[%get3A_609, %get3A_610] {strides = array<i32>} : memref<16x128xf32, #tpu.memory_space<vmem>>, vector<16xf32>,
        %get3A_612 = arith.index_cast %while3A_419 : i32 to index
        %get3A_613 = arith.constant 32 : index
        %get3A_614 = tpu.vector_load %arg19[%get3A_612, %get3A_613] {strides = array<i32>} : memref<16x128xf32, #tpu.memory_space<vmem>>, vector<16xf32>,
        %get3A_615 = arith.constant 0 : i32
        %get3A_616 = arith.index_cast %get3A_615 : i32 to index
        %get3A_617 = arith.constant 32 : index
        %get3A_618 = tpu.vector_load %arg17[%get3A_616, %get3A_617] {strides = array<i32>} : memref<4x256xf32, #tpu.memory_space<vmem>>, vector<16xf32>,
        %mul3A_619 = arith.mulf %gather3A, %get3A_611 : vector<16xf32>
        %add3A_620 = arith.addf %get3A_618, %mul3A_619 : vector<16xf32>
        %swap3A_621 = arith.constant 0 : i32
        %swap3A_622 = arith.index_cast %swap3A_621 : i32 to index
        %swap3A_623 = arith.constant 32 : index
        %swap3A_624 = tpu.vector_load %arg17[%swap3A_622, %swap3A_623] {strides = array<i32>} : memref<4x256xf32, #tpu.memory_space<vmem>>, vector<16xf32>,
        tpu.vector_store %arg17[%swap3A_622, %swap3A_623], %add3A_620 {strides = array<i32>} : memref<4x256xf32, #tpu.memory_space<vmem>>, vector<16xf32>,
        %get3A_625 = arith.constant 0 : i32
        %get3A_626 = arith.index_cast %get3A_625 : i32 to index
        %get3A_627 = arith.constant 160 : index
        %get3A_628 = tpu.vector_load %arg17[%get3A_626, %get3A_627] {strides = array<i32>} : memref<4x256xf32, #tpu.memory_space<vmem>>, vector<16xf32>,
        %mul3A_629 = arith.mulf %gather3A, %get3A_614 : vector<16xf32>
        %add3A_630 = arith.addf %get3A_628, %mul3A_629 : vector<16xf32>
        %swap3A_631 = arith.constant 0 : i32
        %swap3A_632 = arith.index_cast %swap3A_631 : i32 to index
        %swap3A_633 = arith.constant 160 : index
        %swap3A_634 = tpu.vector_load %arg17[%swap3A_632, %swap3A_633] {strides = array<i32>} : memref<4x256xf32, #tpu.memory_space<vmem>>, vector<16xf32>,
        tpu.vector_store %arg17[%swap3A_632, %swap3A_633], %add3A_630 {strides = array<i32>} : memref<4x256xf32, #tpu.memory_space<vmem>>, vector<16xf32>,
        %get3A_635 = arith.constant 1 : i32
        %get3A_636 = arith.index_cast %get3A_635 : i32 to index
        %get3A_637 = arith.constant 32 : index
        %get3A_638 = tpu.vector_load %arg17[%get3A_636, %get3A_637] {strides = array<i32>} : memref<4x256xf32, #tpu.memory_space<vmem>>, vector<16xf32>,
        %mul3A_639 = arith.mulf %gather3A_428, %get3A_611 : vector<16xf32>
        %add3A_640 = arith.addf %get3A_638, %mul3A_639 : vector<16xf32>
        %swap3A_641 = arith.constant 1 : i32
        %swap3A_642 = arith.index_cast %swap3A_641 : i32 to index
        %swap3A_643 = arith.constant 32 : index
        %swap3A_644 = tpu.vector_load %arg17[%swap3A_642, %swap3A_643] {strides = array<i32>} : memref<4x256xf32, #tpu.memory_space<vmem>>, vector<16xf32>,
        tpu.vector_store %arg17[%swap3A_642, %swap3A_643], %add3A_640 {strides = array<i32>} : memref<4x256xf32, #tpu.memory_space<vmem>>, vector<16xf32>,
        %get3A_645 = arith.constant 1 : i32
        %get3A_646 = arith.index_cast %get3A_645 : i32 to index
        %get3A_647 = arith.constant 160 : index
        %get3A_648 = tpu.vector_load %arg17[%get3A_646, %get3A_647] {strides = array<i32>} : memref<4x256xf32, #tpu.memory_space<vmem>>, vector<16xf32>,
        %mul3A_649 = arith.mulf %gather3A_428, %get3A_614 : vector<16xf32>
        %add3A_650 = arith.addf %get3A_648, %mul3A_649 : vector<16xf32>
        %swap3A_651 = arith.constant 1 : i32
        %swap3A_652 = arith.index_cast %swap3A_651 : i32 to index
        %swap3A_653 = arith.constant 160 : index
        %swap3A_654 = tpu.vector_load %arg17[%swap3A_652, %swap3A_653] {strides = array<i32>} : memref<4x256xf32, #tpu.memory_space<vmem>>, vector<16xf32>,
        tpu.vector_store %arg17[%swap3A_652, %swap3A_653], %add3A_650 {strides = array<i32>} : memref<4x256xf32, #tpu.memory_space<vmem>>, vector<16xf32>,
        %get3A_655 = arith.constant 2 : i32
        %get3A_656 = arith.index_cast %get3A_655 : i32 to index
        %get3A_657 = arith.constant 32 : index
        %get3A_658 = tpu.vector_load %arg17[%get3A_656, %get3A_657] {strides = array<i32>} : memref<4x256xf32, #tpu.memory_space<vmem>>, vector<16xf32>,
        %mul3A_659 = arith.mulf %gather3A_432, %get3A_611 : vector<16xf32>
        %add3A_660 = arith.addf %get3A_658, %mul3A_659 : vector<16xf32>
        %swap3A_661 = arith.constant 2 : i32
        %swap3A_662 = arith.index_cast %swap3A_661 : i32 to index
        %swap3A_663 = arith.constant 32 : index
        %swap3A_664 = tpu.vector_load %arg17[%swap3A_662, %swap3A_663] {strides = array<i32>} : memref<4x256xf32, #tpu.memory_space<vmem>>, vector<16xf32>,
        tpu.vector_store %arg17[%swap3A_662, %swap3A_663], %add3A_660 {strides = array<i32>} : memref<4x256xf32, #tpu.memory_space<vmem>>, vector<16xf32>,
        %get3A_665 = arith.constant 2 : i32
        %get3A_666 = arith.index_cast %get3A_665 : i32 to index
        %get3A_667 = arith.constant 160 : index
        %get3A_668 = tpu.vector_load %arg17[%get3A_666, %get3A_667] {strides = array<i32>} : memref<4x256xf32, #tpu.memory_space<vmem>>, vector<16xf32>,
        %mul3A_669 = arith.mulf %gather3A_432, %get3A_614 : vector<16xf32>
        %add3A_670 = arith.addf %get3A_668, %mul3A_669 : vector<16xf32>
        %swap3A_671 = arith.constant 2 : i32
        %swap3A_672 = arith.index_cast %swap3A_671 : i32 to index
        %swap3A_673 = arith.constant 160 : index
        %swap3A_674 = tpu.vector_load %arg17[%swap3A_672, %swap3A_673] {strides = array<i32>} : memref<4x256xf32, #tpu.memory_space<vmem>>, vector<16xf32>,
        tpu.vector_store %arg17[%swap3A_672, %swap3A_673], %add3A_670 {strides = array<i32>} : memref<4x256xf32, #tpu.memory_space<vmem>>, vector<16xf32>,
        %get3A_675 = arith.constant 3 : i32
        %get3A_676 = arith.index_cast %get3A_675 : i32 to index
        %get3A_677 = arith.constant 32 : index
        %get3A_678 = tpu.vector_load %arg17[%get3A_676, %get3A_677] {strides = array<i32>} : memref<4x256xf32, #tpu.memory_space<vmem>>, vector<16xf32>,
        %mul3A_679 = arith.mulf %gather3A_436, %get3A_611 : vector<16xf32>
        %add3A_680 = arith.addf %get3A_678, %mul3A_679 : vector<16xf32>
        %swap3A_681 = arith.constant 3 : i32
        %swap3A_682 = arith.index_cast %swap3A_681 : i32 to index
        %swap3A_683 = arith.constant 32 : index
        %swap3A_684 = tpu.vector_load %arg17[%swap3A_682, %swap3A_683] {strides = array<i32>} : memref<4x256xf32, #tpu.memory_space<vmem>>, vector<16xf32>,
        tpu.vector_store %arg17[%swap3A_682, %swap3A_683], %add3A_680 {strides = array<i32>} : memref<4x256xf32, #tpu.memory_space<vmem>>, vector<16xf32>,
        %get3A_685 = arith.constant 3 : i32
        %get3A_686 = arith.index_cast %get3A_685 : i32 to index
        %get3A_687 = arith.constant 160 : index
        %get3A_688 = tpu.vector_load %arg17[%get3A_686, %get3A_687] {strides = array<i32>} : memref<4x256xf32, #tpu.memory_space<vmem>>, vector<16xf32>,
        %mul3A_689 = arith.mulf %gather3A_436, %get3A_614 : vector<16xf32>
        %add3A_690 = arith.addf %get3A_688, %mul3A_689 : vector<16xf32>
        %swap3A_691 = arith.constant 3 : i32
        %swap3A_692 = arith.index_cast %swap3A_691 : i32 to index
        %swap3A_693 = arith.constant 160 : index
        %swap3A_694 = tpu.vector_load %arg17[%swap3A_692, %swap3A_693] {strides = array<i32>} : memref<4x256xf32, #tpu.memory_space<vmem>>, vector<16xf32>,
        tpu.vector_store %arg17[%swap3A_692, %swap3A_693], %add3A_690 {strides = array<i32>} : memref<4x256xf32, #tpu.memory_space<vmem>>, vector<16xf32>,
        %get3A_695 = arith.index_cast %while3A_419 : i32 to index
        %get3A_696 = arith.constant 48 : index
        %get3A_697 = tpu.vector_load %arg18[%get3A_695, %get3A_696] {strides = array<i32>} : memref<16x128xf32, #tpu.memory_space<vmem>>, vector<16xf32>,
        %get3A_698 = arith.index_cast %while3A_419 : i32 to index
        %get3A_699 = arith.constant 48 : index
        %get3A_700 = tpu.vector_load %arg19[%get3A_698, %get3A_699] {strides = array<i32>} : memref<16x128xf32, #tpu.memory_space<vmem>>, vector<16xf32>,
        %get3A_701 = arith.constant 0 : i32
        %get3A_702 = arith.index_cast %get3A_701 : i32 to index
        %get3A_703 = arith.constant 48 : index
        %get3A_704 = tpu.vector_load %arg17[%get3A_702, %get3A_703] {strides = array<i32>} : memref<4x256xf32, #tpu.memory_space<vmem>>, vector<16xf32>,
        %mul3A_705 = arith.mulf %gather3A, %get3A_697 : vector<16xf32>
        %add3A_706 = arith.addf %get3A_704, %mul3A_705 : vector<16xf32>
        %swap3A_707 = arith.constant 0 : i32
        %swap3A_708 = arith.index_cast %swap3A_707 : i32 to index
        %swap3A_709 = arith.constant 48 : index
        %swap3A_710 = tpu.vector_load %arg17[%swap3A_708, %swap3A_709] {strides = array<i32>} : memref<4x256xf32, #tpu.memory_space<vmem>>, vector<16xf32>,
        tpu.vector_store %arg17[%swap3A_708, %swap3A_709], %add3A_706 {strides = array<i32>} : memref<4x256xf32, #tpu.memory_space<vmem>>, vector<16xf32>,
        %get3A_711 = arith.constant 0 : i32
        %get3A_712 = arith.index_cast %get3A_711 : i32 to index
        %get3A_713 = arith.constant 176 : index
        %get3A_714 = tpu.vector_load %arg17[%get3A_712, %get3A_713] {strides = array<i32>} : memref<4x256xf32, #tpu.memory_space<vmem>>, vector<16xf32>,
        %mul3A_715 = arith.mulf %gather3A, %get3A_700 : vector<16xf32>
        %add3A_716 = arith.addf %get3A_714, %mul3A_715 : vector<16xf32>
        %swap3A_717 = arith.constant 0 : i32
        %swap3A_718 = arith.index_cast %swap3A_717 : i32 to index
        %swap3A_719 = arith.constant 176 : index
        %swap3A_720 = tpu.vector_load %arg17[%swap3A_718, %swap3A_719] {strides = array<i32>} : memref<4x256xf32, #tpu.memory_space<vmem>>, vector<16xf32>,
        tpu.vector_store %arg17[%swap3A_718, %swap3A_719], %add3A_716 {strides = array<i32>} : memref<4x256xf32, #tpu.memory_space<vmem>>, vector<16xf32>,
        %get3A_721 = arith.constant 1 : i32
        %get3A_722 = arith.index_cast %get3A_721 : i32 to index
        %get3A_723 = arith.constant 48 : index
        %get3A_724 = tpu.vector_load %arg17[%get3A_722, %get3A_723] {strides = array<i32>} : memref<4x256xf32, #tpu.memory_space<vmem>>, vector<16xf32>,
        %mul3A_725 = arith.mulf %gather3A_428, %get3A_697 : vector<16xf32>
        %add3A_726 = arith.addf %get3A_724, %mul3A_725 : vector<16xf32>
        %swap3A_727 = arith.constant 1 : i32
        %swap3A_728 = arith.index_cast %swap3A_727 : i32 to index
        %swap3A_729 = arith.constant 48 : index
        %swap3A_730 = tpu.vector_load %arg17[%swap3A_728, %swap3A_729] {strides = array<i32>} : memref<4x256xf32, #tpu.memory_space<vmem>>, vector<16xf32>,
        tpu.vector_store %arg17[%swap3A_728, %swap3A_729], %add3A_726 {strides = array<i32>} : memref<4x256xf32, #tpu.memory_space<vmem>>, vector<16xf32>,
        %get3A_731 = arith.constant 1 : i32
        %get3A_732 = arith.index_cast %get3A_731 : i32 to index
        %get3A_733 = arith.constant 176 : index
        %get3A_734 = tpu.vector_load %arg17[%get3A_732, %get3A_733] {strides = array<i32>} : memref<4x256xf32, #tpu.memory_space<vmem>>, vector<16xf32>,
        %mul3A_735 = arith.mulf %gather3A_428, %get3A_700 : vector<16xf32>
        %add3A_736 = arith.addf %get3A_734, %mul3A_735 : vector<16xf32>
        %swap3A_737 = arith.constant 1 : i32
        %swap3A_738 = arith.index_cast %swap3A_737 : i32 to index
        %swap3A_739 = arith.constant 176 : index
        %swap3A_740 = tpu.vector_load %arg17[%swap3A_738, %swap3A_739] {strides = array<i32>} : memref<4x256xf32, #tpu.memory_space<vmem>>, vector<16xf32>,
        tpu.vector_store %arg17[%swap3A_738, %swap3A_739], %add3A_736 {strides = array<i32>} : memref<4x256xf32, #tpu.memory_space<vmem>>, vector<16xf32>,
        %get3A_741 = arith.constant 2 : i32
        %get3A_742 = arith.index_cast %get3A_741 : i32 to index
        %get3A_743 = arith.constant 48 : index
        %get3A_744 = tpu.vector_load %arg17[%get3A_742, %get3A_743] {strides = array<i32>} : memref<4x256xf32, #tpu.memory_space<vmem>>, vector<16xf32>,
        %mul3A_745 = arith.mulf %gather3A_432, %get3A_697 : vector<16xf32>
        %add3A_746 = arith.addf %get3A_744, %mul3A_745 : vector<16xf32>
        %swap3A_747 = arith.constant 2 : i32
        %swap3A_748 = arith.index_cast %swap3A_747 : i32 to index
        %swap3A_749 = arith.constant 48 : index
        %swap3A_750 = tpu.vector_load %arg17[%swap3A_748, %swap3A_749] {strides = array<i32>} : memref<4x256xf32, #tpu.memory_space<vmem>>, vector<16xf32>,
        tpu.vector_store %arg17[%swap3A_748, %swap3A_749], %add3A_746 {strides = array<i32>} : memref<4x256xf32, #tpu.memory_space<vmem>>, vector<16xf32>,
        %get3A_751 = arith.constant 2 : i32
        %get3A_752 = arith.index_cast %get3A_751 : i32 to index
        %get3A_753 = arith.constant 176 : index
        %get3A_754 = tpu.vector_load %arg17[%get3A_752, %get3A_753] {strides = array<i32>} : memref<4x256xf32, #tpu.memory_space<vmem>>, vector<16xf32>,
        %mul3A_755 = arith.mulf %gather3A_432, %get3A_700 : vector<16xf32>
        %add3A_756 = arith.addf %get3A_754, %mul3A_755 : vector<16xf32>
        %swap3A_757 = arith.constant 2 : i32
        %swap3A_758 = arith.index_cast %swap3A_757 : i32 to index
        %swap3A_759 = arith.constant 176 : index
        %swap3A_760 = tpu.vector_load %arg17[%swap3A_758, %swap3A_759] {strides = array<i32>} : memref<4x256xf32, #tpu.memory_space<vmem>>, vector<16xf32>,
        tpu.vector_store %arg17[%swap3A_758, %swap3A_759], %add3A_756 {strides = array<i32>} : memref<4x256xf32, #tpu.memory_space<vmem>>, vector<16xf32>,
        %get3A_761 = arith.constant 3 : i32
        %get3A_762 = arith.index_cast %get3A_761 : i32 to index
        %get3A_763 = arith.constant 48 : index
        %get3A_764 = tpu.vector_load %arg17[%get3A_762, %get3A_763] {strides = array<i32>} : memref<4x256xf32, #tpu.memory_space<vmem>>, vector<16xf32>,
        %mul3A_765 = arith.mulf %gather3A_436, %get3A_697 : vector<16xf32>
        %add3A_766 = arith.addf %get3A_764, %mul3A_765 : vector<16xf32>
        %swap3A_767 = arith.constant 3 : i32
        %swap3A_768 = arith.index_cast %swap3A_767 : i32 to index
        %swap3A_769 = arith.constant 48 : index
        %swap3A_770 = tpu.vector_load %arg17[%swap3A_768, %swap3A_769] {strides = array<i32>} : memref<4x256xf32, #tpu.memory_space<vmem>>, vector<16xf32>,
        tpu.vector_store %arg17[%swap3A_768, %swap3A_769], %add3A_766 {strides = array<i32>} : memref<4x256xf32, #tpu.memory_space<vmem>>, vector<16xf32>,
        %get3A_771 = arith.constant 3 : i32
        %get3A_772 = arith.index_cast %get3A_771 : i32 to index
        %get3A_773 = arith.constant 176 : index
        %get3A_774 = tpu.vector_load %arg17[%get3A_772, %get3A_773] {strides = array<i32>} : memref<4x256xf32, #tpu.memory_space<vmem>>, vector<16xf32>,
        %mul3A_775 = arith.mulf %gather3A_436, %get3A_700 : vector<16xf32>
        %add3A_776 = arith.addf %get3A_774, %mul3A_775 : vector<16xf32>
        %swap3A_777 = arith.constant 3 : i32
        %swap3A_778 = arith.index_cast %swap3A_777 : i32 to index
        %swap3A_779 = arith.constant 176 : index
        %swap3A_780 = tpu.vector_load %arg17[%swap3A_778, %swap3A_779] {strides = array<i32>} : memref<4x256xf32, #tpu.memory_space<vmem>>, vector<16xf32>,
        tpu.vector_store %arg17[%swap3A_778, %swap3A_779], %add3A_776 {strides = array<i32>} : memref<4x256xf32, #tpu.memory_space<vmem>>, vector<16xf32>,
        %get3A_781 = arith.index_cast %while3A_419 : i32 to index
        %get3A_782 = arith.constant 64 : index
        %get3A_783 = tpu.vector_load %arg18[%get3A_781, %get3A_782] {strides = array<i32>} : memref<16x128xf32, #tpu.memory_space<vmem>>, vector<16xf32>,
        %get3A_784 = arith.index_cast %while3A_419 : i32 to index
        %get3A_785 = arith.constant 64 : index
        %get3A_786 = tpu.vector_load %arg19[%get3A_784, %get3A_785] {strides = array<i32>} : memref<16x128xf32, #tpu.memory_space<vmem>>, vector<16xf32>,
        %get3A_787 = arith.constant 0 : i32
        %get3A_788 = arith.index_cast %get3A_787 : i32 to index
        %get3A_789 = arith.constant 64 : index
        %get3A_790 = tpu.vector_load %arg17[%get3A_788, %get3A_789] {strides = array<i32>} : memref<4x256xf32, #tpu.memory_space<vmem>>, vector<16xf32>,
        %mul3A_791 = arith.mulf %gather3A, %get3A_783 : vector<16xf32>
        %add3A_792 = arith.addf %get3A_790, %mul3A_791 : vector<16xf32>
        %swap3A_793 = arith.constant 0 : i32
        %swap3A_794 = arith.index_cast %swap3A_793 : i32 to index
        %swap3A_795 = arith.constant 64 : index
        %swap3A_796 = tpu.vector_load %arg17[%swap3A_794, %swap3A_795] {strides = array<i32>} : memref<4x256xf32, #tpu.memory_space<vmem>>, vector<16xf32>,
        tpu.vector_store %arg17[%swap3A_794, %swap3A_795], %add3A_792 {strides = array<i32>} : memref<4x256xf32, #tpu.memory_space<vmem>>, vector<16xf32>,
        %get3A_797 = arith.constant 0 : i32
        %get3A_798 = arith.index_cast %get3A_797 : i32 to index
        %get3A_799 = arith.constant 192 : index
        %get3A_800 = tpu.vector_load %arg17[%get3A_798, %get3A_799] {strides = array<i32>} : memref<4x256xf32, #tpu.memory_space<vmem>>, vector<16xf32>,
        %mul3A_801 = arith.mulf %gather3A, %get3A_786 : vector<16xf32>
        %add3A_802 = arith.addf %get3A_800, %mul3A_801 : vector<16xf32>
        %swap3A_803 = arith.constant 0 : i32
        %swap3A_804 = arith.index_cast %swap3A_803 : i32 to index
        %swap3A_805 = arith.constant 192 : index
        %swap3A_806 = tpu.vector_load %arg17[%swap3A_804, %swap3A_805] {strides = array<i32>} : memref<4x256xf32, #tpu.memory_space<vmem>>, vector<16xf32>,
        tpu.vector_store %arg17[%swap3A_804, %swap3A_805], %add3A_802 {strides = array<i32>} : memref<4x256xf32, #tpu.memory_space<vmem>>, vector<16xf32>,
        %get3A_807 = arith.constant 1 : i32
        %get3A_808 = arith.index_cast %get3A_807 : i32 to index
        %get3A_809 = arith.constant 64 : index
        %get3A_810 = tpu.vector_load %arg17[%get3A_808, %get3A_809] {strides = array<i32>} : memref<4x256xf32, #tpu.memory_space<vmem>>, vector<16xf32>,
        %mul3A_811 = arith.mulf %gather3A_428, %get3A_783 : vector<16xf32>
        %add3A_812 = arith.addf %get3A_810, %mul3A_811 : vector<16xf32>
        %swap3A_813 = arith.constant 1 : i32
        %swap3A_814 = arith.index_cast %swap3A_813 : i32 to index
        %swap3A_815 = arith.constant 64 : index
        %swap3A_816 = tpu.vector_load %arg17[%swap3A_814, %swap3A_815] {strides = array<i32>} : memref<4x256xf32, #tpu.memory_space<vmem>>, vector<16xf32>,
        tpu.vector_store %arg17[%swap3A_814, %swap3A_815], %add3A_812 {strides = array<i32>} : memref<4x256xf32, #tpu.memory_space<vmem>>, vector<16xf32>,
        %get3A_817 = arith.constant 1 : i32
        %get3A_818 = arith.index_cast %get3A_817 : i32 to index
        %get3A_819 = arith.constant 192 : index
        %get3A_820 = tpu.vector_load %arg17[%get3A_818, %get3A_819] {strides = array<i32>} : memref<4x256xf32, #tpu.memory_space<vmem>>, vector<16xf32>,
        %mul3A_821 = arith.mulf %gather3A_428, %get3A_786 : vector<16xf32>
        %add3A_822 = arith.addf %get3A_820, %mul3A_821 : vector<16xf32>
        %swap3A_823 = arith.constant 1 : i32
        %swap3A_824 = arith.index_cast %swap3A_823 : i32 to index
        %swap3A_825 = arith.constant 192 : index
        %swap3A_826 = tpu.vector_load %arg17[%swap3A_824, %swap3A_825] {strides = array<i32>} : memref<4x256xf32, #tpu.memory_space<vmem>>, vector<16xf32>,
        tpu.vector_store %arg17[%swap3A_824, %swap3A_825], %add3A_822 {strides = array<i32>} : memref<4x256xf32, #tpu.memory_space<vmem>>, vector<16xf32>,
        %get3A_827 = arith.constant 2 : i32
        %get3A_828 = arith.index_cast %get3A_827 : i32 to index
        %get3A_829 = arith.constant 64 : index
        %get3A_830 = tpu.vector_load %arg17[%get3A_828, %get3A_829] {strides = array<i32>} : memref<4x256xf32, #tpu.memory_space<vmem>>, vector<16xf32>,
        %mul3A_831 = arith.mulf %gather3A_432, %get3A_783 : vector<16xf32>
        %add3A_832 = arith.addf %get3A_830, %mul3A_831 : vector<16xf32>
        %swap3A_833 = arith.constant 2 : i32
        %swap3A_834 = arith.index_cast %swap3A_833 : i32 to index
        %swap3A_835 = arith.constant 64 : index
        %swap3A_836 = tpu.vector_load %arg17[%swap3A_834, %swap3A_835] {strides = array<i32>} : memref<4x256xf32, #tpu.memory_space<vmem>>, vector<16xf32>,
        tpu.vector_store %arg17[%swap3A_834, %swap3A_835], %add3A_832 {strides = array<i32>} : memref<4x256xf32, #tpu.memory_space<vmem>>, vector<16xf32>,
        %get3A_837 = arith.constant 2 : i32
        %get3A_838 = arith.index_cast %get3A_837 : i32 to index
        %get3A_839 = arith.constant 192 : index
        %get3A_840 = tpu.vector_load %arg17[%get3A_838, %get3A_839] {strides = array<i32>} : memref<4x256xf32, #tpu.memory_space<vmem>>, vector<16xf32>,
        %mul3A_841 = arith.mulf %gather3A_432, %get3A_786 : vector<16xf32>
        %add3A_842 = arith.addf %get3A_840, %mul3A_841 : vector<16xf32>
        %swap3A_843 = arith.constant 2 : i32
        %swap3A_844 = arith.index_cast %swap3A_843 : i32 to index
        %swap3A_845 = arith.constant 192 : index
        %swap3A_846 = tpu.vector_load %arg17[%swap3A_844, %swap3A_845] {strides = array<i32>} : memref<4x256xf32, #tpu.memory_space<vmem>>, vector<16xf32>,
        tpu.vector_store %arg17[%swap3A_844, %swap3A_845], %add3A_842 {strides = array<i32>} : memref<4x256xf32, #tpu.memory_space<vmem>>, vector<16xf32>,
        %get3A_847 = arith.constant 3 : i32
        %get3A_848 = arith.index_cast %get3A_847 : i32 to index
        %get3A_849 = arith.constant 64 : index
        %get3A_850 = tpu.vector_load %arg17[%get3A_848, %get3A_849] {strides = array<i32>} : memref<4x256xf32, #tpu.memory_space<vmem>>, vector<16xf32>,
        %mul3A_851 = arith.mulf %gather3A_436, %get3A_783 : vector<16xf32>
        %add3A_852 = arith.addf %get3A_850, %mul3A_851 : vector<16xf32>
        %swap3A_853 = arith.constant 3 : i32
        %swap3A_854 = arith.index_cast %swap3A_853 : i32 to index
        %swap3A_855 = arith.constant 64 : index
        %swap3A_856 = tpu.vector_load %arg17[%swap3A_854, %swap3A_855] {strides = array<i32>} : memref<4x256xf32, #tpu.memory_space<vmem>>, vector<16xf32>,
        tpu.vector_store %arg17[%swap3A_854, %swap3A_855], %add3A_852 {strides = array<i32>} : memref<4x256xf32, #tpu.memory_space<vmem>>, vector<16xf32>,
        %get3A_857 = arith.constant 3 : i32
        %get3A_858 = arith.index_cast %get3A_857 : i32 to index
        %get3A_859 = arith.constant 192 : index
        %get3A_860 = tpu.vector_load %arg17[%get3A_858, %get3A_859] {strides = array<i32>} : memref<4x256xf32, #tpu.memory_space<vmem>>, vector<16xf32>,
        %mul3A_861 = arith.mulf %gather3A_436, %get3A_786 : vector<16xf32>
        %add3A_862 = arith.addf %get3A_860, %mul3A_861 : vector<16xf32>
        %swap3A_863 = arith.constant 3 : i32
        %swap3A_864 = arith.index_cast %swap3A_863 : i32 to index
        %swap3A_865 = arith.constant 192 : index
        %swap3A_866 = tpu.vector_load %arg17[%swap3A_864, %swap3A_865] {strides = array<i32>} : memref<4x256xf32, #tpu.memory_space<vmem>>, vector<16xf32>,
        tpu.vector_store %arg17[%swap3A_864, %swap3A_865], %add3A_862 {strides = array<i32>} : memref<4x256xf32, #tpu.memory_space<vmem>>, vector<16xf32>,
        %get3A_867 = arith.index_cast %while3A_419 : i32 to index
        %get3A_868 = arith.constant 80 : index
        %get3A_869 = tpu.vector_load %arg18[%get3A_867, %get3A_868] {strides = array<i32>} : memref<16x128xf32, #tpu.memory_space<vmem>>, vector<16xf32>,
        %get3A_870 = arith.index_cast %while3A_419 : i32 to index
        %get3A_871 = arith.constant 80 : index
        %get3A_872 = tpu.vector_load %arg19[%get3A_870, %get3A_871] {strides = array<i32>} : memref<16x128xf32, #tpu.memory_space<vmem>>, vector<16xf32>,
        %get3A_873 = arith.constant 0 : i32
        %get3A_874 = arith.index_cast %get3A_873 : i32 to index
        %get3A_875 = arith.constant 80 : index
        %get3A_876 = tpu.vector_load %arg17[%get3A_874, %get3A_875] {strides = array<i32>} : memref<4x256xf32, #tpu.memory_space<vmem>>, vector<16xf32>,
        %mul3A_877 = arith.mulf %gather3A, %get3A_869 : vector<16xf32>
        %add3A_878 = arith.addf %get3A_876, %mul3A_877 : vector<16xf32>
        %swap3A_879 = arith.constant 0 : i32
        %swap3A_880 = arith.index_cast %swap3A_879 : i32 to index
        %swap3A_881 = arith.constant 80 : index
        %swap3A_882 = tpu.vector_load %arg17[%swap3A_880, %swap3A_881] {strides = array<i32>} : memref<4x256xf32, #tpu.memory_space<vmem>>, vector<16xf32>,
        tpu.vector_store %arg17[%swap3A_880, %swap3A_881], %add3A_878 {strides = array<i32>} : memref<4x256xf32, #tpu.memory_space<vmem>>, vector<16xf32>,
        %get3A_883 = arith.constant 0 : i32
        %get3A_884 = arith.index_cast %get3A_883 : i32 to index
        %get3A_885 = arith.constant 208 : index
        %get3A_886 = tpu.vector_load %arg17[%get3A_884, %get3A_885] {strides = array<i32>} : memref<4x256xf32, #tpu.memory_space<vmem>>, vector<16xf32>,
        %mul3A_887 = arith.mulf %gather3A, %get3A_872 : vector<16xf32>
        %add3A_888 = arith.addf %get3A_886, %mul3A_887 : vector<16xf32>
        %swap3A_889 = arith.constant 0 : i32
        %swap3A_890 = arith.index_cast %swap3A_889 : i32 to index
        %swap3A_891 = arith.constant 208 : index
        %swap3A_892 = tpu.vector_load %arg17[%swap3A_890, %swap3A_891] {strides = array<i32>} : memref<4x256xf32, #tpu.memory_space<vmem>>, vector<16xf32>,
        tpu.vector_store %arg17[%swap3A_890, %swap3A_891], %add3A_888 {strides = array<i32>} : memref<4x256xf32, #tpu.memory_space<vmem>>, vector<16xf32>,
        %get3A_893 = arith.constant 1 : i32
        %get3A_894 = arith.index_cast %get3A_893 : i32 to index
        %get3A_895 = arith.constant 80 : index
        %get3A_896 = tpu.vector_load %arg17[%get3A_894, %get3A_895] {strides = array<i32>} : memref<4x256xf32, #tpu.memory_space<vmem>>, vector<16xf32>,
        %mul3A_897 = arith.mulf %gather3A_428, %get3A_869 : vector<16xf32>
        %add3A_898 = arith.addf %get3A_896, %mul3A_897 : vector<16xf32>
        %swap3A_899 = arith.constant 1 : i32
        %swap3A_900 = arith.index_cast %swap3A_899 : i32 to index
        %swap3A_901 = arith.constant 80 : index
        %swap3A_902 = tpu.vector_load %arg17[%swap3A_900, %swap3A_901] {strides = array<i32>} : memref<4x256xf32, #tpu.memory_space<vmem>>, vector<16xf32>,
        tpu.vector_store %arg17[%swap3A_900, %swap3A_901], %add3A_898 {strides = array<i32>} : memref<4x256xf32, #tpu.memory_space<vmem>>, vector<16xf32>,
        %get3A_903 = arith.constant 1 : i32
        %get3A_904 = arith.index_cast %get3A_903 : i32 to index
        %get3A_905 = arith.constant 208 : index
        %get3A_906 = tpu.vector_load %arg17[%get3A_904, %get3A_905] {strides = array<i32>} : memref<4x256xf32, #tpu.memory_space<vmem>>, vector<16xf32>,
        %mul3A_907 = arith.mulf %gather3A_428, %get3A_872 : vector<16xf32>
        %add3A_908 = arith.addf %get3A_906, %mul3A_907 : vector<16xf32>
        %swap3A_909 = arith.constant 1 : i32
        %swap3A_910 = arith.index_cast %swap3A_909 : i32 to index
        %swap3A_911 = arith.constant 208 : index
        %swap3A_912 = tpu.vector_load %arg17[%swap3A_910, %swap3A_911] {strides = array<i32>} : memref<4x256xf32, #tpu.memory_space<vmem>>, vector<16xf32>,
        tpu.vector_store %arg17[%swap3A_910, %swap3A_911], %add3A_908 {strides = array<i32>} : memref<4x256xf32, #tpu.memory_space<vmem>>, vector<16xf32>,
        %get3A_913 = arith.constant 2 : i32
        %get3A_914 = arith.index_cast %get3A_913 : i32 to index
        %get3A_915 = arith.constant 80 : index
        %get3A_916 = tpu.vector_load %arg17[%get3A_914, %get3A_915] {strides = array<i32>} : memref<4x256xf32, #tpu.memory_space<vmem>>, vector<16xf32>,
        %mul3A_917 = arith.mulf %gather3A_432, %get3A_869 : vector<16xf32>
        %add3A_918 = arith.addf %get3A_916, %mul3A_917 : vector<16xf32>
        %swap3A_919 = arith.constant 2 : i32
        %swap3A_920 = arith.index_cast %swap3A_919 : i32 to index
        %swap3A_921 = arith.constant 80 : index
        %swap3A_922 = tpu.vector_load %arg17[%swap3A_920, %swap3A_921] {strides = array<i32>} : memref<4x256xf32, #tpu.memory_space<vmem>>, vector<16xf32>,
        tpu.vector_store %arg17[%swap3A_920, %swap3A_921], %add3A_918 {strides = array<i32>} : memref<4x256xf32, #tpu.memory_space<vmem>>, vector<16xf32>,
        %get3A_923 = arith.constant 2 : i32
        %get3A_924 = arith.index_cast %get3A_923 : i32 to index
        %get3A_925 = arith.constant 208 : index
        %get3A_926 = tpu.vector_load %arg17[%get3A_924, %get3A_925] {strides = array<i32>} : memref<4x256xf32, #tpu.memory_space<vmem>>, vector<16xf32>,
        %mul3A_927 = arith.mulf %gather3A_432, %get3A_872 : vector<16xf32>
        %add3A_928 = arith.addf %get3A_926, %mul3A_927 : vector<16xf32>
        %swap3A_929 = arith.constant 2 : i32
        %swap3A_930 = arith.index_cast %swap3A_929 : i32 to index
        %swap3A_931 = arith.constant 208 : index
        %swap3A_932 = tpu.vector_load %arg17[%swap3A_930, %swap3A_931] {strides = array<i32>} : memref<4x256xf32, #tpu.memory_space<vmem>>, vector<16xf32>,
        tpu.vector_store %arg17[%swap3A_930, %swap3A_931], %add3A_928 {strides = array<i32>} : memref<4x256xf32, #tpu.memory_space<vmem>>, vector<16xf32>,
        %get3A_933 = arith.constant 3 : i32
        %get3A_934 = arith.index_cast %get3A_933 : i32 to index
        %get3A_935 = arith.constant 80 : index
        %get3A_936 = tpu.vector_load %arg17[%get3A_934, %get3A_935] {strides = array<i32>} : memref<4x256xf32, #tpu.memory_space<vmem>>, vector<16xf32>,
        %mul3A_937 = arith.mulf %gather3A_436, %get3A_869 : vector<16xf32>
        %add3A_938 = arith.addf %get3A_936, %mul3A_937 : vector<16xf32>
        %swap3A_939 = arith.constant 3 : i32
        %swap3A_940 = arith.index_cast %swap3A_939 : i32 to index
        %swap3A_941 = arith.constant 80 : index
        %swap3A_942 = tpu.vector_load %arg17[%swap3A_940, %swap3A_941] {strides = array<i32>} : memref<4x256xf32, #tpu.memory_space<vmem>>, vector<16xf32>,
        tpu.vector_store %arg17[%swap3A_940, %swap3A_941], %add3A_938 {strides = array<i32>} : memref<4x256xf32, #tpu.memory_space<vmem>>, vector<16xf32>,
        %get3A_943 = arith.constant 3 : i32
        %get3A_944 = arith.index_cast %get3A_943 : i32 to index
        %get3A_945 = arith.constant 208 : index
        %get3A_946 = tpu.vector_load %arg17[%get3A_944, %get3A_945] {strides = array<i32>} : memref<4x256xf32, #tpu.memory_space<vmem>>, vector<16xf32>,
        %mul3A_947 = arith.mulf %gather3A_436, %get3A_872 : vector<16xf32>
        %add3A_948 = arith.addf %get3A_946, %mul3A_947 : vector<16xf32>
        %swap3A_949 = arith.constant 3 : i32
        %swap3A_950 = arith.index_cast %swap3A_949 : i32 to index
        %swap3A_951 = arith.constant 208 : index
        %swap3A_952 = tpu.vector_load %arg17[%swap3A_950, %swap3A_951] {strides = array<i32>} : memref<4x256xf32, #tpu.memory_space<vmem>>, vector<16xf32>,
        tpu.vector_store %arg17[%swap3A_950, %swap3A_951], %add3A_948 {strides = array<i32>} : memref<4x256xf32, #tpu.memory_space<vmem>>, vector<16xf32>,
        %get3A_953 = arith.index_cast %while3A_419 : i32 to index
        %get3A_954 = arith.constant 96 : index
        %get3A_955 = tpu.vector_load %arg18[%get3A_953, %get3A_954] {strides = array<i32>} : memref<16x128xf32, #tpu.memory_space<vmem>>, vector<16xf32>,
        %get3A_956 = arith.index_cast %while3A_419 : i32 to index
        %get3A_957 = arith.constant 96 : index
        %get3A_958 = tpu.vector_load %arg19[%get3A_956, %get3A_957] {strides = array<i32>} : memref<16x128xf32, #tpu.memory_space<vmem>>, vector<16xf32>,
        %get3A_959 = arith.constant 0 : i32
        %get3A_960 = arith.index_cast %get3A_959 : i32 to index
        %get3A_961 = arith.constant 96 : index
        %get3A_962 = tpu.vector_load %arg17[%get3A_960, %get3A_961] {strides = array<i32>} : memref<4x256xf32, #tpu.memory_space<vmem>>, vector<16xf32>,
        %mul3A_963 = arith.mulf %gather3A, %get3A_955 : vector<16xf32>
        %add3A_964 = arith.addf %get3A_962, %mul3A_963 : vector<16xf32>
        %swap3A_965 = arith.constant 0 : i32
        %swap3A_966 = arith.index_cast %swap3A_965 : i32 to index
        %swap3A_967 = arith.constant 96 : index
        %swap3A_968 = tpu.vector_load %arg17[%swap3A_966, %swap3A_967] {strides = array<i32>} : memref<4x256xf32, #tpu.memory_space<vmem>>, vector<16xf32>,
        tpu.vector_store %arg17[%swap3A_966, %swap3A_967], %add3A_964 {strides = array<i32>} : memref<4x256xf32, #tpu.memory_space<vmem>>, vector<16xf32>,
        %get3A_969 = arith.constant 0 : i32
        %get3A_970 = arith.index_cast %get3A_969 : i32 to index
        %get3A_971 = arith.constant 224 : index
        %get3A_972 = tpu.vector_load %arg17[%get3A_970, %get3A_971] {strides = array<i32>} : memref<4x256xf32, #tpu.memory_space<vmem>>, vector<16xf32>,
        %mul3A_973 = arith.mulf %gather3A, %get3A_958 : vector<16xf32>
        %add3A_974 = arith.addf %get3A_972, %mul3A_973 : vector<16xf32>
        %swap3A_975 = arith.constant 0 : i32
        %swap3A_976 = arith.index_cast %swap3A_975 : i32 to index
        %swap3A_977 = arith.constant 224 : index
        %swap3A_978 = tpu.vector_load %arg17[%swap3A_976, %swap3A_977] {strides = array<i32>} : memref<4x256xf32, #tpu.memory_space<vmem>>, vector<16xf32>,
        tpu.vector_store %arg17[%swap3A_976, %swap3A_977], %add3A_974 {strides = array<i32>} : memref<4x256xf32, #tpu.memory_space<vmem>>, vector<16xf32>,
        %get3A_979 = arith.constant 1 : i32
        %get3A_980 = arith.index_cast %get3A_979 : i32 to index
        %get3A_981 = arith.constant 96 : index
        %get3A_982 = tpu.vector_load %arg17[%get3A_980, %get3A_981] {strides = array<i32>} : memref<4x256xf32, #tpu.memory_space<vmem>>, vector<16xf32>,
        %mul3A_983 = arith.mulf %gather3A_428, %get3A_955 : vector<16xf32>
        %add3A_984 = arith.addf %get3A_982, %mul3A_983 : vector<16xf32>
        %swap3A_985 = arith.constant 1 : i32
        %swap3A_986 = arith.index_cast %swap3A_985 : i32 to index
        %swap3A_987 = arith.constant 96 : index
        %swap3A_988 = tpu.vector_load %arg17[%swap3A_986, %swap3A_987] {strides = array<i32>} : memref<4x256xf32, #tpu.memory_space<vmem>>, vector<16xf32>,
        tpu.vector_store %arg17[%swap3A_986, %swap3A_987], %add3A_984 {strides = array<i32>} : memref<4x256xf32, #tpu.memory_space<vmem>>, vector<16xf32>,
        %get3A_989 = arith.constant 1 : i32
        %get3A_990 = arith.index_cast %get3A_989 : i32 to index
        %get3A_991 = arith.constant 224 : index
        %get3A_992 = tpu.vector_load %arg17[%get3A_990, %get3A_991] {strides = array<i32>} : memref<4x256xf32, #tpu.memory_space<vmem>>, vector<16xf32>,
        %mul3A_993 = arith.mulf %gather3A_428, %get3A_958 : vector<16xf32>
        %add3A_994 = arith.addf %get3A_992, %mul3A_993 : vector<16xf32>
        %swap3A_995 = arith.constant 1 : i32
        %swap3A_996 = arith.index_cast %swap3A_995 : i32 to index
        %swap3A_997 = arith.constant 224 : index
        %swap3A_998 = tpu.vector_load %arg17[%swap3A_996, %swap3A_997] {strides = array<i32>} : memref<4x256xf32, #tpu.memory_space<vmem>>, vector<16xf32>,
        tpu.vector_store %arg17[%swap3A_996, %swap3A_997], %add3A_994 {strides = array<i32>} : memref<4x256xf32, #tpu.memory_space<vmem>>, vector<16xf32>,
        %get3A_999 = arith.constant 2 : i32
        %get3A_1000 = arith.index_cast %get3A_999 : i32 to index
        %get3A_1001 = arith.constant 96 : index
        %get3A_1002 = tpu.vector_load %arg17[%get3A_1000, %get3A_1001] {strides = array<i32>} : memref<4x256xf32, #tpu.memory_space<vmem>>, vector<16xf32>,
        %mul3A_1003 = arith.mulf %gather3A_432, %get3A_955 : vector<16xf32>
        %add3A_1004 = arith.addf %get3A_1002, %mul3A_1003 : vector<16xf32>
        %swap3A_1005 = arith.constant 2 : i32
        %swap3A_1006 = arith.index_cast %swap3A_1005 : i32 to index
        %swap3A_1007 = arith.constant 96 : index
        %swap3A_1008 = tpu.vector_load %arg17[%swap3A_1006, %swap3A_1007] {strides = array<i32>} : memref<4x256xf32, #tpu.memory_space<vmem>>, vector<16xf32>,
        tpu.vector_store %arg17[%swap3A_1006, %swap3A_1007], %add3A_1004 {strides = array<i32>} : memref<4x256xf32, #tpu.memory_space<vmem>>, vector<16xf32>,
        %get3A_1009 = arith.constant 2 : i32
        %get3A_1010 = arith.index_cast %get3A_1009 : i32 to index
        %get3A_1011 = arith.constant 224 : index
        %get3A_1012 = tpu.vector_load %arg17[%get3A_1010, %get3A_1011] {strides = array<i32>} : memref<4x256xf32, #tpu.memory_space<vmem>>, vector<16xf32>,
        %mul3A_1013 = arith.mulf %gather3A_432, %get3A_958 : vector<16xf32>
        %add3A_1014 = arith.addf %get3A_1012, %mul3A_1013 : vector<16xf32>
        %swap3A_1015 = arith.constant 2 : i32
        %swap3A_1016 = arith.index_cast %swap3A_1015 : i32 to index
        %swap3A_1017 = arith.constant 224 : index
        %swap3A_1018 = tpu.vector_load %arg17[%swap3A_1016, %swap3A_1017] {strides = array<i32>} : memref<4x256xf32, #tpu.memory_space<vmem>>, vector<16xf32>,
        tpu.vector_store %arg17[%swap3A_1016, %swap3A_1017], %add3A_1014 {strides = array<i32>} : memref<4x256xf32, #tpu.memory_space<vmem>>, vector<16xf32>,
        %get3A_1019 = arith.constant 3 : i32
        %get3A_1020 = arith.index_cast %get3A_1019 : i32 to index
        %get3A_1021 = arith.constant 96 : index
        %get3A_1022 = tpu.vector_load %arg17[%get3A_1020, %get3A_1021] {strides = array<i32>} : memref<4x256xf32, #tpu.memory_space<vmem>>, vector<16xf32>,
        %mul3A_1023 = arith.mulf %gather3A_436, %get3A_955 : vector<16xf32>
        %add3A_1024 = arith.addf %get3A_1022, %mul3A_1023 : vector<16xf32>
        %swap3A_1025 = arith.constant 3 : i32
        %swap3A_1026 = arith.index_cast %swap3A_1025 : i32 to index
        %swap3A_1027 = arith.constant 96 : index
        %swap3A_1028 = tpu.vector_load %arg17[%swap3A_1026, %swap3A_1027] {strides = array<i32>} : memref<4x256xf32, #tpu.memory_space<vmem>>, vector<16xf32>,
        tpu.vector_store %arg17[%swap3A_1026, %swap3A_1027], %add3A_1024 {strides = array<i32>} : memref<4x256xf32, #tpu.memory_space<vmem>>, vector<16xf32>,
        %get3A_1029 = arith.constant 3 : i32
        %get3A_1030 = arith.index_cast %get3A_1029 : i32 to index
        %get3A_1031 = arith.constant 224 : index
        %get3A_1032 = tpu.vector_load %arg17[%get3A_1030, %get3A_1031] {strides = array<i32>} : memref<4x256xf32, #tpu.memory_space<vmem>>, vector<16xf32>,
        %mul3A_1033 = arith.mulf %gather3A_436, %get3A_958 : vector<16xf32>
        %add3A_1034 = arith.addf %get3A_1032, %mul3A_1033 : vector<16xf32>
        %swap3A_1035 = arith.constant 3 : i32
        %swap3A_1036 = arith.index_cast %swap3A_1035 : i32 to index
        %swap3A_1037 = arith.constant 224 : index
        %swap3A_1038 = tpu.vector_load %arg17[%swap3A_1036, %swap3A_1037] {strides = array<i32>} : memref<4x256xf32, #tpu.memory_space<vmem>>, vector<16xf32>,
        tpu.vector_store %arg17[%swap3A_1036, %swap3A_1037], %add3A_1034 {strides = array<i32>} : memref<4x256xf32, #tpu.memory_space<vmem>>, vector<16xf32>,
        %get3A_1039 = arith.index_cast %while3A_419 : i32 to index
        %get3A_1040 = arith.constant 112 : index
        %get3A_1041 = tpu.vector_load %arg18[%get3A_1039, %get3A_1040] {strides = array<i32>} : memref<16x128xf32, #tpu.memory_space<vmem>>, vector<16xf32>,
        %get3A_1042 = arith.index_cast %while3A_419 : i32 to index
        %get3A_1043 = arith.constant 112 : index
        %get3A_1044 = tpu.vector_load %arg19[%get3A_1042, %get3A_1043] {strides = array<i32>} : memref<16x128xf32, #tpu.memory_space<vmem>>, vector<16xf32>,
        %get3A_1045 = arith.constant 0 : i32
        %get3A_1046 = arith.index_cast %get3A_1045 : i32 to index
        %get3A_1047 = arith.constant 112 : index
        %get3A_1048 = tpu.vector_load %arg17[%get3A_1046, %get3A_1047] {strides = array<i32>} : memref<4x256xf32, #tpu.memory_space<vmem>>, vector<16xf32>,
        %mul3A_1049 = arith.mulf %gather3A, %get3A_1041 : vector<16xf32>
        %add3A_1050 = arith.addf %get3A_1048, %mul3A_1049 : vector<16xf32>
        %swap3A_1051 = arith.constant 0 : i32
        %swap3A_1052 = arith.index_cast %swap3A_1051 : i32 to index
        %swap3A_1053 = arith.constant 112 : index
        %swap3A_1054 = tpu.vector_load %arg17[%swap3A_1052, %swap3A_1053] {strides = array<i32>} : memref<4x256xf32, #tpu.memory_space<vmem>>, vector<16xf32>,
        tpu.vector_store %arg17[%swap3A_1052, %swap3A_1053], %add3A_1050 {strides = array<i32>} : memref<4x256xf32, #tpu.memory_space<vmem>>, vector<16xf32>,
        %get3A_1055 = arith.constant 0 : i32
        %get3A_1056 = arith.index_cast %get3A_1055 : i32 to index
        %get3A_1057 = arith.constant 240 : index
        %get3A_1058 = tpu.vector_load %arg17[%get3A_1056, %get3A_1057] {strides = array<i32>} : memref<4x256xf32, #tpu.memory_space<vmem>>, vector<16xf32>,
        %mul3A_1059 = arith.mulf %gather3A, %get3A_1044 : vector<16xf32>
        %add3A_1060 = arith.addf %get3A_1058, %mul3A_1059 : vector<16xf32>
        %swap3A_1061 = arith.constant 0 : i32
        %swap3A_1062 = arith.index_cast %swap3A_1061 : i32 to index
        %swap3A_1063 = arith.constant 240 : index
        %swap3A_1064 = tpu.vector_load %arg17[%swap3A_1062, %swap3A_1063] {strides = array<i32>} : memref<4x256xf32, #tpu.memory_space<vmem>>, vector<16xf32>,
        tpu.vector_store %arg17[%swap3A_1062, %swap3A_1063], %add3A_1060 {strides = array<i32>} : memref<4x256xf32, #tpu.memory_space<vmem>>, vector<16xf32>,
        %get3A_1065 = arith.constant 1 : i32
        %get3A_1066 = arith.index_cast %get3A_1065 : i32 to index
        %get3A_1067 = arith.constant 112 : index
        %get3A_1068 = tpu.vector_load %arg17[%get3A_1066, %get3A_1067] {strides = array<i32>} : memref<4x256xf32, #tpu.memory_space<vmem>>, vector<16xf32>,
        %mul3A_1069 = arith.mulf %gather3A_428, %get3A_1041 : vector<16xf32>
        %add3A_1070 = arith.addf %get3A_1068, %mul3A_1069 : vector<16xf32>
        %swap3A_1071 = arith.constant 1 : i32
        %swap3A_1072 = arith.index_cast %swap3A_1071 : i32 to index
        %swap3A_1073 = arith.constant 112 : index
        %swap3A_1074 = tpu.vector_load %arg17[%swap3A_1072, %swap3A_1073] {strides = array<i32>} : memref<4x256xf32, #tpu.memory_space<vmem>>, vector<16xf32>,
        tpu.vector_store %arg17[%swap3A_1072, %swap3A_1073], %add3A_1070 {strides = array<i32>} : memref<4x256xf32, #tpu.memory_space<vmem>>, vector<16xf32>,
        %get3A_1075 = arith.constant 1 : i32
        %get3A_1076 = arith.index_cast %get3A_1075 : i32 to index
        %get3A_1077 = arith.constant 240 : index
        %get3A_1078 = tpu.vector_load %arg17[%get3A_1076, %get3A_1077] {strides = array<i32>} : memref<4x256xf32, #tpu.memory_space<vmem>>, vector<16xf32>,
        %mul3A_1079 = arith.mulf %gather3A_428, %get3A_1044 : vector<16xf32>
        %add3A_1080 = arith.addf %get3A_1078, %mul3A_1079 : vector<16xf32>
        %swap3A_1081 = arith.constant 1 : i32
        %swap3A_1082 = arith.index_cast %swap3A_1081 : i32 to index
        %swap3A_1083 = arith.constant 240 : index
        %swap3A_1084 = tpu.vector_load %arg17[%swap3A_1082, %swap3A_1083] {strides = array<i32>} : memref<4x256xf32, #tpu.memory_space<vmem>>, vector<16xf32>,
        tpu.vector_store %arg17[%swap3A_1082, %swap3A_1083], %add3A_1080 {strides = array<i32>} : memref<4x256xf32, #tpu.memory_space<vmem>>, vector<16xf32>,
        %get3A_1085 = arith.constant 2 : i32
        %get3A_1086 = arith.index_cast %get3A_1085 : i32 to index
        %get3A_1087 = arith.constant 112 : index
        %get3A_1088 = tpu.vector_load %arg17[%get3A_1086, %get3A_1087] {strides = array<i32>} : memref<4x256xf32, #tpu.memory_space<vmem>>, vector<16xf32>,
        %mul3A_1089 = arith.mulf %gather3A_432, %get3A_1041 : vector<16xf32>
        %add3A_1090 = arith.addf %get3A_1088, %mul3A_1089 : vector<16xf32>
        %swap3A_1091 = arith.constant 2 : i32
        %swap3A_1092 = arith.index_cast %swap3A_1091 : i32 to index
        %swap3A_1093 = arith.constant 112 : index
        %swap3A_1094 = tpu.vector_load %arg17[%swap3A_1092, %swap3A_1093] {strides = array<i32>} : memref<4x256xf32, #tpu.memory_space<vmem>>, vector<16xf32>,
        tpu.vector_store %arg17[%swap3A_1092, %swap3A_1093], %add3A_1090 {strides = array<i32>} : memref<4x256xf32, #tpu.memory_space<vmem>>, vector<16xf32>,
        %get3A_1095 = arith.constant 2 : i32
        %get3A_1096 = arith.index_cast %get3A_1095 : i32 to index
        %get3A_1097 = arith.constant 240 : index
        %get3A_1098 = tpu.vector_load %arg17[%get3A_1096, %get3A_1097] {strides = array<i32>} : memref<4x256xf32, #tpu.memory_space<vmem>>, vector<16xf32>,
        %mul3A_1099 = arith.mulf %gather3A_432, %get3A_1044 : vector<16xf32>
        %add3A_1100 = arith.addf %get3A_1098, %mul3A_1099 : vector<16xf32>
        %swap3A_1101 = arith.constant 2 : i32
        %swap3A_1102 = arith.index_cast %swap3A_1101 : i32 to index
        %swap3A_1103 = arith.constant 240 : index
        %swap3A_1104 = tpu.vector_load %arg17[%swap3A_1102, %swap3A_1103] {strides = array<i32>} : memref<4x256xf32, #tpu.memory_space<vmem>>, vector<16xf32>,
        tpu.vector_store %arg17[%swap3A_1102, %swap3A_1103], %add3A_1100 {strides = array<i32>} : memref<4x256xf32, #tpu.memory_space<vmem>>, vector<16xf32>,
        %get3A_1105 = arith.constant 3 : i32
        %get3A_1106 = arith.index_cast %get3A_1105 : i32 to index
        %get3A_1107 = arith.constant 112 : index
        %get3A_1108 = tpu.vector_load %arg17[%get3A_1106, %get3A_1107] {strides = array<i32>} : memref<4x256xf32, #tpu.memory_space<vmem>>, vector<16xf32>,
        %mul3A_1109 = arith.mulf %gather3A_436, %get3A_1041 : vector<16xf32>
        %add3A_1110 = arith.addf %get3A_1108, %mul3A_1109 : vector<16xf32>
        %swap3A_1111 = arith.constant 3 : i32
        %swap3A_1112 = arith.index_cast %swap3A_1111 : i32 to index
        %swap3A_1113 = arith.constant 112 : index
        %swap3A_1114 = tpu.vector_load %arg17[%swap3A_1112, %swap3A_1113] {strides = array<i32>} : memref<4x256xf32, #tpu.memory_space<vmem>>, vector<16xf32>,
        tpu.vector_store %arg17[%swap3A_1112, %swap3A_1113], %add3A_1110 {strides = array<i32>} : memref<4x256xf32, #tpu.memory_space<vmem>>, vector<16xf32>,
        %get3A_1115 = arith.constant 3 : i32
        %get3A_1116 = arith.index_cast %get3A_1115 : i32 to index
        %get3A_1117 = arith.constant 240 : index
        %get3A_1118 = tpu.vector_load %arg17[%get3A_1116, %get3A_1117] {strides = array<i32>} : memref<4x256xf32, #tpu.memory_space<vmem>>, vector<16xf32>,
        %mul3A_1119 = arith.mulf %gather3A_436, %get3A_1044 : vector<16xf32>
        %add3A_1120 = arith.addf %get3A_1118, %mul3A_1119 : vector<16xf32>
        %swap3A_1121 = arith.constant 3 : i32
        %swap3A_1122 = arith.index_cast %swap3A_1121 : i32 to index
        %swap3A_1123 = arith.constant 240 : index
        %swap3A_1124 = tpu.vector_load %arg17[%swap3A_1122, %swap3A_1123] {strides = array<i32>} : memref<4x256xf32, #tpu.memory_space<vmem>>, vector<16xf32>,
        tpu.vector_store %arg17[%swap3A_1122, %swap3A_1123], %add3A_1120 {strides = array<i32>} : memref<4x256xf32, #tpu.memory_space<vmem>>, vector<16xf32>,
        %while3A_1125 = arith.constant 0 : i32
        scf.yield %while3A_1125 : i32
      }
      %while3A_418 = arith.constant 0 : i32
      scf.yield %while3A_418 : i32
    }
    %while3A_352 = arith.constant 1 : i32
    %while3A_353 = scf.for %while3A_358 = %while3A_349 to %while3A_345 step %while3A_352 iter_args(%while3A_359 = %while3A_351) -> (i32)  : i32 {
      %mul3A_360 = arith.constant 16 : i32
      %mul3A_361 = arith.muli %while3A_358, %mul3A_360 : i32
      %get3A_362 = arith.index_cast %mul3A_361 : i32 to index
      %get3A_363 = tpu.vector_load %arg15[%get3A_362] {strides = array<i32>} : memref<10016xi32, #tpu.memory_space<vmem>>, vector<16xi32>,
      %broadcast_in_dim3A_364 = arith.constant 0 : i32
      %broadcast_in_dim3A_365 = vector.broadcast %broadcast_in_dim3A_364 : i32 to vector<16xi32>
      %add3A_366 = arith.addi %get3A_363, %broadcast_in_dim3A_365 : vector<16xi32>
      %swap3A_367 = arith.constant 0 : index
      %swap3A_368 = tpu.vector_load %arg16[%swap3A_367] {strides = array<i32>} : memref<64xi32, #tpu.memory_space<vmem>>, vector<16xi32>,
      tpu.vector_store %arg16[%swap3A_367], %add3A_366 {strides = array<i32>} : memref<64xi32, #tpu.memory_space<vmem>>, vector<16xi32>,
      %broadcast_in_dim3A_369 = arith.constant 20000 : i32
      %broadcast_in_dim3A_370 = vector.broadcast %broadcast_in_dim3A_369 : i32 to vector<16xi32>
      %add3A_371 = arith.addi %get3A_363, %broadcast_in_dim3A_370 : vector<16xi32>
      %swap3A_372 = arith.constant 16 : index
      %swap3A_373 = tpu.vector_load %arg16[%swap3A_372] {strides = array<i32>} : memref<64xi32, #tpu.memory_space<vmem>>, vector<16xi32>,
      tpu.vector_store %arg16[%swap3A_372], %add3A_371 {strides = array<i32>} : memref<64xi32, #tpu.memory_space<vmem>>, vector<16xi32>,
      %broadcast_in_dim3A_374 = arith.constant 40000 : i32
      %broadcast_in_dim3A_375 = vector.broadcast %broadcast_in_dim3A_374 : i32 to vector<16xi32>
      %add3A_376 = arith.addi %get3A_363, %broadcast_in_dim3A_375 : vector<16xi32>
      %swap3A_377 = arith.constant 32 : index
      %swap3A_378 = tpu.vector_load %arg16[%swap3A_377] {strides = array<i32>} : memref<64xi32, #tpu.memory_space<vmem>>, vector<16xi32>,
      tpu.vector_store %arg16[%swap3A_377], %add3A_376 {strides = array<i32>} : memref<64xi32, #tpu.memory_space<vmem>>, vector<16xi32>,
      %broadcast_in_dim3A_379 = arith.constant 60000 : i32
      %broadcast_in_dim3A_380 = vector.broadcast %broadcast_in_dim3A_379 : i32 to vector<16xi32>
      %add3A_381 = arith.addi %get3A_363, %broadcast_in_dim3A_380 : vector<16xi32>
      %swap3A_382 = arith.constant 48 : index
      %swap3A_383 = tpu.vector_load %arg16[%swap3A_382] {strides = array<i32>} : memref<64xi32, #tpu.memory_space<vmem>>, vector<16xi32>,
      tpu.vector_store %arg16[%swap3A_382], %add3A_381 {strides = array<i32>} : memref<64xi32, #tpu.memory_space<vmem>>, vector<16xi32>,
      %dma_start3A_384 = tpu.memref_slice %arg13[%mul3A_361] : memref<10016xi32, #tpu.memory_space<vmem>> -> memref<16xi32, #tpu.memory_space<vmem>>
      %dma_start3A_385 = arith.constant 0 : i32
      %dma_start3A_386 = arith.constant 0 : i32
      %dma_start3A_387 = tpu.memref_slice %arg4[%dma_start3A_385, %dma_start3A_386] : memref<100000x128xf32, #tpu.memory_space<hbm>> -> memref<100000x128xf32, #tpu.memory_space<hbm>>
      tpu.enqueue_indirect_dma source(%dma_start3A_387 : memref<100000x128xf32, #tpu.memory_space<hbm>>) target(%arg18 : memref<16x128xf32, #tpu.memory_space<vmem>>) offsets(%dma_start3A_384 : memref<16xi32, #tpu.memory_space<vmem>>) semaphore(%arg22 : memref<!tpu.dma_semaphore, #tpu.memory_space<semaphore_mem>>)
      %dma_start3A_388 = tpu.memref_slice %arg14[%mul3A_361] : memref<10016xi32, #tpu.memory_space<vmem>> -> memref<16xi32, #tpu.memory_space<vmem>>
      %dma_start3A_389 = arith.constant 0 : i32
      %dma_start3A_390 = arith.constant 0 : i32
      %dma_start3A_391 = tpu.memref_slice %arg5[%dma_start3A_389, %dma_start3A_390] : memref<10000x128xf32, #tpu.memory_space<hbm>> -> memref<10000x128xf32, #tpu.memory_space<hbm>>
      tpu.enqueue_indirect_dma source(%dma_start3A_391 : memref<10000x128xf32, #tpu.memory_space<hbm>>) target(%arg19 : memref<16x128xf32, #tpu.memory_space<vmem>>) offsets(%dma_start3A_388 : memref<16xi32, #tpu.memory_space<vmem>>) semaphore(%arg22 : memref<!tpu.dma_semaphore, #tpu.memory_space<semaphore_mem>>)
      %dma_start3A_392 = arith.constant 0 : i32
      %dma_start3A_393 = tpu.memref_slice %arg6[%dma_start3A_392] : memref<80000xf32, #tpu.memory_space<hbm>> -> memref<80000xf32, #tpu.memory_space<hbm>>
      tpu.enqueue_indirect_dma source(%dma_start3A_393 : memref<80000xf32, #tpu.memory_space<hbm>>) target(%arg20 : memref<64xf32, #tpu.memory_space<vmem>>) offsets(%arg16 : memref<64xi32, #tpu.memory_space<vmem>>) semaphore(%arg22 : memref<!tpu.dma_semaphore, #tpu.memory_space<semaphore_mem>>)
      %dma_wait3A_394 = tpu.memref_slice %arg13[%mul3A_361] : memref<10016xi32, #tpu.memory_space<vmem>> -> memref<16xi32, #tpu.memory_space<vmem>>
      %dma_wait3A_395 = arith.constant 0 : i32
      %dma_wait3A_396 = arith.constant 0 : i32
      %dma_wait3A_397 = tpu.memref_slice %arg4[%dma_wait3A_395, %dma_wait3A_396] : memref<100000x128xf32, #tpu.memory_space<hbm>> -> memref<100000x128xf32, #tpu.memory_space<hbm>>
      tpu.wait_indirect_dma semaphore(%arg22 : memref<!tpu.dma_semaphore, #tpu.memory_space<semaphore_mem>>) src(%dma_wait3A_397 : memref<100000x128xf32, #tpu.memory_space<hbm>>) dst(%arg18 : memref<16x128xf32, #tpu.memory_space<vmem>>)
      %dma_wait3A_398 = tpu.memref_slice %arg14[%mul3A_361] : memref<10016xi32, #tpu.memory_space<vmem>> -> memref<16xi32, #tpu.memory_space<vmem>>
      %dma_wait3A_399 = arith.constant 0 : i32
      %dma_wait3A_400 = arith.constant 0 : i32
      %dma_wait3A_401 = tpu.memref_slice %arg5[%dma_wait3A_399, %dma_wait3A_400] : memref<10000x128xf32, #tpu.memory_space<hbm>> -> memref<10000x128xf32, #tpu.memory_space<hbm>>
      tpu.wait_indirect_dma semaphore(%arg22 : memref<!tpu.dma_semaphore, #tpu.memory_space<semaphore_mem>>) src(%dma_wait3A_401 : memref<10000x128xf32, #tpu.memory_space<hbm>>) dst(%arg19 : memref<16x128xf32, #tpu.memory_space<vmem>>)
      %dma_wait3A_402 = arith.constant 0 : i32
      %dma_wait3A_403 = tpu.memref_slice %arg6[%dma_wait3A_402] : memref<80000xf32, #tpu.memory_space<hbm>> -> memref<80000xf32, #tpu.memory_space<hbm>>
      tpu.wait_indirect_dma semaphore(%arg22 : memref<!tpu.dma_semaphore, #tpu.memory_space<semaphore_mem>>) src(%dma_wait3A_403 : memref<80000xf32, #tpu.memory_space<hbm>>) dst(%arg20 : memref<64xf32, #tpu.memory_space<vmem>>)
      %sub3A_404 = arith.subi %add3A_318, %mul3A_361 : i32
      %min3A = arith.constant 16 : i32
      %min3A_405 = arith.minsi %sub3A_404, %min3A : i32
      %while3A_406 = arith.constant 0 : i32
      %while3A_407 = arith.constant 0 : i32
      %while3A_408 = arith.subi %min3A_405, %while3A_406 : i32
      %while3A_409 = arith.addi %while3A_406, %while3A_408 : i32
      %while3A_410 = arith.constant 1 : i32
      %while3A_411 = arith.divsi %while3A_408, %while3A_410 : i32
      %while3A_412 = arith.muli %while3A_411, %while3A_410 : i32
      %while3A_413 = arith.addi %while3A_406, %while3A_412 : i32
      %while3A_414 = arith.constant 1 : i32
      %while3A_415 = scf.for %while3A_419 = %while3A_406 to %while3A_413 step %while3A_414 iter_args(%while3A_420 = %while3A_407) -> (i32)  : i32 {
        %broadcast_in_dim3A_421 = vector.broadcast %while3A_419 : i32 to vector<16xi32>
        %broadcast_in_dim3A_422 = arith.constant 0 : i32
        %broadcast_in_dim3A_423 = vector.broadcast %broadcast_in_dim3A_422 : i32 to vector<16xi32>
        %add3A_424 = arith.addi %broadcast_in_dim3A_421, %broadcast_in_dim3A_423 : vector<16xi32>
        %gather3A = tpu.vector_load_idx %arg20[%add3A_424] : memref<64xf32, #tpu.memory_space<vmem>>[vector<16xi32>], vector<16xf32>,
        %broadcast_in_dim3A_425 = arith.constant 16 : i32
        %broadcast_in_dim3A_426 = vector.broadcast %broadcast_in_dim3A_425 : i32 to vector<16xi32>
        %add3A_427 = arith.addi %broadcast_in_dim3A_421, %broadcast_in_dim3A_426 : vector<16xi32>
        %gather3A_428 = tpu.vector_load_idx %arg20[%add3A_427] : memref<64xf32, #tpu.memory_space<vmem>>[vector<16xi32>], vector<16xf32>,
        %broadcast_in_dim3A_429 = arith.constant 32 : i32
        %broadcast_in_dim3A_430 = vector.broadcast %broadcast_in_dim3A_429 : i32 to vector<16xi32>
        %add3A_431 = arith.addi %broadcast_in_dim3A_421, %broadcast_in_dim3A_430 : vector<16xi32>
        %gather3A_432 = tpu.vector_load_idx %arg20[%add3A_431] : memref<64xf32, #tpu.memory_space<vmem>>[vector<16xi32>], vector<16xf32>,
        %broadcast_in_dim3A_433 = arith.constant 48 : i32
        %broadcast_in_dim3A_434 = vector.broadcast %broadcast_in_dim3A_433 : i32 to vector<16xi32>
        %add3A_435 = arith.addi %broadcast_in_dim3A_421, %broadcast_in_dim3A_434 : vector<16xi32>
        %gather3A_436 = tpu.vector_load_idx %arg20[%add3A_435] : memref<64xf32, #tpu.memory_space<vmem>>[vector<16xi32>], vector<16xf32>,
        %get3A_437 = arith.index_cast %while3A_419 : i32 to index
        %get3A_438 = arith.constant 0 : index
        %get3A_439 = tpu.vector_load %arg18[%get3A_437, %get3A_438] {strides = array<i32>} : memref<16x128xf32, #tpu.memory_space<vmem>>, vector<16xf32>,
        %get3A_440 = arith.index_cast %while3A_419 : i32 to index
        %get3A_441 = arith.constant 0 : index
        %get3A_442 = tpu.vector_load %arg19[%get3A_440, %get3A_441] {strides = array<i32>} : memref<16x128xf32, #tpu.memory_space<vmem>>, vector<16xf32>,
        %get3A_443 = arith.constant 0 : i32
        %get3A_444 = arith.index_cast %get3A_443 : i32 to index
        %get3A_445 = arith.constant 0 : index
        %get3A_446 = tpu.vector_load %arg17[%get3A_444, %get3A_445] {strides = array<i32>} : memref<4x256xf32, #tpu.memory_space<vmem>>, vector<16xf32>,
        %mul3A_447 = arith.mulf %gather3A, %get3A_439 : vector<16xf32>
        %add3A_448 = arith.addf %get3A_446, %mul3A_447 : vector<16xf32>
        %swap3A_449 = arith.constant 0 : i32
        %swap3A_450 = arith.index_cast %swap3A_449 : i32 to index
        %swap3A_451 = arith.constant 0 : index
        %swap3A_452 = tpu.vector_load %arg17[%swap3A_450, %swap3A_451] {strides = array<i32>} : memref<4x256xf32, #tpu.memory_space<vmem>>, vector<16xf32>,
        tpu.vector_store %arg17[%swap3A_450, %swap3A_451], %add3A_448 {strides = array<i32>} : memref<4x256xf32, #tpu.memory_space<vmem>>, vector<16xf32>,
        %get3A_453 = arith.constant 0 : i32
        %get3A_454 = arith.index_cast %get3A_453 : i32 to index
        %get3A_455 = arith.constant 128 : index
        %get3A_456 = tpu.vector_load %arg17[%get3A_454, %get3A_455] {strides = array<i32>} : memref<4x256xf32, #tpu.memory_space<vmem>>, vector<16xf32>,
        %mul3A_457 = arith.mulf %gather3A, %get3A_442 : vector<16xf32>
        %add3A_458 = arith.addf %get3A_456, %mul3A_457 : vector<16xf32>
        %swap3A_459 = arith.constant 0 : i32
        %swap3A_460 = arith.index_cast %swap3A_459 : i32 to index
        %swap3A_461 = arith.constant 128 : index
        %swap3A_462 = tpu.vector_load %arg17[%swap3A_460, %swap3A_461] {strides = array<i32>} : memref<4x256xf32, #tpu.memory_space<vmem>>, vector<16xf32>,
        tpu.vector_store %arg17[%swap3A_460, %swap3A_461], %add3A_458 {strides = array<i32>} : memref<4x256xf32, #tpu.memory_space<vmem>>, vector<16xf32>,
        %get3A_463 = arith.constant 1 : i32
        %get3A_464 = arith.index_cast %get3A_463 : i32 to index
        %get3A_465 = arith.constant 0 : index
        %get3A_466 = tpu.vector_load %arg17[%get3A_464, %get3A_465] {strides = array<i32>} : memref<4x256xf32, #tpu.memory_space<vmem>>, vector<16xf32>,
        %mul3A_467 = arith.mulf %gather3A_428, %get3A_439 : vector<16xf32>
        %add3A_468 = arith.addf %get3A_466, %mul3A_467 : vector<16xf32>
        %swap3A_469 = arith.constant 1 : i32
        %swap3A_470 = arith.index_cast %swap3A_469 : i32 to index
        %swap3A_471 = arith.constant 0 : index
        %swap3A_472 = tpu.vector_load %arg17[%swap3A_470, %swap3A_471] {strides = array<i32>} : memref<4x256xf32, #tpu.memory_space<vmem>>, vector<16xf32>,
        tpu.vector_store %arg17[%swap3A_470, %swap3A_471], %add3A_468 {strides = array<i32>} : memref<4x256xf32, #tpu.memory_space<vmem>>, vector<16xf32>,
        %get3A_473 = arith.constant 1 : i32
        %get3A_474 = arith.index_cast %get3A_473 : i32 to index
        %get3A_475 = arith.constant 128 : index
        %get3A_476 = tpu.vector_load %arg17[%get3A_474, %get3A_475] {strides = array<i32>} : memref<4x256xf32, #tpu.memory_space<vmem>>, vector<16xf32>,
        %mul3A_477 = arith.mulf %gather3A_428, %get3A_442 : vector<16xf32>
        %add3A_478 = arith.addf %get3A_476, %mul3A_477 : vector<16xf32>
        %swap3A_479 = arith.constant 1 : i32
        %swap3A_480 = arith.index_cast %swap3A_479 : i32 to index
        %swap3A_481 = arith.constant 128 : index
        %swap3A_482 = tpu.vector_load %arg17[%swap3A_480, %swap3A_481] {strides = array<i32>} : memref<4x256xf32, #tpu.memory_space<vmem>>, vector<16xf32>,
        tpu.vector_store %arg17[%swap3A_480, %swap3A_481], %add3A_478 {strides = array<i32>} : memref<4x256xf32, #tpu.memory_space<vmem>>, vector<16xf32>,
        %get3A_483 = arith.constant 2 : i32
        %get3A_484 = arith.index_cast %get3A_483 : i32 to index
        %get3A_485 = arith.constant 0 : index
        %get3A_486 = tpu.vector_load %arg17[%get3A_484, %get3A_485] {strides = array<i32>} : memref<4x256xf32, #tpu.memory_space<vmem>>, vector<16xf32>,
        %mul3A_487 = arith.mulf %gather3A_432, %get3A_439 : vector<16xf32>
        %add3A_488 = arith.addf %get3A_486, %mul3A_487 : vector<16xf32>
        %swap3A_489 = arith.constant 2 : i32
        %swap3A_490 = arith.index_cast %swap3A_489 : i32 to index
        %swap3A_491 = arith.constant 0 : index
        %swap3A_492 = tpu.vector_load %arg17[%swap3A_490, %swap3A_491] {strides = array<i32>} : memref<4x256xf32, #tpu.memory_space<vmem>>, vector<16xf32>,
        tpu.vector_store %arg17[%swap3A_490, %swap3A_491], %add3A_488 {strides = array<i32>} : memref<4x256xf32, #tpu.memory_space<vmem>>, vector<16xf32>,
        %get3A_493 = arith.constant 2 : i32
        %get3A_494 = arith.index_cast %get3A_493 : i32 to index
        %get3A_495 = arith.constant 128 : index
        %get3A_496 = tpu.vector_load %arg17[%get3A_494, %get3A_495] {strides = array<i32>} : memref<4x256xf32, #tpu.memory_space<vmem>>, vector<16xf32>,
        %mul3A_497 = arith.mulf %gather3A_432, %get3A_442 : vector<16xf32>
        %add3A_498 = arith.addf %get3A_496, %mul3A_497 : vector<16xf32>
        %swap3A_499 = arith.constant 2 : i32
        %swap3A_500 = arith.index_cast %swap3A_499 : i32 to index
        %swap3A_501 = arith.constant 128 : index
        %swap3A_502 = tpu.vector_load %arg17[%swap3A_500, %swap3A_501] {strides = array<i32>} : memref<4x256xf32, #tpu.memory_space<vmem>>, vector<16xf32>,
        tpu.vector_store %arg17[%swap3A_500, %swap3A_501], %add3A_498 {strides = array<i32>} : memref<4x256xf32, #tpu.memory_space<vmem>>, vector<16xf32>,
        %get3A_503 = arith.constant 3 : i32
        %get3A_504 = arith.index_cast %get3A_503 : i32 to index
        %get3A_505 = arith.constant 0 : index
        %get3A_506 = tpu.vector_load %arg17[%get3A_504, %get3A_505] {strides = array<i32>} : memref<4x256xf32, #tpu.memory_space<vmem>>, vector<16xf32>,
        %mul3A_507 = arith.mulf %gather3A_436, %get3A_439 : vector<16xf32>
        %add3A_508 = arith.addf %get3A_506, %mul3A_507 : vector<16xf32>
        %swap3A_509 = arith.constant 3 : i32
        %swap3A_510 = arith.index_cast %swap3A_509 : i32 to index
        %swap3A_511 = arith.constant 0 : index
        %swap3A_512 = tpu.vector_load %arg17[%swap3A_510, %swap3A_511] {strides = array<i32>} : memref<4x256xf32, #tpu.memory_space<vmem>>, vector<16xf32>,
        tpu.vector_store %arg17[%swap3A_510, %swap3A_511], %add3A_508 {strides = array<i32>} : memref<4x256xf32, #tpu.memory_space<vmem>>, vector<16xf32>,
        %get3A_513 = arith.constant 3 : i32
        %get3A_514 = arith.index_cast %get3A_513 : i32 to index
        %get3A_515 = arith.constant 128 : index
        %get3A_516 = tpu.vector_load %arg17[%get3A_514, %get3A_515] {strides = array<i32>} : memref<4x256xf32, #tpu.memory_space<vmem>>, vector<16xf32>,
        %mul3A_517 = arith.mulf %gather3A_436, %get3A_442 : vector<16xf32>
        %add3A_518 = arith.addf %get3A_516, %mul3A_517 : vector<16xf32>
        %swap3A_519 = arith.constant 3 : i32
        %swap3A_520 = arith.index_cast %swap3A_519 : i32 to index
        %swap3A_521 = arith.constant 128 : index
        %swap3A_522 = tpu.vector_load %arg17[%swap3A_520, %swap3A_521] {strides = array<i32>} : memref<4x256xf32, #tpu.memory_space<vmem>>, vector<16xf32>,
        tpu.vector_store %arg17[%swap3A_520, %swap3A_521], %add3A_518 {strides = array<i32>} : memref<4x256xf32, #tpu.memory_space<vmem>>, vector<16xf32>,
        %get3A_523 = arith.index_cast %while3A_419 : i32 to index
        %get3A_524 = arith.constant 16 : index
        %get3A_525 = tpu.vector_load %arg18[%get3A_523, %get3A_524] {strides = array<i32>} : memref<16x128xf32, #tpu.memory_space<vmem>>, vector<16xf32>,
        %get3A_526 = arith.index_cast %while3A_419 : i32 to index
        %get3A_527 = arith.constant 16 : index
        %get3A_528 = tpu.vector_load %arg19[%get3A_526, %get3A_527] {strides = array<i32>} : memref<16x128xf32, #tpu.memory_space<vmem>>, vector<16xf32>,
        %get3A_529 = arith.constant 0 : i32
        %get3A_530 = arith.index_cast %get3A_529 : i32 to index
        %get3A_531 = arith.constant 16 : index
        %get3A_532 = tpu.vector_load %arg17[%get3A_530, %get3A_531] {strides = array<i32>} : memref<4x256xf32, #tpu.memory_space<vmem>>, vector<16xf32>,
        %mul3A_533 = arith.mulf %gather3A, %get3A_525 : vector<16xf32>
        %add3A_534 = arith.addf %get3A_532, %mul3A_533 : vector<16xf32>
        %swap3A_535 = arith.constant 0 : i32
        %swap3A_536 = arith.index_cast %swap3A_535 : i32 to index
        %swap3A_537 = arith.constant 16 : index
        %swap3A_538 = tpu.vector_load %arg17[%swap3A_536, %swap3A_537] {strides = array<i32>} : memref<4x256xf32, #tpu.memory_space<vmem>>, vector<16xf32>,
        tpu.vector_store %arg17[%swap3A_536, %swap3A_537], %add3A_534 {strides = array<i32>} : memref<4x256xf32, #tpu.memory_space<vmem>>, vector<16xf32>,
        %get3A_539 = arith.constant 0 : i32
        %get3A_540 = arith.index_cast %get3A_539 : i32 to index
        %get3A_541 = arith.constant 144 : index
        %get3A_542 = tpu.vector_load %arg17[%get3A_540, %get3A_541] {strides = array<i32>} : memref<4x256xf32, #tpu.memory_space<vmem>>, vector<16xf32>,
        %mul3A_543 = arith.mulf %gather3A, %get3A_528 : vector<16xf32>
        %add3A_544 = arith.addf %get3A_542, %mul3A_543 : vector<16xf32>
        %swap3A_545 = arith.constant 0 : i32
        %swap3A_546 = arith.index_cast %swap3A_545 : i32 to index
        %swap3A_547 = arith.constant 144 : index
        %swap3A_548 = tpu.vector_load %arg17[%swap3A_546, %swap3A_547] {strides = array<i32>} : memref<4x256xf32, #tpu.memory_space<vmem>>, vector<16xf32>,
        tpu.vector_store %arg17[%swap3A_546, %swap3A_547], %add3A_544 {strides = array<i32>} : memref<4x256xf32, #tpu.memory_space<vmem>>, vector<16xf32>,
        %get3A_549 = arith.constant 1 : i32
        %get3A_550 = arith.index_cast %get3A_549 : i32 to index
        %get3A_551 = arith.constant 16 : index
        %get3A_552 = tpu.vector_load %arg17[%get3A_550, %get3A_551] {strides = array<i32>} : memref<4x256xf32, #tpu.memory_space<vmem>>, vector<16xf32>,
        %mul3A_553 = arith.mulf %gather3A_428, %get3A_525 : vector<16xf32>
        %add3A_554 = arith.addf %get3A_552, %mul3A_553 : vector<16xf32>
        %swap3A_555 = arith.constant 1 : i32
        %swap3A_556 = arith.index_cast %swap3A_555 : i32 to index
        %swap3A_557 = arith.constant 16 : index
        %swap3A_558 = tpu.vector_load %arg17[%swap3A_556, %swap3A_557] {strides = array<i32>} : memref<4x256xf32, #tpu.memory_space<vmem>>, vector<16xf32>,
        tpu.vector_store %arg17[%swap3A_556, %swap3A_557], %add3A_554 {strides = array<i32>} : memref<4x256xf32, #tpu.memory_space<vmem>>, vector<16xf32>,
        %get3A_559 = arith.constant 1 : i32
        %get3A_560 = arith.index_cast %get3A_559 : i32 to index
        %get3A_561 = arith.constant 144 : index
        %get3A_562 = tpu.vector_load %arg17[%get3A_560, %get3A_561] {strides = array<i32>} : memref<4x256xf32, #tpu.memory_space<vmem>>, vector<16xf32>,
        %mul3A_563 = arith.mulf %gather3A_428, %get3A_528 : vector<16xf32>
        %add3A_564 = arith.addf %get3A_562, %mul3A_563 : vector<16xf32>
        %swap3A_565 = arith.constant 1 : i32
        %swap3A_566 = arith.index_cast %swap3A_565 : i32 to index
        %swap3A_567 = arith.constant 144 : index
        %swap3A_568 = tpu.vector_load %arg17[%swap3A_566, %swap3A_567] {strides = array<i32>} : memref<4x256xf32, #tpu.memory_space<vmem>>, vector<16xf32>,
        tpu.vector_store %arg17[%swap3A_566, %swap3A_567], %add3A_564 {strides = array<i32>} : memref<4x256xf32, #tpu.memory_space<vmem>>, vector<16xf32>,
        %get3A_569 = arith.constant 2 : i32
        %get3A_570 = arith.index_cast %get3A_569 : i32 to index
        %get3A_571 = arith.constant 16 : index
        %get3A_572 = tpu.vector_load %arg17[%get3A_570, %get3A_571] {strides = array<i32>} : memref<4x256xf32, #tpu.memory_space<vmem>>, vector<16xf32>,
        %mul3A_573 = arith.mulf %gather3A_432, %get3A_525 : vector<16xf32>
        %add3A_574 = arith.addf %get3A_572, %mul3A_573 : vector<16xf32>
        %swap3A_575 = arith.constant 2 : i32
        %swap3A_576 = arith.index_cast %swap3A_575 : i32 to index
        %swap3A_577 = arith.constant 16 : index
        %swap3A_578 = tpu.vector_load %arg17[%swap3A_576, %swap3A_577] {strides = array<i32>} : memref<4x256xf32, #tpu.memory_space<vmem>>, vector<16xf32>,
        tpu.vector_store %arg17[%swap3A_576, %swap3A_577], %add3A_574 {strides = array<i32>} : memref<4x256xf32, #tpu.memory_space<vmem>>, vector<16xf32>,
        %get3A_579 = arith.constant 2 : i32
        %get3A_580 = arith.index_cast %get3A_579 : i32 to index
        %get3A_581 = arith.constant 144 : index
        %get3A_582 = tpu.vector_load %arg17[%get3A_580, %get3A_581] {strides = array<i32>} : memref<4x256xf32, #tpu.memory_space<vmem>>, vector<16xf32>,
        %mul3A_583 = arith.mulf %gather3A_432, %get3A_528 : vector<16xf32>
        %add3A_584 = arith.addf %get3A_582, %mul3A_583 : vector<16xf32>
        %swap3A_585 = arith.constant 2 : i32
        %swap3A_586 = arith.index_cast %swap3A_585 : i32 to index
        %swap3A_587 = arith.constant 144 : index
        %swap3A_588 = tpu.vector_load %arg17[%swap3A_586, %swap3A_587] {strides = array<i32>} : memref<4x256xf32, #tpu.memory_space<vmem>>, vector<16xf32>,
        tpu.vector_store %arg17[%swap3A_586, %swap3A_587], %add3A_584 {strides = array<i32>} : memref<4x256xf32, #tpu.memory_space<vmem>>, vector<16xf32>,
        %get3A_589 = arith.constant 3 : i32
        %get3A_590 = arith.index_cast %get3A_589 : i32 to index
        %get3A_591 = arith.constant 16 : index
        %get3A_592 = tpu.vector_load %arg17[%get3A_590, %get3A_591] {strides = array<i32>} : memref<4x256xf32, #tpu.memory_space<vmem>>, vector<16xf32>,
        %mul3A_593 = arith.mulf %gather3A_436, %get3A_525 : vector<16xf32>
        %add3A_594 = arith.addf %get3A_592, %mul3A_593 : vector<16xf32>
        %swap3A_595 = arith.constant 3 : i32
        %swap3A_596 = arith.index_cast %swap3A_595 : i32 to index
        %swap3A_597 = arith.constant 16 : index
        %swap3A_598 = tpu.vector_load %arg17[%swap3A_596, %swap3A_597] {strides = array<i32>} : memref<4x256xf32, #tpu.memory_space<vmem>>, vector<16xf32>,
        tpu.vector_store %arg17[%swap3A_596, %swap3A_597], %add3A_594 {strides = array<i32>} : memref<4x256xf32, #tpu.memory_space<vmem>>, vector<16xf32>,
        %get3A_599 = arith.constant 3 : i32
        %get3A_600 = arith.index_cast %get3A_599 : i32 to index
        %get3A_601 = arith.constant 144 : index
        %get3A_602 = tpu.vector_load %arg17[%get3A_600, %get3A_601] {strides = array<i32>} : memref<4x256xf32, #tpu.memory_space<vmem>>, vector<16xf32>,
        %mul3A_603 = arith.mulf %gather3A_436, %get3A_528 : vector<16xf32>
        %add3A_604 = arith.addf %get3A_602, %mul3A_603 : vector<16xf32>
        %swap3A_605 = arith.constant 3 : i32
        %swap3A_606 = arith.index_cast %swap3A_605 : i32 to index
        %swap3A_607 = arith.constant 144 : index
        %swap3A_608 = tpu.vector_load %arg17[%swap3A_606, %swap3A_607] {strides = array<i32>} : memref<4x256xf32, #tpu.memory_space<vmem>>, vector<16xf32>,
        tpu.vector_store %arg17[%swap3A_606, %swap3A_607], %add3A_604 {strides = array<i32>} : memref<4x256xf32, #tpu.memory_space<vmem>>, vector<16xf32>,
        %get3A_609 = arith.index_cast %while3A_419 : i32 to index
        %get3A_610 = arith.constant 32 : index
        %get3A_611 = tpu.vector_load %arg18[%get3A_609, %get3A_610] {strides = array<i32>} : memref<16x128xf32, #tpu.memory_space<vmem>>, vector<16xf32>,
        %get3A_612 = arith.index_cast %while3A_419 : i32 to index
        %get3A_613 = arith.constant 32 : index
        %get3A_614 = tpu.vector_load %arg19[%get3A_612, %get3A_613] {strides = array<i32>} : memref<16x128xf32, #tpu.memory_space<vmem>>, vector<16xf32>,
        %get3A_615 = arith.constant 0 : i32
        %get3A_616 = arith.index_cast %get3A_615 : i32 to index
        %get3A_617 = arith.constant 32 : index
        %get3A_618 = tpu.vector_load %arg17[%get3A_616, %get3A_617] {strides = array<i32>} : memref<4x256xf32, #tpu.memory_space<vmem>>, vector<16xf32>,
        %mul3A_619 = arith.mulf %gather3A, %get3A_611 : vector<16xf32>
        %add3A_620 = arith.addf %get3A_618, %mul3A_619 : vector<16xf32>
        %swap3A_621 = arith.constant 0 : i32
        %swap3A_622 = arith.index_cast %swap3A_621 : i32 to index
        %swap3A_623 = arith.constant 32 : index
        %swap3A_624 = tpu.vector_load %arg17[%swap3A_622, %swap3A_623] {strides = array<i32>} : memref<4x256xf32, #tpu.memory_space<vmem>>, vector<16xf32>,
        tpu.vector_store %arg17[%swap3A_622, %swap3A_623], %add3A_620 {strides = array<i32>} : memref<4x256xf32, #tpu.memory_space<vmem>>, vector<16xf32>,
        %get3A_625 = arith.constant 0 : i32
        %get3A_626 = arith.index_cast %get3A_625 : i32 to index
        %get3A_627 = arith.constant 160 : index
        %get3A_628 = tpu.vector_load %arg17[%get3A_626, %get3A_627] {strides = array<i32>} : memref<4x256xf32, #tpu.memory_space<vmem>>, vector<16xf32>,
        %mul3A_629 = arith.mulf %gather3A, %get3A_614 : vector<16xf32>
        %add3A_630 = arith.addf %get3A_628, %mul3A_629 : vector<16xf32>
        %swap3A_631 = arith.constant 0 : i32
        %swap3A_632 = arith.index_cast %swap3A_631 : i32 to index
        %swap3A_633 = arith.constant 160 : index
        %swap3A_634 = tpu.vector_load %arg17[%swap3A_632, %swap3A_633] {strides = array<i32>} : memref<4x256xf32, #tpu.memory_space<vmem>>, vector<16xf32>,
        tpu.vector_store %arg17[%swap3A_632, %swap3A_633], %add3A_630 {strides = array<i32>} : memref<4x256xf32, #tpu.memory_space<vmem>>, vector<16xf32>,
        %get3A_635 = arith.constant 1 : i32
        %get3A_636 = arith.index_cast %get3A_635 : i32 to index
        %get3A_637 = arith.constant 32 : index
        %get3A_638 = tpu.vector_load %arg17[%get3A_636, %get3A_637] {strides = array<i32>} : memref<4x256xf32, #tpu.memory_space<vmem>>, vector<16xf32>,
        %mul3A_639 = arith.mulf %gather3A_428, %get3A_611 : vector<16xf32>
        %add3A_640 = arith.addf %get3A_638, %mul3A_639 : vector<16xf32>
        %swap3A_641 = arith.constant 1 : i32
        %swap3A_642 = arith.index_cast %swap3A_641 : i32 to index
        %swap3A_643 = arith.constant 32 : index
        %swap3A_644 = tpu.vector_load %arg17[%swap3A_642, %swap3A_643] {strides = array<i32>} : memref<4x256xf32, #tpu.memory_space<vmem>>, vector<16xf32>,
        tpu.vector_store %arg17[%swap3A_642, %swap3A_643], %add3A_640 {strides = array<i32>} : memref<4x256xf32, #tpu.memory_space<vmem>>, vector<16xf32>,
        %get3A_645 = arith.constant 1 : i32
        %get3A_646 = arith.index_cast %get3A_645 : i32 to index
        %get3A_647 = arith.constant 160 : index
        %get3A_648 = tpu.vector_load %arg17[%get3A_646, %get3A_647] {strides = array<i32>} : memref<4x256xf32, #tpu.memory_space<vmem>>, vector<16xf32>,
        %mul3A_649 = arith.mulf %gather3A_428, %get3A_614 : vector<16xf32>
        %add3A_650 = arith.addf %get3A_648, %mul3A_649 : vector<16xf32>
        %swap3A_651 = arith.constant 1 : i32
        %swap3A_652 = arith.index_cast %swap3A_651 : i32 to index
        %swap3A_653 = arith.constant 160 : index
        %swap3A_654 = tpu.vector_load %arg17[%swap3A_652, %swap3A_653] {strides = array<i32>} : memref<4x256xf32, #tpu.memory_space<vmem>>, vector<16xf32>,
        tpu.vector_store %arg17[%swap3A_652, %swap3A_653], %add3A_650 {strides = array<i32>} : memref<4x256xf32, #tpu.memory_space<vmem>>, vector<16xf32>,
        %get3A_655 = arith.constant 2 : i32
        %get3A_656 = arith.index_cast %get3A_655 : i32 to index
        %get3A_657 = arith.constant 32 : index
        %get3A_658 = tpu.vector_load %arg17[%get3A_656, %get3A_657] {strides = array<i32>} : memref<4x256xf32, #tpu.memory_space<vmem>>, vector<16xf32>,
        %mul3A_659 = arith.mulf %gather3A_432, %get3A_611 : vector<16xf32>
        %add3A_660 = arith.addf %get3A_658, %mul3A_659 : vector<16xf32>
        %swap3A_661 = arith.constant 2 : i32
        %swap3A_662 = arith.index_cast %swap3A_661 : i32 to index
        %swap3A_663 = arith.constant 32 : index
        %swap3A_664 = tpu.vector_load %arg17[%swap3A_662, %swap3A_663] {strides = array<i32>} : memref<4x256xf32, #tpu.memory_space<vmem>>, vector<16xf32>,
        tpu.vector_store %arg17[%swap3A_662, %swap3A_663], %add3A_660 {strides = array<i32>} : memref<4x256xf32, #tpu.memory_space<vmem>>, vector<16xf32>,
        %get3A_665 = arith.constant 2 : i32
        %get3A_666 = arith.index_cast %get3A_665 : i32 to index
        %get3A_667 = arith.constant 160 : index
        %get3A_668 = tpu.vector_load %arg17[%get3A_666, %get3A_667] {strides = array<i32>} : memref<4x256xf32, #tpu.memory_space<vmem>>, vector<16xf32>,
        %mul3A_669 = arith.mulf %gather3A_432, %get3A_614 : vector<16xf32>
        %add3A_670 = arith.addf %get3A_668, %mul3A_669 : vector<16xf32>
        %swap3A_671 = arith.constant 2 : i32
        %swap3A_672 = arith.index_cast %swap3A_671 : i32 to index
        %swap3A_673 = arith.constant 160 : index
        %swap3A_674 = tpu.vector_load %arg17[%swap3A_672, %swap3A_673] {strides = array<i32>} : memref<4x256xf32, #tpu.memory_space<vmem>>, vector<16xf32>,
        tpu.vector_store %arg17[%swap3A_672, %swap3A_673], %add3A_670 {strides = array<i32>} : memref<4x256xf32, #tpu.memory_space<vmem>>, vector<16xf32>,
        %get3A_675 = arith.constant 3 : i32
        %get3A_676 = arith.index_cast %get3A_675 : i32 to index
        %get3A_677 = arith.constant 32 : index
        %get3A_678 = tpu.vector_load %arg17[%get3A_676, %get3A_677] {strides = array<i32>} : memref<4x256xf32, #tpu.memory_space<vmem>>, vector<16xf32>,
        %mul3A_679 = arith.mulf %gather3A_436, %get3A_611 : vector<16xf32>
        %add3A_680 = arith.addf %get3A_678, %mul3A_679 : vector<16xf32>
        %swap3A_681 = arith.constant 3 : i32
        %swap3A_682 = arith.index_cast %swap3A_681 : i32 to index
        %swap3A_683 = arith.constant 32 : index
        %swap3A_684 = tpu.vector_load %arg17[%swap3A_682, %swap3A_683] {strides = array<i32>} : memref<4x256xf32, #tpu.memory_space<vmem>>, vector<16xf32>,
        tpu.vector_store %arg17[%swap3A_682, %swap3A_683], %add3A_680 {strides = array<i32>} : memref<4x256xf32, #tpu.memory_space<vmem>>, vector<16xf32>,
        %get3A_685 = arith.constant 3 : i32
        %get3A_686 = arith.index_cast %get3A_685 : i32 to index
        %get3A_687 = arith.constant 160 : index
        %get3A_688 = tpu.vector_load %arg17[%get3A_686, %get3A_687] {strides = array<i32>} : memref<4x256xf32, #tpu.memory_space<vmem>>, vector<16xf32>,
        %mul3A_689 = arith.mulf %gather3A_436, %get3A_614 : vector<16xf32>
        %add3A_690 = arith.addf %get3A_688, %mul3A_689 : vector<16xf32>
        %swap3A_691 = arith.constant 3 : i32
        %swap3A_692 = arith.index_cast %swap3A_691 : i32 to index
        %swap3A_693 = arith.constant 160 : index
        %swap3A_694 = tpu.vector_load %arg17[%swap3A_692, %swap3A_693] {strides = array<i32>} : memref<4x256xf32, #tpu.memory_space<vmem>>, vector<16xf32>,
        tpu.vector_store %arg17[%swap3A_692, %swap3A_693], %add3A_690 {strides = array<i32>} : memref<4x256xf32, #tpu.memory_space<vmem>>, vector<16xf32>,
        %get3A_695 = arith.index_cast %while3A_419 : i32 to index
        %get3A_696 = arith.constant 48 : index
        %get3A_697 = tpu.vector_load %arg18[%get3A_695, %get3A_696] {strides = array<i32>} : memref<16x128xf32, #tpu.memory_space<vmem>>, vector<16xf32>,
        %get3A_698 = arith.index_cast %while3A_419 : i32 to index
        %get3A_699 = arith.constant 48 : index
        %get3A_700 = tpu.vector_load %arg19[%get3A_698, %get3A_699] {strides = array<i32>} : memref<16x128xf32, #tpu.memory_space<vmem>>, vector<16xf32>,
        %get3A_701 = arith.constant 0 : i32
        %get3A_702 = arith.index_cast %get3A_701 : i32 to index
        %get3A_703 = arith.constant 48 : index
        %get3A_704 = tpu.vector_load %arg17[%get3A_702, %get3A_703] {strides = array<i32>} : memref<4x256xf32, #tpu.memory_space<vmem>>, vector<16xf32>,
        %mul3A_705 = arith.mulf %gather3A, %get3A_697 : vector<16xf32>
        %add3A_706 = arith.addf %get3A_704, %mul3A_705 : vector<16xf32>
        %swap3A_707 = arith.constant 0 : i32
        %swap3A_708 = arith.index_cast %swap3A_707 : i32 to index
        %swap3A_709 = arith.constant 48 : index
        %swap3A_710 = tpu.vector_load %arg17[%swap3A_708, %swap3A_709] {strides = array<i32>} : memref<4x256xf32, #tpu.memory_space<vmem>>, vector<16xf32>,
        tpu.vector_store %arg17[%swap3A_708, %swap3A_709], %add3A_706 {strides = array<i32>} : memref<4x256xf32, #tpu.memory_space<vmem>>, vector<16xf32>,
        %get3A_711 = arith.constant 0 : i32
        %get3A_712 = arith.index_cast %get3A_711 : i32 to index
        %get3A_713 = arith.constant 176 : index
        %get3A_714 = tpu.vector_load %arg17[%get3A_712, %get3A_713] {strides = array<i32>} : memref<4x256xf32, #tpu.memory_space<vmem>>, vector<16xf32>,
        %mul3A_715 = arith.mulf %gather3A, %get3A_700 : vector<16xf32>
        %add3A_716 = arith.addf %get3A_714, %mul3A_715 : vector<16xf32>
        %swap3A_717 = arith.constant 0 : i32
        %swap3A_718 = arith.index_cast %swap3A_717 : i32 to index
        %swap3A_719 = arith.constant 176 : index
        %swap3A_720 = tpu.vector_load %arg17[%swap3A_718, %swap3A_719] {strides = array<i32>} : memref<4x256xf32, #tpu.memory_space<vmem>>, vector<16xf32>,
        tpu.vector_store %arg17[%swap3A_718, %swap3A_719], %add3A_716 {strides = array<i32>} : memref<4x256xf32, #tpu.memory_space<vmem>>, vector<16xf32>,
        %get3A_721 = arith.constant 1 : i32
        %get3A_722 = arith.index_cast %get3A_721 : i32 to index
        %get3A_723 = arith.constant 48 : index
        %get3A_724 = tpu.vector_load %arg17[%get3A_722, %get3A_723] {strides = array<i32>} : memref<4x256xf32, #tpu.memory_space<vmem>>, vector<16xf32>,
        %mul3A_725 = arith.mulf %gather3A_428, %get3A_697 : vector<16xf32>
        %add3A_726 = arith.addf %get3A_724, %mul3A_725 : vector<16xf32>
        %swap3A_727 = arith.constant 1 : i32
        %swap3A_728 = arith.index_cast %swap3A_727 : i32 to index
        %swap3A_729 = arith.constant 48 : index
        %swap3A_730 = tpu.vector_load %arg17[%swap3A_728, %swap3A_729] {strides = array<i32>} : memref<4x256xf32, #tpu.memory_space<vmem>>, vector<16xf32>,
        tpu.vector_store %arg17[%swap3A_728, %swap3A_729], %add3A_726 {strides = array<i32>} : memref<4x256xf32, #tpu.memory_space<vmem>>, vector<16xf32>,
        %get3A_731 = arith.constant 1 : i32
        %get3A_732 = arith.index_cast %get3A_731 : i32 to index
        %get3A_733 = arith.constant 176 : index
        %get3A_734 = tpu.vector_load %arg17[%get3A_732, %get3A_733] {strides = array<i32>} : memref<4x256xf32, #tpu.memory_space<vmem>>, vector<16xf32>,
        %mul3A_735 = arith.mulf %gather3A_428, %get3A_700 : vector<16xf32>
        %add3A_736 = arith.addf %get3A_734, %mul3A_735 : vector<16xf32>
        %swap3A_737 = arith.constant 1 : i32
        %swap3A_738 = arith.index_cast %swap3A_737 : i32 to index
        %swap3A_739 = arith.constant 176 : index
        %swap3A_740 = tpu.vector_load %arg17[%swap3A_738, %swap3A_739] {strides = array<i32>} : memref<4x256xf32, #tpu.memory_space<vmem>>, vector<16xf32>,
        tpu.vector_store %arg17[%swap3A_738, %swap3A_739], %add3A_736 {strides = array<i32>} : memref<4x256xf32, #tpu.memory_space<vmem>>, vector<16xf32>,
        %get3A_741 = arith.constant 2 : i32
        %get3A_742 = arith.index_cast %get3A_741 : i32 to index
        %get3A_743 = arith.constant 48 : index
        %get3A_744 = tpu.vector_load %arg17[%get3A_742, %get3A_743] {strides = array<i32>} : memref<4x256xf32, #tpu.memory_space<vmem>>, vector<16xf32>,
        %mul3A_745 = arith.mulf %gather3A_432, %get3A_697 : vector<16xf32>
        %add3A_746 = arith.addf %get3A_744, %mul3A_745 : vector<16xf32>
        %swap3A_747 = arith.constant 2 : i32
        %swap3A_748 = arith.index_cast %swap3A_747 : i32 to index
        %swap3A_749 = arith.constant 48 : index
        %swap3A_750 = tpu.vector_load %arg17[%swap3A_748, %swap3A_749] {strides = array<i32>} : memref<4x256xf32, #tpu.memory_space<vmem>>, vector<16xf32>,
        tpu.vector_store %arg17[%swap3A_748, %swap3A_749], %add3A_746 {strides = array<i32>} : memref<4x256xf32, #tpu.memory_space<vmem>>, vector<16xf32>,
        %get3A_751 = arith.constant 2 : i32
        %get3A_752 = arith.index_cast %get3A_751 : i32 to index
        %get3A_753 = arith.constant 176 : index
        %get3A_754 = tpu.vector_load %arg17[%get3A_752, %get3A_753] {strides = array<i32>} : memref<4x256xf32, #tpu.memory_space<vmem>>, vector<16xf32>,
        %mul3A_755 = arith.mulf %gather3A_432, %get3A_700 : vector<16xf32>
        %add3A_756 = arith.addf %get3A_754, %mul3A_755 : vector<16xf32>
        %swap3A_757 = arith.constant 2 : i32
        %swap3A_758 = arith.index_cast %swap3A_757 : i32 to index
        %swap3A_759 = arith.constant 176 : index
        %swap3A_760 = tpu.vector_load %arg17[%swap3A_758, %swap3A_759] {strides = array<i32>} : memref<4x256xf32, #tpu.memory_space<vmem>>, vector<16xf32>,
        tpu.vector_store %arg17[%swap3A_758, %swap3A_759], %add3A_756 {strides = array<i32>} : memref<4x256xf32, #tpu.memory_space<vmem>>, vector<16xf32>,
        %get3A_761 = arith.constant 3 : i32
        %get3A_762 = arith.index_cast %get3A_761 : i32 to index
        %get3A_763 = arith.constant 48 : index
        %get3A_764 = tpu.vector_load %arg17[%get3A_762, %get3A_763] {strides = array<i32>} : memref<4x256xf32, #tpu.memory_space<vmem>>, vector<16xf32>,
        %mul3A_765 = arith.mulf %gather3A_436, %get3A_697 : vector<16xf32>
        %add3A_766 = arith.addf %get3A_764, %mul3A_765 : vector<16xf32>
        %swap3A_767 = arith.constant 3 : i32
        %swap3A_768 = arith.index_cast %swap3A_767 : i32 to index
        %swap3A_769 = arith.constant 48 : index
        %swap3A_770 = tpu.vector_load %arg17[%swap3A_768, %swap3A_769] {strides = array<i32>} : memref<4x256xf32, #tpu.memory_space<vmem>>, vector<16xf32>,
        tpu.vector_store %arg17[%swap3A_768, %swap3A_769], %add3A_766 {strides = array<i32>} : memref<4x256xf32, #tpu.memory_space<vmem>>, vector<16xf32>,
        %get3A_771 = arith.constant 3 : i32
        %get3A_772 = arith.index_cast %get3A_771 : i32 to index
        %get3A_773 = arith.constant 176 : index
        %get3A_774 = tpu.vector_load %arg17[%get3A_772, %get3A_773] {strides = array<i32>} : memref<4x256xf32, #tpu.memory_space<vmem>>, vector<16xf32>,
        %mul3A_775 = arith.mulf %gather3A_436, %get3A_700 : vector<16xf32>
        %add3A_776 = arith.addf %get3A_774, %mul3A_775 : vector<16xf32>
        %swap3A_777 = arith.constant 3 : i32
        %swap3A_778 = arith.index_cast %swap3A_777 : i32 to index
        %swap3A_779 = arith.constant 176 : index
        %swap3A_780 = tpu.vector_load %arg17[%swap3A_778, %swap3A_779] {strides = array<i32>} : memref<4x256xf32, #tpu.memory_space<vmem>>, vector<16xf32>,
        tpu.vector_store %arg17[%swap3A_778, %swap3A_779], %add3A_776 {strides = array<i32>} : memref<4x256xf32, #tpu.memory_space<vmem>>, vector<16xf32>,
        %get3A_781 = arith.index_cast %while3A_419 : i32 to index
        %get3A_782 = arith.constant 64 : index
        %get3A_783 = tpu.vector_load %arg18[%get3A_781, %get3A_782] {strides = array<i32>} : memref<16x128xf32, #tpu.memory_space<vmem>>, vector<16xf32>,
        %get3A_784 = arith.index_cast %while3A_419 : i32 to index
        %get3A_785 = arith.constant 64 : index
        %get3A_786 = tpu.vector_load %arg19[%get3A_784, %get3A_785] {strides = array<i32>} : memref<16x128xf32, #tpu.memory_space<vmem>>, vector<16xf32>,
        %get3A_787 = arith.constant 0 : i32
        %get3A_788 = arith.index_cast %get3A_787 : i32 to index
        %get3A_789 = arith.constant 64 : index
        %get3A_790 = tpu.vector_load %arg17[%get3A_788, %get3A_789] {strides = array<i32>} : memref<4x256xf32, #tpu.memory_space<vmem>>, vector<16xf32>,
        %mul3A_791 = arith.mulf %gather3A, %get3A_783 : vector<16xf32>
        %add3A_792 = arith.addf %get3A_790, %mul3A_791 : vector<16xf32>
        %swap3A_793 = arith.constant 0 : i32
        %swap3A_794 = arith.index_cast %swap3A_793 : i32 to index
        %swap3A_795 = arith.constant 64 : index
        %swap3A_796 = tpu.vector_load %arg17[%swap3A_794, %swap3A_795] {strides = array<i32>} : memref<4x256xf32, #tpu.memory_space<vmem>>, vector<16xf32>,
        tpu.vector_store %arg17[%swap3A_794, %swap3A_795], %add3A_792 {strides = array<i32>} : memref<4x256xf32, #tpu.memory_space<vmem>>, vector<16xf32>,
        %get3A_797 = arith.constant 0 : i32
        %get3A_798 = arith.index_cast %get3A_797 : i32 to index
        %get3A_799 = arith.constant 192 : index
        %get3A_800 = tpu.vector_load %arg17[%get3A_798, %get3A_799] {strides = array<i32>} : memref<4x256xf32, #tpu.memory_space<vmem>>, vector<16xf32>,
        %mul3A_801 = arith.mulf %gather3A, %get3A_786 : vector<16xf32>
        %add3A_802 = arith.addf %get3A_800, %mul3A_801 : vector<16xf32>
        %swap3A_803 = arith.constant 0 : i32
        %swap3A_804 = arith.index_cast %swap3A_803 : i32 to index
        %swap3A_805 = arith.constant 192 : index
        %swap3A_806 = tpu.vector_load %arg17[%swap3A_804, %swap3A_805] {strides = array<i32>} : memref<4x256xf32, #tpu.memory_space<vmem>>, vector<16xf32>,
        tpu.vector_store %arg17[%swap3A_804, %swap3A_805], %add3A_802 {strides = array<i32>} : memref<4x256xf32, #tpu.memory_space<vmem>>, vector<16xf32>,
        %get3A_807 = arith.constant 1 : i32
        %get3A_808 = arith.index_cast %get3A_807 : i32 to index
        %get3A_809 = arith.constant 64 : index
        %get3A_810 = tpu.vector_load %arg17[%get3A_808, %get3A_809] {strides = array<i32>} : memref<4x256xf32, #tpu.memory_space<vmem>>, vector<16xf32>,
        %mul3A_811 = arith.mulf %gather3A_428, %get3A_783 : vector<16xf32>
        %add3A_812 = arith.addf %get3A_810, %mul3A_811 : vector<16xf32>
        %swap3A_813 = arith.constant 1 : i32
        %swap3A_814 = arith.index_cast %swap3A_813 : i32 to index
        %swap3A_815 = arith.constant 64 : index
        %swap3A_816 = tpu.vector_load %arg17[%swap3A_814, %swap3A_815] {strides = array<i32>} : memref<4x256xf32, #tpu.memory_space<vmem>>, vector<16xf32>,
        tpu.vector_store %arg17[%swap3A_814, %swap3A_815], %add3A_812 {strides = array<i32>} : memref<4x256xf32, #tpu.memory_space<vmem>>, vector<16xf32>,
        %get3A_817 = arith.constant 1 : i32
        %get3A_818 = arith.index_cast %get3A_817 : i32 to index
        %get3A_819 = arith.constant 192 : index
        %get3A_820 = tpu.vector_load %arg17[%get3A_818, %get3A_819] {strides = array<i32>} : memref<4x256xf32, #tpu.memory_space<vmem>>, vector<16xf32>,
        %mul3A_821 = arith.mulf %gather3A_428, %get3A_786 : vector<16xf32>
        %add3A_822 = arith.addf %get3A_820, %mul3A_821 : vector<16xf32>
        %swap3A_823 = arith.constant 1 : i32
        %swap3A_824 = arith.index_cast %swap3A_823 : i32 to index
        %swap3A_825 = arith.constant 192 : index
        %swap3A_826 = tpu.vector_load %arg17[%swap3A_824, %swap3A_825] {strides = array<i32>} : memref<4x256xf32, #tpu.memory_space<vmem>>, vector<16xf32>,
        tpu.vector_store %arg17[%swap3A_824, %swap3A_825], %add3A_822 {strides = array<i32>} : memref<4x256xf32, #tpu.memory_space<vmem>>, vector<16xf32>,
        %get3A_827 = arith.constant 2 : i32
        %get3A_828 = arith.index_cast %get3A_827 : i32 to index
        %get3A_829 = arith.constant 64 : index
        %get3A_830 = tpu.vector_load %arg17[%get3A_828, %get3A_829] {strides = array<i32>} : memref<4x256xf32, #tpu.memory_space<vmem>>, vector<16xf32>,
        %mul3A_831 = arith.mulf %gather3A_432, %get3A_783 : vector<16xf32>
        %add3A_832 = arith.addf %get3A_830, %mul3A_831 : vector<16xf32>
        %swap3A_833 = arith.constant 2 : i32
        %swap3A_834 = arith.index_cast %swap3A_833 : i32 to index
        %swap3A_835 = arith.constant 64 : index
        %swap3A_836 = tpu.vector_load %arg17[%swap3A_834, %swap3A_835] {strides = array<i32>} : memref<4x256xf32, #tpu.memory_space<vmem>>, vector<16xf32>,
        tpu.vector_store %arg17[%swap3A_834, %swap3A_835], %add3A_832 {strides = array<i32>} : memref<4x256xf32, #tpu.memory_space<vmem>>, vector<16xf32>,
        %get3A_837 = arith.constant 2 : i32
        %get3A_838 = arith.index_cast %get3A_837 : i32 to index
        %get3A_839 = arith.constant 192 : index
        %get3A_840 = tpu.vector_load %arg17[%get3A_838, %get3A_839] {strides = array<i32>} : memref<4x256xf32, #tpu.memory_space<vmem>>, vector<16xf32>,
        %mul3A_841 = arith.mulf %gather3A_432, %get3A_786 : vector<16xf32>
        %add3A_842 = arith.addf %get3A_840, %mul3A_841 : vector<16xf32>
        %swap3A_843 = arith.constant 2 : i32
        %swap3A_844 = arith.index_cast %swap3A_843 : i32 to index
        %swap3A_845 = arith.constant 192 : index
        %swap3A_846 = tpu.vector_load %arg17[%swap3A_844, %swap3A_845] {strides = array<i32>} : memref<4x256xf32, #tpu.memory_space<vmem>>, vector<16xf32>,
        tpu.vector_store %arg17[%swap3A_844, %swap3A_845], %add3A_842 {strides = array<i32>} : memref<4x256xf32, #tpu.memory_space<vmem>>, vector<16xf32>,
        %get3A_847 = arith.constant 3 : i32
        %get3A_848 = arith.index_cast %get3A_847 : i32 to index
        %get3A_849 = arith.constant 64 : index
        %get3A_850 = tpu.vector_load %arg17[%get3A_848, %get3A_849] {strides = array<i32>} : memref<4x256xf32, #tpu.memory_space<vmem>>, vector<16xf32>,
        %mul3A_851 = arith.mulf %gather3A_436, %get3A_783 : vector<16xf32>
        %add3A_852 = arith.addf %get3A_850, %mul3A_851 : vector<16xf32>
        %swap3A_853 = arith.constant 3 : i32
        %swap3A_854 = arith.index_cast %swap3A_853 : i32 to index
        %swap3A_855 = arith.constant 64 : index
        %swap3A_856 = tpu.vector_load %arg17[%swap3A_854, %swap3A_855] {strides = array<i32>} : memref<4x256xf32, #tpu.memory_space<vmem>>, vector<16xf32>,
        tpu.vector_store %arg17[%swap3A_854, %swap3A_855], %add3A_852 {strides = array<i32>} : memref<4x256xf32, #tpu.memory_space<vmem>>, vector<16xf32>,
        %get3A_857 = arith.constant 3 : i32
        %get3A_858 = arith.index_cast %get3A_857 : i32 to index
        %get3A_859 = arith.constant 192 : index
        %get3A_860 = tpu.vector_load %arg17[%get3A_858, %get3A_859] {strides = array<i32>} : memref<4x256xf32, #tpu.memory_space<vmem>>, vector<16xf32>,
        %mul3A_861 = arith.mulf %gather3A_436, %get3A_786 : vector<16xf32>
        %add3A_862 = arith.addf %get3A_860, %mul3A_861 : vector<16xf32>
        %swap3A_863 = arith.constant 3 : i32
        %swap3A_864 = arith.index_cast %swap3A_863 : i32 to index
        %swap3A_865 = arith.constant 192 : index
        %swap3A_866 = tpu.vector_load %arg17[%swap3A_864, %swap3A_865] {strides = array<i32>} : memref<4x256xf32, #tpu.memory_space<vmem>>, vector<16xf32>,
        tpu.vector_store %arg17[%swap3A_864, %swap3A_865], %add3A_862 {strides = array<i32>} : memref<4x256xf32, #tpu.memory_space<vmem>>, vector<16xf32>,
        %get3A_867 = arith.index_cast %while3A_419 : i32 to index
        %get3A_868 = arith.constant 80 : index
        %get3A_869 = tpu.vector_load %arg18[%get3A_867, %get3A_868] {strides = array<i32>} : memref<16x128xf32, #tpu.memory_space<vmem>>, vector<16xf32>,
        %get3A_870 = arith.index_cast %while3A_419 : i32 to index
        %get3A_871 = arith.constant 80 : index
        %get3A_872 = tpu.vector_load %arg19[%get3A_870, %get3A_871] {strides = array<i32>} : memref<16x128xf32, #tpu.memory_space<vmem>>, vector<16xf32>,
        %get3A_873 = arith.constant 0 : i32
        %get3A_874 = arith.index_cast %get3A_873 : i32 to index
        %get3A_875 = arith.constant 80 : index
        %get3A_876 = tpu.vector_load %arg17[%get3A_874, %get3A_875] {strides = array<i32>} : memref<4x256xf32, #tpu.memory_space<vmem>>, vector<16xf32>,
        %mul3A_877 = arith.mulf %gather3A, %get3A_869 : vector<16xf32>
        %add3A_878 = arith.addf %get3A_876, %mul3A_877 : vector<16xf32>
        %swap3A_879 = arith.constant 0 : i32
        %swap3A_880 = arith.index_cast %swap3A_879 : i32 to index
        %swap3A_881 = arith.constant 80 : index
        %swap3A_882 = tpu.vector_load %arg17[%swap3A_880, %swap3A_881] {strides = array<i32>} : memref<4x256xf32, #tpu.memory_space<vmem>>, vector<16xf32>,
        tpu.vector_store %arg17[%swap3A_880, %swap3A_881], %add3A_878 {strides = array<i32>} : memref<4x256xf32, #tpu.memory_space<vmem>>, vector<16xf32>,
        %get3A_883 = arith.constant 0 : i32
        %get3A_884 = arith.index_cast %get3A_883 : i32 to index
        %get3A_885 = arith.constant 208 : index
        %get3A_886 = tpu.vector_load %arg17[%get3A_884, %get3A_885] {strides = array<i32>} : memref<4x256xf32, #tpu.memory_space<vmem>>, vector<16xf32>,
        %mul3A_887 = arith.mulf %gather3A, %get3A_872 : vector<16xf32>
        %add3A_888 = arith.addf %get3A_886, %mul3A_887 : vector<16xf32>
        %swap3A_889 = arith.constant 0 : i32
        %swap3A_890 = arith.index_cast %swap3A_889 : i32 to index
        %swap3A_891 = arith.constant 208 : index
        %swap3A_892 = tpu.vector_load %arg17[%swap3A_890, %swap3A_891] {strides = array<i32>} : memref<4x256xf32, #tpu.memory_space<vmem>>, vector<16xf32>,
        tpu.vector_store %arg17[%swap3A_890, %swap3A_891], %add3A_888 {strides = array<i32>} : memref<4x256xf32, #tpu.memory_space<vmem>>, vector<16xf32>,
        %get3A_893 = arith.constant 1 : i32
        %get3A_894 = arith.index_cast %get3A_893 : i32 to index
        %get3A_895 = arith.constant 80 : index
        %get3A_896 = tpu.vector_load %arg17[%get3A_894, %get3A_895] {strides = array<i32>} : memref<4x256xf32, #tpu.memory_space<vmem>>, vector<16xf32>,
        %mul3A_897 = arith.mulf %gather3A_428, %get3A_869 : vector<16xf32>
        %add3A_898 = arith.addf %get3A_896, %mul3A_897 : vector<16xf32>
        %swap3A_899 = arith.constant 1 : i32
        %swap3A_900 = arith.index_cast %swap3A_899 : i32 to index
        %swap3A_901 = arith.constant 80 : index
        %swap3A_902 = tpu.vector_load %arg17[%swap3A_900, %swap3A_901] {strides = array<i32>} : memref<4x256xf32, #tpu.memory_space<vmem>>, vector<16xf32>,
        tpu.vector_store %arg17[%swap3A_900, %swap3A_901], %add3A_898 {strides = array<i32>} : memref<4x256xf32, #tpu.memory_space<vmem>>, vector<16xf32>,
        %get3A_903 = arith.constant 1 : i32
        %get3A_904 = arith.index_cast %get3A_903 : i32 to index
        %get3A_905 = arith.constant 208 : index
        %get3A_906 = tpu.vector_load %arg17[%get3A_904, %get3A_905] {strides = array<i32>} : memref<4x256xf32, #tpu.memory_space<vmem>>, vector<16xf32>,
        %mul3A_907 = arith.mulf %gather3A_428, %get3A_872 : vector<16xf32>
        %add3A_908 = arith.addf %get3A_906, %mul3A_907 : vector<16xf32>
        %swap3A_909 = arith.constant 1 : i32
        %swap3A_910 = arith.index_cast %swap3A_909 : i32 to index
        %swap3A_911 = arith.constant 208 : index
        %swap3A_912 = tpu.vector_load %arg17[%swap3A_910, %swap3A_911] {strides = array<i32>} : memref<4x256xf32, #tpu.memory_space<vmem>>, vector<16xf32>,
        tpu.vector_store %arg17[%swap3A_910, %swap3A_911], %add3A_908 {strides = array<i32>} : memref<4x256xf32, #tpu.memory_space<vmem>>, vector<16xf32>,
        %get3A_913 = arith.constant 2 : i32
        %get3A_914 = arith.index_cast %get3A_913 : i32 to index
        %get3A_915 = arith.constant 80 : index
        %get3A_916 = tpu.vector_load %arg17[%get3A_914, %get3A_915] {strides = array<i32>} : memref<4x256xf32, #tpu.memory_space<vmem>>, vector<16xf32>,
        %mul3A_917 = arith.mulf %gather3A_432, %get3A_869 : vector<16xf32>
        %add3A_918 = arith.addf %get3A_916, %mul3A_917 : vector<16xf32>
        %swap3A_919 = arith.constant 2 : i32
        %swap3A_920 = arith.index_cast %swap3A_919 : i32 to index
        %swap3A_921 = arith.constant 80 : index
        %swap3A_922 = tpu.vector_load %arg17[%swap3A_920, %swap3A_921] {strides = array<i32>} : memref<4x256xf32, #tpu.memory_space<vmem>>, vector<16xf32>,
        tpu.vector_store %arg17[%swap3A_920, %swap3A_921], %add3A_918 {strides = array<i32>} : memref<4x256xf32, #tpu.memory_space<vmem>>, vector<16xf32>,
        %get3A_923 = arith.constant 2 : i32
        %get3A_924 = arith.index_cast %get3A_923 : i32 to index
        %get3A_925 = arith.constant 208 : index
        %get3A_926 = tpu.vector_load %arg17[%get3A_924, %get3A_925] {strides = array<i32>} : memref<4x256xf32, #tpu.memory_space<vmem>>, vector<16xf32>,
        %mul3A_927 = arith.mulf %gather3A_432, %get3A_872 : vector<16xf32>
        %add3A_928 = arith.addf %get3A_926, %mul3A_927 : vector<16xf32>
        %swap3A_929 = arith.constant 2 : i32
        %swap3A_930 = arith.index_cast %swap3A_929 : i32 to index
        %swap3A_931 = arith.constant 208 : index
        %swap3A_932 = tpu.vector_load %arg17[%swap3A_930, %swap3A_931] {strides = array<i32>} : memref<4x256xf32, #tpu.memory_space<vmem>>, vector<16xf32>,
        tpu.vector_store %arg17[%swap3A_930, %swap3A_931], %add3A_928 {strides = array<i32>} : memref<4x256xf32, #tpu.memory_space<vmem>>, vector<16xf32>,
        %get3A_933 = arith.constant 3 : i32
        %get3A_934 = arith.index_cast %get3A_933 : i32 to index
        %get3A_935 = arith.constant 80 : index
        %get3A_936 = tpu.vector_load %arg17[%get3A_934, %get3A_935] {strides = array<i32>} : memref<4x256xf32, #tpu.memory_space<vmem>>, vector<16xf32>,
        %mul3A_937 = arith.mulf %gather3A_436, %get3A_869 : vector<16xf32>
        %add3A_938 = arith.addf %get3A_936, %mul3A_937 : vector<16xf32>
        %swap3A_939 = arith.constant 3 : i32
        %swap3A_940 = arith.index_cast %swap3A_939 : i32 to index
        %swap3A_941 = arith.constant 80 : index
        %swap3A_942 = tpu.vector_load %arg17[%swap3A_940, %swap3A_941] {strides = array<i32>} : memref<4x256xf32, #tpu.memory_space<vmem>>, vector<16xf32>,
        tpu.vector_store %arg17[%swap3A_940, %swap3A_941], %add3A_938 {strides = array<i32>} : memref<4x256xf32, #tpu.memory_space<vmem>>, vector<16xf32>,
        %get3A_943 = arith.constant 3 : i32
        %get3A_944 = arith.index_cast %get3A_943 : i32 to index
        %get3A_945 = arith.constant 208 : index
        %get3A_946 = tpu.vector_load %arg17[%get3A_944, %get3A_945] {strides = array<i32>} : memref<4x256xf32, #tpu.memory_space<vmem>>, vector<16xf32>,
        %mul3A_947 = arith.mulf %gather3A_436, %get3A_872 : vector<16xf32>
        %add3A_948 = arith.addf %get3A_946, %mul3A_947 : vector<16xf32>
        %swap3A_949 = arith.constant 3 : i32
        %swap3A_950 = arith.index_cast %swap3A_949 : i32 to index
        %swap3A_951 = arith.constant 208 : index
        %swap3A_952 = tpu.vector_load %arg17[%swap3A_950, %swap3A_951] {strides = array<i32>} : memref<4x256xf32, #tpu.memory_space<vmem>>, vector<16xf32>,
        tpu.vector_store %arg17[%swap3A_950, %swap3A_951], %add3A_948 {strides = array<i32>} : memref<4x256xf32, #tpu.memory_space<vmem>>, vector<16xf32>,
        %get3A_953 = arith.index_cast %while3A_419 : i32 to index
        %get3A_954 = arith.constant 96 : index
        %get3A_955 = tpu.vector_load %arg18[%get3A_953, %get3A_954] {strides = array<i32>} : memref<16x128xf32, #tpu.memory_space<vmem>>, vector<16xf32>,
        %get3A_956 = arith.index_cast %while3A_419 : i32 to index
        %get3A_957 = arith.constant 96 : index
        %get3A_958 = tpu.vector_load %arg19[%get3A_956, %get3A_957] {strides = array<i32>} : memref<16x128xf32, #tpu.memory_space<vmem>>, vector<16xf32>,
        %get3A_959 = arith.constant 0 : i32
        %get3A_960 = arith.index_cast %get3A_959 : i32 to index
        %get3A_961 = arith.constant 96 : index
        %get3A_962 = tpu.vector_load %arg17[%get3A_960, %get3A_961] {strides = array<i32>} : memref<4x256xf32, #tpu.memory_space<vmem>>, vector<16xf32>,
        %mul3A_963 = arith.mulf %gather3A, %get3A_955 : vector<16xf32>
        %add3A_964 = arith.addf %get3A_962, %mul3A_963 : vector<16xf32>
        %swap3A_965 = arith.constant 0 : i32
        %swap3A_966 = arith.index_cast %swap3A_965 : i32 to index
        %swap3A_967 = arith.constant 96 : index
        %swap3A_968 = tpu.vector_load %arg17[%swap3A_966, %swap3A_967] {strides = array<i32>} : memref<4x256xf32, #tpu.memory_space<vmem>>, vector<16xf32>,
        tpu.vector_store %arg17[%swap3A_966, %swap3A_967], %add3A_964 {strides = array<i32>} : memref<4x256xf32, #tpu.memory_space<vmem>>, vector<16xf32>,
        %get3A_969 = arith.constant 0 : i32
        %get3A_970 = arith.index_cast %get3A_969 : i32 to index
        %get3A_971 = arith.constant 224 : index
        %get3A_972 = tpu.vector_load %arg17[%get3A_970, %get3A_971] {strides = array<i32>} : memref<4x256xf32, #tpu.memory_space<vmem>>, vector<16xf32>,
        %mul3A_973 = arith.mulf %gather3A, %get3A_958 : vector<16xf32>
        %add3A_974 = arith.addf %get3A_972, %mul3A_973 : vector<16xf32>
        %swap3A_975 = arith.constant 0 : i32
        %swap3A_976 = arith.index_cast %swap3A_975 : i32 to index
        %swap3A_977 = arith.constant 224 : index
        %swap3A_978 = tpu.vector_load %arg17[%swap3A_976, %swap3A_977] {strides = array<i32>} : memref<4x256xf32, #tpu.memory_space<vmem>>, vector<16xf32>,
        tpu.vector_store %arg17[%swap3A_976, %swap3A_977], %add3A_974 {strides = array<i32>} : memref<4x256xf32, #tpu.memory_space<vmem>>, vector<16xf32>,
        %get3A_979 = arith.constant 1 : i32
        %get3A_980 = arith.index_cast %get3A_979 : i32 to index
        %get3A_981 = arith.constant 96 : index
        %get3A_982 = tpu.vector_load %arg17[%get3A_980, %get3A_981] {strides = array<i32>} : memref<4x256xf32, #tpu.memory_space<vmem>>, vector<16xf32>,
        %mul3A_983 = arith.mulf %gather3A_428, %get3A_955 : vector<16xf32>
        %add3A_984 = arith.addf %get3A_982, %mul3A_983 : vector<16xf32>
        %swap3A_985 = arith.constant 1 : i32
        %swap3A_986 = arith.index_cast %swap3A_985 : i32 to index
        %swap3A_987 = arith.constant 96 : index
        %swap3A_988 = tpu.vector_load %arg17[%swap3A_986, %swap3A_987] {strides = array<i32>} : memref<4x256xf32, #tpu.memory_space<vmem>>, vector<16xf32>,
        tpu.vector_store %arg17[%swap3A_986, %swap3A_987], %add3A_984 {strides = array<i32>} : memref<4x256xf32, #tpu.memory_space<vmem>>, vector<16xf32>,
        %get3A_989 = arith.constant 1 : i32
        %get3A_990 = arith.index_cast %get3A_989 : i32 to index
        %get3A_991 = arith.constant 224 : index
        %get3A_992 = tpu.vector_load %arg17[%get3A_990, %get3A_991] {strides = array<i32>} : memref<4x256xf32, #tpu.memory_space<vmem>>, vector<16xf32>,
        %mul3A_993 = arith.mulf %gather3A_428, %get3A_958 : vector<16xf32>
        %add3A_994 = arith.addf %get3A_992, %mul3A_993 : vector<16xf32>
        %swap3A_995 = arith.constant 1 : i32
        %swap3A_996 = arith.index_cast %swap3A_995 : i32 to index
        %swap3A_997 = arith.constant 224 : index
        %swap3A_998 = tpu.vector_load %arg17[%swap3A_996, %swap3A_997] {strides = array<i32>} : memref<4x256xf32, #tpu.memory_space<vmem>>, vector<16xf32>,
        tpu.vector_store %arg17[%swap3A_996, %swap3A_997], %add3A_994 {strides = array<i32>} : memref<4x256xf32, #tpu.memory_space<vmem>>, vector<16xf32>,
        %get3A_999 = arith.constant 2 : i32
        %get3A_1000 = arith.index_cast %get3A_999 : i32 to index
        %get3A_1001 = arith.constant 96 : index
        %get3A_1002 = tpu.vector_load %arg17[%get3A_1000, %get3A_1001] {strides = array<i32>} : memref<4x256xf32, #tpu.memory_space<vmem>>, vector<16xf32>,
        %mul3A_1003 = arith.mulf %gather3A_432, %get3A_955 : vector<16xf32>
        %add3A_1004 = arith.addf %get3A_1002, %mul3A_1003 : vector<16xf32>
        %swap3A_1005 = arith.constant 2 : i32
        %swap3A_1006 = arith.index_cast %swap3A_1005 : i32 to index
        %swap3A_1007 = arith.constant 96 : index
        %swap3A_1008 = tpu.vector_load %arg17[%swap3A_1006, %swap3A_1007] {strides = array<i32>} : memref<4x256xf32, #tpu.memory_space<vmem>>, vector<16xf32>,
        tpu.vector_store %arg17[%swap3A_1006, %swap3A_1007], %add3A_1004 {strides = array<i32>} : memref<4x256xf32, #tpu.memory_space<vmem>>, vector<16xf32>,
        %get3A_1009 = arith.constant 2 : i32
        %get3A_1010 = arith.index_cast %get3A_1009 : i32 to index
        %get3A_1011 = arith.constant 224 : index
        %get3A_1012 = tpu.vector_load %arg17[%get3A_1010, %get3A_1011] {strides = array<i32>} : memref<4x256xf32, #tpu.memory_space<vmem>>, vector<16xf32>,
        %mul3A_1013 = arith.mulf %gather3A_432, %get3A_958 : vector<16xf32>
        %add3A_1014 = arith.addf %get3A_1012, %mul3A_1013 : vector<16xf32>
        %swap3A_1015 = arith.constant 2 : i32
        %swap3A_1016 = arith.index_cast %swap3A_1015 : i32 to index
        %swap3A_1017 = arith.constant 224 : index
        %swap3A_1018 = tpu.vector_load %arg17[%swap3A_1016, %swap3A_1017] {strides = array<i32>} : memref<4x256xf32, #tpu.memory_space<vmem>>, vector<16xf32>,
        tpu.vector_store %arg17[%swap3A_1016, %swap3A_1017], %add3A_1014 {strides = array<i32>} : memref<4x256xf32, #tpu.memory_space<vmem>>, vector<16xf32>,
        %get3A_1019 = arith.constant 3 : i32
        %get3A_1020 = arith.index_cast %get3A_1019 : i32 to index
        %get3A_1021 = arith.constant 96 : index
        %get3A_1022 = tpu.vector_load %arg17[%get3A_1020, %get3A_1021] {strides = array<i32>} : memref<4x256xf32, #tpu.memory_space<vmem>>, vector<16xf32>,
        %mul3A_1023 = arith.mulf %gather3A_436, %get3A_955 : vector<16xf32>
        %add3A_1024 = arith.addf %get3A_1022, %mul3A_1023 : vector<16xf32>
        %swap3A_1025 = arith.constant 3 : i32
        %swap3A_1026 = arith.index_cast %swap3A_1025 : i32 to index
        %swap3A_1027 = arith.constant 96 : index
        %swap3A_1028 = tpu.vector_load %arg17[%swap3A_1026, %swap3A_1027] {strides = array<i32>} : memref<4x256xf32, #tpu.memory_space<vmem>>, vector<16xf32>,
        tpu.vector_store %arg17[%swap3A_1026, %swap3A_1027], %add3A_1024 {strides = array<i32>} : memref<4x256xf32, #tpu.memory_space<vmem>>, vector<16xf32>,
        %get3A_1029 = arith.constant 3 : i32
        %get3A_1030 = arith.index_cast %get3A_1029 : i32 to index
        %get3A_1031 = arith.constant 224 : index
        %get3A_1032 = tpu.vector_load %arg17[%get3A_1030, %get3A_1031] {strides = array<i32>} : memref<4x256xf32, #tpu.memory_space<vmem>>, vector<16xf32>,
        %mul3A_1033 = arith.mulf %gather3A_436, %get3A_958 : vector<16xf32>
        %add3A_1034 = arith.addf %get3A_1032, %mul3A_1033 : vector<16xf32>
        %swap3A_1035 = arith.constant 3 : i32
        %swap3A_1036 = arith.index_cast %swap3A_1035 : i32 to index
        %swap3A_1037 = arith.constant 224 : index
        %swap3A_1038 = tpu.vector_load %arg17[%swap3A_1036, %swap3A_1037] {strides = array<i32>} : memref<4x256xf32, #tpu.memory_space<vmem>>, vector<16xf32>,
        tpu.vector_store %arg17[%swap3A_1036, %swap3A_1037], %add3A_1034 {strides = array<i32>} : memref<4x256xf32, #tpu.memory_space<vmem>>, vector<16xf32>,
        %get3A_1039 = arith.index_cast %while3A_419 : i32 to index
        %get3A_1040 = arith.constant 112 : index
        %get3A_1041 = tpu.vector_load %arg18[%get3A_1039, %get3A_1040] {strides = array<i32>} : memref<16x128xf32, #tpu.memory_space<vmem>>, vector<16xf32>,
        %get3A_1042 = arith.index_cast %while3A_419 : i32 to index
        %get3A_1043 = arith.constant 112 : index
        %get3A_1044 = tpu.vector_load %arg19[%get3A_1042, %get3A_1043] {strides = array<i32>} : memref<16x128xf32, #tpu.memory_space<vmem>>, vector<16xf32>,
        %get3A_1045 = arith.constant 0 : i32
        %get3A_1046 = arith.index_cast %get3A_1045 : i32 to index
        %get3A_1047 = arith.constant 112 : index
        %get3A_1048 = tpu.vector_load %arg17[%get3A_1046, %get3A_1047] {strides = array<i32>} : memref<4x256xf32, #tpu.memory_space<vmem>>, vector<16xf32>,
        %mul3A_1049 = arith.mulf %gather3A, %get3A_1041 : vector<16xf32>
        %add3A_1050 = arith.addf %get3A_1048, %mul3A_1049 : vector<16xf32>
        %swap3A_1051 = arith.constant 0 : i32
        %swap3A_1052 = arith.index_cast %swap3A_1051 : i32 to index
        %swap3A_1053 = arith.constant 112 : index
        %swap3A_1054 = tpu.vector_load %arg17[%swap3A_1052, %swap3A_1053] {strides = array<i32>} : memref<4x256xf32, #tpu.memory_space<vmem>>, vector<16xf32>,
        tpu.vector_store %arg17[%swap3A_1052, %swap3A_1053], %add3A_1050 {strides = array<i32>} : memref<4x256xf32, #tpu.memory_space<vmem>>, vector<16xf32>,
        %get3A_1055 = arith.constant 0 : i32
        %get3A_1056 = arith.index_cast %get3A_1055 : i32 to index
        %get3A_1057 = arith.constant 240 : index
        %get3A_1058 = tpu.vector_load %arg17[%get3A_1056, %get3A_1057] {strides = array<i32>} : memref<4x256xf32, #tpu.memory_space<vmem>>, vector<16xf32>,
        %mul3A_1059 = arith.mulf %gather3A, %get3A_1044 : vector<16xf32>
        %add3A_1060 = arith.addf %get3A_1058, %mul3A_1059 : vector<16xf32>
        %swap3A_1061 = arith.constant 0 : i32
        %swap3A_1062 = arith.index_cast %swap3A_1061 : i32 to index
        %swap3A_1063 = arith.constant 240 : index
        %swap3A_1064 = tpu.vector_load %arg17[%swap3A_1062, %swap3A_1063] {strides = array<i32>} : memref<4x256xf32, #tpu.memory_space<vmem>>, vector<16xf32>,
        tpu.vector_store %arg17[%swap3A_1062, %swap3A_1063], %add3A_1060 {strides = array<i32>} : memref<4x256xf32, #tpu.memory_space<vmem>>, vector<16xf32>,
        %get3A_1065 = arith.constant 1 : i32
        %get3A_1066 = arith.index_cast %get3A_1065 : i32 to index
        %get3A_1067 = arith.constant 112 : index
        %get3A_1068 = tpu.vector_load %arg17[%get3A_1066, %get3A_1067] {strides = array<i32>} : memref<4x256xf32, #tpu.memory_space<vmem>>, vector<16xf32>,
        %mul3A_1069 = arith.mulf %gather3A_428, %get3A_1041 : vector<16xf32>
        %add3A_1070 = arith.addf %get3A_1068, %mul3A_1069 : vector<16xf32>
        %swap3A_1071 = arith.constant 1 : i32
        %swap3A_1072 = arith.index_cast %swap3A_1071 : i32 to index
        %swap3A_1073 = arith.constant 112 : index
        %swap3A_1074 = tpu.vector_load %arg17[%swap3A_1072, %swap3A_1073] {strides = array<i32>} : memref<4x256xf32, #tpu.memory_space<vmem>>, vector<16xf32>,
        tpu.vector_store %arg17[%swap3A_1072, %swap3A_1073], %add3A_1070 {strides = array<i32>} : memref<4x256xf32, #tpu.memory_space<vmem>>, vector<16xf32>,
        %get3A_1075 = arith.constant 1 : i32
        %get3A_1076 = arith.index_cast %get3A_1075 : i32 to index
        %get3A_1077 = arith.constant 240 : index
        %get3A_1078 = tpu.vector_load %arg17[%get3A_1076, %get3A_1077] {strides = array<i32>} : memref<4x256xf32, #tpu.memory_space<vmem>>, vector<16xf32>,
        %mul3A_1079 = arith.mulf %gather3A_428, %get3A_1044 : vector<16xf32>
        %add3A_1080 = arith.addf %get3A_1078, %mul3A_1079 : vector<16xf32>
        %swap3A_1081 = arith.constant 1 : i32
        %swap3A_1082 = arith.index_cast %swap3A_1081 : i32 to index
        %swap3A_1083 = arith.constant 240 : index
        %swap3A_1084 = tpu.vector_load %arg17[%swap3A_1082, %swap3A_1083] {strides = array<i32>} : memref<4x256xf32, #tpu.memory_space<vmem>>, vector<16xf32>,
        tpu.vector_store %arg17[%swap3A_1082, %swap3A_1083], %add3A_1080 {strides = array<i32>} : memref<4x256xf32, #tpu.memory_space<vmem>>, vector<16xf32>,
        %get3A_1085 = arith.constant 2 : i32
        %get3A_1086 = arith.index_cast %get3A_1085 : i32 to index
        %get3A_1087 = arith.constant 112 : index
        %get3A_1088 = tpu.vector_load %arg17[%get3A_1086, %get3A_1087] {strides = array<i32>} : memref<4x256xf32, #tpu.memory_space<vmem>>, vector<16xf32>,
        %mul3A_1089 = arith.mulf %gather3A_432, %get3A_1041 : vector<16xf32>
        %add3A_1090 = arith.addf %get3A_1088, %mul3A_1089 : vector<16xf32>
        %swap3A_1091 = arith.constant 2 : i32
        %swap3A_1092 = arith.index_cast %swap3A_1091 : i32 to index
        %swap3A_1093 = arith.constant 112 : index
        %swap3A_1094 = tpu.vector_load %arg17[%swap3A_1092, %swap3A_1093] {strides = array<i32>} : memref<4x256xf32, #tpu.memory_space<vmem>>, vector<16xf32>,
        tpu.vector_store %arg17[%swap3A_1092, %swap3A_1093], %add3A_1090 {strides = array<i32>} : memref<4x256xf32, #tpu.memory_space<vmem>>, vector<16xf32>,
        %get3A_1095 = arith.constant 2 : i32
        %get3A_1096 = arith.index_cast %get3A_1095 : i32 to index
        %get3A_1097 = arith.constant 240 : index
        %get3A_1098 = tpu.vector_load %arg17[%get3A_1096, %get3A_1097] {strides = array<i32>} : memref<4x256xf32, #tpu.memory_space<vmem>>, vector<16xf32>,
        %mul3A_1099 = arith.mulf %gather3A_432, %get3A_1044 : vector<16xf32>
        %add3A_1100 = arith.addf %get3A_1098, %mul3A_1099 : vector<16xf32>
        %swap3A_1101 = arith.constant 2 : i32
        %swap3A_1102 = arith.index_cast %swap3A_1101 : i32 to index
        %swap3A_1103 = arith.constant 240 : index
        %swap3A_1104 = tpu.vector_load %arg17[%swap3A_1102, %swap3A_1103] {strides = array<i32>} : memref<4x256xf32, #tpu.memory_space<vmem>>, vector<16xf32>,
        tpu.vector_store %arg17[%swap3A_1102, %swap3A_1103], %add3A_1100 {strides = array<i32>} : memref<4x256xf32, #tpu.memory_space<vmem>>, vector<16xf32>,
        %get3A_1105 = arith.constant 3 : i32
        %get3A_1106 = arith.index_cast %get3A_1105 : i32 to index
        %get3A_1107 = arith.constant 112 : index
        %get3A_1108 = tpu.vector_load %arg17[%get3A_1106, %get3A_1107] {strides = array<i32>} : memref<4x256xf32, #tpu.memory_space<vmem>>, vector<16xf32>,
        %mul3A_1109 = arith.mulf %gather3A_436, %get3A_1041 : vector<16xf32>
        %add3A_1110 = arith.addf %get3A_1108, %mul3A_1109 : vector<16xf32>
        %swap3A_1111 = arith.constant 3 : i32
        %swap3A_1112 = arith.index_cast %swap3A_1111 : i32 to index
        %swap3A_1113 = arith.constant 112 : index
        %swap3A_1114 = tpu.vector_load %arg17[%swap3A_1112, %swap3A_1113] {strides = array<i32>} : memref<4x256xf32, #tpu.memory_space<vmem>>, vector<16xf32>,
        tpu.vector_store %arg17[%swap3A_1112, %swap3A_1113], %add3A_1110 {strides = array<i32>} : memref<4x256xf32, #tpu.memory_space<vmem>>, vector<16xf32>,
        %get3A_1115 = arith.constant 3 : i32
        %get3A_1116 = arith.index_cast %get3A_1115 : i32 to index
        %get3A_1117 = arith.constant 240 : index
        %get3A_1118 = tpu.vector_load %arg17[%get3A_1116, %get3A_1117] {strides = array<i32>} : memref<4x256xf32, #tpu.memory_space<vmem>>, vector<16xf32>,
        %mul3A_1119 = arith.mulf %gather3A_436, %get3A_1044 : vector<16xf32>
        %add3A_1120 = arith.addf %get3A_1118, %mul3A_1119 : vector<16xf32>
        %swap3A_1121 = arith.constant 3 : i32
        %swap3A_1122 = arith.index_cast %swap3A_1121 : i32 to index
        %swap3A_1123 = arith.constant 240 : index
        %swap3A_1124 = tpu.vector_load %arg17[%swap3A_1122, %swap3A_1123] {strides = array<i32>} : memref<4x256xf32, #tpu.memory_space<vmem>>, vector<16xf32>,
        tpu.vector_store %arg17[%swap3A_1122, %swap3A_1123], %add3A_1120 {strides = array<i32>} : memref<4x256xf32, #tpu.memory_space<vmem>>, vector<16xf32>,
        %while3A_1125 = arith.constant 0 : i32
        scf.yield %while3A_1125 : i32
      }
      %while3A_416 = arith.constant 1 : i32
      %while3A_417 = scf.for %while3A_419 = %while3A_413 to %while3A_409 step %while3A_416 iter_args(%while3A_420 = %while3A_415) -> (i32)  : i32 {
        %broadcast_in_dim3A_421 = vector.broadcast %while3A_419 : i32 to vector<16xi32>
        %broadcast_in_dim3A_422 = arith.constant 0 : i32
        %broadcast_in_dim3A_423 = vector.broadcast %broadcast_in_dim3A_422 : i32 to vector<16xi32>
        %add3A_424 = arith.addi %broadcast_in_dim3A_421, %broadcast_in_dim3A_423 : vector<16xi32>
        %gather3A = tpu.vector_load_idx %arg20[%add3A_424] : memref<64xf32, #tpu.memory_space<vmem>>[vector<16xi32>], vector<16xf32>,
        %broadcast_in_dim3A_425 = arith.constant 16 : i32
        %broadcast_in_dim3A_426 = vector.broadcast %broadcast_in_dim3A_425 : i32 to vector<16xi32>
        %add3A_427 = arith.addi %broadcast_in_dim3A_421, %broadcast_in_dim3A_426 : vector<16xi32>
        %gather3A_428 = tpu.vector_load_idx %arg20[%add3A_427] : memref<64xf32, #tpu.memory_space<vmem>>[vector<16xi32>], vector<16xf32>,
        %broadcast_in_dim3A_429 = arith.constant 32 : i32
        %broadcast_in_dim3A_430 = vector.broadcast %broadcast_in_dim3A_429 : i32 to vector<16xi32>
        %add3A_431 = arith.addi %broadcast_in_dim3A_421, %broadcast_in_dim3A_430 : vector<16xi32>
        %gather3A_432 = tpu.vector_load_idx %arg20[%add3A_431] : memref<64xf32, #tpu.memory_space<vmem>>[vector<16xi32>], vector<16xf32>,
        %broadcast_in_dim3A_433 = arith.constant 48 : i32
        %broadcast_in_dim3A_434 = vector.broadcast %broadcast_in_dim3A_433 : i32 to vector<16xi32>
        %add3A_435 = arith.addi %broadcast_in_dim3A_421, %broadcast_in_dim3A_434 : vector<16xi32>
        %gather3A_436 = tpu.vector_load_idx %arg20[%add3A_435] : memref<64xf32, #tpu.memory_space<vmem>>[vector<16xi32>], vector<16xf32>,
        %get3A_437 = arith.index_cast %while3A_419 : i32 to index
        %get3A_438 = arith.constant 0 : index
        %get3A_439 = tpu.vector_load %arg18[%get3A_437, %get3A_438] {strides = array<i32>} : memref<16x128xf32, #tpu.memory_space<vmem>>, vector<16xf32>,
        %get3A_440 = arith.index_cast %while3A_419 : i32 to index
        %get3A_441 = arith.constant 0 : index
        %get3A_442 = tpu.vector_load %arg19[%get3A_440, %get3A_441] {strides = array<i32>} : memref<16x128xf32, #tpu.memory_space<vmem>>, vector<16xf32>,
        %get3A_443 = arith.constant 0 : i32
        %get3A_444 = arith.index_cast %get3A_443 : i32 to index
        %get3A_445 = arith.constant 0 : index
        %get3A_446 = tpu.vector_load %arg17[%get3A_444, %get3A_445] {strides = array<i32>} : memref<4x256xf32, #tpu.memory_space<vmem>>, vector<16xf32>,
        %mul3A_447 = arith.mulf %gather3A, %get3A_439 : vector<16xf32>
        %add3A_448 = arith.addf %get3A_446, %mul3A_447 : vector<16xf32>
        %swap3A_449 = arith.constant 0 : i32
        %swap3A_450 = arith.index_cast %swap3A_449 : i32 to index
        %swap3A_451 = arith.constant 0 : index
        %swap3A_452 = tpu.vector_load %arg17[%swap3A_450, %swap3A_451] {strides = array<i32>} : memref<4x256xf32, #tpu.memory_space<vmem>>, vector<16xf32>,
        tpu.vector_store %arg17[%swap3A_450, %swap3A_451], %add3A_448 {strides = array<i32>} : memref<4x256xf32, #tpu.memory_space<vmem>>, vector<16xf32>,
        %get3A_453 = arith.constant 0 : i32
        %get3A_454 = arith.index_cast %get3A_453 : i32 to index
        %get3A_455 = arith.constant 128 : index
        %get3A_456 = tpu.vector_load %arg17[%get3A_454, %get3A_455] {strides = array<i32>} : memref<4x256xf32, #tpu.memory_space<vmem>>, vector<16xf32>,
        %mul3A_457 = arith.mulf %gather3A, %get3A_442 : vector<16xf32>
        %add3A_458 = arith.addf %get3A_456, %mul3A_457 : vector<16xf32>
        %swap3A_459 = arith.constant 0 : i32
        %swap3A_460 = arith.index_cast %swap3A_459 : i32 to index
        %swap3A_461 = arith.constant 128 : index
        %swap3A_462 = tpu.vector_load %arg17[%swap3A_460, %swap3A_461] {strides = array<i32>} : memref<4x256xf32, #tpu.memory_space<vmem>>, vector<16xf32>,
        tpu.vector_store %arg17[%swap3A_460, %swap3A_461], %add3A_458 {strides = array<i32>} : memref<4x256xf32, #tpu.memory_space<vmem>>, vector<16xf32>,
        %get3A_463 = arith.constant 1 : i32
        %get3A_464 = arith.index_cast %get3A_463 : i32 to index
        %get3A_465 = arith.constant 0 : index
        %get3A_466 = tpu.vector_load %arg17[%get3A_464, %get3A_465] {strides = array<i32>} : memref<4x256xf32, #tpu.memory_space<vmem>>, vector<16xf32>,
        %mul3A_467 = arith.mulf %gather3A_428, %get3A_439 : vector<16xf32>
        %add3A_468 = arith.addf %get3A_466, %mul3A_467 : vector<16xf32>
        %swap3A_469 = arith.constant 1 : i32
        %swap3A_470 = arith.index_cast %swap3A_469 : i32 to index
        %swap3A_471 = arith.constant 0 : index
        %swap3A_472 = tpu.vector_load %arg17[%swap3A_470, %swap3A_471] {strides = array<i32>} : memref<4x256xf32, #tpu.memory_space<vmem>>, vector<16xf32>,
        tpu.vector_store %arg17[%swap3A_470, %swap3A_471], %add3A_468 {strides = array<i32>} : memref<4x256xf32, #tpu.memory_space<vmem>>, vector<16xf32>,
        %get3A_473 = arith.constant 1 : i32
        %get3A_474 = arith.index_cast %get3A_473 : i32 to index
        %get3A_475 = arith.constant 128 : index
        %get3A_476 = tpu.vector_load %arg17[%get3A_474, %get3A_475] {strides = array<i32>} : memref<4x256xf32, #tpu.memory_space<vmem>>, vector<16xf32>,
        %mul3A_477 = arith.mulf %gather3A_428, %get3A_442 : vector<16xf32>
        %add3A_478 = arith.addf %get3A_476, %mul3A_477 : vector<16xf32>
        %swap3A_479 = arith.constant 1 : i32
        %swap3A_480 = arith.index_cast %swap3A_479 : i32 to index
        %swap3A_481 = arith.constant 128 : index
        %swap3A_482 = tpu.vector_load %arg17[%swap3A_480, %swap3A_481] {strides = array<i32>} : memref<4x256xf32, #tpu.memory_space<vmem>>, vector<16xf32>,
        tpu.vector_store %arg17[%swap3A_480, %swap3A_481], %add3A_478 {strides = array<i32>} : memref<4x256xf32, #tpu.memory_space<vmem>>, vector<16xf32>,
        %get3A_483 = arith.constant 2 : i32
        %get3A_484 = arith.index_cast %get3A_483 : i32 to index
        %get3A_485 = arith.constant 0 : index
        %get3A_486 = tpu.vector_load %arg17[%get3A_484, %get3A_485] {strides = array<i32>} : memref<4x256xf32, #tpu.memory_space<vmem>>, vector<16xf32>,
        %mul3A_487 = arith.mulf %gather3A_432, %get3A_439 : vector<16xf32>
        %add3A_488 = arith.addf %get3A_486, %mul3A_487 : vector<16xf32>
        %swap3A_489 = arith.constant 2 : i32
        %swap3A_490 = arith.index_cast %swap3A_489 : i32 to index
        %swap3A_491 = arith.constant 0 : index
        %swap3A_492 = tpu.vector_load %arg17[%swap3A_490, %swap3A_491] {strides = array<i32>} : memref<4x256xf32, #tpu.memory_space<vmem>>, vector<16xf32>,
        tpu.vector_store %arg17[%swap3A_490, %swap3A_491], %add3A_488 {strides = array<i32>} : memref<4x256xf32, #tpu.memory_space<vmem>>, vector<16xf32>,
        %get3A_493 = arith.constant 2 : i32
        %get3A_494 = arith.index_cast %get3A_493 : i32 to index
        %get3A_495 = arith.constant 128 : index
        %get3A_496 = tpu.vector_load %arg17[%get3A_494, %get3A_495] {strides = array<i32>} : memref<4x256xf32, #tpu.memory_space<vmem>>, vector<16xf32>,
        %mul3A_497 = arith.mulf %gather3A_432, %get3A_442 : vector<16xf32>
        %add3A_498 = arith.addf %get3A_496, %mul3A_497 : vector<16xf32>
        %swap3A_499 = arith.constant 2 : i32
        %swap3A_500 = arith.index_cast %swap3A_499 : i32 to index
        %swap3A_501 = arith.constant 128 : index
        %swap3A_502 = tpu.vector_load %arg17[%swap3A_500, %swap3A_501] {strides = array<i32>} : memref<4x256xf32, #tpu.memory_space<vmem>>, vector<16xf32>,
        tpu.vector_store %arg17[%swap3A_500, %swap3A_501], %add3A_498 {strides = array<i32>} : memref<4x256xf32, #tpu.memory_space<vmem>>, vector<16xf32>,
        %get3A_503 = arith.constant 3 : i32
        %get3A_504 = arith.index_cast %get3A_503 : i32 to index
        %get3A_505 = arith.constant 0 : index
        %get3A_506 = tpu.vector_load %arg17[%get3A_504, %get3A_505] {strides = array<i32>} : memref<4x256xf32, #tpu.memory_space<vmem>>, vector<16xf32>,
        %mul3A_507 = arith.mulf %gather3A_436, %get3A_439 : vector<16xf32>
        %add3A_508 = arith.addf %get3A_506, %mul3A_507 : vector<16xf32>
        %swap3A_509 = arith.constant 3 : i32
        %swap3A_510 = arith.index_cast %swap3A_509 : i32 to index
        %swap3A_511 = arith.constant 0 : index
        %swap3A_512 = tpu.vector_load %arg17[%swap3A_510, %swap3A_511] {strides = array<i32>} : memref<4x256xf32, #tpu.memory_space<vmem>>, vector<16xf32>,
        tpu.vector_store %arg17[%swap3A_510, %swap3A_511], %add3A_508 {strides = array<i32>} : memref<4x256xf32, #tpu.memory_space<vmem>>, vector<16xf32>,
        %get3A_513 = arith.constant 3 : i32
        %get3A_514 = arith.index_cast %get3A_513 : i32 to index
        %get3A_515 = arith.constant 128 : index
        %get3A_516 = tpu.vector_load %arg17[%get3A_514, %get3A_515] {strides = array<i32>} : memref<4x256xf32, #tpu.memory_space<vmem>>, vector<16xf32>,
        %mul3A_517 = arith.mulf %gather3A_436, %get3A_442 : vector<16xf32>
        %add3A_518 = arith.addf %get3A_516, %mul3A_517 : vector<16xf32>
        %swap3A_519 = arith.constant 3 : i32
        %swap3A_520 = arith.index_cast %swap3A_519 : i32 to index
        %swap3A_521 = arith.constant 128 : index
        %swap3A_522 = tpu.vector_load %arg17[%swap3A_520, %swap3A_521] {strides = array<i32>} : memref<4x256xf32, #tpu.memory_space<vmem>>, vector<16xf32>,
        tpu.vector_store %arg17[%swap3A_520, %swap3A_521], %add3A_518 {strides = array<i32>} : memref<4x256xf32, #tpu.memory_space<vmem>>, vector<16xf32>,
        %get3A_523 = arith.index_cast %while3A_419 : i32 to index
        %get3A_524 = arith.constant 16 : index
        %get3A_525 = tpu.vector_load %arg18[%get3A_523, %get3A_524] {strides = array<i32>} : memref<16x128xf32, #tpu.memory_space<vmem>>, vector<16xf32>,
        %get3A_526 = arith.index_cast %while3A_419 : i32 to index
        %get3A_527 = arith.constant 16 : index
        %get3A_528 = tpu.vector_load %arg19[%get3A_526, %get3A_527] {strides = array<i32>} : memref<16x128xf32, #tpu.memory_space<vmem>>, vector<16xf32>,
        %get3A_529 = arith.constant 0 : i32
        %get3A_530 = arith.index_cast %get3A_529 : i32 to index
        %get3A_531 = arith.constant 16 : index
        %get3A_532 = tpu.vector_load %arg17[%get3A_530, %get3A_531] {strides = array<i32>} : memref<4x256xf32, #tpu.memory_space<vmem>>, vector<16xf32>,
        %mul3A_533 = arith.mulf %gather3A, %get3A_525 : vector<16xf32>
        %add3A_534 = arith.addf %get3A_532, %mul3A_533 : vector<16xf32>
        %swap3A_535 = arith.constant 0 : i32
        %swap3A_536 = arith.index_cast %swap3A_535 : i32 to index
        %swap3A_537 = arith.constant 16 : index
        %swap3A_538 = tpu.vector_load %arg17[%swap3A_536, %swap3A_537] {strides = array<i32>} : memref<4x256xf32, #tpu.memory_space<vmem>>, vector<16xf32>,
        tpu.vector_store %arg17[%swap3A_536, %swap3A_537], %add3A_534 {strides = array<i32>} : memref<4x256xf32, #tpu.memory_space<vmem>>, vector<16xf32>,
        %get3A_539 = arith.constant 0 : i32
        %get3A_540 = arith.index_cast %get3A_539 : i32 to index
        %get3A_541 = arith.constant 144 : index
        %get3A_542 = tpu.vector_load %arg17[%get3A_540, %get3A_541] {strides = array<i32>} : memref<4x256xf32, #tpu.memory_space<vmem>>, vector<16xf32>,
        %mul3A_543 = arith.mulf %gather3A, %get3A_528 : vector<16xf32>
        %add3A_544 = arith.addf %get3A_542, %mul3A_543 : vector<16xf32>
        %swap3A_545 = arith.constant 0 : i32
        %swap3A_546 = arith.index_cast %swap3A_545 : i32 to index
        %swap3A_547 = arith.constant 144 : index
        %swap3A_548 = tpu.vector_load %arg17[%swap3A_546, %swap3A_547] {strides = array<i32>} : memref<4x256xf32, #tpu.memory_space<vmem>>, vector<16xf32>,
        tpu.vector_store %arg17[%swap3A_546, %swap3A_547], %add3A_544 {strides = array<i32>} : memref<4x256xf32, #tpu.memory_space<vmem>>, vector<16xf32>,
        %get3A_549 = arith.constant 1 : i32
        %get3A_550 = arith.index_cast %get3A_549 : i32 to index
        %get3A_551 = arith.constant 16 : index
        %get3A_552 = tpu.vector_load %arg17[%get3A_550, %get3A_551] {strides = array<i32>} : memref<4x256xf32, #tpu.memory_space<vmem>>, vector<16xf32>,
        %mul3A_553 = arith.mulf %gather3A_428, %get3A_525 : vector<16xf32>
        %add3A_554 = arith.addf %get3A_552, %mul3A_553 : vector<16xf32>
        %swap3A_555 = arith.constant 1 : i32
        %swap3A_556 = arith.index_cast %swap3A_555 : i32 to index
        %swap3A_557 = arith.constant 16 : index
        %swap3A_558 = tpu.vector_load %arg17[%swap3A_556, %swap3A_557] {strides = array<i32>} : memref<4x256xf32, #tpu.memory_space<vmem>>, vector<16xf32>,
        tpu.vector_store %arg17[%swap3A_556, %swap3A_557], %add3A_554 {strides = array<i32>} : memref<4x256xf32, #tpu.memory_space<vmem>>, vector<16xf32>,
        %get3A_559 = arith.constant 1 : i32
        %get3A_560 = arith.index_cast %get3A_559 : i32 to index
        %get3A_561 = arith.constant 144 : index
        %get3A_562 = tpu.vector_load %arg17[%get3A_560, %get3A_561] {strides = array<i32>} : memref<4x256xf32, #tpu.memory_space<vmem>>, vector<16xf32>,
        %mul3A_563 = arith.mulf %gather3A_428, %get3A_528 : vector<16xf32>
        %add3A_564 = arith.addf %get3A_562, %mul3A_563 : vector<16xf32>
        %swap3A_565 = arith.constant 1 : i32
        %swap3A_566 = arith.index_cast %swap3A_565 : i32 to index
        %swap3A_567 = arith.constant 144 : index
        %swap3A_568 = tpu.vector_load %arg17[%swap3A_566, %swap3A_567] {strides = array<i32>} : memref<4x256xf32, #tpu.memory_space<vmem>>, vector<16xf32>,
        tpu.vector_store %arg17[%swap3A_566, %swap3A_567], %add3A_564 {strides = array<i32>} : memref<4x256xf32, #tpu.memory_space<vmem>>, vector<16xf32>,
        %get3A_569 = arith.constant 2 : i32
        %get3A_570 = arith.index_cast %get3A_569 : i32 to index
        %get3A_571 = arith.constant 16 : index
        %get3A_572 = tpu.vector_load %arg17[%get3A_570, %get3A_571] {strides = array<i32>} : memref<4x256xf32, #tpu.memory_space<vmem>>, vector<16xf32>,
        %mul3A_573 = arith.mulf %gather3A_432, %get3A_525 : vector<16xf32>
        %add3A_574 = arith.addf %get3A_572, %mul3A_573 : vector<16xf32>
        %swap3A_575 = arith.constant 2 : i32
        %swap3A_576 = arith.index_cast %swap3A_575 : i32 to index
        %swap3A_577 = arith.constant 16 : index
        %swap3A_578 = tpu.vector_load %arg17[%swap3A_576, %swap3A_577] {strides = array<i32>} : memref<4x256xf32, #tpu.memory_space<vmem>>, vector<16xf32>,
        tpu.vector_store %arg17[%swap3A_576, %swap3A_577], %add3A_574 {strides = array<i32>} : memref<4x256xf32, #tpu.memory_space<vmem>>, vector<16xf32>,
        %get3A_579 = arith.constant 2 : i32
        %get3A_580 = arith.index_cast %get3A_579 : i32 to index
        %get3A_581 = arith.constant 144 : index
        %get3A_582 = tpu.vector_load %arg17[%get3A_580, %get3A_581] {strides = array<i32>} : memref<4x256xf32, #tpu.memory_space<vmem>>, vector<16xf32>,
        %mul3A_583 = arith.mulf %gather3A_432, %get3A_528 : vector<16xf32>
        %add3A_584 = arith.addf %get3A_582, %mul3A_583 : vector<16xf32>
        %swap3A_585 = arith.constant 2 : i32
        %swap3A_586 = arith.index_cast %swap3A_585 : i32 to index
        %swap3A_587 = arith.constant 144 : index
        %swap3A_588 = tpu.vector_load %arg17[%swap3A_586, %swap3A_587] {strides = array<i32>} : memref<4x256xf32, #tpu.memory_space<vmem>>, vector<16xf32>,
        tpu.vector_store %arg17[%swap3A_586, %swap3A_587], %add3A_584 {strides = array<i32>} : memref<4x256xf32, #tpu.memory_space<vmem>>, vector<16xf32>,
        %get3A_589 = arith.constant 3 : i32
        %get3A_590 = arith.index_cast %get3A_589 : i32 to index
        %get3A_591 = arith.constant 16 : index
        %get3A_592 = tpu.vector_load %arg17[%get3A_590, %get3A_591] {strides = array<i32>} : memref<4x256xf32, #tpu.memory_space<vmem>>, vector<16xf32>,
        %mul3A_593 = arith.mulf %gather3A_436, %get3A_525 : vector<16xf32>
        %add3A_594 = arith.addf %get3A_592, %mul3A_593 : vector<16xf32>
        %swap3A_595 = arith.constant 3 : i32
        %swap3A_596 = arith.index_cast %swap3A_595 : i32 to index
        %swap3A_597 = arith.constant 16 : index
        %swap3A_598 = tpu.vector_load %arg17[%swap3A_596, %swap3A_597] {strides = array<i32>} : memref<4x256xf32, #tpu.memory_space<vmem>>, vector<16xf32>,
        tpu.vector_store %arg17[%swap3A_596, %swap3A_597], %add3A_594 {strides = array<i32>} : memref<4x256xf32, #tpu.memory_space<vmem>>, vector<16xf32>,
        %get3A_599 = arith.constant 3 : i32
        %get3A_600 = arith.index_cast %get3A_599 : i32 to index
        %get3A_601 = arith.constant 144 : index
        %get3A_602 = tpu.vector_load %arg17[%get3A_600, %get3A_601] {strides = array<i32>} : memref<4x256xf32, #tpu.memory_space<vmem>>, vector<16xf32>,
        %mul3A_603 = arith.mulf %gather3A_436, %get3A_528 : vector<16xf32>
        %add3A_604 = arith.addf %get3A_602, %mul3A_603 : vector<16xf32>
        %swap3A_605 = arith.constant 3 : i32
        %swap3A_606 = arith.index_cast %swap3A_605 : i32 to index
        %swap3A_607 = arith.constant 144 : index
        %swap3A_608 = tpu.vector_load %arg17[%swap3A_606, %swap3A_607] {strides = array<i32>} : memref<4x256xf32, #tpu.memory_space<vmem>>, vector<16xf32>,
        tpu.vector_store %arg17[%swap3A_606, %swap3A_607], %add3A_604 {strides = array<i32>} : memref<4x256xf32, #tpu.memory_space<vmem>>, vector<16xf32>,
        %get3A_609 = arith.index_cast %while3A_419 : i32 to index
        %get3A_610 = arith.constant 32 : index
        %get3A_611 = tpu.vector_load %arg18[%get3A_609, %get3A_610] {strides = array<i32>} : memref<16x128xf32, #tpu.memory_space<vmem>>, vector<16xf32>,
        %get3A_612 = arith.index_cast %while3A_419 : i32 to index
        %get3A_613 = arith.constant 32 : index
        %get3A_614 = tpu.vector_load %arg19[%get3A_612, %get3A_613] {strides = array<i32>} : memref<16x128xf32, #tpu.memory_space<vmem>>, vector<16xf32>,
        %get3A_615 = arith.constant 0 : i32
        %get3A_616 = arith.index_cast %get3A_615 : i32 to index
        %get3A_617 = arith.constant 32 : index
        %get3A_618 = tpu.vector_load %arg17[%get3A_616, %get3A_617] {strides = array<i32>} : memref<4x256xf32, #tpu.memory_space<vmem>>, vector<16xf32>,
        %mul3A_619 = arith.mulf %gather3A, %get3A_611 : vector<16xf32>
        %add3A_620 = arith.addf %get3A_618, %mul3A_619 : vector<16xf32>
        %swap3A_621 = arith.constant 0 : i32
        %swap3A_622 = arith.index_cast %swap3A_621 : i32 to index
        %swap3A_623 = arith.constant 32 : index
        %swap3A_624 = tpu.vector_load %arg17[%swap3A_622, %swap3A_623] {strides = array<i32>} : memref<4x256xf32, #tpu.memory_space<vmem>>, vector<16xf32>,
        tpu.vector_store %arg17[%swap3A_622, %swap3A_623], %add3A_620 {strides = array<i32>} : memref<4x256xf32, #tpu.memory_space<vmem>>, vector<16xf32>,
        %get3A_625 = arith.constant 0 : i32
        %get3A_626 = arith.index_cast %get3A_625 : i32 to index
        %get3A_627 = arith.constant 160 : index
        %get3A_628 = tpu.vector_load %arg17[%get3A_626, %get3A_627] {strides = array<i32>} : memref<4x256xf32, #tpu.memory_space<vmem>>, vector<16xf32>,
        %mul3A_629 = arith.mulf %gather3A, %get3A_614 : vector<16xf32>
        %add3A_630 = arith.addf %get3A_628, %mul3A_629 : vector<16xf32>
        %swap3A_631 = arith.constant 0 : i32
        %swap3A_632 = arith.index_cast %swap3A_631 : i32 to index
        %swap3A_633 = arith.constant 160 : index
        %swap3A_634 = tpu.vector_load %arg17[%swap3A_632, %swap3A_633] {strides = array<i32>} : memref<4x256xf32, #tpu.memory_space<vmem>>, vector<16xf32>,
        tpu.vector_store %arg17[%swap3A_632, %swap3A_633], %add3A_630 {strides = array<i32>} : memref<4x256xf32, #tpu.memory_space<vmem>>, vector<16xf32>,
        %get3A_635 = arith.constant 1 : i32
        %get3A_636 = arith.index_cast %get3A_635 : i32 to index
        %get3A_637 = arith.constant 32 : index
        %get3A_638 = tpu.vector_load %arg17[%get3A_636, %get3A_637] {strides = array<i32>} : memref<4x256xf32, #tpu.memory_space<vmem>>, vector<16xf32>,
        %mul3A_639 = arith.mulf %gather3A_428, %get3A_611 : vector<16xf32>
        %add3A_640 = arith.addf %get3A_638, %mul3A_639 : vector<16xf32>
        %swap3A_641 = arith.constant 1 : i32
        %swap3A_642 = arith.index_cast %swap3A_641 : i32 to index
        %swap3A_643 = arith.constant 32 : index
        %swap3A_644 = tpu.vector_load %arg17[%swap3A_642, %swap3A_643] {strides = array<i32>} : memref<4x256xf32, #tpu.memory_space<vmem>>, vector<16xf32>,
        tpu.vector_store %arg17[%swap3A_642, %swap3A_643], %add3A_640 {strides = array<i32>} : memref<4x256xf32, #tpu.memory_space<vmem>>, vector<16xf32>,
        %get3A_645 = arith.constant 1 : i32
        %get3A_646 = arith.index_cast %get3A_645 : i32 to index
        %get3A_647 = arith.constant 160 : index
        %get3A_648 = tpu.vector_load %arg17[%get3A_646, %get3A_647] {strides = array<i32>} : memref<4x256xf32, #tpu.memory_space<vmem>>, vector<16xf32>,
        %mul3A_649 = arith.mulf %gather3A_428, %get3A_614 : vector<16xf32>
        %add3A_650 = arith.addf %get3A_648, %mul3A_649 : vector<16xf32>
        %swap3A_651 = arith.constant 1 : i32
        %swap3A_652 = arith.index_cast %swap3A_651 : i32 to index
        %swap3A_653 = arith.constant 160 : index
        %swap3A_654 = tpu.vector_load %arg17[%swap3A_652, %swap3A_653] {strides = array<i32>} : memref<4x256xf32, #tpu.memory_space<vmem>>, vector<16xf32>,
        tpu.vector_store %arg17[%swap3A_652, %swap3A_653], %add3A_650 {strides = array<i32>} : memref<4x256xf32, #tpu.memory_space<vmem>>, vector<16xf32>,
        %get3A_655 = arith.constant 2 : i32
        %get3A_656 = arith.index_cast %get3A_655 : i32 to index
        %get3A_657 = arith.constant 32 : index
        %get3A_658 = tpu.vector_load %arg17[%get3A_656, %get3A_657] {strides = array<i32>} : memref<4x256xf32, #tpu.memory_space<vmem>>, vector<16xf32>,
        %mul3A_659 = arith.mulf %gather3A_432, %get3A_611 : vector<16xf32>
        %add3A_660 = arith.addf %get3A_658, %mul3A_659 : vector<16xf32>
        %swap3A_661 = arith.constant 2 : i32
        %swap3A_662 = arith.index_cast %swap3A_661 : i32 to index
        %swap3A_663 = arith.constant 32 : index
        %swap3A_664 = tpu.vector_load %arg17[%swap3A_662, %swap3A_663] {strides = array<i32>} : memref<4x256xf32, #tpu.memory_space<vmem>>, vector<16xf32>,
        tpu.vector_store %arg17[%swap3A_662, %swap3A_663], %add3A_660 {strides = array<i32>} : memref<4x256xf32, #tpu.memory_space<vmem>>, vector<16xf32>,
        %get3A_665 = arith.constant 2 : i32
        %get3A_666 = arith.index_cast %get3A_665 : i32 to index
        %get3A_667 = arith.constant 160 : index
        %get3A_668 = tpu.vector_load %arg17[%get3A_666, %get3A_667] {strides = array<i32>} : memref<4x256xf32, #tpu.memory_space<vmem>>, vector<16xf32>,
        %mul3A_669 = arith.mulf %gather3A_432, %get3A_614 : vector<16xf32>
        %add3A_670 = arith.addf %get3A_668, %mul3A_669 : vector<16xf32>
        %swap3A_671 = arith.constant 2 : i32
        %swap3A_672 = arith.index_cast %swap3A_671 : i32 to index
        %swap3A_673 = arith.constant 160 : index
        %swap3A_674 = tpu.vector_load %arg17[%swap3A_672, %swap3A_673] {strides = array<i32>} : memref<4x256xf32, #tpu.memory_space<vmem>>, vector<16xf32>,
        tpu.vector_store %arg17[%swap3A_672, %swap3A_673], %add3A_670 {strides = array<i32>} : memref<4x256xf32, #tpu.memory_space<vmem>>, vector<16xf32>,
        %get3A_675 = arith.constant 3 : i32
        %get3A_676 = arith.index_cast %get3A_675 : i32 to index
        %get3A_677 = arith.constant 32 : index
        %get3A_678 = tpu.vector_load %arg17[%get3A_676, %get3A_677] {strides = array<i32>} : memref<4x256xf32, #tpu.memory_space<vmem>>, vector<16xf32>,
        %mul3A_679 = arith.mulf %gather3A_436, %get3A_611 : vector<16xf32>
        %add3A_680 = arith.addf %get3A_678, %mul3A_679 : vector<16xf32>
        %swap3A_681 = arith.constant 3 : i32
        %swap3A_682 = arith.index_cast %swap3A_681 : i32 to index
        %swap3A_683 = arith.constant 32 : index
        %swap3A_684 = tpu.vector_load %arg17[%swap3A_682, %swap3A_683] {strides = array<i32>} : memref<4x256xf32, #tpu.memory_space<vmem>>, vector<16xf32>,
        tpu.vector_store %arg17[%swap3A_682, %swap3A_683], %add3A_680 {strides = array<i32>} : memref<4x256xf32, #tpu.memory_space<vmem>>, vector<16xf32>,
        %get3A_685 = arith.constant 3 : i32
        %get3A_686 = arith.index_cast %get3A_685 : i32 to index
        %get3A_687 = arith.constant 160 : index
        %get3A_688 = tpu.vector_load %arg17[%get3A_686, %get3A_687] {strides = array<i32>} : memref<4x256xf32, #tpu.memory_space<vmem>>, vector<16xf32>,
        %mul3A_689 = arith.mulf %gather3A_436, %get3A_614 : vector<16xf32>
        %add3A_690 = arith.addf %get3A_688, %mul3A_689 : vector<16xf32>
        %swap3A_691 = arith.constant 3 : i32
        %swap3A_692 = arith.index_cast %swap3A_691 : i32 to index
        %swap3A_693 = arith.constant 160 : index
        %swap3A_694 = tpu.vector_load %arg17[%swap3A_692, %swap3A_693] {strides = array<i32>} : memref<4x256xf32, #tpu.memory_space<vmem>>, vector<16xf32>,
        tpu.vector_store %arg17[%swap3A_692, %swap3A_693], %add3A_690 {strides = array<i32>} : memref<4x256xf32, #tpu.memory_space<vmem>>, vector<16xf32>,
        %get3A_695 = arith.index_cast %while3A_419 : i32 to index
        %get3A_696 = arith.constant 48 : index
        %get3A_697 = tpu.vector_load %arg18[%get3A_695, %get3A_696] {strides = array<i32>} : memref<16x128xf32, #tpu.memory_space<vmem>>, vector<16xf32>,
        %get3A_698 = arith.index_cast %while3A_419 : i32 to index
        %get3A_699 = arith.constant 48 : index
        %get3A_700 = tpu.vector_load %arg19[%get3A_698, %get3A_699] {strides = array<i32>} : memref<16x128xf32, #tpu.memory_space<vmem>>, vector<16xf32>,
        %get3A_701 = arith.constant 0 : i32
        %get3A_702 = arith.index_cast %get3A_701 : i32 to index
        %get3A_703 = arith.constant 48 : index
        %get3A_704 = tpu.vector_load %arg17[%get3A_702, %get3A_703] {strides = array<i32>} : memref<4x256xf32, #tpu.memory_space<vmem>>, vector<16xf32>,
        %mul3A_705 = arith.mulf %gather3A, %get3A_697 : vector<16xf32>
        %add3A_706 = arith.addf %get3A_704, %mul3A_705 : vector<16xf32>
        %swap3A_707 = arith.constant 0 : i32
        %swap3A_708 = arith.index_cast %swap3A_707 : i32 to index
        %swap3A_709 = arith.constant 48 : index
        %swap3A_710 = tpu.vector_load %arg17[%swap3A_708, %swap3A_709] {strides = array<i32>} : memref<4x256xf32, #tpu.memory_space<vmem>>, vector<16xf32>,
        tpu.vector_store %arg17[%swap3A_708, %swap3A_709], %add3A_706 {strides = array<i32>} : memref<4x256xf32, #tpu.memory_space<vmem>>, vector<16xf32>,
        %get3A_711 = arith.constant 0 : i32
        %get3A_712 = arith.index_cast %get3A_711 : i32 to index
        %get3A_713 = arith.constant 176 : index
        %get3A_714 = tpu.vector_load %arg17[%get3A_712, %get3A_713] {strides = array<i32>} : memref<4x256xf32, #tpu.memory_space<vmem>>, vector<16xf32>,
        %mul3A_715 = arith.mulf %gather3A, %get3A_700 : vector<16xf32>
        %add3A_716 = arith.addf %get3A_714, %mul3A_715 : vector<16xf32>
        %swap3A_717 = arith.constant 0 : i32
        %swap3A_718 = arith.index_cast %swap3A_717 : i32 to index
        %swap3A_719 = arith.constant 176 : index
        %swap3A_720 = tpu.vector_load %arg17[%swap3A_718, %swap3A_719] {strides = array<i32>} : memref<4x256xf32, #tpu.memory_space<vmem>>, vector<16xf32>,
        tpu.vector_store %arg17[%swap3A_718, %swap3A_719], %add3A_716 {strides = array<i32>} : memref<4x256xf32, #tpu.memory_space<vmem>>, vector<16xf32>,
        %get3A_721 = arith.constant 1 : i32
        %get3A_722 = arith.index_cast %get3A_721 : i32 to index
        %get3A_723 = arith.constant 48 : index
        %get3A_724 = tpu.vector_load %arg17[%get3A_722, %get3A_723] {strides = array<i32>} : memref<4x256xf32, #tpu.memory_space<vmem>>, vector<16xf32>,
        %mul3A_725 = arith.mulf %gather3A_428, %get3A_697 : vector<16xf32>
        %add3A_726 = arith.addf %get3A_724, %mul3A_725 : vector<16xf32>
        %swap3A_727 = arith.constant 1 : i32
        %swap3A_728 = arith.index_cast %swap3A_727 : i32 to index
        %swap3A_729 = arith.constant 48 : index
        %swap3A_730 = tpu.vector_load %arg17[%swap3A_728, %swap3A_729] {strides = array<i32>} : memref<4x256xf32, #tpu.memory_space<vmem>>, vector<16xf32>,
        tpu.vector_store %arg17[%swap3A_728, %swap3A_729], %add3A_726 {strides = array<i32>} : memref<4x256xf32, #tpu.memory_space<vmem>>, vector<16xf32>,
        %get3A_731 = arith.constant 1 : i32
        %get3A_732 = arith.index_cast %get3A_731 : i32 to index
        %get3A_733 = arith.constant 176 : index
        %get3A_734 = tpu.vector_load %arg17[%get3A_732, %get3A_733] {strides = array<i32>} : memref<4x256xf32, #tpu.memory_space<vmem>>, vector<16xf32>,
        %mul3A_735 = arith.mulf %gather3A_428, %get3A_700 : vector<16xf32>
        %add3A_736 = arith.addf %get3A_734, %mul3A_735 : vector<16xf32>
        %swap3A_737 = arith.constant 1 : i32
        %swap3A_738 = arith.index_cast %swap3A_737 : i32 to index
        %swap3A_739 = arith.constant 176 : index
        %swap3A_740 = tpu.vector_load %arg17[%swap3A_738, %swap3A_739] {strides = array<i32>} : memref<4x256xf32, #tpu.memory_space<vmem>>, vector<16xf32>,
        tpu.vector_store %arg17[%swap3A_738, %swap3A_739], %add3A_736 {strides = array<i32>} : memref<4x256xf32, #tpu.memory_space<vmem>>, vector<16xf32>,
        %get3A_741 = arith.constant 2 : i32
        %get3A_742 = arith.index_cast %get3A_741 : i32 to index
        %get3A_743 = arith.constant 48 : index
        %get3A_744 = tpu.vector_load %arg17[%get3A_742, %get3A_743] {strides = array<i32>} : memref<4x256xf32, #tpu.memory_space<vmem>>, vector<16xf32>,
        %mul3A_745 = arith.mulf %gather3A_432, %get3A_697 : vector<16xf32>
        %add3A_746 = arith.addf %get3A_744, %mul3A_745 : vector<16xf32>
        %swap3A_747 = arith.constant 2 : i32
        %swap3A_748 = arith.index_cast %swap3A_747 : i32 to index
        %swap3A_749 = arith.constant 48 : index
        %swap3A_750 = tpu.vector_load %arg17[%swap3A_748, %swap3A_749] {strides = array<i32>} : memref<4x256xf32, #tpu.memory_space<vmem>>, vector<16xf32>,
        tpu.vector_store %arg17[%swap3A_748, %swap3A_749], %add3A_746 {strides = array<i32>} : memref<4x256xf32, #tpu.memory_space<vmem>>, vector<16xf32>,
        %get3A_751 = arith.constant 2 : i32
        %get3A_752 = arith.index_cast %get3A_751 : i32 to index
        %get3A_753 = arith.constant 176 : index
        %get3A_754 = tpu.vector_load %arg17[%get3A_752, %get3A_753] {strides = array<i32>} : memref<4x256xf32, #tpu.memory_space<vmem>>, vector<16xf32>,
        %mul3A_755 = arith.mulf %gather3A_432, %get3A_700 : vector<16xf32>
        %add3A_756 = arith.addf %get3A_754, %mul3A_755 : vector<16xf32>
        %swap3A_757 = arith.constant 2 : i32
        %swap3A_758 = arith.index_cast %swap3A_757 : i32 to index
        %swap3A_759 = arith.constant 176 : index
        %swap3A_760 = tpu.vector_load %arg17[%swap3A_758, %swap3A_759] {strides = array<i32>} : memref<4x256xf32, #tpu.memory_space<vmem>>, vector<16xf32>,
        tpu.vector_store %arg17[%swap3A_758, %swap3A_759], %add3A_756 {strides = array<i32>} : memref<4x256xf32, #tpu.memory_space<vmem>>, vector<16xf32>,
        %get3A_761 = arith.constant 3 : i32
        %get3A_762 = arith.index_cast %get3A_761 : i32 to index
        %get3A_763 = arith.constant 48 : index
        %get3A_764 = tpu.vector_load %arg17[%get3A_762, %get3A_763] {strides = array<i32>} : memref<4x256xf32, #tpu.memory_space<vmem>>, vector<16xf32>,
        %mul3A_765 = arith.mulf %gather3A_436, %get3A_697 : vector<16xf32>
        %add3A_766 = arith.addf %get3A_764, %mul3A_765 : vector<16xf32>
        %swap3A_767 = arith.constant 3 : i32
        %swap3A_768 = arith.index_cast %swap3A_767 : i32 to index
        %swap3A_769 = arith.constant 48 : index
        %swap3A_770 = tpu.vector_load %arg17[%swap3A_768, %swap3A_769] {strides = array<i32>} : memref<4x256xf32, #tpu.memory_space<vmem>>, vector<16xf32>,
        tpu.vector_store %arg17[%swap3A_768, %swap3A_769], %add3A_766 {strides = array<i32>} : memref<4x256xf32, #tpu.memory_space<vmem>>, vector<16xf32>,
        %get3A_771 = arith.constant 3 : i32
        %get3A_772 = arith.index_cast %get3A_771 : i32 to index
        %get3A_773 = arith.constant 176 : index
        %get3A_774 = tpu.vector_load %arg17[%get3A_772, %get3A_773] {strides = array<i32>} : memref<4x256xf32, #tpu.memory_space<vmem>>, vector<16xf32>,
        %mul3A_775 = arith.mulf %gather3A_436, %get3A_700 : vector<16xf32>
        %add3A_776 = arith.addf %get3A_774, %mul3A_775 : vector<16xf32>
        %swap3A_777 = arith.constant 3 : i32
        %swap3A_778 = arith.index_cast %swap3A_777 : i32 to index
        %swap3A_779 = arith.constant 176 : index
        %swap3A_780 = tpu.vector_load %arg17[%swap3A_778, %swap3A_779] {strides = array<i32>} : memref<4x256xf32, #tpu.memory_space<vmem>>, vector<16xf32>,
        tpu.vector_store %arg17[%swap3A_778, %swap3A_779], %add3A_776 {strides = array<i32>} : memref<4x256xf32, #tpu.memory_space<vmem>>, vector<16xf32>,
        %get3A_781 = arith.index_cast %while3A_419 : i32 to index
        %get3A_782 = arith.constant 64 : index
        %get3A_783 = tpu.vector_load %arg18[%get3A_781, %get3A_782] {strides = array<i32>} : memref<16x128xf32, #tpu.memory_space<vmem>>, vector<16xf32>,
        %get3A_784 = arith.index_cast %while3A_419 : i32 to index
        %get3A_785 = arith.constant 64 : index
        %get3A_786 = tpu.vector_load %arg19[%get3A_784, %get3A_785] {strides = array<i32>} : memref<16x128xf32, #tpu.memory_space<vmem>>, vector<16xf32>,
        %get3A_787 = arith.constant 0 : i32
        %get3A_788 = arith.index_cast %get3A_787 : i32 to index
        %get3A_789 = arith.constant 64 : index
        %get3A_790 = tpu.vector_load %arg17[%get3A_788, %get3A_789] {strides = array<i32>} : memref<4x256xf32, #tpu.memory_space<vmem>>, vector<16xf32>,
        %mul3A_791 = arith.mulf %gather3A, %get3A_783 : vector<16xf32>
        %add3A_792 = arith.addf %get3A_790, %mul3A_791 : vector<16xf32>
        %swap3A_793 = arith.constant 0 : i32
        %swap3A_794 = arith.index_cast %swap3A_793 : i32 to index
        %swap3A_795 = arith.constant 64 : index
        %swap3A_796 = tpu.vector_load %arg17[%swap3A_794, %swap3A_795] {strides = array<i32>} : memref<4x256xf32, #tpu.memory_space<vmem>>, vector<16xf32>,
        tpu.vector_store %arg17[%swap3A_794, %swap3A_795], %add3A_792 {strides = array<i32>} : memref<4x256xf32, #tpu.memory_space<vmem>>, vector<16xf32>,
        %get3A_797 = arith.constant 0 : i32
        %get3A_798 = arith.index_cast %get3A_797 : i32 to index
        %get3A_799 = arith.constant 192 : index
        %get3A_800 = tpu.vector_load %arg17[%get3A_798, %get3A_799] {strides = array<i32>} : memref<4x256xf32, #tpu.memory_space<vmem>>, vector<16xf32>,
        %mul3A_801 = arith.mulf %gather3A, %get3A_786 : vector<16xf32>
        %add3A_802 = arith.addf %get3A_800, %mul3A_801 : vector<16xf32>
        %swap3A_803 = arith.constant 0 : i32
        %swap3A_804 = arith.index_cast %swap3A_803 : i32 to index
        %swap3A_805 = arith.constant 192 : index
        %swap3A_806 = tpu.vector_load %arg17[%swap3A_804, %swap3A_805] {strides = array<i32>} : memref<4x256xf32, #tpu.memory_space<vmem>>, vector<16xf32>,
        tpu.vector_store %arg17[%swap3A_804, %swap3A_805], %add3A_802 {strides = array<i32>} : memref<4x256xf32, #tpu.memory_space<vmem>>, vector<16xf32>,
        %get3A_807 = arith.constant 1 : i32
        %get3A_808 = arith.index_cast %get3A_807 : i32 to index
        %get3A_809 = arith.constant 64 : index
        %get3A_810 = tpu.vector_load %arg17[%get3A_808, %get3A_809] {strides = array<i32>} : memref<4x256xf32, #tpu.memory_space<vmem>>, vector<16xf32>,
        %mul3A_811 = arith.mulf %gather3A_428, %get3A_783 : vector<16xf32>
        %add3A_812 = arith.addf %get3A_810, %mul3A_811 : vector<16xf32>
        %swap3A_813 = arith.constant 1 : i32
        %swap3A_814 = arith.index_cast %swap3A_813 : i32 to index
        %swap3A_815 = arith.constant 64 : index
        %swap3A_816 = tpu.vector_load %arg17[%swap3A_814, %swap3A_815] {strides = array<i32>} : memref<4x256xf32, #tpu.memory_space<vmem>>, vector<16xf32>,
        tpu.vector_store %arg17[%swap3A_814, %swap3A_815], %add3A_812 {strides = array<i32>} : memref<4x256xf32, #tpu.memory_space<vmem>>, vector<16xf32>,
        %get3A_817 = arith.constant 1 : i32
        %get3A_818 = arith.index_cast %get3A_817 : i32 to index
        %get3A_819 = arith.constant 192 : index
        %get3A_820 = tpu.vector_load %arg17[%get3A_818, %get3A_819] {strides = array<i32>} : memref<4x256xf32, #tpu.memory_space<vmem>>, vector<16xf32>,
        %mul3A_821 = arith.mulf %gather3A_428, %get3A_786 : vector<16xf32>
        %add3A_822 = arith.addf %get3A_820, %mul3A_821 : vector<16xf32>
        %swap3A_823 = arith.constant 1 : i32
        %swap3A_824 = arith.index_cast %swap3A_823 : i32 to index
        %swap3A_825 = arith.constant 192 : index
        %swap3A_826 = tpu.vector_load %arg17[%swap3A_824, %swap3A_825] {strides = array<i32>} : memref<4x256xf32, #tpu.memory_space<vmem>>, vector<16xf32>,
        tpu.vector_store %arg17[%swap3A_824, %swap3A_825], %add3A_822 {strides = array<i32>} : memref<4x256xf32, #tpu.memory_space<vmem>>, vector<16xf32>,
        %get3A_827 = arith.constant 2 : i32
        %get3A_828 = arith.index_cast %get3A_827 : i32 to index
        %get3A_829 = arith.constant 64 : index
        %get3A_830 = tpu.vector_load %arg17[%get3A_828, %get3A_829] {strides = array<i32>} : memref<4x256xf32, #tpu.memory_space<vmem>>, vector<16xf32>,
        %mul3A_831 = arith.mulf %gather3A_432, %get3A_783 : vector<16xf32>
        %add3A_832 = arith.addf %get3A_830, %mul3A_831 : vector<16xf32>
        %swap3A_833 = arith.constant 2 : i32
        %swap3A_834 = arith.index_cast %swap3A_833 : i32 to index
        %swap3A_835 = arith.constant 64 : index
        %swap3A_836 = tpu.vector_load %arg17[%swap3A_834, %swap3A_835] {strides = array<i32>} : memref<4x256xf32, #tpu.memory_space<vmem>>, vector<16xf32>,
        tpu.vector_store %arg17[%swap3A_834, %swap3A_835], %add3A_832 {strides = array<i32>} : memref<4x256xf32, #tpu.memory_space<vmem>>, vector<16xf32>,
        %get3A_837 = arith.constant 2 : i32
        %get3A_838 = arith.index_cast %get3A_837 : i32 to index
        %get3A_839 = arith.constant 192 : index
        %get3A_840 = tpu.vector_load %arg17[%get3A_838, %get3A_839] {strides = array<i32>} : memref<4x256xf32, #tpu.memory_space<vmem>>, vector<16xf32>,
        %mul3A_841 = arith.mulf %gather3A_432, %get3A_786 : vector<16xf32>
        %add3A_842 = arith.addf %get3A_840, %mul3A_841 : vector<16xf32>
        %swap3A_843 = arith.constant 2 : i32
        %swap3A_844 = arith.index_cast %swap3A_843 : i32 to index
        %swap3A_845 = arith.constant 192 : index
        %swap3A_846 = tpu.vector_load %arg17[%swap3A_844, %swap3A_845] {strides = array<i32>} : memref<4x256xf32, #tpu.memory_space<vmem>>, vector<16xf32>,
        tpu.vector_store %arg17[%swap3A_844, %swap3A_845], %add3A_842 {strides = array<i32>} : memref<4x256xf32, #tpu.memory_space<vmem>>, vector<16xf32>,
        %get3A_847 = arith.constant 3 : i32
        %get3A_848 = arith.index_cast %get3A_847 : i32 to index
        %get3A_849 = arith.constant 64 : index
        %get3A_850 = tpu.vector_load %arg17[%get3A_848, %get3A_849] {strides = array<i32>} : memref<4x256xf32, #tpu.memory_space<vmem>>, vector<16xf32>,
        %mul3A_851 = arith.mulf %gather3A_436, %get3A_783 : vector<16xf32>
        %add3A_852 = arith.addf %get3A_850, %mul3A_851 : vector<16xf32>
        %swap3A_853 = arith.constant 3 : i32
        %swap3A_854 = arith.index_cast %swap3A_853 : i32 to index
        %swap3A_855 = arith.constant 64 : index
        %swap3A_856 = tpu.vector_load %arg17[%swap3A_854, %swap3A_855] {strides = array<i32>} : memref<4x256xf32, #tpu.memory_space<vmem>>, vector<16xf32>,
        tpu.vector_store %arg17[%swap3A_854, %swap3A_855], %add3A_852 {strides = array<i32>} : memref<4x256xf32, #tpu.memory_space<vmem>>, vector<16xf32>,
        %get3A_857 = arith.constant 3 : i32
        %get3A_858 = arith.index_cast %get3A_857 : i32 to index
        %get3A_859 = arith.constant 192 : index
        %get3A_860 = tpu.vector_load %arg17[%get3A_858, %get3A_859] {strides = array<i32>} : memref<4x256xf32, #tpu.memory_space<vmem>>, vector<16xf32>,
        %mul3A_861 = arith.mulf %gather3A_436, %get3A_786 : vector<16xf32>
        %add3A_862 = arith.addf %get3A_860, %mul3A_861 : vector<16xf32>
        %swap3A_863 = arith.constant 3 : i32
        %swap3A_864 = arith.index_cast %swap3A_863 : i32 to index
        %swap3A_865 = arith.constant 192 : index
        %swap3A_866 = tpu.vector_load %arg17[%swap3A_864, %swap3A_865] {strides = array<i32>} : memref<4x256xf32, #tpu.memory_space<vmem>>, vector<16xf32>,
        tpu.vector_store %arg17[%swap3A_864, %swap3A_865], %add3A_862 {strides = array<i32>} : memref<4x256xf32, #tpu.memory_space<vmem>>, vector<16xf32>,
        %get3A_867 = arith.index_cast %while3A_419 : i32 to index
        %get3A_868 = arith.constant 80 : index
        %get3A_869 = tpu.vector_load %arg18[%get3A_867, %get3A_868] {strides = array<i32>} : memref<16x128xf32, #tpu.memory_space<vmem>>, vector<16xf32>,
        %get3A_870 = arith.index_cast %while3A_419 : i32 to index
        %get3A_871 = arith.constant 80 : index
        %get3A_872 = tpu.vector_load %arg19[%get3A_870, %get3A_871] {strides = array<i32>} : memref<16x128xf32, #tpu.memory_space<vmem>>, vector<16xf32>,
        %get3A_873 = arith.constant 0 : i32
        %get3A_874 = arith.index_cast %get3A_873 : i32 to index
        %get3A_875 = arith.constant 80 : index
        %get3A_876 = tpu.vector_load %arg17[%get3A_874, %get3A_875] {strides = array<i32>} : memref<4x256xf32, #tpu.memory_space<vmem>>, vector<16xf32>,
        %mul3A_877 = arith.mulf %gather3A, %get3A_869 : vector<16xf32>
        %add3A_878 = arith.addf %get3A_876, %mul3A_877 : vector<16xf32>
        %swap3A_879 = arith.constant 0 : i32
        %swap3A_880 = arith.index_cast %swap3A_879 : i32 to index
        %swap3A_881 = arith.constant 80 : index
        %swap3A_882 = tpu.vector_load %arg17[%swap3A_880, %swap3A_881] {strides = array<i32>} : memref<4x256xf32, #tpu.memory_space<vmem>>, vector<16xf32>,
        tpu.vector_store %arg17[%swap3A_880, %swap3A_881], %add3A_878 {strides = array<i32>} : memref<4x256xf32, #tpu.memory_space<vmem>>, vector<16xf32>,
        %get3A_883 = arith.constant 0 : i32
        %get3A_884 = arith.index_cast %get3A_883 : i32 to index
        %get3A_885 = arith.constant 208 : index
        %get3A_886 = tpu.vector_load %arg17[%get3A_884, %get3A_885] {strides = array<i32>} : memref<4x256xf32, #tpu.memory_space<vmem>>, vector<16xf32>,
        %mul3A_887 = arith.mulf %gather3A, %get3A_872 : vector<16xf32>
        %add3A_888 = arith.addf %get3A_886, %mul3A_887 : vector<16xf32>
        %swap3A_889 = arith.constant 0 : i32
        %swap3A_890 = arith.index_cast %swap3A_889 : i32 to index
        %swap3A_891 = arith.constant 208 : index
        %swap3A_892 = tpu.vector_load %arg17[%swap3A_890, %swap3A_891] {strides = array<i32>} : memref<4x256xf32, #tpu.memory_space<vmem>>, vector<16xf32>,
        tpu.vector_store %arg17[%swap3A_890, %swap3A_891], %add3A_888 {strides = array<i32>} : memref<4x256xf32, #tpu.memory_space<vmem>>, vector<16xf32>,
        %get3A_893 = arith.constant 1 : i32
        %get3A_894 = arith.index_cast %get3A_893 : i32 to index
        %get3A_895 = arith.constant 80 : index
        %get3A_896 = tpu.vector_load %arg17[%get3A_894, %get3A_895] {strides = array<i32>} : memref<4x256xf32, #tpu.memory_space<vmem>>, vector<16xf32>,
        %mul3A_897 = arith.mulf %gather3A_428, %get3A_869 : vector<16xf32>
        %add3A_898 = arith.addf %get3A_896, %mul3A_897 : vector<16xf32>
        %swap3A_899 = arith.constant 1 : i32
        %swap3A_900 = arith.index_cast %swap3A_899 : i32 to index
        %swap3A_901 = arith.constant 80 : index
        %swap3A_902 = tpu.vector_load %arg17[%swap3A_900, %swap3A_901] {strides = array<i32>} : memref<4x256xf32, #tpu.memory_space<vmem>>, vector<16xf32>,
        tpu.vector_store %arg17[%swap3A_900, %swap3A_901], %add3A_898 {strides = array<i32>} : memref<4x256xf32, #tpu.memory_space<vmem>>, vector<16xf32>,
        %get3A_903 = arith.constant 1 : i32
        %get3A_904 = arith.index_cast %get3A_903 : i32 to index
        %get3A_905 = arith.constant 208 : index
        %get3A_906 = tpu.vector_load %arg17[%get3A_904, %get3A_905] {strides = array<i32>} : memref<4x256xf32, #tpu.memory_space<vmem>>, vector<16xf32>,
        %mul3A_907 = arith.mulf %gather3A_428, %get3A_872 : vector<16xf32>
        %add3A_908 = arith.addf %get3A_906, %mul3A_907 : vector<16xf32>
        %swap3A_909 = arith.constant 1 : i32
        %swap3A_910 = arith.index_cast %swap3A_909 : i32 to index
        %swap3A_911 = arith.constant 208 : index
        %swap3A_912 = tpu.vector_load %arg17[%swap3A_910, %swap3A_911] {strides = array<i32>} : memref<4x256xf32, #tpu.memory_space<vmem>>, vector<16xf32>,
        tpu.vector_store %arg17[%swap3A_910, %swap3A_911], %add3A_908 {strides = array<i32>} : memref<4x256xf32, #tpu.memory_space<vmem>>, vector<16xf32>,
        %get3A_913 = arith.constant 2 : i32
        %get3A_914 = arith.index_cast %get3A_913 : i32 to index
        %get3A_915 = arith.constant 80 : index
        %get3A_916 = tpu.vector_load %arg17[%get3A_914, %get3A_915] {strides = array<i32>} : memref<4x256xf32, #tpu.memory_space<vmem>>, vector<16xf32>,
        %mul3A_917 = arith.mulf %gather3A_432, %get3A_869 : vector<16xf32>
        %add3A_918 = arith.addf %get3A_916, %mul3A_917 : vector<16xf32>
        %swap3A_919 = arith.constant 2 : i32
        %swap3A_920 = arith.index_cast %swap3A_919 : i32 to index
        %swap3A_921 = arith.constant 80 : index
        %swap3A_922 = tpu.vector_load %arg17[%swap3A_920, %swap3A_921] {strides = array<i32>} : memref<4x256xf32, #tpu.memory_space<vmem>>, vector<16xf32>,
        tpu.vector_store %arg17[%swap3A_920, %swap3A_921], %add3A_918 {strides = array<i32>} : memref<4x256xf32, #tpu.memory_space<vmem>>, vector<16xf32>,
        %get3A_923 = arith.constant 2 : i32
        %get3A_924 = arith.index_cast %get3A_923 : i32 to index
        %get3A_925 = arith.constant 208 : index
        %get3A_926 = tpu.vector_load %arg17[%get3A_924, %get3A_925] {strides = array<i32>} : memref<4x256xf32, #tpu.memory_space<vmem>>, vector<16xf32>,
        %mul3A_927 = arith.mulf %gather3A_432, %get3A_872 : vector<16xf32>
        %add3A_928 = arith.addf %get3A_926, %mul3A_927 : vector<16xf32>
        %swap3A_929 = arith.constant 2 : i32
        %swap3A_930 = arith.index_cast %swap3A_929 : i32 to index
        %swap3A_931 = arith.constant 208 : index
        %swap3A_932 = tpu.vector_load %arg17[%swap3A_930, %swap3A_931] {strides = array<i32>} : memref<4x256xf32, #tpu.memory_space<vmem>>, vector<16xf32>,
        tpu.vector_store %arg17[%swap3A_930, %swap3A_931], %add3A_928 {strides = array<i32>} : memref<4x256xf32, #tpu.memory_space<vmem>>, vector<16xf32>,
        %get3A_933 = arith.constant 3 : i32
        %get3A_934 = arith.index_cast %get3A_933 : i32 to index
        %get3A_935 = arith.constant 80 : index
        %get3A_936 = tpu.vector_load %arg17[%get3A_934, %get3A_935] {strides = array<i32>} : memref<4x256xf32, #tpu.memory_space<vmem>>, vector<16xf32>,
        %mul3A_937 = arith.mulf %gather3A_436, %get3A_869 : vector<16xf32>
        %add3A_938 = arith.addf %get3A_936, %mul3A_937 : vector<16xf32>
        %swap3A_939 = arith.constant 3 : i32
        %swap3A_940 = arith.index_cast %swap3A_939 : i32 to index
        %swap3A_941 = arith.constant 80 : index
        %swap3A_942 = tpu.vector_load %arg17[%swap3A_940, %swap3A_941] {strides = array<i32>} : memref<4x256xf32, #tpu.memory_space<vmem>>, vector<16xf32>,
        tpu.vector_store %arg17[%swap3A_940, %swap3A_941], %add3A_938 {strides = array<i32>} : memref<4x256xf32, #tpu.memory_space<vmem>>, vector<16xf32>,
        %get3A_943 = arith.constant 3 : i32
        %get3A_944 = arith.index_cast %get3A_943 : i32 to index
        %get3A_945 = arith.constant 208 : index
        %get3A_946 = tpu.vector_load %arg17[%get3A_944, %get3A_945] {strides = array<i32>} : memref<4x256xf32, #tpu.memory_space<vmem>>, vector<16xf32>,
        %mul3A_947 = arith.mulf %gather3A_436, %get3A_872 : vector<16xf32>
        %add3A_948 = arith.addf %get3A_946, %mul3A_947 : vector<16xf32>
        %swap3A_949 = arith.constant 3 : i32
        %swap3A_950 = arith.index_cast %swap3A_949 : i32 to index
        %swap3A_951 = arith.constant 208 : index
        %swap3A_952 = tpu.vector_load %arg17[%swap3A_950, %swap3A_951] {strides = array<i32>} : memref<4x256xf32, #tpu.memory_space<vmem>>, vector<16xf32>,
        tpu.vector_store %arg17[%swap3A_950, %swap3A_951], %add3A_948 {strides = array<i32>} : memref<4x256xf32, #tpu.memory_space<vmem>>, vector<16xf32>,
        %get3A_953 = arith.index_cast %while3A_419 : i32 to index
        %get3A_954 = arith.constant 96 : index
        %get3A_955 = tpu.vector_load %arg18[%get3A_953, %get3A_954] {strides = array<i32>} : memref<16x128xf32, #tpu.memory_space<vmem>>, vector<16xf32>,
        %get3A_956 = arith.index_cast %while3A_419 : i32 to index
        %get3A_957 = arith.constant 96 : index
        %get3A_958 = tpu.vector_load %arg19[%get3A_956, %get3A_957] {strides = array<i32>} : memref<16x128xf32, #tpu.memory_space<vmem>>, vector<16xf32>,
        %get3A_959 = arith.constant 0 : i32
        %get3A_960 = arith.index_cast %get3A_959 : i32 to index
        %get3A_961 = arith.constant 96 : index
        %get3A_962 = tpu.vector_load %arg17[%get3A_960, %get3A_961] {strides = array<i32>} : memref<4x256xf32, #tpu.memory_space<vmem>>, vector<16xf32>,
        %mul3A_963 = arith.mulf %gather3A, %get3A_955 : vector<16xf32>
        %add3A_964 = arith.addf %get3A_962, %mul3A_963 : vector<16xf32>
        %swap3A_965 = arith.constant 0 : i32
        %swap3A_966 = arith.index_cast %swap3A_965 : i32 to index
        %swap3A_967 = arith.constant 96 : index
        %swap3A_968 = tpu.vector_load %arg17[%swap3A_966, %swap3A_967] {strides = array<i32>} : memref<4x256xf32, #tpu.memory_space<vmem>>, vector<16xf32>,
        tpu.vector_store %arg17[%swap3A_966, %swap3A_967], %add3A_964 {strides = array<i32>} : memref<4x256xf32, #tpu.memory_space<vmem>>, vector<16xf32>,
        %get3A_969 = arith.constant 0 : i32
        %get3A_970 = arith.index_cast %get3A_969 : i32 to index
        %get3A_971 = arith.constant 224 : index
        %get3A_972 = tpu.vector_load %arg17[%get3A_970, %get3A_971] {strides = array<i32>} : memref<4x256xf32, #tpu.memory_space<vmem>>, vector<16xf32>,
        %mul3A_973 = arith.mulf %gather3A, %get3A_958 : vector<16xf32>
        %add3A_974 = arith.addf %get3A_972, %mul3A_973 : vector<16xf32>
        %swap3A_975 = arith.constant 0 : i32
        %swap3A_976 = arith.index_cast %swap3A_975 : i32 to index
        %swap3A_977 = arith.constant 224 : index
        %swap3A_978 = tpu.vector_load %arg17[%swap3A_976, %swap3A_977] {strides = array<i32>} : memref<4x256xf32, #tpu.memory_space<vmem>>, vector<16xf32>,
        tpu.vector_store %arg17[%swap3A_976, %swap3A_977], %add3A_974 {strides = array<i32>} : memref<4x256xf32, #tpu.memory_space<vmem>>, vector<16xf32>,
        %get3A_979 = arith.constant 1 : i32
        %get3A_980 = arith.index_cast %get3A_979 : i32 to index
        %get3A_981 = arith.constant 96 : index
        %get3A_982 = tpu.vector_load %arg17[%get3A_980, %get3A_981] {strides = array<i32>} : memref<4x256xf32, #tpu.memory_space<vmem>>, vector<16xf32>,
        %mul3A_983 = arith.mulf %gather3A_428, %get3A_955 : vector<16xf32>
        %add3A_984 = arith.addf %get3A_982, %mul3A_983 : vector<16xf32>
        %swap3A_985 = arith.constant 1 : i32
        %swap3A_986 = arith.index_cast %swap3A_985 : i32 to index
        %swap3A_987 = arith.constant 96 : index
        %swap3A_988 = tpu.vector_load %arg17[%swap3A_986, %swap3A_987] {strides = array<i32>} : memref<4x256xf32, #tpu.memory_space<vmem>>, vector<16xf32>,
        tpu.vector_store %arg17[%swap3A_986, %swap3A_987], %add3A_984 {strides = array<i32>} : memref<4x256xf32, #tpu.memory_space<vmem>>, vector<16xf32>,
        %get3A_989 = arith.constant 1 : i32
        %get3A_990 = arith.index_cast %get3A_989 : i32 to index
        %get3A_991 = arith.constant 224 : index
        %get3A_992 = tpu.vector_load %arg17[%get3A_990, %get3A_991] {strides = array<i32>} : memref<4x256xf32, #tpu.memory_space<vmem>>, vector<16xf32>,
        %mul3A_993 = arith.mulf %gather3A_428, %get3A_958 : vector<16xf32>
        %add3A_994 = arith.addf %get3A_992, %mul3A_993 : vector<16xf32>
        %swap3A_995 = arith.constant 1 : i32
        %swap3A_996 = arith.index_cast %swap3A_995 : i32 to index
        %swap3A_997 = arith.constant 224 : index
        %swap3A_998 = tpu.vector_load %arg17[%swap3A_996, %swap3A_997] {strides = array<i32>} : memref<4x256xf32, #tpu.memory_space<vmem>>, vector<16xf32>,
        tpu.vector_store %arg17[%swap3A_996, %swap3A_997], %add3A_994 {strides = array<i32>} : memref<4x256xf32, #tpu.memory_space<vmem>>, vector<16xf32>,
        %get3A_999 = arith.constant 2 : i32
        %get3A_1000 = arith.index_cast %get3A_999 : i32 to index
        %get3A_1001 = arith.constant 96 : index
        %get3A_1002 = tpu.vector_load %arg17[%get3A_1000, %get3A_1001] {strides = array<i32>} : memref<4x256xf32, #tpu.memory_space<vmem>>, vector<16xf32>,
        %mul3A_1003 = arith.mulf %gather3A_432, %get3A_955 : vector<16xf32>
        %add3A_1004 = arith.addf %get3A_1002, %mul3A_1003 : vector<16xf32>
        %swap3A_1005 = arith.constant 2 : i32
        %swap3A_1006 = arith.index_cast %swap3A_1005 : i32 to index
        %swap3A_1007 = arith.constant 96 : index
        %swap3A_1008 = tpu.vector_load %arg17[%swap3A_1006, %swap3A_1007] {strides = array<i32>} : memref<4x256xf32, #tpu.memory_space<vmem>>, vector<16xf32>,
        tpu.vector_store %arg17[%swap3A_1006, %swap3A_1007], %add3A_1004 {strides = array<i32>} : memref<4x256xf32, #tpu.memory_space<vmem>>, vector<16xf32>,
        %get3A_1009 = arith.constant 2 : i32
        %get3A_1010 = arith.index_cast %get3A_1009 : i32 to index
        %get3A_1011 = arith.constant 224 : index
        %get3A_1012 = tpu.vector_load %arg17[%get3A_1010, %get3A_1011] {strides = array<i32>} : memref<4x256xf32, #tpu.memory_space<vmem>>, vector<16xf32>,
        %mul3A_1013 = arith.mulf %gather3A_432, %get3A_958 : vector<16xf32>
        %add3A_1014 = arith.addf %get3A_1012, %mul3A_1013 : vector<16xf32>
        %swap3A_1015 = arith.constant 2 : i32
        %swap3A_1016 = arith.index_cast %swap3A_1015 : i32 to index
        %swap3A_1017 = arith.constant 224 : index
        %swap3A_1018 = tpu.vector_load %arg17[%swap3A_1016, %swap3A_1017] {strides = array<i32>} : memref<4x256xf32, #tpu.memory_space<vmem>>, vector<16xf32>,
        tpu.vector_store %arg17[%swap3A_1016, %swap3A_1017], %add3A_1014 {strides = array<i32>} : memref<4x256xf32, #tpu.memory_space<vmem>>, vector<16xf32>,
        %get3A_1019 = arith.constant 3 : i32
        %get3A_1020 = arith.index_cast %get3A_1019 : i32 to index
        %get3A_1021 = arith.constant 96 : index
        %get3A_1022 = tpu.vector_load %arg17[%get3A_1020, %get3A_1021] {strides = array<i32>} : memref<4x256xf32, #tpu.memory_space<vmem>>, vector<16xf32>,
        %mul3A_1023 = arith.mulf %gather3A_436, %get3A_955 : vector<16xf32>
        %add3A_1024 = arith.addf %get3A_1022, %mul3A_1023 : vector<16xf32>
        %swap3A_1025 = arith.constant 3 : i32
        %swap3A_1026 = arith.index_cast %swap3A_1025 : i32 to index
        %swap3A_1027 = arith.constant 96 : index
        %swap3A_1028 = tpu.vector_load %arg17[%swap3A_1026, %swap3A_1027] {strides = array<i32>} : memref<4x256xf32, #tpu.memory_space<vmem>>, vector<16xf32>,
        tpu.vector_store %arg17[%swap3A_1026, %swap3A_1027], %add3A_1024 {strides = array<i32>} : memref<4x256xf32, #tpu.memory_space<vmem>>, vector<16xf32>,
        %get3A_1029 = arith.constant 3 : i32
        %get3A_1030 = arith.index_cast %get3A_1029 : i32 to index
        %get3A_1031 = arith.constant 224 : index
        %get3A_1032 = tpu.vector_load %arg17[%get3A_1030, %get3A_1031] {strides = array<i32>} : memref<4x256xf32, #tpu.memory_space<vmem>>, vector<16xf32>,
        %mul3A_1033 = arith.mulf %gather3A_436, %get3A_958 : vector<16xf32>
        %add3A_1034 = arith.addf %get3A_1032, %mul3A_1033 : vector<16xf32>
        %swap3A_1035 = arith.constant 3 : i32
        %swap3A_1036 = arith.index_cast %swap3A_1035 : i32 to index
        %swap3A_1037 = arith.constant 224 : index
        %swap3A_1038 = tpu.vector_load %arg17[%swap3A_1036, %swap3A_1037] {strides = array<i32>} : memref<4x256xf32, #tpu.memory_space<vmem>>, vector<16xf32>,
        tpu.vector_store %arg17[%swap3A_1036, %swap3A_1037], %add3A_1034 {strides = array<i32>} : memref<4x256xf32, #tpu.memory_space<vmem>>, vector<16xf32>,
        %get3A_1039 = arith.index_cast %while3A_419 : i32 to index
        %get3A_1040 = arith.constant 112 : index
        %get3A_1041 = tpu.vector_load %arg18[%get3A_1039, %get3A_1040] {strides = array<i32>} : memref<16x128xf32, #tpu.memory_space<vmem>>, vector<16xf32>,
        %get3A_1042 = arith.index_cast %while3A_419 : i32 to index
        %get3A_1043 = arith.constant 112 : index
        %get3A_1044 = tpu.vector_load %arg19[%get3A_1042, %get3A_1043] {strides = array<i32>} : memref<16x128xf32, #tpu.memory_space<vmem>>, vector<16xf32>,
        %get3A_1045 = arith.constant 0 : i32
        %get3A_1046 = arith.index_cast %get3A_1045 : i32 to index
        %get3A_1047 = arith.constant 112 : index
        %get3A_1048 = tpu.vector_load %arg17[%get3A_1046, %get3A_1047] {strides = array<i32>} : memref<4x256xf32, #tpu.memory_space<vmem>>, vector<16xf32>,
        %mul3A_1049 = arith.mulf %gather3A, %get3A_1041 : vector<16xf32>
        %add3A_1050 = arith.addf %get3A_1048, %mul3A_1049 : vector<16xf32>
        %swap3A_1051 = arith.constant 0 : i32
        %swap3A_1052 = arith.index_cast %swap3A_1051 : i32 to index
        %swap3A_1053 = arith.constant 112 : index
        %swap3A_1054 = tpu.vector_load %arg17[%swap3A_1052, %swap3A_1053] {strides = array<i32>} : memref<4x256xf32, #tpu.memory_space<vmem>>, vector<16xf32>,
        tpu.vector_store %arg17[%swap3A_1052, %swap3A_1053], %add3A_1050 {strides = array<i32>} : memref<4x256xf32, #tpu.memory_space<vmem>>, vector<16xf32>,
        %get3A_1055 = arith.constant 0 : i32
        %get3A_1056 = arith.index_cast %get3A_1055 : i32 to index
        %get3A_1057 = arith.constant 240 : index
        %get3A_1058 = tpu.vector_load %arg17[%get3A_1056, %get3A_1057] {strides = array<i32>} : memref<4x256xf32, #tpu.memory_space<vmem>>, vector<16xf32>,
        %mul3A_1059 = arith.mulf %gather3A, %get3A_1044 : vector<16xf32>
        %add3A_1060 = arith.addf %get3A_1058, %mul3A_1059 : vector<16xf32>
        %swap3A_1061 = arith.constant 0 : i32
        %swap3A_1062 = arith.index_cast %swap3A_1061 : i32 to index
        %swap3A_1063 = arith.constant 240 : index
        %swap3A_1064 = tpu.vector_load %arg17[%swap3A_1062, %swap3A_1063] {strides = array<i32>} : memref<4x256xf32, #tpu.memory_space<vmem>>, vector<16xf32>,
        tpu.vector_store %arg17[%swap3A_1062, %swap3A_1063], %add3A_1060 {strides = array<i32>} : memref<4x256xf32, #tpu.memory_space<vmem>>, vector<16xf32>,
        %get3A_1065 = arith.constant 1 : i32
        %get3A_1066 = arith.index_cast %get3A_1065 : i32 to index
        %get3A_1067 = arith.constant 112 : index
        %get3A_1068 = tpu.vector_load %arg17[%get3A_1066, %get3A_1067] {strides = array<i32>} : memref<4x256xf32, #tpu.memory_space<vmem>>, vector<16xf32>,
        %mul3A_1069 = arith.mulf %gather3A_428, %get3A_1041 : vector<16xf32>
        %add3A_1070 = arith.addf %get3A_1068, %mul3A_1069 : vector<16xf32>
        %swap3A_1071 = arith.constant 1 : i32
        %swap3A_1072 = arith.index_cast %swap3A_1071 : i32 to index
        %swap3A_1073 = arith.constant 112 : index
        %swap3A_1074 = tpu.vector_load %arg17[%swap3A_1072, %swap3A_1073] {strides = array<i32>} : memref<4x256xf32, #tpu.memory_space<vmem>>, vector<16xf32>,
        tpu.vector_store %arg17[%swap3A_1072, %swap3A_1073], %add3A_1070 {strides = array<i32>} : memref<4x256xf32, #tpu.memory_space<vmem>>, vector<16xf32>,
        %get3A_1075 = arith.constant 1 : i32
        %get3A_1076 = arith.index_cast %get3A_1075 : i32 to index
        %get3A_1077 = arith.constant 240 : index
        %get3A_1078 = tpu.vector_load %arg17[%get3A_1076, %get3A_1077] {strides = array<i32>} : memref<4x256xf32, #tpu.memory_space<vmem>>, vector<16xf32>,
        %mul3A_1079 = arith.mulf %gather3A_428, %get3A_1044 : vector<16xf32>
        %add3A_1080 = arith.addf %get3A_1078, %mul3A_1079 : vector<16xf32>
        %swap3A_1081 = arith.constant 1 : i32
        %swap3A_1082 = arith.index_cast %swap3A_1081 : i32 to index
        %swap3A_1083 = arith.constant 240 : index
        %swap3A_1084 = tpu.vector_load %arg17[%swap3A_1082, %swap3A_1083] {strides = array<i32>} : memref<4x256xf32, #tpu.memory_space<vmem>>, vector<16xf32>,
        tpu.vector_store %arg17[%swap3A_1082, %swap3A_1083], %add3A_1080 {strides = array<i32>} : memref<4x256xf32, #tpu.memory_space<vmem>>, vector<16xf32>,
        %get3A_1085 = arith.constant 2 : i32
        %get3A_1086 = arith.index_cast %get3A_1085 : i32 to index
        %get3A_1087 = arith.constant 112 : index
        %get3A_1088 = tpu.vector_load %arg17[%get3A_1086, %get3A_1087] {strides = array<i32>} : memref<4x256xf32, #tpu.memory_space<vmem>>, vector<16xf32>,
        %mul3A_1089 = arith.mulf %gather3A_432, %get3A_1041 : vector<16xf32>
        %add3A_1090 = arith.addf %get3A_1088, %mul3A_1089 : vector<16xf32>
        %swap3A_1091 = arith.constant 2 : i32
        %swap3A_1092 = arith.index_cast %swap3A_1091 : i32 to index
        %swap3A_1093 = arith.constant 112 : index
        %swap3A_1094 = tpu.vector_load %arg17[%swap3A_1092, %swap3A_1093] {strides = array<i32>} : memref<4x256xf32, #tpu.memory_space<vmem>>, vector<16xf32>,
        tpu.vector_store %arg17[%swap3A_1092, %swap3A_1093], %add3A_1090 {strides = array<i32>} : memref<4x256xf32, #tpu.memory_space<vmem>>, vector<16xf32>,
        %get3A_1095 = arith.constant 2 : i32
        %get3A_1096 = arith.index_cast %get3A_1095 : i32 to index
        %get3A_1097 = arith.constant 240 : index
        %get3A_1098 = tpu.vector_load %arg17[%get3A_1096, %get3A_1097] {strides = array<i32>} : memref<4x256xf32, #tpu.memory_space<vmem>>, vector<16xf32>,
        %mul3A_1099 = arith.mulf %gather3A_432, %get3A_1044 : vector<16xf32>
        %add3A_1100 = arith.addf %get3A_1098, %mul3A_1099 : vector<16xf32>
        %swap3A_1101 = arith.constant 2 : i32
        %swap3A_1102 = arith.index_cast %swap3A_1101 : i32 to index
        %swap3A_1103 = arith.constant 240 : index
        %swap3A_1104 = tpu.vector_load %arg17[%swap3A_1102, %swap3A_1103] {strides = array<i32>} : memref<4x256xf32, #tpu.memory_space<vmem>>, vector<16xf32>,
        tpu.vector_store %arg17[%swap3A_1102, %swap3A_1103], %add3A_1100 {strides = array<i32>} : memref<4x256xf32, #tpu.memory_space<vmem>>, vector<16xf32>,
        %get3A_1105 = arith.constant 3 : i32
        %get3A_1106 = arith.index_cast %get3A_1105 : i32 to index
        %get3A_1107 = arith.constant 112 : index
        %get3A_1108 = tpu.vector_load %arg17[%get3A_1106, %get3A_1107] {strides = array<i32>} : memref<4x256xf32, #tpu.memory_space<vmem>>, vector<16xf32>,
        %mul3A_1109 = arith.mulf %gather3A_436, %get3A_1041 : vector<16xf32>
        %add3A_1110 = arith.addf %get3A_1108, %mul3A_1109 : vector<16xf32>
        %swap3A_1111 = arith.constant 3 : i32
        %swap3A_1112 = arith.index_cast %swap3A_1111 : i32 to index
        %swap3A_1113 = arith.constant 112 : index
        %swap3A_1114 = tpu.vector_load %arg17[%swap3A_1112, %swap3A_1113] {strides = array<i32>} : memref<4x256xf32, #tpu.memory_space<vmem>>, vector<16xf32>,
        tpu.vector_store %arg17[%swap3A_1112, %swap3A_1113], %add3A_1110 {strides = array<i32>} : memref<4x256xf32, #tpu.memory_space<vmem>>, vector<16xf32>,
        %get3A_1115 = arith.constant 3 : i32
        %get3A_1116 = arith.index_cast %get3A_1115 : i32 to index
        %get3A_1117 = arith.constant 240 : index
        %get3A_1118 = tpu.vector_load %arg17[%get3A_1116, %get3A_1117] {strides = array<i32>} : memref<4x256xf32, #tpu.memory_space<vmem>>, vector<16xf32>,
        %mul3A_1119 = arith.mulf %gather3A_436, %get3A_1044 : vector<16xf32>
        %add3A_1120 = arith.addf %get3A_1118, %mul3A_1119 : vector<16xf32>
        %swap3A_1121 = arith.constant 3 : i32
        %swap3A_1122 = arith.index_cast %swap3A_1121 : i32 to index
        %swap3A_1123 = arith.constant 240 : index
        %swap3A_1124 = tpu.vector_load %arg17[%swap3A_1122, %swap3A_1123] {strides = array<i32>} : memref<4x256xf32, #tpu.memory_space<vmem>>, vector<16xf32>,
        tpu.vector_store %arg17[%swap3A_1122, %swap3A_1123], %add3A_1120 {strides = array<i32>} : memref<4x256xf32, #tpu.memory_space<vmem>>, vector<16xf32>,
        %while3A_1125 = arith.constant 0 : i32
        scf.yield %while3A_1125 : i32
      }
      %while3A_418 = arith.constant 0 : i32
      scf.yield %while3A_418 : i32
    }
    "tpu.region"() ({
      %run_scoped3A = tpu.sem_alloc : memref<!tpu.dma_semaphore, #tpu.memory_space<semaphore_mem>>
      %dma_start3A_358 = arith.constant 0 : i32
      %dma_start3A_359 = arith.constant 0 : i32
      %dma_start3A_360 = tpu.memref_slice %arg7[%add3A, %dma_start3A_358, %dma_start3A_359] : memref<32x4x256xf32, #tpu.memory_space<hbm>> -> memref<1x4x256xf32, #tpu.memory_space<hbm>>
      %dma_start3A_361 = tpu.memref_squeeze %dma_start3A_360 : memref<1x4x256xf32, #tpu.memory_space<hbm>> -> memref<4x256xf32, #tpu.memory_space<hbm>>
      %dma_start3A_362 = arith.constant 0 : i32
      %dma_start3A_363 = arith.constant 0 : i32
      %dma_start3A_364 = tpu.memref_slice %arg7[%add3A, %dma_start3A_362, %dma_start3A_363] : memref<32x4x256xf32, #tpu.memory_space<hbm>> -> memref<1x4x256xf32, #tpu.memory_space<hbm>>
      %dma_start3A_365 = tpu.memref_squeeze %dma_start3A_364 : memref<1x4x256xf32, #tpu.memory_space<hbm>> -> memref<4x256xf32, #tpu.memory_space<hbm>>
      tpu.enqueue_dma source(%arg17 : memref<4x256xf32, #tpu.memory_space<vmem>>) target(%dma_start3A_365 : memref<4x256xf32, #tpu.memory_space<hbm>>) target_semaphore(%run_scoped3A : memref<!tpu.dma_semaphore, #tpu.memory_space<semaphore_mem>>)
      %dma_wait3A_366 = arith.constant 0 : i32
      %dma_wait3A_367 = arith.constant 0 : i32
      %dma_wait3A_368 = tpu.memref_slice %arg7[%add3A, %dma_wait3A_366, %dma_wait3A_367] : memref<32x4x256xf32, #tpu.memory_space<hbm>> -> memref<1x4x256xf32, #tpu.memory_space<hbm>>
      %dma_wait3A_369 = tpu.memref_squeeze %dma_wait3A_368 : memref<1x4x256xf32, #tpu.memory_space<hbm>> -> memref<4x256xf32, #tpu.memory_space<hbm>>
      %dma_wait3A_370 = arith.constant 0 : i32
      %dma_wait3A_371 = arith.constant 0 : i32
      %dma_wait3A_372 = tpu.memref_slice %arg7[%add3A, %dma_wait3A_370, %dma_wait3A_371] : memref<32x4x256xf32, #tpu.memory_space<hbm>> -> memref<1x4x256xf32, #tpu.memory_space<hbm>>
      %dma_wait3A_373 = tpu.memref_squeeze %dma_wait3A_372 : memref<1x4x256xf32, #tpu.memory_space<hbm>> -> memref<4x256xf32, #tpu.memory_space<hbm>>
      tpu.wait_dma2 semaphore(%run_scoped3A : memref<!tpu.dma_semaphore, #tpu.memory_space<semaphore_mem>>) src(%arg17 : memref<4x256xf32, #tpu.memory_space<vmem>>) dst(%dma_wait3A_373 : memref<4x256xf32, #tpu.memory_space<hbm>>)
      tpu.yield
    }) : () -> ()
    %convert_element_type3A_354 = arith.sitofp %add3A_318 : i32 to f32
    %broadcast_in_dim3A_355 = vector.broadcast %convert_element_type3A_354 : f32 to vector<16xf32>
    %swap3A_356 = arith.constant 0 : index
    %swap3A_357 = tpu.vector_load %arg21[%swap3A_356] {strides = array<i32>} : memref<16xf32, #tpu.memory_space<vmem>>, vector<16xf32>,
    tpu.vector_store %arg21[%swap3A_356], %broadcast_in_dim3A_355 {strides = array<i32>} : memref<16xf32, #tpu.memory_space<vmem>>, vector<16xf32>,
    "tpu.region"() ({
      %run_scoped3A = tpu.sem_alloc : memref<!tpu.dma_semaphore, #tpu.memory_space<semaphore_mem>>
      %dma_start3A_358 = arith.constant 0 : i32
      %dma_start3A_359 = tpu.memref_slice %arg8[%add3A, %dma_start3A_358] : memref<32x16xf32, #tpu.memory_space<hbm>> -> memref<1x16xf32, #tpu.memory_space<hbm>>
      %dma_start3A_360 = tpu.memref_squeeze %dma_start3A_359 : memref<1x16xf32, #tpu.memory_space<hbm>> -> memref<16xf32, #tpu.memory_space<hbm>>
      %dma_start3A_361 = arith.constant 0 : i32
      %dma_start3A_362 = tpu.memref_slice %arg8[%add3A, %dma_start3A_361] : memref<32x16xf32, #tpu.memory_space<hbm>> -> memref<1x16xf32, #tpu.memory_space<hbm>>
      %dma_start3A_363 = tpu.memref_squeeze %dma_start3A_362 : memref<1x16xf32, #tpu.memory_space<hbm>> -> memref<16xf32, #tpu.memory_space<hbm>>
      tpu.enqueue_dma source(%arg21 : memref<16xf32, #tpu.memory_space<vmem>>) target(%dma_start3A_363 : memref<16xf32, #tpu.memory_space<hbm>>) target_semaphore(%run_scoped3A : memref<!tpu.dma_semaphore, #tpu.memory_space<semaphore_mem>>)
      %dma_wait3A_364 = arith.constant 0 : i32
      %dma_wait3A_365 = tpu.memref_slice %arg8[%add3A, %dma_wait3A_364] : memref<32x16xf32, #tpu.memory_space<hbm>> -> memref<1x16xf32, #tpu.memory_space<hbm>>
      %dma_wait3A_366 = tpu.memref_squeeze %dma_wait3A_365 : memref<1x16xf32, #tpu.memory_space<hbm>> -> memref<16xf32, #tpu.memory_space<hbm>>
      %dma_wait3A_367 = arith.constant 0 : i32
      %dma_wait3A_368 = tpu.memref_slice %arg8[%add3A, %dma_wait3A_367] : memref<32x16xf32, #tpu.memory_space<hbm>> -> memref<1x16xf32, #tpu.memory_space<hbm>>
      %dma_wait3A_369 = tpu.memref_squeeze %dma_wait3A_368 : memref<1x16xf32, #tpu.memory_space<hbm>> -> memref<16xf32, #tpu.memory_space<hbm>>
      tpu.wait_dma2 semaphore(%run_scoped3A : memref<!tpu.dma_semaphore, #tpu.memory_space<semaphore_mem>>) src(%arg21 : memref<16xf32, #tpu.memory_space<vmem>>) dst(%dma_wait3A_369 : memref<16xf32, #tpu.memory_space<hbm>>)
      tpu.yield
    }) : () -> ()
    return
  }
}

module attributes {stable_mosaic.version = 14 : i64} {
  func.func @_tc_body(%arg0: memref<32x4x256xf32, #tpu.memory_space<vmem>>, %arg1: memref<32x16xf32, #tpu.memory_space<vmem>>, %arg2: memref<4x256x128xf32, #tpu.memory_space<vmem>>, %arg3: memref<1x128xf32, #tpu.memory_space<vmem>>) attributes {dimension_semantics = [], scalar_prefetch = 0 : i64, scratch_operands = 0 : i64, tpu.core_type = #tpu.core_type<tc>} {
    %get3A = arith.constant 0 : index
    %get3A_0 = arith.constant 0 : index
    %get3A_1 = arith.constant 0 : index
    %get3A_2 = vector.load %arg0[%get3A, %get3A_0, %get3A_1] : memref<32x4x256xf32, #tpu.memory_space<vmem>>, vector<32x4x256xf32>
    %reduce_sum3A = arith.constant dense<0.000000e+00> : vector<4x256xf32>
    %reduce_sum3A_3 = vector.multi_reduction <add>, %get3A_2, %reduce_sum3A [0] : vector<32x4x256xf32> to vector<4x256xf32>
    %get3A_4 = arith.constant 0 : index
    %get3A_5 = arith.constant 0 : index
    %get3A_6 = vector.load %arg1[%get3A_4, %get3A_5] : memref<32x16xf32, #tpu.memory_space<vmem>>, vector<32x16xf32>
    %reduce_sum3A_7 = vector.shape_cast %get3A_6 : vector<32x16xf32> to vector<1x32x16xf32>
    %reduce_sum3A_8 = arith.constant dense<0.000000e+00> : vector<1xf32>
    %reduce_sum3A_9 = vector.multi_reduction <add>, %reduce_sum3A_7, %reduce_sum3A_8 [1, 2] : vector<1x32x16xf32> to vector<1xf32>
    %reduce_sum3A_10 = vector.shape_cast %reduce_sum3A_9 : vector<1xf32> to vector<1x1x1xf32>
    %reduce_sum3A_11 = vector.extract %reduce_sum3A_10[0, 0, 0] : f32 from vector<1x1x1xf32>
    %mul3A = arith.constant 6.250000e-02 : f32
    %mul3A_12 = arith.mulf %reduce_sum3A_11, %mul3A : f32
    %max3A = arith.constant 1.000000e+00 : f32
    %max3A_13 = arith.maximumf %mul3A_12, %max3A : f32
    %broadcast_in_dim3A = arith.constant 0.000000e+00 : f32
    %broadcast_in_dim3A_14 = vector.broadcast %broadcast_in_dim3A : f32 to vector<1x128xf32>
    %slice3A = vector.extract_strided_slice %reduce_sum3A_3 {offsets = [0, 0], sizes = [1, 256], strides = [1, 1]} : vector<4x256xf32> to vector<1x256xf32>
    %get3A_15 = arith.constant 0 : index
    %get3A_16 = arith.constant 0 : index
    %get3A_17 = arith.constant 0 : index
    %get3A_18 = vector.load %arg2[%get3A_15, %get3A_16, %get3A_17] : memref<4x256x128xf32, #tpu.memory_space<vmem>>, vector<1x256x128xf32>
    %get3A_19 = vector.shape_cast %get3A_18 : vector<1x256x128xf32> to vector<256x128xf32>
    %dot_general3A = arith.constant dense<0.000000e+00> : vector<1x128xf32>
    %dot_general3A_20 = tpu.matmul %slice3A, %get3A_19, %dot_general3A {dimension_numbers = #tpu.dot_dimension_numbers<[1], [0], [0], [1], [0, 0, 1, 1], [], []>, transpose_lhs_hint = false} : vector<1x256xf32>, vector<256x128xf32>, vector<1x128xf32> -> vector<1x128xf32>
    %add3A = arith.addf %broadcast_in_dim3A_14, %dot_general3A_20 : vector<1x128xf32>
    %slice3A_21 = vector.extract_strided_slice %reduce_sum3A_3 {offsets = [1, 0], sizes = [1, 256], strides = [1, 1]} : vector<4x256xf32> to vector<1x256xf32>
    %get3A_22 = arith.constant 1 : index
    %get3A_23 = arith.constant 0 : index
    %get3A_24 = arith.constant 0 : index
    %get3A_25 = vector.load %arg2[%get3A_22, %get3A_23, %get3A_24] : memref<4x256x128xf32, #tpu.memory_space<vmem>>, vector<1x256x128xf32>
    %get3A_26 = vector.shape_cast %get3A_25 : vector<1x256x128xf32> to vector<256x128xf32>
    %dot_general3A_27 = arith.constant dense<0.000000e+00> : vector<1x128xf32>
    %dot_general3A_28 = tpu.matmul %slice3A_21, %get3A_26, %dot_general3A_27 {dimension_numbers = #tpu.dot_dimension_numbers<[1], [0], [0], [1], [0, 0, 1, 1], [], []>, transpose_lhs_hint = false} : vector<1x256xf32>, vector<256x128xf32>, vector<1x128xf32> -> vector<1x128xf32>
    %add3A_29 = arith.addf %add3A, %dot_general3A_28 : vector<1x128xf32>
    %slice3A_30 = vector.extract_strided_slice %reduce_sum3A_3 {offsets = [2, 0], sizes = [1, 256], strides = [1, 1]} : vector<4x256xf32> to vector<1x256xf32>
    %get3A_31 = arith.constant 2 : index
    %get3A_32 = arith.constant 0 : index
    %get3A_33 = arith.constant 0 : index
    %get3A_34 = vector.load %arg2[%get3A_31, %get3A_32, %get3A_33] : memref<4x256x128xf32, #tpu.memory_space<vmem>>, vector<1x256x128xf32>
    %get3A_35 = vector.shape_cast %get3A_34 : vector<1x256x128xf32> to vector<256x128xf32>
    %dot_general3A_36 = arith.constant dense<0.000000e+00> : vector<1x128xf32>
    %dot_general3A_37 = tpu.matmul %slice3A_30, %get3A_35, %dot_general3A_36 {dimension_numbers = #tpu.dot_dimension_numbers<[1], [0], [0], [1], [0, 0, 1, 1], [], []>, transpose_lhs_hint = false} : vector<1x256xf32>, vector<256x128xf32>, vector<1x128xf32> -> vector<1x128xf32>
    %add3A_38 = arith.addf %add3A_29, %dot_general3A_37 : vector<1x128xf32>
    %slice3A_39 = vector.extract_strided_slice %reduce_sum3A_3 {offsets = [3, 0], sizes = [1, 256], strides = [1, 1]} : vector<4x256xf32> to vector<1x256xf32>
    %get3A_40 = arith.constant 3 : index
    %get3A_41 = arith.constant 0 : index
    %get3A_42 = arith.constant 0 : index
    %get3A_43 = vector.load %arg2[%get3A_40, %get3A_41, %get3A_42] : memref<4x256x128xf32, #tpu.memory_space<vmem>>, vector<1x256x128xf32>
    %get3A_44 = vector.shape_cast %get3A_43 : vector<1x256x128xf32> to vector<256x128xf32>
    %dot_general3A_45 = arith.constant dense<0.000000e+00> : vector<1x128xf32>
    %dot_general3A_46 = tpu.matmul %slice3A_39, %get3A_44, %dot_general3A_45 {dimension_numbers = #tpu.dot_dimension_numbers<[1], [0], [0], [1], [0, 0, 1, 1], [], []>, transpose_lhs_hint = false} : vector<1x256xf32>, vector<256x128xf32>, vector<1x128xf32> -> vector<1x128xf32>
    %add3A_47 = arith.addf %add3A_38, %dot_general3A_46 : vector<1x128xf32>
    %div3A = vector.broadcast %max3A_13 : f32 to vector<1x128xf32>
    %div3A_48 = arith.divf %add3A_47, %div3A : vector<1x128xf32>
    %swap3A = arith.constant 0 : index
    %swap3A_49 = arith.constant 0 : index
    %swap3A_50 = vector.load %arg3[%swap3A, %swap3A_49] : memref<1x128xf32, #tpu.memory_space<vmem>>, vector<1x128xf32>
    tpu.vector_store %arg3[%swap3A, %swap3A_49], %div3A_48 {strides = array<i32>} : memref<1x128xf32, #tpu.memory_space<vmem>>, vector<1x128xf32>,
    return
  }
}

</mosaic_0001>

<sc_bundles>
// kernel: kernel.4.cloned.1.call-start
scs
__scs_entry_jumppad:
0x0: {  	(pc) =	sbr.rel $0x88, $3  }
0x1: {  	(tag) =	ssettag $0x0;
	lr =	simm.s32 $0x1  }
0x2: {  	[smem:$0x3F9B] =	sst lr;
	_ =	strace $0xD0000000  }
0x3: {  	_ = 	snop  }
0x4: {  	_ = 	snop  }
0x5: {  	_ = 	snop  }
0x6: {  	_ = 	snop  }
0x7: {  	_ = 	snop  }
__scs_overlays_trampoline_lowered:
0x8: {  	[smem:$0x3FAA] =	sst s0  }
0x9: {  	[smem:$0x3FAB] =	sst s1  }
0xa: {  	[smem:$0x3FAC] =	sst s2  }
0xb: {  	[smem:$0x3FAD] =	sst s3  }
0xc: {  	[smem:$0x3FAE] =	sst s4  }
0xd: {  	[smem:$0x3FAF] =	sst s5  }
0xe: {  	[smem:$0x3FB0] =	sst s6  }
0xf: {  	[smem:$0x3FB1] =	sst s7  }
0x10: {  	[smem:$0x3FB2] =	sst s8  }
0x11: {  	[smem:$0x3FB3] =	sst s9;
	s0 =	simm.s32 @!p0 $0x0  }
0x12: {  	s1 =	sld [smem:$0x3F99];
	s0 =	simm.s32 @p0 $0x1  }
0x13: {  	[smem:$0x3FB4] =	sst s0;
	s0 =	simm.s32 @!p1 $0x0  }
0x14: {  	s2 =	sld [smem:$0x3F98];
	s0 =	simm.s32 @p1 $0x1  }
0x15: {  	[smem:$0x3FB5] =	sst s0;
	s0 =	simm.s32 @!p2 $0x0  }
0x16: {  	s3 =	sld [smem:$0x3FDB];
	s0 =	simm.s32 @p2 $0x1  }
0x17: {  	s4 =	simm.s32 $0x1BF5;
	[smem:$0x3FB7] =	sst s0  }
0x18: {  	s0 =	sld [smem:$0x3F9A];
	_ =	swait.ge [sflag:s4], $0x0  }
0x19: {  	s7 =	sld [smem:$0x3F9B]  }
0x1a: {  	s8 =	sadd.s32 $0xFFFFE003, lr  }
0x1b: {  	s9 =	sadd.s32 $0xFFFFFEF7, lr;
	s5 =	simm.s32 $0xFFFFFFFF;
	p2 =	slt.u32 s8, $0xFFFFF086  }
0x1c: {  	p1 =	slt.u32 s9, $0xF7A;
	s5 =	simm.s32 @!p2 $0x0  }
0x1d: {  	s5 =	simm.s32 @p1 $0x1;
	p0 =	seq.s32 s7, s2  }
0x1e: {  	s7 =	smul.u32 @!p0 $0xF7A, s2;
	p2 =	seq.s32 @!p0 s5, $0x0  }
0x1f: {  	s9 =	smul.u32 $0xF7A, s1;
	s8 =	simm.s32 @!p0 $0x1BF5;
	p2 =	por !p2, p0  }
0x20: {  	[sflag:s8] =	ssyncset.s32 @!p0 $0xFFFFF086;
	s6 =	sadd.s32 @!p0 s3, s7;
	s7 =	simm.s32 @!p0 $0x108  }
0x21: {  	s3 =	sadd.s32 s3, s9;
	s6 =	sadd.s32 @!p0 $0x88, s6;
	s7 =	simm.s32 @p2 $0x1082  }
0x22: {  	[simem:s7], [sflag:s8] =	dma.local @!p0 [hbm:s6], $0xF7A  }
0x23: {  	s9 =	sor.u32 $0xD0000000, s2;
	s6 =	simm.s32 $0x108;
	_ =	swait.ge @!p0 [sflag:s8], $0x0  }
0x24: {  	s3 =	sadd.s32 $0x88, s3;
	s6 =	simm.s32 @!p1 $0x1082;
	[sflag:s4] =	ssyncset.s32 $0xFFFFF086  }
0x25: {  	[simem:s6], [sflag:s4] =	dma.local [hbm:s3], $0xF7A  }
0x26: {  	[smem:$0x3F9B] =	sst s1;
	(tag) =	ssettag s2;
	_ =	strace s9  }
0x27: {  	s1 =	sld [smem:$0x3FAB]  }
0x28: {  	s2 =	sld [smem:$0x3FAC]  }
0x29: {  	s4 =	sld [smem:$0x3FAE]  }
0x2a: {  	p0 =	seq.s32 s5, $0x0;
	s5 =	sld [smem:$0x3FAF]  }
0x2b: {  	s6 =	sld [smem:$0x3FB0]  }
0x2c: {  	s7 =	sld [smem:$0x3FB1]  }
0x2d: {  	s3 =	simm.s32 $0x108;
	s8 =	sld [smem:$0x3FB2]  }
0x2e: {  	s3 =	simm.s32 @!p0 $0x1082;
	s9 =	sld [smem:$0x3FB3]  }
0x2f: {  	lr =	sadd.s32 s0, s3;
	s0 =	sld [smem:$0x3FAA]  }
0x30: {  	s3 =	sld [smem:$0x3FAD]  }
0x31: {  	[smem:$0x3FB6] =	sst s10  }
0x32: {  	s10 =	sld [smem:$0x3FB4];
	_ =	sdelay $0x3  }
0x33: {  	p0 =	seq.s32 s10, $0x1;
	s10 =	sld [smem:$0x3FB6];
	_ =	sdelay $0x3  }
0x34: {  	[smem:$0x3FB6] =	sst s10  }
0x35: {  	s10 =	sld [smem:$0x3FB5];
	_ =	sdelay $0x3  }
0x36: {  	p1 =	seq.s32 s10, $0x1;
	s10 =	sld [smem:$0x3FB6];
	_ =	sdelay $0x3  }
0x37: {  	[smem:$0x3FB6] =	sst s10  }
0x38: {  	s10 =	sld [smem:$0x3FB7]  }
0x39: {  	_ = 	snop;
	(pc) =	sbr.ind lr, $3  }
0x3a: {  	_ = 	snop  }
0x3b: {  	_ = 	snop  }
0x3c: {  	p2 =	seq.s32 s10, $0x1;
	s10 =	sld [smem:$0x3FB6]  }
0x3d: {  	_ =	shalt  }
0x3e: {  	_ =	shalt  }
0x3f: {  	_ =	shalt  }
0x40: {  	_ =	shalt  }
0x41: {  	_ =	shalt  }
0x42: {  	_ =	shalt  }
0x43: {  	_ =	shalt  }
0x44: {  	_ =	shalt  }
0x45: {  	_ =	shalt  }
0x46: {  	_ =	shalt  }
0x47: {  	_ =	shalt  }
0x48: {  	_ =	shalt  }
0x49: {  	_ =	shalt  }
0x4a: {  	_ =	shalt  }
0x4b: {  	_ =	shalt  }
0x4c: {  	_ =	shalt  }
0x4d: {  	_ =	shalt  }
0x4e: {  	_ =	shalt  }
0x4f: {  	_ =	shalt  }
0x50: {  	_ =	shalt  }
0x51: {  	_ =	shalt  }
0x52: {  	_ =	shalt  }
0x53: {  	_ =	shalt  }
0x54: {  	_ =	shalt  }
0x55: {  	_ =	shalt  }
0x56: {  	_ =	shalt  }
0x57: {  	_ =	shalt  }
0x58: {  	_ =	shalt  }
0x59: {  	_ =	shalt  }
0x5a: {  	_ =	shalt  }
0x5b: {  	_ =	shalt  }
0x5c: {  	_ =	shalt  }
0x5d: {  	_ =	shalt  }
0x5e: {  	_ =	shalt  }
0x5f: {  	_ =	shalt  }
0x60: {  	_ =	shalt  }
0x61: {  	_ =	shalt  }
0x62: {  	_ =	shalt  }
0x63: {  	_ =	shalt  }
0x64: {  	_ =	shalt  }
0x65: {  	_ =	shalt  }
0x66: {  	_ =	shalt  }
0x67: {  	_ =	shalt  }
0x68: {  	_ =	shalt  }
0x69: {  	_ =	shalt  }
0x6a: {  	_ =	shalt  }
0x6b: {  	_ =	shalt  }
0x6c: {  	_ =	shalt  }
0x6d: {  	_ =	shalt  }
0x6e: {  	_ =	shalt  }
0x6f: {  	_ =	shalt  }
0x70: {  	_ =	shalt  }
0x71: {  	_ =	shalt  }
0x72: {  	_ =	shalt  }
0x73: {  	_ =	shalt  }
0x74: {  	_ =	shalt  }
0x75: {  	_ =	shalt  }
0x76: {  	_ =	shalt  }
0x77: {  	_ =	shalt  }
0x78: {  	_ =	shalt  }
0x79: {  	_ =	shalt  }
0x7a: {  	_ =	shalt  }
0x7b: {  	_ =	shalt  }
0x7c: {  	_ =	shalt  }
0x7d: {  	_ =	shalt  }
0x7e: {  	_ =	shalt  }
0x7f: {  	_ =	shalt  }
0x80: {  	_ =	shalt  }
0x81: {  	_ =	shalt  }
0x82: {  	_ =	shalt  }
0x83: {  	_ =	shalt  }
0x84: {  	_ =	shalt  }
0x85: {  	_ =	shalt  }
0x86: {  	_ =	shalt  }
0x87: {  	_ =	shalt  }
.Lfunc_end0:
.L_simem_size_0:
called_computation_lowered:
.L_overlay_start_0:
0x88: {  	s2 =	sld [smem:$0x3FD9]  }
0x89: {  	s3 =	sld [smem:$0x3FFE];
	_ =	sdelay $0x1  }
0x8a: {  	s1 =	srdreg.scid  }
0x8b: {  	s0 =	sand.u32 $0x1, s1  }
0x8c: {  	s17 =	sshll.u32 s0, $0xA;
	s2 =	sadd.s32 s3, s2  }
0x8d: {  	s2 =	sadd.s32 s2, s17  }
0x8e: {  	[smem:$0x3FC2] =	sst s2  }
0x8f: {  	_ = 	snop  }
0x90: {  	s2 =	sld [smem:$0x3FC7]  }
0x91: {  	s18 =	sld [smem:$0x3FC6]  }
0x92: {  	s4 =	sld [smem:$0x3FD0];
	(tm) =	ssettm $0x1  }
0x93: {  	s5 =	sld [smem:$0x3FFB];
	_ =	sdelay $0x3  }
0x94: {  	_ =	strace s5  }
0x95: {  	s5 =	sld [smem:$0x3FFC];
	_ =	sdelay $0x3  }
0x96: {  	_ =	strace s5  }
0x97: {  	s5 =	sld [smem:$0x3FFD];
	_ =	sdelay $0x3  }
0x98: {  	_ =	strace s5  }
0x99: {  	_ =	strace $0x8FFFFFFF  }
0x9a: {  	s19 =	sld [smem:$0x3FDB];
	_ =	sdelay $0x1  }
0x9b: {  	s6 =	simm.s32 $_scs_section_size  }
0x9c: {  	s7 =	simm.s32 $_size__tile_overlayer_lowered;
	s8 =	simm.s32 $_tile_overlayer_lowered  }
0x9d: {  	s22 =	simm.s32 $0x1BFF;
	s21 =	sshll.u32 s8, $0x1;
	s5 =	sadd.s32 s6, s19  }
0x9e: {  	s9 =	simm.s32 $0x0;
	s20 =	sshll.u32 s7, $0x1;
	s7 =	sadd.s32 s21, s5  }
0x9f: {  	[timem:s9], [sflag:s22] =	dma.local [hbm:s7], s20  }
0xa0: {  	_ =	swait.ge [sflag:s22], s20  }
0xa1: {  	s6 =	ssub.s32 $0x0, s20;
	[sflag:s22] =	ssyncset.done $0x0  }
0xa2: {  	[sflag:s22] =	ssyncadd.s32 s6;
	_ =	sdelay $0x1  }
0xa3: {  	s23 =	simm.s32 $0x1B8B  }
0xa4: {  	_ =	swait.ge [sflag:s23], $0x1  }
0xa5: {  	[sflag:s23] =	ssyncset.done $0x0  }
0xa6: {  	s25 =	simm.s32 $0x1B8E;
	s24 =	sld [smem:$0x3FFE];
	[sflag:s23] =	ssyncadd.s32 $0xFFFFFFFF  }
0xa7: {  	s26 =	simm.s32 $execute0_lowered;
	[smem:$0x3FD2] =	sst s25  }
0xa8: {  	s7 =	sshll.u32 s26, $0x1;
	_ =	strace $0x80000046;
	[dreg:$0x1] =	wrdreg $0xFFFFFFFF  }
0xa9: {  	s28 =	simm.s32 $_size_execute0_lowered;
	s5 =	sadd.s32 s5, s7;
	[dreg:$0x0] =	wrdreg $0x0  }
0xaa: {  	s7 =	sshll.u32 s28, $0x1;
	[dreg:$0x2] =	wrdreg s5  }
0xab: {  	[dreg:$0x3] =	wrdreg s7  }
0xac: {  	[dreg:$0x4] =	wrdreg $0xC0  }
0xad: {  	_ =	task [dreg:s9], $0x5FFFF  }
0xae: {  	[dreg:$0x1] =	wrdreg $0xFFFFFFFF  }
0xaf: {  	[dreg:$0x0] =	wrdreg $0x60  }
0xb0: {  	[dreg:$0x2] =	wrdreg s24  }
0xb1: {  	[dreg:$0x3] =	wrdreg s4  }
0xb2: {  	[dreg:$0x4] =	wrdreg s2  }
0xb3: {  	[dreg:$0x5] =	wrdreg s18  }
0xb4: {  	[dreg:$0x6] =	wrdreg $0x9  }
0xb5: {  	_ =	task.clear_ibuf [dreg:s9], $0x7FFFF;
	_ =	strace $0x90000046  }
0xb6: {  	s29 =	simm.s32 $0x9;
	_ =	strace $0x80000048  }
0xb7: {  	_ =	swait.ge [sflag:s29], $0x1  }
0xb8: {  	[sflag:s29] =	ssyncadd.s32 $0xFFFFFFFF  }
0xb9: {  	_ =	strace $0x90000048  }
0xba: {  	_ =	sfence  }
0xbb: {  	s30 =	sld [smem:$0x0];
	_ =	sdelay $0x2  }
0xbc: {  	s31 =	sshll.u32 s1, $0xD;
	s1 =	sshrl.u32 s1, $0x2  }
0xbd: {  	s3 =	sand.u32 $0x4000, s31;
	s1 =	sadd.s32 s1, s30  }
0xbe: {  	s0 =	sor.u32 s3, s0;
	s1 =	sshll.u32 s1, $0x11  }
0xbf: {  	s0 =	sor.u32 s1, s0  }
0xc0: {  	s0 =	sadd.s32 $0x8F2B, s0  }
0xc1: {  	[sflag:s0] =	ssyncadd.remote.s32 $0x1  }
0xc2: {  	_ =	sfence.sel $0xFFFF  }
0xc3: {  	[dreg:$0x0] =	wrdreg $0xFFFFFFFF;
	(pc) =	sbr.abs _section_cstart, $3  }
0xc4: {  	[dreg:$0x1] =	wrdreg $0xFFFFFFFF  }
0xc5: {  	_ =	task.clear_ibuf [dreg:s9], $0x2FFFF;
	_ =	strace $0x9FFFFFFF  }
0xc6: {  	(tm) =	ssettm $0x7FFFFFFF  }
0xc7: {  	_ =	shalt  }
tec
execute0_lowered:
.L_overlay_start_1:
0x0: {  	(tag) =	ssettag $0x1  }
0x1: {  	s0 =	rddreg [dreg:$0x0]  }
0x2: {  	s1 =	srdreg.scid;
	s3 =	rddreg [dreg:$0x2]  }
0x3: {  	s2 =	stileid.u32;
	s4 =	rddreg [dreg:$0x3]  }
0x4: {  	s5 =	simm.s32 $0x0;
	s14 =	simm.s32 $0x2;
	s15 =	simm.s32 $0x1  }
0x5: {  	s16 =	simm.s32 $0x10;
	s17 =	simm.s32 $0xB780;
	s18 =	simm.s32 $0xBF80  }
0x6: {  	s19 =	simm.s32 $0x40;
	s20 =	simm.s32 $0xB300;
	s21 =	simm.s32 $0xC780  }
0x7: {  	s1 =	sand.u32 $0x1, s1;
	s2 =	sshll.u32 s2, $0x1;
	[smem:$0x7FF] =	sst s5  }
0x8: {  	s24 =	simm.s32 $0x0;
	s2 =	sor.u32 s1, s2;
	_ =	strace $0x80000047  }
0x9: {  	s1 =	ssub.s32 $0x2, s1;
	s6 =	smul.u32 $0x1388, s2;
	s7 =	sshll.u32 s2, $0x7  }
.Ltmp0:
0xa: {  	s2 =	sshll.u32 s2, $0x4;
	s8 =	sshrl.u32 s1, $0x1;
	(pc) =	sbr.rel .LBB2_1-.Ltmp0, $4  }
0xb: {  	s10 =	sadd.s32 s7, s0;
	s1 =	ssub.s32 s1, s8;
	s6 =	sshrl.u32 s6, $0x3  }
0xc: {  	s10 =	sadd.s32 $0x12200, s10;
	s12 =	smax.u32 s1, $0x1;
	s9 =	sadd.s32 s6, s0  }
0xd: {  	s6 =	sadd.s32 $0xE00, s0;
	s0 =	sadd.s32 s2, s0;
	s7 =	sadd.s32 $0x3600, s9  }
0xe: {  	v0 =	vimm.f32 $0.0e+00;
	vm0 =	vmmov $0xff;
	s8 =	sadd.s32 $0x8420, s9;
	s9 =	sadd.s32 $0xD240, s9;
	s11 =	sadd.s32 $0x13200, s0  }
.LBB2_13:
0xf: {  	s0 =	simm.s32 $0xB380  }
0x10: {  	[hbm4b:s10+s5] =	stream.linear.scatter [tilespmem:s0], [sflag:$0x2], $0x400, $0x38;
	[tilespmem:$0xC880] =	vst v63  }
0x11: {  	s30 =	scvt.s32.f32 s25;
	_ =	swait.ge [sflag:s14], $0x400  }
0x12: {  	s24 =	sadd.s32 $0x1, s24;
	[sflag:s14] =	ssyncset.done $0x0  }
0x13: {  	p0 =	sne.s32 s24, s12;
	v1 =	vmov s30;
	[sflag:s14] =	ssyncadd.s32 $0xFFFFFC00  }
.Ltmp1:
0x14: {  	s31 =	simm.s32 $0xC800;
	[tilespmem:$0xC800] =	vst v1;
	(pc) =	sbr.rel @!p0 .LBB2_14-.Ltmp1, $4  }
0x15: {  	[hbm4b:s11+s5] =	stream.linear.scatter [tilespmem:s31], [sflag:$0x2], $0x80, $0x38;
	[tilespmem:$0xC880] =	vst v63  }
0x16: {  	_ =	swait.ge [sflag:s14], $0x80  }
0x17: {  	[sflag:s14] =	ssyncset.done $0x0  }
0x18: {  	[sflag:s14] =	ssyncadd.s32 $0xFFFFFF80  }
.LBB2_1:
0x19: {  	[tilespmem:s5], [sflag:$0x1] =	stream.linear.gather [hbm4b:s7+s5], $0x1388, $0x38;
	[tilespmem:$0xC880] =	vst v63  }
0x1a: {  	s0 =	simm.s32 $0x1400  }
0x1b: {  	[tilespmem:s0], [sflag:$0x1] =	stream.linear.gather [hbm4b:s8+s5], $0x1388, $0x38;
	[tilespmem:$0xC880] =	vst v63  }
0x1c: {  	s1 =	simm.s32 $0x2800  }
0x1d: {  	[tilespmem:s1], [sflag:$0x1] =	stream.linear.gather [hbm4b:s9+s5], $0x1388, $0x38;
	[tilespmem:$0xC880] =	vst v63  }
0x1e: {  	s2 =	rddreg [dreg:$0x1];
	s13 =	simm.s32 $0x3C00  }
0x1f: {  	[tilespmem:s13], [sflag:$0x2] =	stream.linear.gather [hbm4b:s2+s5], $0x80, $0x38;
	[tilespmem:$0xC880] =	vst v63  }
0x20: {  	_ =	swait.ge [sflag:s14], $0x80  }
0x21: {  	[sflag:s14] =	ssyncset.done $0x0  }
0x22: {  	[sflag:s14] =	ssyncadd.s32 $0xFFFFFF80  }
0x23: {  	_ =	swait.ge [sflag:s15], $0x1388  }
0x24: {  	[sflag:s15] =	ssyncset.done $0x0  }
0x25: {  	[sflag:s15] =	ssyncadd.s32 $0xFFFFEC78  }
0x26: {  	_ =	swait.ge [sflag:s15], $0x1388  }
0x27: {  	[sflag:s15] =	ssyncset.done $0x0  }
0x28: {  	[sflag:s15] =	ssyncadd.s32 $0xFFFFEC78  }
0x29: {  	_ =	swait.ge [sflag:s15], $0x1388  }
0x2a: {  	[sflag:s15] =	ssyncset.done $0x0  }
0x2b: {  	[sflag:s15] =	ssyncadd.s32 $0xFFFFEC78  }
0x2c: {  	[tilespmem:$0xB380] =	vst v0  }
0x2d: {  	[tilespmem:$0xB390] =	vst v0  }
0x2e: {  	[tilespmem:$0xB3A0] =	vst v0  }
0x2f: {  	[tilespmem:$0xB3B0] =	vst v0  }
0x30: {  	[tilespmem:$0xB3C0] =	vst v0  }
0x31: {  	[tilespmem:$0xB3D0] =	vst v0  }
0x32: {  	[tilespmem:$0xB3E0] =	vst v0  }
0x33: {  	[tilespmem:$0xB3F0] =	vst v0  }
0x34: {  	[tilespmem:$0xB580] =	vst v0  }
0x35: {  	[tilespmem:$0xB590] =	vst v0  }
0x36: {  	[tilespmem:$0xB5A0] =	vst v0  }
0x37: {  	[tilespmem:$0xB5B0] =	vst v0  }
0x38: {  	[tilespmem:$0xB5C0] =	vst v0  }
0x39: {  	[tilespmem:$0xB5D0] =	vst v0  }
0x3a: {  	[tilespmem:$0xB5E0] =	vst v0  }
0x3b: {  	[tilespmem:$0xB5F0] =	vst v0  }
0x3c: {  	[tilespmem:$0xB400] =	vst v0  }
0x3d: {  	[tilespmem:$0xB410] =	vst v0  }
0x3e: {  	[tilespmem:$0xB420] =	vst v0  }
0x3f: {  	[tilespmem:$0xB430] =	vst v0  }
0x40: {  	[tilespmem:$0xB440] =	vst v0  }
0x41: {  	[tilespmem:$0xB450] =	vst v0  }
0x42: {  	[tilespmem:$0xB460] =	vst v0  }
0x43: {  	[tilespmem:$0xB470] =	vst v0  }
0x44: {  	[tilespmem:$0xB600] =	vst v0  }
0x45: {  	[tilespmem:$0xB610] =	vst v0  }
0x46: {  	[tilespmem:$0xB620] =	vst v0  }
0x47: {  	[tilespmem:$0xB630] =	vst v0  }
0x48: {  	[tilespmem:$0xB640] =	vst v0  }
0x49: {  	[tilespmem:$0xB650] =	vst v0  }
0x4a: {  	[tilespmem:$0xB660] =	vst v0  }
0x4b: {  	[tilespmem:$0xB670] =	vst v0  }
0x4c: {  	[tilespmem:$0xB480] =	vst v0  }
0x4d: {  	[tilespmem:$0xB490] =	vst v0  }
0x4e: {  	[tilespmem:$0xB4A0] =	vst v0  }
0x4f: {  	[tilespmem:$0xB4B0] =	vst v0  }
0x50: {  	[tilespmem:$0xB4C0] =	vst v0  }
0x51: {  	[tilespmem:$0xB4D0] =	vst v0  }
0x52: {  	[tilespmem:$0xB4E0] =	vst v0  }
0x53: {  	[tilespmem:$0xB4F0] =	vst v0  }
0x54: {  	[tilespmem:$0xB680] =	vst v0  }
0x55: {  	[tilespmem:$0xB690] =	vst v0  }
0x56: {  	[tilespmem:$0xB6A0] =	vst v0  }
0x57: {  	[tilespmem:$0xB6B0] =	vst v0  }
0x58: {  	[tilespmem:$0xB6C0] =	vst v0  }
0x59: {  	[tilespmem:$0xB6D0] =	vst v0  }
0x5a: {  	[tilespmem:$0xB6E0] =	vst v0  }
0x5b: {  	[tilespmem:$0xB6F0] =	vst v0  }
0x5c: {  	[tilespmem:$0xB500] =	vst v0  }
0x5d: {  	[tilespmem:$0xB510] =	vst v0  }
0x5e: {  	[tilespmem:$0xB520] =	vst v0  }
0x5f: {  	[tilespmem:$0xB530] =	vst v0  }
0x60: {  	[tilespmem:$0xB540] =	vst v0  }
0x61: {  	[tilespmem:$0xB550] =	vst v0  }
0x62: {  	[tilespmem:$0xB560] =	vst v0  }
0x63: {  	[tilespmem:$0xB570] =	vst v0  }
0x64: {  	[tilespmem:$0xB700] =	vst v0  }
0x65: {  	[tilespmem:$0xB710] =	vst v0  }
0x66: {  	[tilespmem:$0xB720] =	vst v0  }
.Ltmp2:
0x67: {  	[tilespmem:$0xB730] =	vst v0;
	(pc) =	sbr.rel .LBB2_2-.Ltmp2, $4  }
0x68: {  	[tilespmem:$0xB740] =	vst v0  }
0x69: {  	[tilespmem:$0xB750] =	vst v0  }
0x6a: {  	[tilespmem:$0xB760] =	vst v0  }
0x6b: {  	s22 =	simm.s32 $0x0;
	s13 =	simm.s32 $0x0;
	s2 =	simm.s32 $0x0;
	[tilespmem:$0xB770] =	vst v0;
	v1 =	vld [tilespmem:$0x3C00]  }
.LBB2_6:
0x6c: {  	s22 =	sadd.s32 $0x1, s22  }
0x6d: {  	p0 =	sne.s32 s22, $0x27  }
.Ltmp3:
0x6e: {  	_ = 	snop;
	(pc) =	sbr.rel @!p0 .LBB2_7-.Ltmp3, $3  }
0x6f: {  	_ =	sdelay $0x1  }
0x70: {  	s2 =	sadd.s32 s2, s23  }
0x71: {  	s1 =	sadd.s32 $0x80, s1;
	s0 =	sadd.s32 $0x80, s0;
	s13 =	sadd.s32 $0x80, s13  }
.LBB2_2:
0x72: {  	s23 =	sshll.u32 s22, $0x7  }
0x73: {  	v2 =	vld [tilespmem:s23+$0x0]  }
0x74: {  	v3 =	vld [tilespmem:s23+$0x2800]  }
0x75: {  	v4 =	vld [tilespmem:s23+$0x2810]  }
0x76: {  	v5 =	vld [tilespmem:s23+$0x10]  }
0x77: {  	v6 =	vld [tilespmem:s23+$0x2820]  }
0x78: {  	v7 =	vld [tilespmem:s23+$0x20]  }
0x79: {  	v8 =	vld [tilespmem:s23+$0x2830];
	vm1 =	veq.s32 v3, v1;
	vm2 =	veq.s32 v2, v1  }
0x7a: {  	v2 =	vld [tilespmem:s23+$0x30];
	vm3 =	veq.s32 v4, v1;
	vm1 =	vmor vm2, vm1  }
0x7b: {  	v3 =	vld [tilespmem:s23+$0x2840];
	vm2 =	veq.s32 v5, v1;
	vm1 =	vmor vm1, vm3  }
0x7c: {  	v59 =	vld [tilespmem:s23+$0x40];
	vm3 =	veq.s32 v6, v1;
	vm1 =	vmor vm2, vm1  }
0x7d: {  	v60 =	vld [tilespmem:s23+$0x2850];
	vm2 =	veq.s32 v7, v1;
	vm1 =	vmor vm3, vm1  }
0x7e: {  	v61 =	vld [tilespmem:s23+$0x50];
	vm3 =	veq.s32 v8, v1;
	vm1 =	vmor vm2, vm1  }
0x7f: {  	v62 =	vld [tilespmem:s23+$0x2860];
	vm2 =	veq.s32 v2, v1;
	vm1 =	vmor vm3, vm1  }
0x80: {  	v2 =	vld [tilespmem:s23+$0x60];
	vm3 =	veq.s32 v3, v1;
	vm1 =	vmor vm2, vm1  }
0x81: {  	v3 =	vld [tilespmem:s23+$0x2870];
	vm2 =	veq.s32 v59, v1;
	vm1 =	vmor vm3, vm1  }
0x82: {  	v63 =	vld [tilespmem:s23+$0x70];
	vm3 =	veq.s32 v60, v1;
	vm1 =	vmor vm2, vm1  }
0x83: {  	vm2 =	veq.s32 v61, v1;
	vm1 =	vmor vm3, vm1  }
0x84: {  	vm3 =	veq.s32 v62, v1;
	vm1 =	vmor vm2, vm1  }
0x85: {  	vm2 =	veq.s32 v2, v1;
	vm1 =	vmor vm3, vm1  }
0x86: {  	vm3 =	veq.s32 v3, v1;
	vm1 =	vmor vm2, vm1  }
0x87: {  	vm2 =	veq.s32 v63, v1;
	vm1 =	vmor vm3, vm1  }
0x88: {  	vm1 =	vmor vm2, vm1  }
0x89: {  	v2 =	vmpcnt.ones.xlane vm1;
	_ =	sdelay $0x1  }
0x8a: {  	(v2sf) =	vpush v2, $0x0;
	_ =	sdelay $0xe  }
0x8b: {  	s23 =	spop (v2sf)  }
0x8c: {  	p0 =	slt.s32 s23, $0x1  }
.Ltmp4:
0x8d: {  	_ = 	snop;
	(pc) =	sbr.rel @p0 .LBB2_6-.Ltmp4, $1  }
0x8e: {  	_ =	sdelay $0x3  }
0x8f: {  	s25 =	sadd.s32 $0x0, s1  }
0x90: {  	v2 =	vld [tilespmem:s25+$0x0]  }
0x91: {  	s31 =	sadd.s32 $0x0, s13  }
0x92: {  	v3 =	vld [tilespmem:s31+$0x0];
	_ =	sdelay $0x2  }
0x93: {  	vm2 =	veq.s32 v2, v1  }
0x94: {  	v4 =	vmpcnt.ones.xlane vm2  }
0x95: {  	vm1 =	veq.s32 v3, v1  }
0x96: {  	v5 =	vmpcnt.ones.xlane vm1;
	(v2sf) =	vpush v4, $0x0;
	_ =	sdelay $0x1  }
0x97: {  	(v2sf) =	vpush v5, $0x0;
	_ =	sdelay $0x6  }
0x98: {  	s26 =	sadd.s32 $0x0, s0  }
0x99: {  	v63 =	vld [tilespmem:s26+$0x0];
	_ =	sdelay $0x3  }
0x9a: {  	[tilespmem:s2+$0x3C80] =	vst.msk vm2, v3  }
0x9b: {  	[tilespmem:s2+$0x6400] =	vst.msk vm2, v63;
	s30 =	spop (v2sf)  }
0x9c: {  	[tilespmem:s2+$0x8B80] =	vst.msk vm2, v63;
	s29 =	sadd.s32 s2, s30  }
0x9d: {  	s31 =	spop (v2sf);
	[tilespmem:s29+$0x3C80] =	vst.msk vm1, v2  }
0x9e: {  	s28 =	simm.s32 $0x10;
	s26 =	simm.s32 $0x80;
	s25 =	sadd.s32 s31, s29;
	v2 =	vadd.s32 $0x2710, v63;
	[tilespmem:s29+$0x6400] =	vst.msk vm1, v63  }
.LBB2_4:
0x9f: {  	p0 =	sne.s32 s26, $0x1C0  }
0xa0: {  	s30 =	sadd.s32 s28, s1;
	[tilespmem:s29+$0x8B80] =	vst.msk vm1, v2;
	s31 =	smov.u32 s26;
	s26 =	sadd.s32 $0x40, s26  }
0xa1: {  	s29 =	sadd.s32 s28, s13;
	v2 =	vld [tilespmem:s30+$0x0]  }
0xa2: {  	v3 =	vld [tilespmem:s29+$0x0];
	_ =	sdelay $0x2  }
0xa3: {  	s28 =	sadd.s32 s28, s0  }
0xa4: {  	v4 =	vld [tilespmem:s28+$0x0];
	vm2 =	veq.s32 v2, v1  }
0xa5: {  	vm1 =	veq.s32 v3, v1;
	v5 =	vmpcnt.ones.xlane vm2;
	[tilespmem:s25+$0x3C80] =	vst.msk vm2, v3  }
0xa6: {  	v3 =	vmpcnt.ones.xlane vm1  }
0xa7: {  	(v2sf) =	vpush v5, $0x0  }
0xa8: {  	(v2sf) =	vpush v3, $0x0  }
0xa9: {  	[tilespmem:s25+$0x6400] =	vst.msk vm2, v4  }
0xaa: {  	[tilespmem:s25+$0x8B80] =	vst.msk vm2, v4;
	_ =	sdelay $0xa  }
.Ltmp5:
0xab: {  	(pc) =	sbr.rel @p0 .LBB2_4-.Ltmp5, $4  }
0xac: {  	s28 =	spop (v2sf)  }
0xad: {  	s29 =	sadd.s32 s25, s28;
	s25 =	spop (v2sf)  }
0xae: {  	[tilespmem:s29+$0x3C80] =	vst.msk vm1, v2;
	s25 =	sadd.s32 s25, s29  }
0xaf: {  	s28 =	sshra.s32 s31, $0x2;
	v2 =	vadd.s32 $0x2710, v4;
	[tilespmem:s29+$0x6400] =	vst.msk vm1, v4  }
0xb0: {  	s26 =	sadd.s32 s28, s1;
	[tilespmem:s29+$0x8B80] =	vst.msk vm1, v2  }
0xb1: {  	v2 =	vld [tilespmem:s26+$0x0];
	_ =	sdelay $0x2  }
0xb2: {  	s31 =	sadd.s32 s28, s13  }
0xb3: {  	v3 =	vld [tilespmem:s31+$0x0]  }
0xb4: {  	vm1 =	veq.s32 v2, v1  }
0xb5: {  	v4 =	vmpcnt.ones.xlane vm1;
	_ =	sdelay $0x1  }
0xb6: {  	(v2sf) =	vpush v4, $0x0  }
0xb7: {  	vm2 =	veq.s32 v3, v1  }
0xb8: {  	v62 =	vmpcnt.ones.xlane vm2;
	_ =	sdelay $0x1  }
0xb9: {  	(v2sf) =	vpush v62, $0x0;
	_ =	sdelay $0x4  }
0xba: {  	s28 =	sadd.s32 s28, s0  }
0xbb: {  	v63 =	vld [tilespmem:s28+$0x0];
	_ =	sdelay $0x3  }
0xbc: {  	[tilespmem:s25+$0x3C80] =	vst.msk vm1, v3  }
.Ltmp6:
0xbd: {  	[tilespmem:s25+$0x6400] =	vst.msk vm1, v63;
	s29 =	spop (v2sf);
	(pc) =	sbr.rel .LBB2_6-.Ltmp6, $4  }
0xbe: {  	[tilespmem:s25+$0x8B80] =	vst.msk vm1, v63;
	s30 =	sadd.s32 s25, s29  }
0xbf: {  	[tilespmem:s30+$0x3C80] =	vst.msk vm2, v2  }
0xc0: {  	v2 =	vadd.s32 $0x2710, v63;
	[tilespmem:s30+$0x6400] =	vst.msk vm2, v63  }
0xc1: {  	s31 =	spop (v2sf);
	[tilespmem:s30+$0x8B80] =	vst.msk vm2, v2  }
.LBB2_7:
0xc2: {  	v2 =	vld [tilespmem:$0x1380]  }
0xc3: {  	v3 =	vld [tilespmem:$0x3B80];
	_ =	sdelay $0x4  }
0xc4: {  	vm1 =	veq.s32 v3, v1;
	vm2 =	veq.s32 v2, v1  }
0xc5: {  	vm1 =	vmand vm1, vm0;
	vm2 =	vmand vm2, vm0  }
0xc6: {  	vm3 =	vmor vm2, vm1  }
0xc7: {  	v1 =	vmpcnt.ones.xlane vm3;
	_ =	sdelay $0x1  }
0xc8: {  	(v2sf) =	vpush v1, $0x0;
	_ =	sdelay $0xe  }
0xc9: {  	s0 =	spop (v2sf)  }
0xca: {  	p0 =	slt.s32 s0, $0x1  }
0xcb: {  	v1 =	vmpcnt.ones.xlane @!p0 vm1;
	_ =	sdelay $0x1  }
0xcc: {  	(v2sf) =	vpush @!p0 v1, $0x0;
	_ =	sdelay $0x9  }
0xcd: {  	v1 =	vld @!p0 [tilespmem:$0x2780]  }
0xce: {  	s25 =	sadd.s32 s2, s0  }
0xcf: {  	s0 =	sadd.s32 $0xF, s25  }
0xd0: {  	s13 =	sand.u32 $0xF, s0;
	s31 =	sshra.s32 s0, $0x1F  }
0xd1: {  	p2 =	slt.s32 s0, $0x1;
	[tilespmem:s2+$0x3C80] =	vst.msk @!p0 vm1, v2;
	p1 =	sne.s32 s13, $0x0;
	s13 =	sshrl.u32 s31, $0x1C  }
0xd2: {  	p1 =	por !p2, !p1;
	s0 =	sadd.s32 s13, s0;
	[tilespmem:s2+$0x6400] =	vst.msk @!p0 vm1, v1;
	s1 =	spop @!p0 (v2sf)  }
0xd3: {  	p1 =	por !p1, !p1;
	[tilespmem:s2+$0x8B80] =	vst.msk @!p0 vm1, v1;
	s1 =	sadd.s32 @!p0 s2, s1;
	s2 =	simm.s32 $0x1  }
0xd4: {  	s0 =	sshra.s32 s0, $0x4;
	[tilespmem:s1+$0x3C80] =	vst.msk @!p0 vm2, v3;
	s2 =	simm.s32 @!p1 $0x0  }
0xd5: {  	p1 =	slt.s32 s25, $0x1;
	[tilespmem:s1+$0x6400] =	vst.msk @!p0 vm2, v1;
	v1 =	vadd.s32 @!p0 $0x2710, v1;
	s26 =	ssub.s32 s0, s2  }
0xd6: {  	[tilespmem:s1+$0x8B80] =	vst.msk @!p0 vm2, v1;
	s0 =	sshll.u32 @!p1 s26, $0x4  }
0xd7: {  	v1 =	vld @!p1 [tilespmem:s0+$0x3C70]  }
0xd8: {  	v2 =	vld @!p1 [tilespmem:s0+$0x63F0]  }
0xd9: {  	v3 =	vlaneseq.u32 @!p1;
	s1 =	sadd.s32 @!p1 $0xFFFFFFF0, s0;
	v4 =	vld @!p1 [tilespmem:s0+$0x8B70]  }
0xda: {  	p0 =	slt.s32 s26, $0x1;
	v3 =	vor.u32 @!p1 s1, v3  }
.Ltmp7:
0xdb: {  	vm1 =	vlt.s32 @!p1 v3, s25;
	(pc) =	sbr.rel @!p0 .LBB2_8-.Ltmp7, $4  }
.Ltmp8:
0xdc: {  	v1 =	vnsel @!p1 vm1, $0x0, v1;
	(pc) =	sbr.rel @p0 .LBB2_13-.Ltmp8, $4  }
0xdd: {  	[tilespmem:s0+$0x3C70] =	vst @!p1 v1;
	v1 =	vnsel @!p1 vm1, $0x0, v2  }
0xde: {  	[tilespmem:s0+$0x63F0] =	vst @!p1 v1;
	v1 =	vnsel @!p1 vm1, $0x0, v4  }
0xdf: {  	s28 =	simm.s32 $0x0;
	s30 =	simm.s32 $0x0;
	s29 =	smov.u32 s25;
	[tilespmem:s0+$0x8B70] =	vst @!p1 v1  }
0xe0: {  	_ = 	snop  }
.LBB2_11:
0xe1: {  	v7 =	vadd.f32 v7, v18  }
0xe2: {  	v13 =	vadd.f32 v13, v17;
	[tilespmem:$0xB3C0] =	vst v16  }
0xe3: {  	v5 =	vadd.f32 v5, v12;
	[tilespmem:$0xB640] =	vst v7  }
0xe4: {  	v56 =	vmul.f32 v6, v2;
	v9 =	vadd.f32 v9, v15;
	[tilespmem:$0xB6C0] =	vst v13  }
0xe5: {  	v58 =	vmul.f32 v6, v1;
	v59 =	vadd.f32 v8, v14;
	[tilespmem:$0xB440] =	vst v5  }
0xe6: {  	v57 =	vadd.f32 v11, v56;
	[tilespmem:$0xB5C0] =	vst v9  }
0xe7: {  	v6 =	vadd.f32 v10, v58;
	[tilespmem:$0xB740] =	vst v59  }
0xe8: {  	[tilespmem:$0xB4C0] =	vst v57  }
0xe9: {  	[tilespmem:$0xB540] =	vst v6  }
0xea: {  	v5 =	vld [tilespmem:s2+$0x10]  }
0xeb: {  	v6 =	vld [tilespmem:s31+$0x10]  }
0xec: {  	v60 =	vld [tilespmem:$0xB3D0]  }
0xed: {  	v61 =	vld [tilespmem:$0xB5D0]  }
0xee: {  	v62 =	vld [tilespmem:$0xB6D0]  }
0xef: {  	v63 =	vld [tilespmem:$0xB450];
	v20 =	vmul.f32 v5, v4  }
0xf0: {  	v21 =	vld [tilespmem:$0xB4D0];
	v22 =	vmul.f32 v6, v4  }
0xf1: {  	v25 =	vld [tilespmem:$0xB750];
	v24 =	vmul.f32 v6, v2;
	v7 =	vadd.f32 v60, v20  }
0xf2: {  	v27 =	vld [tilespmem:$0xB550];
	v26 =	vmul.f32 v5, v3;
	v8 =	vadd.f32 v61, v22  }
0xf3: {  	v23 =	vld [tilespmem:$0xB650];
	v28 =	vmul.f32 v5, v2;
	v9 =	vadd.f32 v62, v24;
	[tilespmem:$0xB3D0] =	vst v7  }
0xf4: {  	v29 =	vmul.f32 v6, v3;
	v6 =	vmul.f32 v6, v1;
	v30 =	vadd.f32 v63, v26;
	[tilespmem:$0xB5D0] =	vst v8  }
0xf5: {  	v5 =	vmul.f32 v5, v1;
	v31 =	vadd.f32 v21, v28;
	[tilespmem:$0xB6D0] =	vst v9  }
0xf6: {  	v6 =	vadd.f32 v25, v6;
	[tilespmem:$0xB450] =	vst v30  }
0xf7: {  	v5 =	vadd.f32 v27, v5;
	[tilespmem:$0xB4D0] =	vst v31  }
0xf8: {  	v7 =	vadd.f32 v23, v29;
	[tilespmem:$0xB750] =	vst v6  }
0xf9: {  	[tilespmem:$0xB550] =	vst v5  }
0xfa: {  	[tilespmem:$0xB650] =	vst v7  }
0xfb: {  	v5 =	vld [tilespmem:s2+$0x20]  }
0xfc: {  	v6 =	vld [tilespmem:s31+$0x20]  }
0xfd: {  	v32 =	vld [tilespmem:$0xB4E0]  }
0xfe: {  	v33 =	vld [tilespmem:$0xB660]  }
0xff: {  	v34 =	vld [tilespmem:$0xB760]  }
0x100: {  	v35 =	vld [tilespmem:$0xB3E0];
	v36 =	vmul.f32 v5, v2  }
0x101: {  	v37 =	vld [tilespmem:$0xB5E0];
	v38 =	vmul.f32 v6, v3  }
0x102: {  	v39 =	vld [tilespmem:$0xB6E0];
	v40 =	vmul.f32 v6, v1;
	v7 =	vadd.f32 v32, v36  }
0x103: {  	v42 =	vld [tilespmem:$0xB460];
	v41 =	vmul.f32 v5, v4;
	v8 =	vadd.f32 v33, v38  }
0x104: {  	v43 =	vld [tilespmem:$0xB560];
	v44 =	vmul.f32 v6, v4;
	v9 =	vadd.f32 v34, v40;
	[tilespmem:$0xB4E0] =	vst v7  }
0x105: {  	v6 =	vmul.f32 v6, v2;
	v45 =	vadd.f32 v35, v41;
	[tilespmem:$0xB660] =	vst v8  }
0x106: {  	v47 =	vmul.f32 v5, v3;
	v46 =	vadd.f32 v37, v44;
	[tilespmem:$0xB760] =	vst v9  }
0x107: {  	v5 =	vmul.f32 v5, v1;
	v6 =	vadd.f32 v39, v6;
	[tilespmem:$0xB3E0] =	vst v45  }
0x108: {  	v48 =	vadd.f32 v42, v47;
	[tilespmem:$0xB5E0] =	vst v46  }
0x109: {  	v5 =	vadd.f32 v43, v5;
	[tilespmem:$0xB6E0] =	vst v6  }
0x10a: {  	[tilespmem:$0xB460] =	vst v48  }
0x10b: {  	[tilespmem:$0xB560] =	vst v5  }
0x10c: {  	v5 =	vld [tilespmem:s2+$0x30]  }
0x10d: {  	v6 =	vld [tilespmem:s31+$0x30]  }
0x10e: {  	v49 =	vld [tilespmem:$0xB3F0]  }
0x10f: {  	v50 =	vld [tilespmem:$0xB670]  }
0x110: {  	v51 =	vld [tilespmem:$0xB6F0]  }
0x111: {  	v52 =	vld [tilespmem:$0xB570];
	v53 =	vmul.f32 v5, v4  }
0x112: {  	v54 =	vld [tilespmem:$0xB470];
	v55 =	vmul.f32 v6, v3  }
0x113: {  	v56 =	vld [tilespmem:$0xB5F0];
	v57 =	vmul.f32 v6, v2;
	v7 =	vadd.f32 v49, v53  }
0x114: {  	v58 =	vld [tilespmem:$0xB770];
	v59 =	vmul.f32 v5, v1;
	v8 =	vadd.f32 v50, v55  }
0x115: {  	v60 =	vld [tilespmem:$0xB4F0];
	v3 =	vmul.f32 v5, v3;
	v61 =	vadd.f32 v51, v57;
	[tilespmem:$0xB3F0] =	vst v7  }
0x116: {  	v62 =	vmul.f32 v6, v4;
	v63 =	vadd.f32 v52, v59;
	[tilespmem:$0xB670] =	vst v8  }
0x117: {  	v1 =	vmul.f32 v6, v1;
	v3 =	vadd.f32 v54, v3;
	[tilespmem:$0xB6F0] =	vst v61  }
0x118: {  	v2 =	vmul.f32 v5, v2;
	v4 =	vadd.f32 v56, v62;
	[tilespmem:$0xB570] =	vst v63  }
0x119: {  	v1 =	vadd.f32 v58, v1;
	[tilespmem:$0xB470] =	vst v3  }
0x11a: {  	v2 =	vadd.f32 v60, v2;
	[tilespmem:$0xB5F0] =	vst v4  }
0x11b: {  	[tilespmem:$0xB770] =	vst v1  }
0x11c: {  	[tilespmem:$0xB4F0] =	vst v2  }
.LBB2_12:
0x11d: {  	s30 =	sadd.s32 $0x1, s30  }
0x11e: {  	p0 =	sne.s32 s30, s26  }
.Ltmp9:
0x11f: {  	_ = 	snop;
	(pc) =	sbr.rel @!p0 .LBB2_13-.Ltmp9, $2  }
0x120: {  	_ =	sdelay $0x2  }
0x121: {  	s29 =	sadd.s32 $0xFFFFFFF0, s29  }
.LBB2_8:
0x122: {  	s0 =	sshll.u32 s30, $0x4  }
0x123: {  	v1 =	vld [tilespmem:s0+$0x8B80];
	_ =	sdelay $0x4  }
0x124: {  	[tilespmem:$0xB300] =	vst v1;
	v2 =	vadd.s32 $0x4E20, v1  }
0x125: {  	[tilespmem:$0xB310] =	vst v2;
	v2 =	vadd.s32 $0x9C40, v1  }
0x126: {  	v1 =	vadd.s32 $0xEA60, v1;
	[tilespmem:$0xB320] =	vst v2  }
0x127: {  	s1 =	sadd.s32 $0x3C80, s0;
	[tilespmem:$0xB330] =	vst v1  }
0x128: {  	[tilespmem:s17], [sflag:$0x1] =	stream.indirect.gather [hbm4b:s3+s16], $0x80, s1, s16, $0xb8;
	[tilespmem:$0xC880] =	vst v63  }
0x129: {  	s31 =	sadd.s32 $0x6400, s0  }
0x12a: {  	[tilespmem:s18], [sflag:$0x1] =	stream.indirect.gather [hbm4b:s4+s16], $0x80, s31, s16, $0xb8;
	[tilespmem:$0xC880] =	vst v63  }
0x12b: {  	_ = 	snop  }
0x12c: {  	[tilespmem:s21], [sflag:$0x1] =	stream.indirect.gather [hbm4b:s6+s19], $0x1, s20, s19, $0xb8;
	[tilespmem:$0xC880] =	vst v63  }
0x12d: {  	_ =	swait.ge [sflag:s15], $0x800  }
0x12e: {  	[sflag:s15] =	ssyncset.done $0x0  }
0x12f: {  	s0 =	ssub.s32 s25, s0;
	[sflag:s15] =	ssyncadd.s32 $0xFFFFF800  }
0x130: {  	p0 =	slt.s32 s0, $0x1;
	_ =	swait.ge [sflag:s15], $0x800  }
.Ltmp10:
0x131: {  	[sflag:s15] =	ssyncset.done $0x0;
	(pc) =	sbr.rel @p0 .LBB2_12-.Ltmp10, $4  }
0x132: {  	[sflag:s15] =	ssyncadd.s32 $0xFFFFF800  }
0x133: {  	_ =	swait.ge [sflag:s15], $0x40  }
0x134: {  	[sflag:s15] =	ssyncset.done $0x0  }
0x135: {  	[sflag:s15] =	ssyncadd.s32 $0xFFFFFFC0  }
0x136: {  	v4 =	vmov s28  }
0x137: {  	v1 =	vadd.s32 $0x30, v4  }
0x138: {  	v5 =	vld [tilespmem:$0xB600];
	v2 =	vadd.s32 $0x10, v4  }
0x139: {  	s31 =	simm.s32 $0xBFC0;
	v7 =	vld [tilespmem:$0xB700];
	v6 =	vadd.s32 $0x20, v4  }
0x13a: {  	s2 =	simm.s32 $0xB7C0;
	v8 =	vld [tilespmem:s31+$0xFFFFFFC0]  }
0x13b: {  	v9 =	vld [tilespmem:s2+$0xFFFFFFC0]  }
0x13c: {  	v1 =	vld.idx.msk [tilespmem:v1+s21+$0x0], $0xffff  }
0x13d: {  	v3 =	vld.idx.msk [tilespmem:v2+s21+$0x0], $0xffff  }
0x13e: {  	v2 =	vld.idx.msk [tilespmem:v6+s21+$0x0], $0xffff  }
0x13f: {  	v6 =	vld [tilespmem:$0xB400]  }
0x140: {  	v10 =	vld [tilespmem:$0xB480]  }
0x141: {  	v11 =	vld [tilespmem:$0xB680];
	v12 =	vmul.f32 v8, v1  }
0x142: {  	v4 =	vld.idx.msk [tilespmem:v4+s21+$0x0], $0xffff;
	v13 =	vmul.f32 v9, v3  }
0x143: {  	v14 =	vld [tilespmem:$0xB500];
	v15 =	vmul.f32 v8, v3;
	v7 =	vadd.f32 v7, v12  }
0x144: {  	v6 =	vadd.f32 v6, v13;
	v12 =	vmul.f32 v8, v2;
	v13 =	vld [tilespmem:$0xB380]  }
0x145: {  	v16 =	vmul.f32 v9, v2;
	v5 =	vadd.f32 v5, v15;
	[tilespmem:$0xB700] =	vst v7;
	v7 =	vld [tilespmem:$0xB580]  }
0x146: {  	v15 =	vmul.f32 v9, v1;
	[tilespmem:$0xB400] =	vst v6;
	v6 =	vadd.f32 v11, v12  }
0x147: {  	v10 =	vadd.f32 v10, v16;
	[tilespmem:$0xB600] =	vst v5;
	v5 =	vmul.f32 v9, v4  }
0x148: {  	v9 =	vadd.f32 v14, v15;
	[tilespmem:$0xB680] =	vst v6;
	v6 =	vmul.f32 v8, v4  }
0x149: {  	[tilespmem:$0xB480] =	vst v10;
	v5 =	vadd.f32 v13, v5  }
0x14a: {  	[tilespmem:$0xB500] =	vst v9;
	v6 =	vadd.f32 v7, v6  }
0x14b: {  	[tilespmem:$0xB380] =	vst v5  }
0x14c: {  	[tilespmem:$0xB580] =	vst v6  }
0x14d: {  	v5 =	vld [tilespmem:s31+$0xFFFFFFD0]  }
0x14e: {  	v6 =	vld [tilespmem:s2+$0xFFFFFFD0]  }
0x14f: {  	v7 =	vld [tilespmem:$0xB590]  }
0x150: {  	v8 =	vld [tilespmem:$0xB390]  }
0x151: {  	v9 =	vld [tilespmem:$0xB490]  }
0x152: {  	v11 =	vld [tilespmem:$0xB610];
	v10 =	vmul.f32 v5, v4  }
0x153: {  	v12 =	vld [tilespmem:$0xB690];
	v13 =	vmul.f32 v6, v4  }
0x154: {  	v14 =	vld [tilespmem:$0xB410];
	v15 =	vmul.f32 v6, v2;
	v7 =	vadd.f32 v7, v10  }
0x155: {  	v16 =	vmul.f32 v5, v3;
	v10 =	vld [tilespmem:$0xB510];
	v8 =	vadd.f32 v8, v13  }
0x156: {  	v13 =	vld [tilespmem:$0xB710];
	v9 =	vadd.f32 v9, v15;
	v15 =	vmul.f32 v5, v2;
	[tilespmem:$0xB590] =	vst v7  }
0x157: {  	v7 =	vmul.f32 v6, v3;
	[tilespmem:$0xB390] =	vst v8;
	v8 =	vadd.f32 v11, v16  }
0x158: {  	v6 =	vmul.f32 v6, v1;
	v11 =	vadd.f32 v12, v15;
	[tilespmem:$0xB490] =	vst v9  }
0x159: {  	v5 =	vmul.f32 v5, v1;
	v7 =	vadd.f32 v14, v7;
	[tilespmem:$0xB610] =	vst v8  }
0x15a: {  	[tilespmem:$0xB690] =	vst v11;
	v6 =	vadd.f32 v10, v6  }
0x15b: {  	v5 =	vadd.f32 v13, v5;
	[tilespmem:$0xB410] =	vst v7  }
0x15c: {  	[tilespmem:$0xB510] =	vst v6  }
0x15d: {  	[tilespmem:$0xB710] =	vst v5  }
0x15e: {  	v5 =	vld [tilespmem:s2+$0xFFFFFFE0]  }
0x15f: {  	v6 =	vld [tilespmem:s31+$0xFFFFFFE0]  }
0x160: {  	v7 =	vld [tilespmem:$0xB3A0]  }
0x161: {  	v8 =	vld [tilespmem:$0xB5A0]  }
0x162: {  	v9 =	vld [tilespmem:$0xB720]  }
0x163: {  	v10 =	vld [tilespmem:$0xB4A0];
	v11 =	vmul.f32 v5, v4  }
0x164: {  	v12 =	vld [tilespmem:$0xB6A0];
	v13 =	vmul.f32 v6, v4  }
0x165: {  	v14 =	vld [tilespmem:$0xB420];
	v15 =	vmul.f32 v6, v1;
	v7 =	vadd.f32 v7, v11  }
0x166: {  	v16 =	vld [tilespmem:$0xB520];
	v8 =	vadd.f32 v8, v13;
	v13 =	vmul.f32 v5, v2  }
0x167: {  	v17 =	vmul.f32 v6, v2;
	v11 =	vld [tilespmem:$0xB620];
	v9 =	vadd.f32 v9, v15;
	[tilespmem:$0xB3A0] =	vst v7  }
0x168: {  	v7 =	vmul.f32 v5, v3;
	[tilespmem:$0xB5A0] =	vst v8;
	v8 =	vadd.f32 v10, v13  }
0x169: {  	v10 =	vadd.f32 v12, v17;
	[tilespmem:$0xB720] =	vst v9;
	v5 =	vmul.f32 v5, v1  }
0x16a: {  	v6 =	vmul.f32 v6, v3;
	v7 =	vadd.f32 v14, v7;
	[tilespmem:$0xB4A0] =	vst v8  }
0x16b: {  	[tilespmem:$0xB6A0] =	vst v10;
	v5 =	vadd.f32 v16, v5  }
0x16c: {  	v6 =	vadd.f32 v11, v6;
	[tilespmem:$0xB420] =	vst v7  }
0x16d: {  	[tilespmem:$0xB520] =	vst v5  }
0x16e: {  	[tilespmem:$0xB620] =	vst v6  }
0x16f: {  	v5 =	vld [tilespmem:s2+$0xFFFFFFF0]  }
0x170: {  	v6 =	vld [tilespmem:s31+$0xFFFFFFF0]  }
0x171: {  	v7 =	vld [tilespmem:$0xB530]  }
0x172: {  	v8 =	vld [tilespmem:$0xB5B0]  }
0x173: {  	v9 =	vld [tilespmem:$0xB3B0]  }
0x174: {  	v10 =	vld [tilespmem:$0xB6B0];
	v11 =	vmul.f32 v5, v1  }
0x175: {  	v12 =	vld [tilespmem:$0xB630];
	v13 =	vmul.f32 v6, v4  }
0x176: {  	v15 =	vld [tilespmem:$0xB430];
	v14 =	vmul.f32 v5, v4;
	v7 =	vadd.f32 v7, v11  }
0x177: {  	v16 =	vmul.f32 v6, v2;
	v11 =	vld [tilespmem:$0xB4B0];
	v8 =	vadd.f32 v8, v13  }
0x178: {  	v17 =	vmul.f32 v6, v3;
	v13 =	vld [tilespmem:$0xB730];
	v9 =	vadd.f32 v9, v14;
	[tilespmem:$0xB530] =	vst v7  }
0x179: {  	v10 =	vadd.f32 v10, v16;
	v7 =	vmul.f32 v5, v3;
	[tilespmem:$0xB5B0] =	vst v8  }
0x17a: {  	v8 =	vadd.f32 v12, v17;
	v5 =	vmul.f32 v5, v2;
	[tilespmem:$0xB3B0] =	vst v9  }
0x17b: {  	v6 =	vmul.f32 v6, v1;
	[tilespmem:$0xB6B0] =	vst v10;
	v7 =	vadd.f32 v15, v7  }
0x17c: {  	[tilespmem:$0xB630] =	vst v8;
	v9 =	vadd.f32 v11, v5  }
0x17d: {  	v6 =	vadd.f32 v13, v6;
	[tilespmem:$0xB430] =	vst v7  }
0x17e: {  	v15 =	vld [tilespmem:$0xB3C0];
	[tilespmem:$0xB4B0] =	vst v9  }
0x17f: {  	p0 =	sgt.s32 s29, $0x1;
	s0 =	smov.u32 s29;
	v8 =	vld [tilespmem:$0xB740];
	[tilespmem:$0xB730] =	vst v6  }
0x180: {  	s0 =	simm.s32 @!p0 $0x1;
	v6 =	vld [tilespmem:s2+$0x0]  }
0x181: {  	s0 =	smin.u32 s0, $0x10;
	v14 =	vld [tilespmem:s31+$0x0]  }
0x182: {  	p0 =	sne.s32 s0, $0x1;
	v5 =	vld [tilespmem:$0xB440]  }
.Ltmp11:
0x183: {  	v7 =	vld [tilespmem:$0xB640];
	(pc) =	sbr.rel @!p0 .LBB2_11-.Ltmp11, $4  }
0x184: {  	v13 =	vld [tilespmem:$0xB6C0]  }
0x185: {  	v9 =	vld [tilespmem:$0xB5C0];
	v16 =	vmul.f32 v6, v4;
	v12 =	vmul.f32 v6, v3  }
0x186: {  	v11 =	vld [tilespmem:$0xB4C0];
	v18 =	vmul.f32 v14, v3;
	v17 =	vmul.f32 v14, v2  }
0x187: {  	s1 =	simm.s32 $0x1;
	s13 =	simm.s32 $0xBFC0;
	s22 =	simm.s32 $0xB7C0;
	v10 =	vld [tilespmem:$0xB540];
	v16 =	vadd.f32 v15, v16;
	v15 =	vmul.f32 v14, v4;
	v14 =	vmul.f32 v14, v1  }
.LBB2_10:
0x188: {  	s13 =	sadd.s32 $0x80, s13  }
0x189: {  	v7 =	vadd.f32 v7, v18;
	v18 =	vmul.f32 v6, v2;
	v13 =	vadd.f32 v13, v17;
	s22 =	sadd.s32 $0x80, s22;
	s23 =	smov.u32 s1;
	s1 =	sadd.s32 $0x1, s1  }
0x18a: {  	v9 =	vadd.f32 v9, v15;
	v6 =	vmul.f32 v6, v1;
	v8 =	vadd.f32 v8, v14;
	p0 =	sne.s32 s0, s1;
	[tilespmem:$0xB3C0] =	vst v16  }
0x18b: {  	v5 =	vadd.f32 v5, v12;
	[tilespmem:$0xB640] =	vst v7;
	v7 =	vadd.f32 v11, v18  }
0x18c: {  	v6 =	vadd.f32 v10, v6;
	[tilespmem:$0xB6C0] =	vst v13  }
0x18d: {  	[tilespmem:$0xB440] =	vst v5  }
0x18e: {  	[tilespmem:$0xB4C0] =	vst v7  }
0x18f: {  	[tilespmem:$0xB5C0] =	vst v9;
	v5 =	vld [tilespmem:$0xB450]  }
0x190: {  	[tilespmem:$0xB740] =	vst v8;
	v7 =	vld [tilespmem:$0xB5D0]  }
0x191: {  	[tilespmem:$0xB540] =	vst v6;
	v6 =	vld [tilespmem:$0xB3D0]  }
0x192: {  	v8 =	vld [tilespmem:s2+$0x10]  }
0x193: {  	v9 =	vld [tilespmem:s31+$0x10]  }
0x194: {  	v10 =	vld [tilespmem:$0xB6D0]  }
0x195: {  	v11 =	vld [tilespmem:$0xB650]  }
0x196: {  	v12 =	vld [tilespmem:$0xB750]  }
0x197: {  	v13 =	vmul.f32 v8, v4;
	v14 =	vmul.f32 v8, v3;
	v15 =	vld [tilespmem:$0xB4D0]  }
0x198: {  	v16 =	vmul.f32 v9, v4;
	v17 =	vmul.f32 v9, v2;
	v18 =	vld [tilespmem:$0xB550]  }
0x199: {  	v6 =	vadd.f32 v6, v13;
	v13 =	vmul.f32 v9, v3;
	v9 =	vmul.f32 v9, v1  }
0x19a: {  	v7 =	vadd.f32 v7, v16;
	v16 =	vmul.f32 v8, v2;
	v10 =	vadd.f32 v10, v17  }
0x19b: {  	v8 =	vmul.f32 v8, v1;
	[tilespmem:$0xB3D0] =	vst v6;
	v6 =	vadd.f32 v11, v13;
	v9 =	vadd.f32 v12, v9  }
0x19c: {  	v5 =	vadd.f32 v5, v14;
	[tilespmem:$0xB5D0] =	vst v7;
	v7 =	vadd.f32 v15, v16  }
0x19d: {  	[tilespmem:$0xB6D0] =	vst v10;
	v8 =	vadd.f32 v18, v8  }
0x19e: {  	[tilespmem:$0xB450] =	vst v5  }
0x19f: {  	[tilespmem:$0xB4D0] =	vst v7  }
0x1a0: {  	[tilespmem:$0xB650] =	vst v6;
	v5 =	vld [tilespmem:$0xB3E0]  }
0x1a1: {  	[tilespmem:$0xB750] =	vst v9;
	v6 =	vld [tilespmem:$0xB660]  }
0x1a2: {  	[tilespmem:$0xB550] =	vst v8;
	v7 =	vld [tilespmem:$0xB4E0]  }
0x1a3: {  	v8 =	vld [tilespmem:s2+$0x20]  }
0x1a4: {  	v9 =	vld [tilespmem:s31+$0x20]  }
0x1a5: {  	v10 =	vld [tilespmem:$0xB760]  }
0x1a6: {  	v11 =	vld [tilespmem:$0xB5E0]  }
0x1a7: {  	v12 =	vld [tilespmem:$0xB6E0]  }
0x1a8: {  	v13 =	vmul.f32 v8, v4;
	v14 =	vmul.f32 v8, v2;
	v15 =	vld [tilespmem:$0xB560]  }
0x1a9: {  	v16 =	vld [tilespmem:$0xB460];
	v17 =	vmul.f32 v9, v3;
	v18 =	vmul.f32 v9, v1  }
0x1aa: {  	v19 =	vmul.f32 v9, v4;
	v9 =	vmul.f32 v9, v2;
	v7 =	vadd.f32 v7, v14  }
0x1ab: {  	v14 =	vmul.f32 v8, v1;
	v6 =	vadd.f32 v6, v17;
	v10 =	vadd.f32 v10, v18  }
0x1ac: {  	v8 =	vmul.f32 v8, v3;
	v11 =	vadd.f32 v11, v19;
	[tilespmem:$0xB4E0] =	vst v7;
	v7 =	vadd.f32 v12, v9  }
0x1ad: {  	v5 =	vadd.f32 v5, v13;
	[tilespmem:$0xB660] =	vst v6;
	v6 =	vadd.f32 v15, v14  }
0x1ae: {  	v8 =	vadd.f32 v16, v8;
	[tilespmem:$0xB760] =	vst v10  }
0x1af: {  	[tilespmem:$0xB3E0] =	vst v5  }
0x1b0: {  	[tilespmem:$0xB5E0] =	vst v11  }
0x1b1: {  	[tilespmem:$0xB6E0] =	vst v7;
	v5 =	vld [tilespmem:$0xB470]  }
0x1b2: {  	[tilespmem:$0xB460] =	vst v8;
	v7 =	vld [tilespmem:$0xB3F0]  }
0x1b3: {  	[tilespmem:$0xB560] =	vst v6;
	v6 =	vld [tilespmem:$0xB570]  }
0x1b4: {  	v8 =	vld [tilespmem:s2+$0x30];
	s2 =	smov.u32 s22  }
0x1b5: {  	v9 =	vld [tilespmem:s31+$0x30];
	s31 =	smov.u32 s13  }
0x1b6: {  	v10 =	vld [tilespmem:$0xB6F0]  }
0x1b7: {  	v11 =	vld [tilespmem:$0xB670]  }
0x1b8: {  	v12 =	vld [tilespmem:$0xB4F0]  }
0x1b9: {  	v13 =	vmul.f32 v8, v4;
	v14 =	vmul.f32 v8, v3;
	v15 =	vld [tilespmem:$0xB770]  }
0x1ba: {  	v16 =	vld [tilespmem:$0xB5F0];
	v4 =	vmul.f32 v9, v4;
	v3 =	vmul.f32 v9, v3  }
0x1bb: {  	v7 =	vadd.f32 v7, v13;
	v13 =	vmul.f32 v8, v2;
	v2 =	vmul.f32 v9, v2  }
0x1bc: {  	v8 =	vmul.f32 v8, v1;
	v1 =	vmul.f32 v9, v1;
	v3 =	vadd.f32 v11, v3  }
0x1bd: {  	[tilespmem:$0xB3F0] =	vst v7;
	v7 =	vadd.f32 v12, v13;
	v2 =	vadd.f32 v10, v2  }
0x1be: {  	[tilespmem:$0xB670] =	vst v3;
	v3 =	vadd.f32 v6, v8;
	v1 =	vadd.f32 v15, v1  }
0x1bf: {  	v5 =	vadd.f32 v5, v14;
	v4 =	vadd.f32 v16, v4;
	[tilespmem:$0xB6F0] =	vst v2  }
0x1c0: {  	[tilespmem:$0xB570] =	vst v3  }
0x1c1: {  	v6 =	vmov s23;
	[tilespmem:$0xB470] =	vst v5  }
0x1c2: {  	v2 =	vadd.s32 $0x10, v6;
	v3 =	vadd.s32 $0x30, v6;
	v5 =	vadd.s32 $0x20, v6;
	[tilespmem:$0xB5F0] =	vst v4  }
0x1c3: {  	v8 =	vld [tilespmem:$0xB600];
	[tilespmem:$0xB770] =	vst v1  }
0x1c4: {  	v4 =	vld [tilespmem:$0xB700];
	[tilespmem:$0xB4F0] =	vst v7  }
0x1c5: {  	v7 =	vld [tilespmem:s13+$0xFFFFFFC0]  }
0x1c6: {  	v9 =	vld [tilespmem:s22+$0xFFFFFFC0]  }
0x1c7: {  	v1 =	vld.idx.msk [tilespmem:v3+s21+$0x0], $0xffff  }
0x1c8: {  	v3 =	vld.idx.msk [tilespmem:v2+s21+$0x0], $0xffff  }
0x1c9: {  	v2 =	vld.idx.msk [tilespmem:v5+s21+$0x0], $0xffff  }
0x1ca: {  	v5 =	vld [tilespmem:$0xB500]  }
0x1cb: {  	v10 =	vld [tilespmem:$0xB400]  }
0x1cc: {  	v11 =	vld [tilespmem:$0xB480]  }
0x1cd: {  	v13 =	vmul.f32 v9, v1;
	v14 =	vmul.f32 v7, v1;
	v12 =	vld [tilespmem:$0xB680]  }
0x1ce: {  	v15 =	vmul.f32 v9, v3;
	v16 =	vmul.f32 v7, v3  }
0x1cf: {  	v17 =	vmul.f32 v9, v2;
	v5 =	vadd.f32 v5, v13;
	v13 =	vadd.f32 v4, v14  }
0x1d0: {  	v8 =	vadd.f32 v8, v16;
	v4 =	vld.idx.msk [tilespmem:v6+s21+$0x0], $0xffff;
	v6 =	vadd.f32 v10, v15;
	v10 =	vmul.f32 v7, v2  }
0x1d1: {  	v11 =	vadd.f32 v11, v17;
	[tilespmem:$0xB700] =	vst v13  }
0x1d2: {  	v13 =	vld [tilespmem:$0xB580];
	[tilespmem:$0xB400] =	vst v6;
	v6 =	vadd.f32 v12, v10  }
0x1d3: {  	v10 =	vld [tilespmem:$0xB380];
	[tilespmem:$0xB600] =	vst v8  }
0x1d4: {  	[tilespmem:$0xB680] =	vst v6  }
0x1d5: {  	[tilespmem:$0xB480] =	vst v11  }
0x1d6: {  	v6 =	vmul.f32 v9, v4;
	v7 =	vmul.f32 v7, v4;
	[tilespmem:$0xB500] =	vst v5;
	_ =	sdelay $0x1  }
0x1d7: {  	v5 =	vadd.f32 v10, v6;
	v6 =	vadd.f32 v13, v7  }
0x1d8: {  	v7 =	vld [tilespmem:$0xB690]  }
0x1d9: {  	[tilespmem:$0xB380] =	vst v5;
	v5 =	vld [tilespmem:$0xB510]  }
0x1da: {  	[tilespmem:$0xB580] =	vst v6;
	v6 =	vld [tilespmem:$0xB490]  }
0x1db: {  	v8 =	vld [tilespmem:s13+$0xFFFFFFD0]  }
0x1dc: {  	v9 =	vld [tilespmem:s22+$0xFFFFFFD0]  }
0x1dd: {  	v10 =	vld [tilespmem:$0xB590]  }
0x1de: {  	v11 =	vld [tilespmem:$0xB390]  }
0x1df: {  	v12 =	vld [tilespmem:$0xB410]  }
0x1e0: {  	v13 =	vmul.f32 v8, v4;
	v14 =	vld [tilespmem:$0xB610];
	v15 =	vmul.f32 v8, v3  }
0x1e1: {  	v16 =	vmul.f32 v9, v4;
	v17 =	vmul.f32 v9, v2;
	v18 =	vld [tilespmem:$0xB710]  }
0x1e2: {  	v10 =	vadd.f32 v10, v13;
	v13 =	vmul.f32 v9, v3;
	v9 =	vmul.f32 v9, v1  }
0x1e3: {  	v11 =	vadd.f32 v11, v16;
	v6 =	vadd.f32 v6, v17;
	v16 =	vmul.f32 v8, v2  }
0x1e4: {  	v8 =	vmul.f32 v8, v1;
	[tilespmem:$0xB590] =	vst v10;
	v10 =	vadd.f32 v12, v13;
	v5 =	vadd.f32 v5, v9  }
0x1e5: {  	[tilespmem:$0xB390] =	vst v11;
	v9 =	vadd.f32 v14, v15;
	v7 =	vadd.f32 v7, v16  }
0x1e6: {  	[tilespmem:$0xB490] =	vst v6;
	v6 =	vadd.f32 v18, v8  }
0x1e7: {  	[tilespmem:$0xB610] =	vst v9  }
0x1e8: {  	[tilespmem:$0xB690] =	vst v7  }
0x1e9: {  	[tilespmem:$0xB410] =	vst v10;
	v7 =	vld [tilespmem:$0xB4A0]  }
0x1ea: {  	[tilespmem:$0xB510] =	vst v5;
	v5 =	vld [tilespmem:$0xB6A0]  }
0x1eb: {  	[tilespmem:$0xB710] =	vst v6;
	v6 =	vld [tilespmem:$0xB720]  }
0x1ec: {  	v8 =	vld [tilespmem:s22+$0xFFFFFFE0]  }
0x1ed: {  	v9 =	vld [tilespmem:s13+$0xFFFFFFE0]  }
0x1ee: {  	v10 =	vld [tilespmem:$0xB3A0]  }
0x1ef: {  	v11 =	vld [tilespmem:$0xB5A0]  }
0x1f0: {  	v12 =	vld [tilespmem:$0xB620]  }
0x1f1: {  	v13 =	vmul.f32 v8, v4;
	v14 =	vld [tilespmem:$0xB420];
	v15 =	vmul.f32 v8, v3  }
0x1f2: {  	v16 =	vmul.f32 v9, v4;
	v17 =	vld [tilespmem:$0xB520];
	v18 =	vmul.f32 v9, v1  }
0x1f3: {  	v10 =	vadd.f32 v10, v13;
	v13 =	vmul.f32 v9, v3;
	v9 =	vmul.f32 v9, v2  }
0x1f4: {  	v11 =	vadd.f32 v11, v16;
	v16 =	vmul.f32 v8, v2;
	v6 =	vadd.f32 v6, v18  }
0x1f5: {  	v8 =	vmul.f32 v8, v1;
	[tilespmem:$0xB3A0] =	vst v10;
	v10 =	vadd.f32 v12, v13;
	v5 =	vadd.f32 v5, v9  }
0x1f6: {  	[tilespmem:$0xB5A0] =	vst v11;
	v9 =	vadd.f32 v14, v15;
	v7 =	vadd.f32 v7, v16  }
0x1f7: {  	v8 =	vadd.f32 v17, v8;
	[tilespmem:$0xB720] =	vst v6  }
0x1f8: {  	[tilespmem:$0xB4A0] =	vst v7  }
0x1f9: {  	[tilespmem:$0xB6A0] =	vst v5  }
0x1fa: {  	[tilespmem:$0xB420] =	vst v9;
	v5 =	vld [tilespmem:$0xB730]  }
0x1fb: {  	[tilespmem:$0xB620] =	vst v10;
	v6 =	vld [tilespmem:$0xB6B0]  }
0x1fc: {  	[tilespmem:$0xB520] =	vst v8;
	v7 =	vld [tilespmem:$0xB630]  }
0x1fd: {  	v8 =	vld [tilespmem:s22+$0xFFFFFFF0]  }
0x1fe: {  	v9 =	vld [tilespmem:s13+$0xFFFFFFF0]  }
0x1ff: {  	v10 =	vld [tilespmem:$0xB530]  }
0x200: {  	v11 =	vld [tilespmem:$0xB5B0]  }
0x201: {  	v12 =	vld [tilespmem:$0xB3B0]  }
0x202: {  	v13 =	vmul.f32 v8, v4;
	v14 =	vld [tilespmem:$0xB430];
	v15 =	vmul.f32 v8, v1  }
0x203: {  	v16 =	vmul.f32 v9, v4;
	v17 =	vmul.f32 v9, v3;
	v18 =	vld [tilespmem:$0xB4B0]  }
0x204: {  	v19 =	vmul.f32 v9, v2;
	v9 =	vmul.f32 v9, v1;
	v10 =	vadd.f32 v10, v15  }
0x205: {  	v15 =	vmul.f32 v8, v3;
	v11 =	vadd.f32 v11, v16;
	v7 =	vadd.f32 v7, v17  }
0x206: {  	v8 =	vmul.f32 v8, v2;
	v6 =	vadd.f32 v6, v19;
	v12 =	vadd.f32 v12, v13;
	[tilespmem:$0xB530] =	vst v10  }
0x207: {  	v9 =	vadd.f32 v5, v9;
	[tilespmem:$0xB5B0] =	vst v11;
	v10 =	vadd.f32 v14, v15  }
0x208: {  	[tilespmem:$0xB3B0] =	vst v12;
	v8 =	vadd.f32 v18, v8  }
0x209: {  	[tilespmem:$0xB6B0] =	vst v6  }
0x20a: {  	[tilespmem:$0xB630] =	vst v7  }
0x20b: {  	[tilespmem:$0xB430] =	vst v10;
	v5 =	vld [tilespmem:$0xB440]  }
0x20c: {  	[tilespmem:$0xB4B0] =	vst v8;
	v7 =	vld [tilespmem:$0xB640]  }
0x20d: {  	[tilespmem:$0xB730] =	vst v9;
	v14 =	vld [tilespmem:$0xB3C0]  }
0x20e: {  	v6 =	vld [tilespmem:s22+$0x0]  }
0x20f: {  	v19 =	vld [tilespmem:s13+$0x0]  }
0x210: {  	v13 =	vld [tilespmem:$0xB6C0]  }
.Ltmp12:
0x211: {  	v9 =	vld [tilespmem:$0xB5C0];
	(pc) =	sbr.rel @p0 .LBB2_10-.Ltmp12, $4  }
0x212: {  	v8 =	vld [tilespmem:$0xB740]  }
0x213: {  	v15 =	vmul.f32 v6, v4;
	v12 =	vmul.f32 v6, v3;
	v11 =	vld [tilespmem:$0xB4C0]  }
0x214: {  	v18 =	vmul.f32 v19, v3;
	v17 =	vmul.f32 v19, v2;
	v10 =	vld [tilespmem:$0xB540]  }
0x215: {  	v16 =	vadd.f32 v14, v15;
	v15 =	vmul.f32 v19, v4;
	v14 =	vmul.f32 v19, v1  }
.Ltmp13:
0x216: {  	_ = 	snop;
	(pc) =	sbr.rel .LBB2_11-.Ltmp13, $1  }
0x217: {  	_ =	sdelay $0x3  }
.LBB2_14:
0x218: {  	_ =	sfence.sel $0x180000  }
0x219: {  	[bflag:$0x0] =	sbarrier.arrive $0xFFFF  }
0x21a: {  	_ =	strace $0x90000047  }
0x21b: {  	s0 =	stileid.u32;
	[bflag:$0x2] =	sbarrier.arrive $0xFFFF  }
0x21c: {  	p0 =	sne.s32 s0, $0x0;
	s0 =	rddreg [dreg:$0x4]  }
0x21d: {  	s0 =	sadd.s32 @!p0 $0x100000, s0  }
0x21e: {  	[sflag:s0] =	ssyncadd.tile.s32 @!p0 $0x1;
	_ =	shalt  }
.Lfunc_end2:
_tile_overlayer_lowered:
.L_overlay_start_2:
0x21f: {  	(tag) =	ssettag $0x2  }
0x220: {  	s0 =	rddreg [dreg:$0x0];
	s2 =	stileid.u32  }
0x221: {  	s1 =	rddreg [dreg:$0x1];
	p0 =	sne.s32 s2, $0x0  }
0x222: {  	s3 =	rddreg [dreg:$0x2];
	[bflag:$0x3] =	sbarrier.arrive $0xFFFF;
	s2 =	simm.s32 @!p0 $0x1C02  }
0x223: {  	[timem:s3], [sflag:s2] =	dma.local @!p0 [hbm:s0], s1  }
0x224: {  	s0 =	simm.s32 @!p0 $0x2  }
0x225: {  	_ =	swait.ge @!p0 [sflag:s0], s1  }
0x226: {  	s1 =	ssub.s32 @!p0 $0x0, s1;
	[sflag:s0] =	ssyncset.done @!p0 $0x0  }
0x227: {  	[sflag:s0] =	ssyncadd.s32 @!p0 s1  }
0x228: {  	[bflag:$0x3] =	sbarrier.arrive $0xFFFF  }
0x229: {  	_ =	shalt  }

</sc_bundles>
